<compile_context>
chip_gen: v7x
topology: tpu7x:2x2x1
jax: 0.10.2.dev20260603
libtpu: 0.0.44.dev20260713+nightly
codegen_flags: <defaults>
</compile_context>

<pallas_src>
import functools

import jax
import jax.numpy as jnp
from jax import lax
from jax.experimental import pallas as pl
from jax.experimental.pallas import tpu as pltpu
from jax.experimental.pallas import tpu_sc as plsc

N = 10000
E = 160000
D_IN = 128
H = 4
C = 64
G = 64
HC = H * C
HHC = HC // 2
NC = 2
NS = 16
L = 16
EPW = E // NS
CH = 80
NCHUNK = EPW // CH
IB = 5
IBCH = IB * CH
NPAD = 10240
NPW = NPAD // NS
DR = NPAD // 16
BE = 2000


def _tc_proj_kernel(x_ref, gamma_ref, beta_ref, wl_ref, bl_ref, wr_ref,
                    br_ref, xlt_ref, xrt_ref):
    x = x_ref[...]
    mean = jnp.mean(x, axis=0, keepdims=True)
    var = jnp.mean((x - mean) ** 2, axis=0, keepdims=True)
    xn = (x - mean) * lax.rsqrt(var + 1e-5) * gamma_ref[...] + beta_ref[...]
    xl = jnp.dot(xn, wl_ref[...], preferred_element_type=jnp.float32) + bl_ref[...]
    xr = jnp.dot(xn, wr_ref[...], preferred_element_type=jnp.float32) + br_ref[...]
    xlt_ref[0] = xl[:, :HHC]
    xlt_ref[1] = xl[:, HHC:]
    xrt_ref[0] = xr[:, :HHC]
    xrt_ref[1] = xr[:, HHC:]


def _tc_ee_kernel(ea_ref, we_ref, ee_ref):
    ee = jnp.dot(ea_ref[...], we_ref[...], preferred_element_type=jnp.float32)
    ee_ref[0] = ee[:, :HHC]
    ee_ref[1] = ee[:, HHC:]


def _sc_edge_kernel(src_hbm, dst_hbm, ee_hbm, xlt_hbm, xrt_hbm, att_hbm,
                    agg_hbm, den_hbm,
                    srcb, dstb, srcpb, dstpb, dnidx, dstc, xlb, xrb, eeb,
                    denb, attv, agg_sh, den_sh, gsem1, gsem2, esem,
                    ssem1, ssem2):
    c = lax.axis_index("c")
    s = lax.axis_index("s")

    zero = jnp.zeros((L,), jnp.float32)

    def zrow(i, carry):
        for j in range(HHC // L):
            xlb[i, pl.ds(L * j, L)] = zero
            denb[i, pl.ds(L * j, L)] = zero
        return carry

    lax.fori_loop(0, CH, zrow, 0)
    for t in range(NPW // CH):
        pltpu.sync_copy(xlb, agg_sh.at[pl.ds(s * NPW + t * CH, CH)])
    pltpu.sync_copy(denb.at[pl.ds(0, DR // NS)],
                    den_sh.at[pl.ds(s * (DR // NS), DR // NS)])
    plsc.subcore_barrier()

    pltpu.sync_copy(att_hbm.at[pl.ds(c * HHC, HHC)], attv)
    atts = [attv[pl.ds(L * j, L)] for j in range(HHC // L)]
    lane = lax.iota(jnp.int32, L)
    perms = [lane ^ sh for sh in (8, 4, 2, 1)]
    bc0 = lane * 0
    nbase = c * N

    def hsum_bcast(v):
        for p in perms:
            v = v + v.at[p].get(mode="promise_in_bounds")
        return v

    def super_body(q, carry):
        eq = s * EPW + q * IBCH
        pltpu.sync_copy(src_hbm.at[pl.ds(eq, IBCH)], srcb)
        pltpu.sync_copy(dst_hbm.at[pl.ds(eq, IBCH)], dstb)
        prev = None
        for b in range(IB):
            prev = _chunk(c, eq + b * CH, b, srcb, dstb, srcpb, dstpb,
                          dnidx.at[b % 2], dstc.at[b % 2], xlb, xrb, eeb,
                          denb, atts, lane, perms, bc0, nbase, hsum_bcast,
                          ee_hbm, xlt_hbm, xrt_hbm, agg_sh, den_sh,
                          gsem1, gsem2, esem, ssem1, ssem2,
                          prev, b == IB - 1)
        return carry

    lax.fori_loop(0, NCHUNK // IB, super_body, 0)
    plsc.subcore_barrier()

    row0 = c * NPAD + s * NPW
    pltpu.sync_copy(agg_sh.at[pl.ds(s * NPW, NPW)], agg_hbm.at[pl.ds(row0, NPW)])
    pltpu.sync_copy(den_sh.at[pl.ds(s * (DR // NS), DR // NS)],
                    den_hbm.at[pl.ds(c * DR + s * (DR // NS), DR // NS)])


def _chunk(c, e0, b, srcb, dstb, srcpb, dstpb, dnidx, dstc, xlb, xrb,
           eeb, denb, atts, lane, perms, bc0, nbase, hsum_bcast,
           ee_hbm, xlt_hbm, xrt_hbm, agg_sh, den_sh, gsem1, gsem2, esem,
           ssem1, ssem2, prev, last):
    if True:
        for j in range(CH // L):
            o = b * CH + L * j
            srcpb[pl.ds(L * j, L)] = srcb[pl.ds(o, L)] + nbase
            d = dstb[pl.ds(o, L)]
            dstc[pl.ds(L * j, L)] = d
            dstpb[pl.ds(L * j, L)] = d + nbase
            dnidx[pl.ds(L * j, L)] = lax.shift_right_logical(d, 4)
        cp2 = pltpu.async_copy(xrt_hbm.at[dstpb], xrb, gsem2)
        cpe = pltpu.async_copy(ee_hbm.at[pl.ds(c * E + e0, CH)], eeb, esem)
        if prev is not None:
            prev[0].wait()
            prev[1].wait()
        cp1 = pltpu.async_copy(xlt_hbm.at[srcpb], xlb, gsem1)
        cpe.wait()
        cp1.wait()
        cp2.wait()

        def group_body(g, gcarry):
            dd = dstc[pl.ds(g * L, L)]

            def edge_body(t, ecarry):
                i = g * L + t
                xls = [xlb[i, pl.ds(L * j, L)] for j in range(HHC // L)]
                p0 = None
                p1 = None
                for j in range(HHC // L):
                    v = (xls[j] + xrb[i, pl.ds(L * j, L)]
                         + eeb[i, pl.ds(L * j, L)])
                    w = jnp.maximum(v, 0.2 * v)
                    u = w * atts[j]
                    if j < 4:
                        p0 = u if p0 is None else p0 + u
                    else:
                        p1 = u if p1 is None else p1 + u
                ex0 = jnp.exp(hsum_bcast(p0))
                ex1 = jnp.exp(hsum_bcast(p1))
                for j in range(4):
                    xlb[i, pl.ds(L * j, L)] = ex0 * xls[j]
                for j in range(4, 8):
                    xlb[i, pl.ds(L * j, L)] = ex1 * xls[j]
                dvec = dd.at[bc0 + t].get(mode="promise_in_bounds")
                m = lane == (dvec & 15)
                denb[i, pl.ds(0, L)] = jnp.where(m, ex0, 0.0)
                denb[i, pl.ds(L, L)] = jnp.where(m, ex1, 0.0)
                return ecarry

            return lax.fori_loop(0, L, edge_body, gcarry)

        lax.fori_loop(0, CH // L, group_body, 0)
        if last:
            pltpu.sync_copy(xlb, agg_sh.at[dstc], add=True)
            pltpu.sync_copy(denb, den_sh.at[dnidx], add=True)
            return None
        h1 = pltpu.async_copy(xlb, agg_sh.at[dstc], ssem1, add=True)
        h2 = pltpu.async_copy(denb, den_sh.at[dnidx], ssem2, add=True)
        return (h1, h2)


_sc_edge = functools.partial(
    pl.kernel,
    out_type=(
        jax.ShapeDtypeStruct((2 * NPAD, HHC), jnp.float32),
        jax.ShapeDtypeStruct((2 * DR, HHC), jnp.float32),
    ),
    mesh=plsc.VectorSubcoreMesh(
        core_axis_name="c", subcore_axis_name="s",
        num_cores=NC, num_subcores=NS),
    scratch_types=[
        pltpu.VMEM((IBCH,), jnp.int32),
        pltpu.VMEM((IBCH,), jnp.int32),
        pltpu.VMEM((CH,), jnp.int32),
        pltpu.VMEM((CH,), jnp.int32),
        pltpu.VMEM((2, CH), jnp.int32),
        pltpu.VMEM((2, CH), jnp.int32),
        pltpu.VMEM((CH, HHC), jnp.float32),
        pltpu.VMEM((CH, HHC), jnp.float32),
        pltpu.VMEM((CH, HHC), jnp.float32),
        pltpu.VMEM((CH, HHC), jnp.float32),
        pltpu.VMEM((HHC,), jnp.float32),
        pltpu.VMEM_SHARED((NPAD, HHC), jnp.float32),
        pltpu.VMEM_SHARED((DR, HHC), jnp.float32),
        pltpu.SemaphoreType.DMA,
        pltpu.SemaphoreType.DMA,
        pltpu.SemaphoreType.DMA,
        pltpu.SemaphoreType.DMA,
        pltpu.SemaphoreType.DMA,
    ],
)(_sc_edge_kernel)


def _tc_final_kernel(agg_ref, den_ref, batch_ref, bias_ref, wfin_ref,
                     bfin_ref, out_ref):
    eps = 1e-16
    a = agg_ref[...]
    dn = den_ref[...]
    hsum = (a[:N, :C] / (dn[:, 0:1] + eps)
            + a[:N, C:] / (dn[:, 1:2] + eps)
            + a[NPAD:NPAD + N, :C] / (dn[:, 2:3] + eps)
            + a[NPAD:NPAD + N, C:] / (dn[:, 3:4] + eps))
    h = jnp.maximum(0.25 * hsum + bias_ref[...], 0.0)
    g = lax.broadcasted_iota(jnp.int32, (N, G), 1)
    oh = (batch_ref[...] == g).astype(jnp.float32)
    pooled_sum = lax.dot_general(oh, h, (((0,), (0,)), ((), ())),
                                 preferred_element_type=jnp.float32)
    counts = jnp.sum(oh, axis=0)[:, None]
    pooled = pooled_sum / jnp.maximum(counts, 1.0)
    out_ref[...] = (jnp.dot(pooled, wfin_ref[...],
                            preferred_element_type=jnp.float32)
                    + bfin_ref[...])


def kernel(x, edge_index, edge_attr, batch, gamma, beta, W_l, b_l, W_r, b_r,
           W_e, att, bias_out, W_fin, b_fin):
    xlt, xrt = pl.pallas_call(
        _tc_proj_kernel,
        out_shape=(
            jax.ShapeDtypeStruct((2, N, HHC), jnp.float32),
            jax.ShapeDtypeStruct((2, N, HHC), jnp.float32),
        ),
    )(x, gamma.reshape(1, D_IN), beta.reshape(1, D_IN),
      W_l, b_l.reshape(1, HC), W_r, b_r.reshape(1, HC))

    eet = pl.pallas_call(
        _tc_ee_kernel,
        grid=(E // BE,),
        in_specs=[
            pl.BlockSpec((BE, D_IN), lambda i: (i, 0)),
            pl.BlockSpec((D_IN, HC), lambda i: (0, 0)),
        ],
        out_specs=pl.BlockSpec((2, BE, HHC), lambda i: (0, i, 0)),
        out_shape=jax.ShapeDtypeStruct((2, E, HHC), jnp.float32),
    )(edge_attr, W_e)

    src = edge_index[0]
    dst = edge_index[1]
    att2 = att.reshape(HC)

    agg, den = _sc_edge(src, dst, eet.reshape(2 * E, HHC),
                        xlt.reshape(2 * N, HHC), xrt.reshape(2 * N, HHC),
                        att2)

    dr = den.reshape(2, DR, HHC)
    e0 = dr[:, :, :L].reshape(2, DR * L)[:, :N]
    e1 = dr[:, :, L:2 * L].reshape(2, DR * L)[:, :N]
    den_nodes = jnp.stack([e0[0], e1[0], e0[1], e1[1]], axis=1)

    wfin_pad = jnp.pad(W_fin, ((0, 0), (0, HHC - 2)))
    bfin_pad = jnp.pad(b_fin, (0, HHC - 2)).reshape(1, HHC)
    outp = pl.pallas_call(
        _tc_final_kernel,
        out_shape=jax.ShapeDtypeStruct((G, HHC), jnp.float32),
    )(agg, den_nodes, batch.reshape(N, 1), bias_out.reshape(1, C),
      wfin_pad, bfin_pad)
    return outp[:, :2]

# --- scband reference (transcript-rebuilt; emitter-appended) ---
"""Pipeline reference for scband-deorpha-nn-86964497809482 (READ-ONLY COPY).

The authoritative reference and input builder live on the scoring server;
editing this copy changes nothing except your own understanding.
"""

import jax, jax.numpy as jnp
import numpy as np

N = 10000
E = 160000
D_IN = 128
H = 4
C = 64
G = 64


def setup_inputs(seed: int = 0) -> dict:
    key = jax.random.key(seed)
    ks = jax.random.split(key, 16)
    x = jax.random.normal(ks[0], (N, D_IN), dtype=jnp.float32)
    edge_index = jax.random.randint(ks[1], (2, E), 0, N)
    edge_attr = jax.random.normal(ks[2], (E, D_IN), dtype=jnp.float32)
    batch = jnp.sort(jax.random.randint(ks[3], (N,), 0, G))
    gamma = jnp.ones((D_IN,), jnp.float32)
    beta = jnp.zeros((D_IN,), jnp.float32)
    W_l = jax.random.normal(ks[4], (D_IN, H * C), jnp.float32) * 0.05
    b_l = jnp.zeros((H * C,), jnp.float32)
    W_r = jax.random.normal(ks[5], (D_IN, H * C), jnp.float32) * 0.05
    b_r = jnp.zeros((H * C,), jnp.float32)
    W_e = jax.random.normal(ks[6], (D_IN, H * C), jnp.float32) * 0.05
    att = jax.random.normal(ks[7], (H, C), jnp.float32) * 0.05
    bias_out = jnp.zeros((C,), jnp.float32)
    W_fin = jax.random.normal(ks[8], (C, 2), jnp.float32) * 0.05
    b_fin = jnp.zeros((2,), jnp.float32)
    return {"x": x, "edge_index": edge_index, "edge_attr": edge_attr, "batch": batch,
            "gamma": gamma, "beta": beta, "W_l": W_l, "b_l": b_l, "W_r": W_r, "b_r": b_r,
            "W_e": W_e, "att": att, "bias_out": bias_out, "W_fin": W_fin, "b_fin": b_fin}


def reference(x, edge_index, edge_attr, batch, gamma, beta, W_l, b_l, W_r, b_r, W_e, att, bias_out, W_fin, b_fin):
    # BatchNorm over nodes (training-mode batch statistics, biased variance as in torch BN)
    mean = jnp.mean(x, axis=0)
    var = jnp.var(x, axis=0)
    xn = (x - mean) / jnp.sqrt(var + 1e-5) * gamma + beta
    src = edge_index[0]
    dst = edge_index[1]
    # GATv2Conv with edge_dim, heads=H, concat=False (eval: attention dropout off)
    xl = (xn @ W_l + b_l).reshape(N, H, C)
    xr = (xn @ W_r + b_r).reshape(N, H, C)
    ee = (edge_attr @ W_e).reshape(E, H, C)
    e = xl[src] + xr[dst] + ee
    e = jnp.where(e > 0, e, 0.2 * e)  # LeakyReLU(0.2)
    logits = jnp.sum(e * att[None, :, :], axis=-1)  # [E, H]
    m = jax.ops.segment_max(logits, dst, num_segments=N)
    m = jnp.where(jnp.isfinite(m), m, 0.0)
    ex = jnp.exp(logits - m[dst])
    denom = jax.ops.segment_sum(ex, dst, num_segments=N)
    alpha = ex / (denom[dst] + 1e-16)
    msg = xl[src] * alpha[:, :, None]
    agg = jax.ops.segment_sum(msg, dst, num_segments=N)  # [N, H, C]
    h = jnp.mean(agg, axis=1) + bias_out  # concat=False -> mean over heads, then bias
    h = jax.nn.relu(h)
    # global_mean_pool over batch assignment
    counts = jax.ops.segment_sum(jnp.ones((N,), jnp.float32), batch, num_segments=G)
    pooled = jax.ops.segment_sum(h, batch, num_segments=G) / jnp.maximum(counts, 1.0)[:, None]
    # final dropout is identity in eval mode
    return pooled @ W_fin + b_fin

if __name__ == "__main__":
    import jax
    _d = setup_inputs()
    print(jax.jit(kernel)(*tuple(_d.values())))

</pallas_src>

<mosaic_0001>
#map = affine_map<(d0, d1) -> (0)>
#map1 = affine_map<(d0, d1) -> (0, 0)>
module attributes {stable_mosaic.version = 14 : i64} {
  func.func @_sc_edge_kernel(%arg0: i32, %arg1: i32, %arg2: memref<160000xi32, #tpu.memory_space<hbm>>, %arg3: memref<160000xi32, #tpu.memory_space<hbm>>, %arg4: memref<320000x128xf32, #tpu.memory_space<hbm>>, %arg5: memref<20000x128xf32, #tpu.memory_space<hbm>>, %arg6: memref<20000x128xf32, #tpu.memory_space<hbm>>, %arg7: memref<256xf32, #tpu.memory_space<hbm>>, %arg8: memref<20480x128xf32, #tpu.memory_space<hbm>>, %arg9: memref<1280x128xf32, #tpu.memory_space<hbm>>, %arg10: memref<400xi32, #tpu.memory_space<vmem>>, %arg11: memref<400xi32, #tpu.memory_space<vmem>>, %arg12: memref<80xi32, #tpu.memory_space<vmem>>, %arg13: memref<80xi32, #tpu.memory_space<vmem>>, %arg14: memref<2x80xi32, #tpu.memory_space<vmem>>, %arg15: memref<2x80xi32, #tpu.memory_space<vmem>>, %arg16: memref<80x128xf32, #tpu.memory_space<vmem>>, %arg17: memref<80x128xf32, #tpu.memory_space<vmem>>, %arg18: memref<80x128xf32, #tpu.memory_space<vmem>>, %arg19: memref<80x128xf32, #tpu.memory_space<vmem>>, %arg20: memref<128xf32, #tpu.memory_space<vmem>>, %arg21: memref<10240x128xf32, #tpu.memory_space<vmem_shared>>, %arg22: memref<640x128xf32, #tpu.memory_space<vmem_shared>>, %arg23: memref<!tpu.dma_semaphore, #tpu.memory_space<semaphore_mem>>, %arg24: memref<!tpu.dma_semaphore, #tpu.memory_space<semaphore_mem>>, %arg25: memref<!tpu.dma_semaphore, #tpu.memory_space<semaphore_mem>>, %arg26: memref<!tpu.dma_semaphore, #tpu.memory_space<semaphore_mem>>, %arg27: memref<!tpu.dma_semaphore, #tpu.memory_space<semaphore_mem>>) attributes {dimension_semantics = [#tpu.dimension_semantics<core_parallel>, #tpu.dimension_semantics<subcore_parallel>], iteration_bounds = array<i64: 2, 16>, scalar_prefetch = 0 : i64, scratch_operands = 18 : i64, tpu.core_type = #tpu.core_type<sc_vector_subcore>, window_params = [{transform_indices = #map}, {transform_indices = #map}, {transform_indices = #map1}, {transform_indices = #map1}, {transform_indices = #map1}, {transform_indices = #map}, {transform_indices = #map1}, {transform_indices = #map1}]} {
    %broadcast_in_dim3A = arith.constant 0.000000e+00 : f32
    %broadcast_in_dim3A_0 = vector.broadcast %broadcast_in_dim3A : f32 to vector<16xf32>
    %scan3A = arith.constant 0 : i32
    %scan3A_1 = arith.constant 0 : i32
    %scan3A_2 = arith.constant 80 : i32
    %scan3A_3 = arith.addi %scan3A_1, %scan3A_2 : i32
    %scan3A_4 = arith.constant 1 : i32
    scf.for %scan3A_100 = %scan3A_1 to %scan3A_3 step %scan3A_4  : i32 {
      %swap3A = arith.index_cast %scan3A_100 : i32 to index
      %swap3A_101 = arith.constant 0 : index
      %swap3A_102 = tpu.vector_load %arg16[%swap3A, %swap3A_101] {strides = array<i32>} : memref<80x128xf32, #tpu.memory_space<vmem>>, vector<1x16xf32>,
      %swap3A_103 = vector.shape_cast %swap3A_102 : vector<1x16xf32> to vector<16xf32>
      %swap3A_104 = vector.shape_cast %broadcast_in_dim3A_0 : vector<16xf32> to vector<1x16xf32>
      tpu.vector_store %arg16[%swap3A, %swap3A_101], %swap3A_104 {strides = array<i32>} : memref<80x128xf32, #tpu.memory_space<vmem>>, vector<1x16xf32>,
      %swap3A_105 = arith.index_cast %scan3A_100 : i32 to index
      %swap3A_106 = arith.constant 0 : index
      %swap3A_107 = tpu.vector_load %arg19[%swap3A_105, %swap3A_106] {strides = array<i32>} : memref<80x128xf32, #tpu.memory_space<vmem>>, vector<1x16xf32>,
      %swap3A_108 = vector.shape_cast %swap3A_107 : vector<1x16xf32> to vector<16xf32>
      %swap3A_109 = vector.shape_cast %broadcast_in_dim3A_0 : vector<16xf32> to vector<1x16xf32>
      tpu.vector_store %arg19[%swap3A_105, %swap3A_106], %swap3A_109 {strides = array<i32>} : memref<80x128xf32, #tpu.memory_space<vmem>>, vector<1x16xf32>,
      %swap3A_110 = arith.index_cast %scan3A_100 : i32 to index
      %swap3A_111 = arith.constant 16 : index
      %swap3A_112 = tpu.vector_load %arg16[%swap3A_110, %swap3A_111] {strides = array<i32>} : memref<80x128xf32, #tpu.memory_space<vmem>>, vector<1x16xf32>,
      %swap3A_113 = vector.shape_cast %swap3A_112 : vector<1x16xf32> to vector<16xf32>
      %swap3A_114 = vector.shape_cast %broadcast_in_dim3A_0 : vector<16xf32> to vector<1x16xf32>
      tpu.vector_store %arg16[%swap3A_110, %swap3A_111], %swap3A_114 {strides = array<i32>} : memref<80x128xf32, #tpu.memory_space<vmem>>, vector<1x16xf32>,
      %swap3A_115 = arith.index_cast %scan3A_100 : i32 to index
      %swap3A_116 = arith.constant 16 : index
      %swap3A_117 = tpu.vector_load %arg19[%swap3A_115, %swap3A_116] {strides = array<i32>} : memref<80x128xf32, #tpu.memory_space<vmem>>, vector<1x16xf32>,
      %swap3A_118 = vector.shape_cast %swap3A_117 : vector<1x16xf32> to vector<16xf32>
      %swap3A_119 = vector.shape_cast %broadcast_in_dim3A_0 : vector<16xf32> to vector<1x16xf32>
      tpu.vector_store %arg19[%swap3A_115, %swap3A_116], %swap3A_119 {strides = array<i32>} : memref<80x128xf32, #tpu.memory_space<vmem>>, vector<1x16xf32>,
      %swap3A_120 = arith.index_cast %scan3A_100 : i32 to index
      %swap3A_121 = arith.constant 32 : index
      %swap3A_122 = tpu.vector_load %arg16[%swap3A_120, %swap3A_121] {strides = array<i32>} : memref<80x128xf32, #tpu.memory_space<vmem>>, vector<1x16xf32>,
      %swap3A_123 = vector.shape_cast %swap3A_122 : vector<1x16xf32> to vector<16xf32>
      %swap3A_124 = vector.shape_cast %broadcast_in_dim3A_0 : vector<16xf32> to vector<1x16xf32>
      tpu.vector_store %arg16[%swap3A_120, %swap3A_121], %swap3A_124 {strides = array<i32>} : memref<80x128xf32, #tpu.memory_space<vmem>>, vector<1x16xf32>,
      %swap3A_125 = arith.index_cast %scan3A_100 : i32 to index
      %swap3A_126 = arith.constant 32 : index
      %swap3A_127 = tpu.vector_load %arg19[%swap3A_125, %swap3A_126] {strides = array<i32>} : memref<80x128xf32, #tpu.memory_space<vmem>>, vector<1x16xf32>,
      %swap3A_128 = vector.shape_cast %swap3A_127 : vector<1x16xf32> to vector<16xf32>
      %swap3A_129 = vector.shape_cast %broadcast_in_dim3A_0 : vector<16xf32> to vector<1x16xf32>
      tpu.vector_store %arg19[%swap3A_125, %swap3A_126], %swap3A_129 {strides = array<i32>} : memref<80x128xf32, #tpu.memory_space<vmem>>, vector<1x16xf32>,
      %swap3A_130 = arith.index_cast %scan3A_100 : i32 to index
      %swap3A_131 = arith.constant 48 : index
      %swap3A_132 = tpu.vector_load %arg16[%swap3A_130, %swap3A_131] {strides = array<i32>} : memref<80x128xf32, #tpu.memory_space<vmem>>, vector<1x16xf32>,
      %swap3A_133 = vector.shape_cast %swap3A_132 : vector<1x16xf32> to vector<16xf32>
      %swap3A_134 = vector.shape_cast %broadcast_in_dim3A_0 : vector<16xf32> to vector<1x16xf32>
      tpu.vector_store %arg16[%swap3A_130, %swap3A_131], %swap3A_134 {strides = array<i32>} : memref<80x128xf32, #tpu.memory_space<vmem>>, vector<1x16xf32>,
      %swap3A_135 = arith.index_cast %scan3A_100 : i32 to index
      %swap3A_136 = arith.constant 48 : index
      %swap3A_137 = tpu.vector_load %arg19[%swap3A_135, %swap3A_136] {strides = array<i32>} : memref<80x128xf32, #tpu.memory_space<vmem>>, vector<1x16xf32>,
      %swap3A_138 = vector.shape_cast %swap3A_137 : vector<1x16xf32> to vector<16xf32>
      %swap3A_139 = vector.shape_cast %broadcast_in_dim3A_0 : vector<16xf32> to vector<1x16xf32>
      tpu.vector_store %arg19[%swap3A_135, %swap3A_136], %swap3A_139 {strides = array<i32>} : memref<80x128xf32, #tpu.memory_space<vmem>>, vector<1x16xf32>,
      %swap3A_140 = arith.index_cast %scan3A_100 : i32 to index
      %swap3A_141 = arith.constant 64 : index
      %swap3A_142 = tpu.vector_load %arg16[%swap3A_140, %swap3A_141] {strides = array<i32>} : memref<80x128xf32, #tpu.memory_space<vmem>>, vector<1x16xf32>,
      %swap3A_143 = vector.shape_cast %swap3A_142 : vector<1x16xf32> to vector<16xf32>
      %swap3A_144 = vector.shape_cast %broadcast_in_dim3A_0 : vector<16xf32> to vector<1x16xf32>
      tpu.vector_store %arg16[%swap3A_140, %swap3A_141], %swap3A_144 {strides = array<i32>} : memref<80x128xf32, #tpu.memory_space<vmem>>, vector<1x16xf32>,
      %swap3A_145 = arith.index_cast %scan3A_100 : i32 to index
      %swap3A_146 = arith.constant 64 : index
      %swap3A_147 = tpu.vector_load %arg19[%swap3A_145, %swap3A_146] {strides = array<i32>} : memref<80x128xf32, #tpu.memory_space<vmem>>, vector<1x16xf32>,
      %swap3A_148 = vector.shape_cast %swap3A_147 : vector<1x16xf32> to vector<16xf32>
      %swap3A_149 = vector.shape_cast %broadcast_in_dim3A_0 : vector<16xf32> to vector<1x16xf32>
      tpu.vector_store %arg19[%swap3A_145, %swap3A_146], %swap3A_149 {strides = array<i32>} : memref<80x128xf32, #tpu.memory_space<vmem>>, vector<1x16xf32>,
      %swap3A_150 = arith.index_cast %scan3A_100 : i32 to index
      %swap3A_151 = arith.constant 80 : index
      %swap3A_152 = tpu.vector_load %arg16[%swap3A_150, %swap3A_151] {strides = array<i32>} : memref<80x128xf32, #tpu.memory_space<vmem>>, vector<1x16xf32>,
      %swap3A_153 = vector.shape_cast %swap3A_152 : vector<1x16xf32> to vector<16xf32>
      %swap3A_154 = vector.shape_cast %broadcast_in_dim3A_0 : vector<16xf32> to vector<1x16xf32>
      tpu.vector_store %arg16[%swap3A_150, %swap3A_151], %swap3A_154 {strides = array<i32>} : memref<80x128xf32, #tpu.memory_space<vmem>>, vector<1x16xf32>,
      %swap3A_155 = arith.index_cast %scan3A_100 : i32 to index
      %swap3A_156 = arith.constant 80 : index
      %swap3A_157 = tpu.vector_load %arg19[%swap3A_155, %swap3A_156] {strides = array<i32>} : memref<80x128xf32, #tpu.memory_space<vmem>>, vector<1x16xf32>,
      %swap3A_158 = vector.shape_cast %swap3A_157 : vector<1x16xf32> to vector<16xf32>
      %swap3A_159 = vector.shape_cast %broadcast_in_dim3A_0 : vector<16xf32> to vector<1x16xf32>
      tpu.vector_store %arg19[%swap3A_155, %swap3A_156], %swap3A_159 {strides = array<i32>} : memref<80x128xf32, #tpu.memory_space<vmem>>, vector<1x16xf32>,
      %swap3A_160 = arith.index_cast %scan3A_100 : i32 to index
      %swap3A_161 = arith.constant 96 : index
      %swap3A_162 = tpu.vector_load %arg16[%swap3A_160, %swap3A_161] {strides = array<i32>} : memref<80x128xf32, #tpu.memory_space<vmem>>, vector<1x16xf32>,
      %swap3A_163 = vector.shape_cast %swap3A_162 : vector<1x16xf32> to vector<16xf32>
      %swap3A_164 = vector.shape_cast %broadcast_in_dim3A_0 : vector<16xf32> to vector<1x16xf32>
      tpu.vector_store %arg16[%swap3A_160, %swap3A_161], %swap3A_164 {strides = array<i32>} : memref<80x128xf32, #tpu.memory_space<vmem>>, vector<1x16xf32>,
      %swap3A_165 = arith.index_cast %scan3A_100 : i32 to index
      %swap3A_166 = arith.constant 96 : index
      %swap3A_167 = tpu.vector_load %arg19[%swap3A_165, %swap3A_166] {strides = array<i32>} : memref<80x128xf32, #tpu.memory_space<vmem>>, vector<1x16xf32>,
      %swap3A_168 = vector.shape_cast %swap3A_167 : vector<1x16xf32> to vector<16xf32>
      %swap3A_169 = vector.shape_cast %broadcast_in_dim3A_0 : vector<16xf32> to vector<1x16xf32>
      tpu.vector_store %arg19[%swap3A_165, %swap3A_166], %swap3A_169 {strides = array<i32>} : memref<80x128xf32, #tpu.memory_space<vmem>>, vector<1x16xf32>,
      %swap3A_170 = arith.index_cast %scan3A_100 : i32 to index
      %swap3A_171 = arith.constant 112 : index
      %swap3A_172 = tpu.vector_load %arg16[%swap3A_170, %swap3A_171] {strides = array<i32>} : memref<80x128xf32, #tpu.memory_space<vmem>>, vector<1x16xf32>,
      %swap3A_173 = vector.shape_cast %swap3A_172 : vector<1x16xf32> to vector<16xf32>
      %swap3A_174 = vector.shape_cast %broadcast_in_dim3A_0 : vector<16xf32> to vector<1x16xf32>
      tpu.vector_store %arg16[%swap3A_170, %swap3A_171], %swap3A_174 {strides = array<i32>} : memref<80x128xf32, #tpu.memory_space<vmem>>, vector<1x16xf32>,
      %swap3A_175 = arith.index_cast %scan3A_100 : i32 to index
      %swap3A_176 = arith.constant 112 : index
      %swap3A_177 = tpu.vector_load %arg19[%swap3A_175, %swap3A_176] {strides = array<i32>} : memref<80x128xf32, #tpu.memory_space<vmem>>, vector<1x16xf32>,
      %swap3A_178 = vector.shape_cast %swap3A_177 : vector<1x16xf32> to vector<16xf32>
      %swap3A_179 = vector.shape_cast %broadcast_in_dim3A_0 : vector<16xf32> to vector<1x16xf32>
      tpu.vector_store %arg19[%swap3A_175, %swap3A_176], %swap3A_179 {strides = array<i32>} : memref<80x128xf32, #tpu.memory_space<vmem>>, vector<1x16xf32>,
    }
    %scan3A_5 = arith.constant 80 : i32
    %mul3A = arith.constant 640 : i32
    %mul3A_6 = arith.muli %arg1, %mul3A : i32
    %add3A = arith.constant 0 : i32
    %add3A_7 = arith.addi %mul3A_6, %add3A : i32
    "tpu.region"() ({
      %run_scoped3A = tpu.sem_alloc : memref<!tpu.dma_semaphore, #tpu.memory_space<semaphore_mem>>
      %dma_start3A = arith.constant 0 : i32
      %dma_start3A_100 = tpu.memref_slice %arg21[%add3A_7, %dma_start3A] : memref<10240x128xf32, #tpu.memory_space<vmem_shared>> -> memref<80x128xf32, #tpu.memory_space<vmem_shared>>
      %dma_start3A_101 = arith.constant 0 : i32
      %dma_start3A_102 = tpu.memref_slice %arg21[%add3A_7, %dma_start3A_101] : memref<10240x128xf32, #tpu.memory_space<vmem_shared>> -> memref<80x128xf32, #tpu.memory_space<vmem_shared>>
      tpu.enqueue_dma source(%arg16 : memref<80x128xf32, #tpu.memory_space<vmem>>) target(%dma_start3A_102 : memref<80x128xf32, #tpu.memory_space<vmem_shared>>) target_semaphore(%run_scoped3A : memref<!tpu.dma_semaphore, #tpu.memory_space<semaphore_mem>>)
      %dma_wait3A = arith.constant 0 : i32
      %dma_wait3A_103 = tpu.memref_slice %arg21[%add3A_7, %dma_wait3A] : memref<10240x128xf32, #tpu.memory_space<vmem_shared>> -> memref<80x128xf32, #tpu.memory_space<vmem_shared>>
      %dma_wait3A_104 = arith.constant 0 : i32
      %dma_wait3A_105 = tpu.memref_slice %arg21[%add3A_7, %dma_wait3A_104] : memref<10240x128xf32, #tpu.memory_space<vmem_shared>> -> memref<80x128xf32, #tpu.memory_space<vmem_shared>>
      tpu.wait_dma2 semaphore(%run_scoped3A : memref<!tpu.dma_semaphore, #tpu.memory_space<semaphore_mem>>) src(%arg16 : memref<80x128xf32, #tpu.memory_space<vmem>>) dst(%dma_wait3A_105 : memref<80x128xf32, #tpu.memory_space<vmem_shared>>)
      tpu.yield
    }) : () -> ()
    %mul3A_8 = arith.constant 640 : i32
    %mul3A_9 = arith.muli %arg1, %mul3A_8 : i32
    %add3A_10 = arith.constant 80 : i32
    %add3A_11 = arith.addi %mul3A_9, %add3A_10 : i32
    "tpu.region"() ({
      %run_scoped3A = tpu.sem_alloc : memref<!tpu.dma_semaphore, #tpu.memory_space<semaphore_mem>>
      %dma_start3A = arith.constant 0 : i32
      %dma_start3A_100 = tpu.memref_slice %arg21[%add3A_11, %dma_start3A] : memref<10240x128xf32, #tpu.memory_space<vmem_shared>> -> memref<80x128xf32, #tpu.memory_space<vmem_shared>>
      %dma_start3A_101 = arith.constant 0 : i32
      %dma_start3A_102 = tpu.memref_slice %arg21[%add3A_11, %dma_start3A_101] : memref<10240x128xf32, #tpu.memory_space<vmem_shared>> -> memref<80x128xf32, #tpu.memory_space<vmem_shared>>
      tpu.enqueue_dma source(%arg16 : memref<80x128xf32, #tpu.memory_space<vmem>>) target(%dma_start3A_102 : memref<80x128xf32, #tpu.memory_space<vmem_shared>>) target_semaphore(%run_scoped3A : memref<!tpu.dma_semaphore, #tpu.memory_space<semaphore_mem>>)
      %dma_wait3A = arith.constant 0 : i32
      %dma_wait3A_103 = tpu.memref_slice %arg21[%add3A_11, %dma_wait3A] : memref<10240x128xf32, #tpu.memory_space<vmem_shared>> -> memref<80x128xf32, #tpu.memory_space<vmem_shared>>
      %dma_wait3A_104 = arith.constant 0 : i32
      %dma_wait3A_105 = tpu.memref_slice %arg21[%add3A_11, %dma_wait3A_104] : memref<10240x128xf32, #tpu.memory_space<vmem_shared>> -> memref<80x128xf32, #tpu.memory_space<vmem_shared>>
      tpu.wait_dma2 semaphore(%run_scoped3A : memref<!tpu.dma_semaphore, #tpu.memory_space<semaphore_mem>>) src(%arg16 : memref<80x128xf32, #tpu.memory_space<vmem>>) dst(%dma_wait3A_105 : memref<80x128xf32, #tpu.memory_space<vmem_shared>>)
      tpu.yield
    }) : () -> ()
    %mul3A_12 = arith.constant 640 : i32
    %mul3A_13 = arith.muli %arg1, %mul3A_12 : i32
    %add3A_14 = arith.constant 160 : i32
    %add3A_15 = arith.addi %mul3A_13, %add3A_14 : i32
    "tpu.region"() ({
      %run_scoped3A = tpu.sem_alloc : memref<!tpu.dma_semaphore, #tpu.memory_space<semaphore_mem>>
      %dma_start3A = arith.constant 0 : i32
      %dma_start3A_100 = tpu.memref_slice %arg21[%add3A_15, %dma_start3A] : memref<10240x128xf32, #tpu.memory_space<vmem_shared>> -> memref<80x128xf32, #tpu.memory_space<vmem_shared>>
      %dma_start3A_101 = arith.constant 0 : i32
      %dma_start3A_102 = tpu.memref_slice %arg21[%add3A_15, %dma_start3A_101] : memref<10240x128xf32, #tpu.memory_space<vmem_shared>> -> memref<80x128xf32, #tpu.memory_space<vmem_shared>>
      tpu.enqueue_dma source(%arg16 : memref<80x128xf32, #tpu.memory_space<vmem>>) target(%dma_start3A_102 : memref<80x128xf32, #tpu.memory_space<vmem_shared>>) target_semaphore(%run_scoped3A : memref<!tpu.dma_semaphore, #tpu.memory_space<semaphore_mem>>)
      %dma_wait3A = arith.constant 0 : i32
      %dma_wait3A_103 = tpu.memref_slice %arg21[%add3A_15, %dma_wait3A] : memref<10240x128xf32, #tpu.memory_space<vmem_shared>> -> memref<80x128xf32, #tpu.memory_space<vmem_shared>>
      %dma_wait3A_104 = arith.constant 0 : i32
      %dma_wait3A_105 = tpu.memref_slice %arg21[%add3A_15, %dma_wait3A_104] : memref<10240x128xf32, #tpu.memory_space<vmem_shared>> -> memref<80x128xf32, #tpu.memory_space<vmem_shared>>
      tpu.wait_dma2 semaphore(%run_scoped3A : memref<!tpu.dma_semaphore, #tpu.memory_space<semaphore_mem>>) src(%arg16 : memref<80x128xf32, #tpu.memory_space<vmem>>) dst(%dma_wait3A_105 : memref<80x128xf32, #tpu.memory_space<vmem_shared>>)
      tpu.yield
    }) : () -> ()
    %mul3A_16 = arith.constant 640 : i32
    %mul3A_17 = arith.muli %arg1, %mul3A_16 : i32
    %add3A_18 = arith.constant 240 : i32
    %add3A_19 = arith.addi %mul3A_17, %add3A_18 : i32
    "tpu.region"() ({
      %run_scoped3A = tpu.sem_alloc : memref<!tpu.dma_semaphore, #tpu.memory_space<semaphore_mem>>
      %dma_start3A = arith.constant 0 : i32
      %dma_start3A_100 = tpu.memref_slice %arg21[%add3A_19, %dma_start3A] : memref<10240x128xf32, #tpu.memory_space<vmem_shared>> -> memref<80x128xf32, #tpu.memory_space<vmem_shared>>
      %dma_start3A_101 = arith.constant 0 : i32
      %dma_start3A_102 = tpu.memref_slice %arg21[%add3A_19, %dma_start3A_101] : memref<10240x128xf32, #tpu.memory_space<vmem_shared>> -> memref<80x128xf32, #tpu.memory_space<vmem_shared>>
      tpu.enqueue_dma source(%arg16 : memref<80x128xf32, #tpu.memory_space<vmem>>) target(%dma_start3A_102 : memref<80x128xf32, #tpu.memory_space<vmem_shared>>) target_semaphore(%run_scoped3A : memref<!tpu.dma_semaphore, #tpu.memory_space<semaphore_mem>>)
      %dma_wait3A = arith.constant 0 : i32
      %dma_wait3A_103 = tpu.memref_slice %arg21[%add3A_19, %dma_wait3A] : memref<10240x128xf32, #tpu.memory_space<vmem_shared>> -> memref<80x128xf32, #tpu.memory_space<vmem_shared>>
      %dma_wait3A_104 = arith.constant 0 : i32
      %dma_wait3A_105 = tpu.memref_slice %arg21[%add3A_19, %dma_wait3A_104] : memref<10240x128xf32, #tpu.memory_space<vmem_shared>> -> memref<80x128xf32, #tpu.memory_space<vmem_shared>>
      tpu.wait_dma2 semaphore(%run_scoped3A : memref<!tpu.dma_semaphore, #tpu.memory_space<semaphore_mem>>) src(%arg16 : memref<80x128xf32, #tpu.memory_space<vmem>>) dst(%dma_wait3A_105 : memref<80x128xf32, #tpu.memory_space<vmem_shared>>)
      tpu.yield
    }) : () -> ()
    %mul3A_20 = arith.constant 640 : i32
    %mul3A_21 = arith.muli %arg1, %mul3A_20 : i32
    %add3A_22 = arith.constant 320 : i32
    %add3A_23 = arith.addi %mul3A_21, %add3A_22 : i32
    "tpu.region"() ({
      %run_scoped3A = tpu.sem_alloc : memref<!tpu.dma_semaphore, #tpu.memory_space<semaphore_mem>>
      %dma_start3A = arith.constant 0 : i32
      %dma_start3A_100 = tpu.memref_slice %arg21[%add3A_23, %dma_start3A] : memref<10240x128xf32, #tpu.memory_space<vmem_shared>> -> memref<80x128xf32, #tpu.memory_space<vmem_shared>>
      %dma_start3A_101 = arith.constant 0 : i32
      %dma_start3A_102 = tpu.memref_slice %arg21[%add3A_23, %dma_start3A_101] : memref<10240x128xf32, #tpu.memory_space<vmem_shared>> -> memref<80x128xf32, #tpu.memory_space<vmem_shared>>
      tpu.enqueue_dma source(%arg16 : memref<80x128xf32, #tpu.memory_space<vmem>>) target(%dma_start3A_102 : memref<80x128xf32, #tpu.memory_space<vmem_shared>>) target_semaphore(%run_scoped3A : memref<!tpu.dma_semaphore, #tpu.memory_space<semaphore_mem>>)
      %dma_wait3A = arith.constant 0 : i32
      %dma_wait3A_103 = tpu.memref_slice %arg21[%add3A_23, %dma_wait3A] : memref<10240x128xf32, #tpu.memory_space<vmem_shared>> -> memref<80x128xf32, #tpu.memory_space<vmem_shared>>
      %dma_wait3A_104 = arith.constant 0 : i32
      %dma_wait3A_105 = tpu.memref_slice %arg21[%add3A_23, %dma_wait3A_104] : memref<10240x128xf32, #tpu.memory_space<vmem_shared>> -> memref<80x128xf32, #tpu.memory_space<vmem_shared>>
      tpu.wait_dma2 semaphore(%run_scoped3A : memref<!tpu.dma_semaphore, #tpu.memory_space<semaphore_mem>>) src(%arg16 : memref<80x128xf32, #tpu.memory_space<vmem>>) dst(%dma_wait3A_105 : memref<80x128xf32, #tpu.memory_space<vmem_shared>>)
      tpu.yield
    }) : () -> ()
    %mul3A_24 = arith.constant 640 : i32
    %mul3A_25 = arith.muli %arg1, %mul3A_24 : i32
    %add3A_26 = arith.constant 400 : i32
    %add3A_27 = arith.addi %mul3A_25, %add3A_26 : i32
    "tpu.region"() ({
      %run_scoped3A = tpu.sem_alloc : memref<!tpu.dma_semaphore, #tpu.memory_space<semaphore_mem>>
      %dma_start3A = arith.constant 0 : i32
      %dma_start3A_100 = tpu.memref_slice %arg21[%add3A_27, %dma_start3A] : memref<10240x128xf32, #tpu.memory_space<vmem_shared>> -> memref<80x128xf32, #tpu.memory_space<vmem_shared>>
      %dma_start3A_101 = arith.constant 0 : i32
      %dma_start3A_102 = tpu.memref_slice %arg21[%add3A_27, %dma_start3A_101] : memref<10240x128xf32, #tpu.memory_space<vmem_shared>> -> memref<80x128xf32, #tpu.memory_space<vmem_shared>>
      tpu.enqueue_dma source(%arg16 : memref<80x128xf32, #tpu.memory_space<vmem>>) target(%dma_start3A_102 : memref<80x128xf32, #tpu.memory_space<vmem_shared>>) target_semaphore(%run_scoped3A : memref<!tpu.dma_semaphore, #tpu.memory_space<semaphore_mem>>)
      %dma_wait3A = arith.constant 0 : i32
      %dma_wait3A_103 = tpu.memref_slice %arg21[%add3A_27, %dma_wait3A] : memref<10240x128xf32, #tpu.memory_space<vmem_shared>> -> memref<80x128xf32, #tpu.memory_space<vmem_shared>>
      %dma_wait3A_104 = arith.constant 0 : i32
      %dma_wait3A_105 = tpu.memref_slice %arg21[%add3A_27, %dma_wait3A_104] : memref<10240x128xf32, #tpu.memory_space<vmem_shared>> -> memref<80x128xf32, #tpu.memory_space<vmem_shared>>
      tpu.wait_dma2 semaphore(%run_scoped3A : memref<!tpu.dma_semaphore, #tpu.memory_space<semaphore_mem>>) src(%arg16 : memref<80x128xf32, #tpu.memory_space<vmem>>) dst(%dma_wait3A_105 : memref<80x128xf32, #tpu.memory_space<vmem_shared>>)
      tpu.yield
    }) : () -> ()
    %mul3A_28 = arith.constant 640 : i32
    %mul3A_29 = arith.muli %arg1, %mul3A_28 : i32
    %add3A_30 = arith.constant 480 : i32
    %add3A_31 = arith.addi %mul3A_29, %add3A_30 : i32
    "tpu.region"() ({
      %run_scoped3A = tpu.sem_alloc : memref<!tpu.dma_semaphore, #tpu.memory_space<semaphore_mem>>
      %dma_start3A = arith.constant 0 : i32
      %dma_start3A_100 = tpu.memref_slice %arg21[%add3A_31, %dma_start3A] : memref<10240x128xf32, #tpu.memory_space<vmem_shared>> -> memref<80x128xf32, #tpu.memory_space<vmem_shared>>
      %dma_start3A_101 = arith.constant 0 : i32
      %dma_start3A_102 = tpu.memref_slice %arg21[%add3A_31, %dma_start3A_101] : memref<10240x128xf32, #tpu.memory_space<vmem_shared>> -> memref<80x128xf32, #tpu.memory_space<vmem_shared>>
      tpu.enqueue_dma source(%arg16 : memref<80x128xf32, #tpu.memory_space<vmem>>) target(%dma_start3A_102 : memref<80x128xf32, #tpu.memory_space<vmem_shared>>) target_semaphore(%run_scoped3A : memref<!tpu.dma_semaphore, #tpu.memory_space<semaphore_mem>>)
      %dma_wait3A = arith.constant 0 : i32
      %dma_wait3A_103 = tpu.memref_slice %arg21[%add3A_31, %dma_wait3A] : memref<10240x128xf32, #tpu.memory_space<vmem_shared>> -> memref<80x128xf32, #tpu.memory_space<vmem_shared>>
      %dma_wait3A_104 = arith.constant 0 : i32
      %dma_wait3A_105 = tpu.memref_slice %arg21[%add3A_31, %dma_wait3A_104] : memref<10240x128xf32, #tpu.memory_space<vmem_shared>> -> memref<80x128xf32, #tpu.memory_space<vmem_shared>>
      tpu.wait_dma2 semaphore(%run_scoped3A : memref<!tpu.dma_semaphore, #tpu.memory_space<semaphore_mem>>) src(%arg16 : memref<80x128xf32, #tpu.memory_space<vmem>>) dst(%dma_wait3A_105 : memref<80x128xf32, #tpu.memory_space<vmem_shared>>)
      tpu.yield
    }) : () -> ()
    %mul3A_32 = arith.constant 640 : i32
    %mul3A_33 = arith.muli %arg1, %mul3A_32 : i32
    %add3A_34 = arith.constant 560 : i32
    %add3A_35 = arith.addi %mul3A_33, %add3A_34 : i32
    "tpu.region"() ({
      %run_scoped3A = tpu.sem_alloc : memref<!tpu.dma_semaphore, #tpu.memory_space<semaphore_mem>>
      %dma_start3A = arith.constant 0 : i32
      %dma_start3A_100 = tpu.memref_slice %arg21[%add3A_35, %dma_start3A] : memref<10240x128xf32, #tpu.memory_space<vmem_shared>> -> memref<80x128xf32, #tpu.memory_space<vmem_shared>>
      %dma_start3A_101 = arith.constant 0 : i32
      %dma_start3A_102 = tpu.memref_slice %arg21[%add3A_35, %dma_start3A_101] : memref<10240x128xf32, #tpu.memory_space<vmem_shared>> -> memref<80x128xf32, #tpu.memory_space<vmem_shared>>
      tpu.enqueue_dma source(%arg16 : memref<80x128xf32, #tpu.memory_space<vmem>>) target(%dma_start3A_102 : memref<80x128xf32, #tpu.memory_space<vmem_shared>>) target_semaphore(%run_scoped3A : memref<!tpu.dma_semaphore, #tpu.memory_space<semaphore_mem>>)
      %dma_wait3A = arith.constant 0 : i32
      %dma_wait3A_103 = tpu.memref_slice %arg21[%add3A_35, %dma_wait3A] : memref<10240x128xf32, #tpu.memory_space<vmem_shared>> -> memref<80x128xf32, #tpu.memory_space<vmem_shared>>
      %dma_wait3A_104 = arith.constant 0 : i32
      %dma_wait3A_105 = tpu.memref_slice %arg21[%add3A_35, %dma_wait3A_104] : memref<10240x128xf32, #tpu.memory_space<vmem_shared>> -> memref<80x128xf32, #tpu.memory_space<vmem_shared>>
      tpu.wait_dma2 semaphore(%run_scoped3A : memref<!tpu.dma_semaphore, #tpu.memory_space<semaphore_mem>>) src(%arg16 : memref<80x128xf32, #tpu.memory_space<vmem>>) dst(%dma_wait3A_105 : memref<80x128xf32, #tpu.memory_space<vmem_shared>>)
      tpu.yield
    }) : () -> ()
    %mul3A_36 = arith.constant 40 : i32
    %mul3A_37 = arith.muli %arg1, %mul3A_36 : i32
    "tpu.region"() ({
      %run_scoped3A = tpu.sem_alloc : memref<!tpu.dma_semaphore, #tpu.memory_space<semaphore_mem>>
      %dma_start3A = arith.constant 0 : i32
      %dma_start3A_100 = arith.constant 0 : i32
      %dma_start3A_101 = tpu.memref_slice %arg19[%dma_start3A, %dma_start3A_100] : memref<80x128xf32, #tpu.memory_space<vmem>> -> memref<40x128xf32, #tpu.memory_space<vmem>>
      %dma_start3A_102 = arith.constant 0 : i32
      %dma_start3A_103 = tpu.memref_slice %arg22[%mul3A_37, %dma_start3A_102] : memref<640x128xf32, #tpu.memory_space<vmem_shared>> -> memref<40x128xf32, #tpu.memory_space<vmem_shared>>
      %dma_start3A_104 = arith.constant 0 : i32
      %dma_start3A_105 = tpu.memref_slice %arg22[%mul3A_37, %dma_start3A_104] : memref<640x128xf32, #tpu.memory_space<vmem_shared>> -> memref<40x128xf32, #tpu.memory_space<vmem_shared>>
      %dma_start3A_106 = arith.constant 0 : i32
      %dma_start3A_107 = arith.constant 0 : i32
      %dma_start3A_108 = tpu.memref_slice %arg19[%dma_start3A_106, %dma_start3A_107] : memref<80x128xf32, #tpu.memory_space<vmem>> -> memref<40x128xf32, #tpu.memory_space<vmem>>
      tpu.enqueue_dma source(%dma_start3A_108 : memref<40x128xf32, #tpu.memory_space<vmem>>) target(%dma_start3A_105 : memref<40x128xf32, #tpu.memory_space<vmem_shared>>) target_semaphore(%run_scoped3A : memref<!tpu.dma_semaphore, #tpu.memory_space<semaphore_mem>>)
      %dma_wait3A = arith.constant 0 : i32
      %dma_wait3A_109 = arith.constant 0 : i32
      %dma_wait3A_110 = tpu.memref_slice %arg19[%dma_wait3A, %dma_wait3A_109] : memref<80x128xf32, #tpu.memory_space<vmem>> -> memref<40x128xf32, #tpu.memory_space<vmem>>
      %dma_wait3A_111 = arith.constant 0 : i32
      %dma_wait3A_112 = tpu.memref_slice %arg22[%mul3A_37, %dma_wait3A_111] : memref<640x128xf32, #tpu.memory_space<vmem_shared>> -> memref<40x128xf32, #tpu.memory_space<vmem_shared>>
      %dma_wait3A_113 = arith.constant 0 : i32
      %dma_wait3A_114 = tpu.memref_slice %arg22[%mul3A_37, %dma_wait3A_113] : memref<640x128xf32, #tpu.memory_space<vmem_shared>> -> memref<40x128xf32, #tpu.memory_space<vmem_shared>>
      %dma_wait3A_115 = arith.constant 0 : i32
      %dma_wait3A_116 = arith.constant 0 : i32
      %dma_wait3A_117 = tpu.memref_slice %arg19[%dma_wait3A_115, %dma_wait3A_116] : memref<80x128xf32, #tpu.memory_space<vmem>> -> memref<40x128xf32, #tpu.memory_space<vmem>>
      tpu.wait_dma2 semaphore(%run_scoped3A : memref<!tpu.dma_semaphore, #tpu.memory_space<semaphore_mem>>) src(%dma_wait3A_117 : memref<40x128xf32, #tpu.memory_space<vmem>>) dst(%dma_wait3A_114 : memref<40x128xf32, #tpu.memory_space<vmem_shared>>)
      tpu.yield
    }) : () -> ()
    %barrier3A = arith.constant 0 : index
    tpu.barrier barrier_id(%barrier3A)
    %mul3A_38 = arith.constant 128 : i32
    %mul3A_39 = arith.muli %arg0, %mul3A_38 : i32
    "tpu.region"() ({
      %run_scoped3A = tpu.sem_alloc : memref<!tpu.dma_semaphore, #tpu.memory_space<semaphore_mem>>
      %dma_start3A = tpu.memref_slice %arg7[%mul3A_39] : memref<256xf32, #tpu.memory_space<hbm>> -> memref<128xf32, #tpu.memory_space<hbm>>
      %dma_start3A_100 = tpu.memref_slice %arg7[%mul3A_39] : memref<256xf32, #tpu.memory_space<hbm>> -> memref<128xf32, #tpu.memory_space<hbm>>
      tpu.enqueue_dma source(%dma_start3A_100 : memref<128xf32, #tpu.memory_space<hbm>>) target(%arg20 : memref<128xf32, #tpu.memory_space<vmem>>) target_semaphore(%run_scoped3A : memref<!tpu.dma_semaphore, #tpu.memory_space<semaphore_mem>>)
      %dma_wait3A = tpu.memref_slice %arg7[%mul3A_39] : memref<256xf32, #tpu.memory_space<hbm>> -> memref<128xf32, #tpu.memory_space<hbm>>
      %dma_wait3A_101 = tpu.memref_slice %arg7[%mul3A_39] : memref<256xf32, #tpu.memory_space<hbm>> -> memref<128xf32, #tpu.memory_space<hbm>>
      tpu.wait_dma2 semaphore(%run_scoped3A : memref<!tpu.dma_semaphore, #tpu.memory_space<semaphore_mem>>) src(%dma_wait3A_101 : memref<128xf32, #tpu.memory_space<hbm>>) dst(%arg20 : memref<128xf32, #tpu.memory_space<vmem>>)
      tpu.yield
    }) : () -> ()
    %get3A = arith.constant 0 : index
    %get3A_40 = tpu.vector_load %arg20[%get3A] {strides = array<i32>} : memref<128xf32, #tpu.memory_space<vmem>>, vector<16xf32>,
    %get3A_41 = vector.shape_cast %get3A_40 : vector<16xf32> to vector<16xf32>
    %get3A_42 = arith.constant 16 : index
    %get3A_43 = tpu.vector_load %arg20[%get3A_42] {strides = array<i32>} : memref<128xf32, #tpu.memory_space<vmem>>, vector<16xf32>,
    %get3A_44 = vector.shape_cast %get3A_43 : vector<16xf32> to vector<16xf32>
    %get3A_45 = arith.constant 32 : index
    %get3A_46 = tpu.vector_load %arg20[%get3A_45] {strides = array<i32>} : memref<128xf32, #tpu.memory_space<vmem>>, vector<16xf32>,
    %get3A_47 = vector.shape_cast %get3A_46 : vector<16xf32> to vector<16xf32>
    %get3A_48 = arith.constant 48 : index
    %get3A_49 = tpu.vector_load %arg20[%get3A_48] {strides = array<i32>} : memref<128xf32, #tpu.memory_space<vmem>>, vector<16xf32>,
    %get3A_50 = vector.shape_cast %get3A_49 : vector<16xf32> to vector<16xf32>
    %get3A_51 = arith.constant 64 : index
    %get3A_52 = tpu.vector_load %arg20[%get3A_51] {strides = array<i32>} : memref<128xf32, #tpu.memory_space<vmem>>, vector<16xf32>,
    %get3A_53 = vector.shape_cast %get3A_52 : vector<16xf32> to vector<16xf32>
    %get3A_54 = arith.constant 80 : index
    %get3A_55 = tpu.vector_load %arg20[%get3A_54] {strides = array<i32>} : memref<128xf32, #tpu.memory_space<vmem>>, vector<16xf32>,
    %get3A_56 = vector.shape_cast %get3A_55 : vector<16xf32> to vector<16xf32>
    %get3A_57 = arith.constant 96 : index
    %get3A_58 = tpu.vector_load %arg20[%get3A_57] {strides = array<i32>} : memref<128xf32, #tpu.memory_space<vmem>>, vector<16xf32>,
    %get3A_59 = vector.shape_cast %get3A_58 : vector<16xf32> to vector<16xf32>
    %get3A_60 = arith.constant 112 : index
    %get3A_61 = tpu.vector_load %arg20[%get3A_60] {strides = array<i32>} : memref<128xf32, #tpu.memory_space<vmem>>, vector<16xf32>,
    %get3A_62 = vector.shape_cast %get3A_61 : vector<16xf32> to vector<16xf32>
    %iota3A = tpu.iota {dimensions = array<i32: 0>} : vector<16xi32>
    %xor3A = arith.constant 8 : i32
    %xor3A_63 = vector.broadcast %xor3A : i32 to vector<16xi32>
    %xor3A_64 = arith.xori %iota3A, %xor3A_63 : vector<16xi32>
    %xor3A_65 = arith.constant 4 : i32
    %xor3A_66 = vector.broadcast %xor3A_65 : i32 to vector<16xi32>
    %xor3A_67 = arith.xori %iota3A, %xor3A_66 : vector<16xi32>
    %xor3A_68 = arith.constant 2 : i32
    %xor3A_69 = vector.broadcast %xor3A_68 : i32 to vector<16xi32>
    %xor3A_70 = arith.xori %iota3A, %xor3A_69 : vector<16xi32>
    %xor3A_71 = arith.constant 1 : i32
    %xor3A_72 = vector.broadcast %xor3A_71 : i32 to vector<16xi32>
    %xor3A_73 = arith.xori %iota3A, %xor3A_72 : vector<16xi32>
    %mul3A_74 = arith.constant 0 : i32
    %mul3A_75 = vector.broadcast %mul3A_74 : i32 to vector<16xi32>
    %mul3A_76 = arith.muli %iota3A, %mul3A_75 : vector<16xi32>
    %mul3A_77 = arith.constant 10000 : i32
    %mul3A_78 = arith.muli %arg0, %mul3A_77 : i32
    %scan3A_79 = arith.constant 0 : i32
    %scan3A_80 = arith.constant 0 : i32
    %scan3A_81 = arith.constant 25 : i32
    %scan3A_82 = arith.addi %scan3A_80, %scan3A_81 : i32
    %scan3A_83 = arith.constant 1 : i32
    scf.for %scan3A_100 = %scan3A_80 to %scan3A_82 step %scan3A_83  : i32 {
      %mul3A_101 = arith.constant 10000 : i32
      %mul3A_102 = arith.muli %arg1, %mul3A_101 : i32
      %mul3A_103 = arith.constant 400 : i32
      %mul3A_104 = arith.muli %scan3A_100, %mul3A_103 : i32
      %add3A_105 = arith.addi %mul3A_102, %mul3A_104 : i32
      "tpu.region"() ({
        %run_scoped3A_1300 = tpu.sem_alloc : memref<!tpu.dma_semaphore, #tpu.memory_space<semaphore_mem>>
        %dma_start3A_1301 = tpu.memref_slice %arg2[%add3A_105] : memref<160000xi32, #tpu.memory_space<hbm>> -> memref<400xi32, #tpu.memory_space<hbm>>
        %dma_start3A_1302 = tpu.memref_slice %arg2[%add3A_105] : memref<160000xi32, #tpu.memory_space<hbm>> -> memref<400xi32, #tpu.memory_space<hbm>>
        tpu.enqueue_dma source(%dma_start3A_1302 : memref<400xi32, #tpu.memory_space<hbm>>) target(%arg10 : memref<400xi32, #tpu.memory_space<vmem>>) target_semaphore(%run_scoped3A_1300 : memref<!tpu.dma_semaphore, #tpu.memory_space<semaphore_mem>>)
        %dma_wait3A_1303 = tpu.memref_slice %arg2[%add3A_105] : memref<160000xi32, #tpu.memory_space<hbm>> -> memref<400xi32, #tpu.memory_space<hbm>>
        %dma_wait3A_1304 = tpu.memref_slice %arg2[%add3A_105] : memref<160000xi32, #tpu.memory_space<hbm>> -> memref<400xi32, #tpu.memory_space<hbm>>
        tpu.wait_dma2 semaphore(%run_scoped3A_1300 : memref<!tpu.dma_semaphore, #tpu.memory_space<semaphore_mem>>) src(%dma_wait3A_1304 : memref<400xi32, #tpu.memory_space<hbm>>) dst(%arg10 : memref<400xi32, #tpu.memory_space<vmem>>)
        tpu.yield
      }) : () -> ()
      "tpu.region"() ({
        %run_scoped3A_1300 = tpu.sem_alloc : memref<!tpu.dma_semaphore, #tpu.memory_space<semaphore_mem>>
        %dma_start3A_1301 = tpu.memref_slice %arg3[%add3A_105] : memref<160000xi32, #tpu.memory_space<hbm>> -> memref<400xi32, #tpu.memory_space<hbm>>
        %dma_start3A_1302 = tpu.memref_slice %arg3[%add3A_105] : memref<160000xi32, #tpu.memory_space<hbm>> -> memref<400xi32, #tpu.memory_space<hbm>>
        tpu.enqueue_dma source(%dma_start3A_1302 : memref<400xi32, #tpu.memory_space<hbm>>) target(%arg11 : memref<400xi32, #tpu.memory_space<vmem>>) target_semaphore(%run_scoped3A_1300 : memref<!tpu.dma_semaphore, #tpu.memory_space<semaphore_mem>>)
        %dma_wait3A_1303 = tpu.memref_slice %arg3[%add3A_105] : memref<160000xi32, #tpu.memory_space<hbm>> -> memref<400xi32, #tpu.memory_space<hbm>>
        %dma_wait3A_1304 = tpu.memref_slice %arg3[%add3A_105] : memref<160000xi32, #tpu.memory_space<hbm>> -> memref<400xi32, #tpu.memory_space<hbm>>
        tpu.wait_dma2 semaphore(%run_scoped3A_1300 : memref<!tpu.dma_semaphore, #tpu.memory_space<semaphore_mem>>) src(%dma_wait3A_1304 : memref<400xi32, #tpu.memory_space<hbm>>) dst(%arg11 : memref<400xi32, #tpu.memory_space<vmem>>)
        tpu.yield
      }) : () -> ()
      %add3A_106 = arith.constant 0 : i32
      %add3A_107 = arith.addi %add3A_105, %add3A_106 : i32
      %get3A_108 = arith.constant 0 : index
      %get3A_109 = tpu.vector_load %arg10[%get3A_108] {strides = array<i32>} : memref<400xi32, #tpu.memory_space<vmem>>, vector<16xi32>,
      %get3A_110 = vector.shape_cast %get3A_109 : vector<16xi32> to vector<16xi32>
      %add3A_111 = vector.broadcast %mul3A_78 : i32 to vector<16xi32>
      %add3A_112 = arith.addi %get3A_110, %add3A_111 : vector<16xi32>
      %swap3A = arith.constant 0 : index
      %swap3A_113 = tpu.vector_load %arg12[%swap3A] {strides = array<i32>} : memref<80xi32, #tpu.memory_space<vmem>>, vector<16xi32>,
      %swap3A_114 = vector.shape_cast %swap3A_113 : vector<16xi32> to vector<16xi32>
      %swap3A_115 = vector.shape_cast %add3A_112 : vector<16xi32> to vector<16xi32>
      tpu.vector_store %arg12[%swap3A], %swap3A_115 {strides = array<i32>} : memref<80xi32, #tpu.memory_space<vmem>>, vector<16xi32>,
      %get3A_116 = arith.constant 0 : index
      %get3A_117 = tpu.vector_load %arg11[%get3A_116] {strides = array<i32>} : memref<400xi32, #tpu.memory_space<vmem>>, vector<16xi32>,
      %get3A_118 = vector.shape_cast %get3A_117 : vector<16xi32> to vector<16xi32>
      %swap3A_119 = arith.constant 0 : i32
      %swap3A_120 = arith.constant 0 : i32
      %swap3A_121 = tpu.memref_slice %arg15[%swap3A_119, %swap3A_120] : memref<2x80xi32, #tpu.memory_space<vmem>> -> memref<1x80xi32, #tpu.memory_space<vmem>>
      %swap3A_122 = tpu.memref_squeeze %swap3A_121 : memref<1x80xi32, #tpu.memory_space<vmem>> -> memref<80xi32, #tpu.memory_space<vmem>>
      %swap3A_123 = arith.constant 0 : index
      %swap3A_124 = tpu.vector_load %swap3A_122[%swap3A_123] {strides = array<i32>} : memref<80xi32, #tpu.memory_space<vmem>>, vector<16xi32>,
      %swap3A_125 = vector.shape_cast %swap3A_124 : vector<16xi32> to vector<16xi32>
      %swap3A_126 = vector.shape_cast %get3A_118 : vector<16xi32> to vector<16xi32>
      tpu.vector_store %swap3A_122[%swap3A_123], %swap3A_126 {strides = array<i32>} : memref<80xi32, #tpu.memory_space<vmem>>, vector<16xi32>,
      %add3A_127 = vector.broadcast %mul3A_78 : i32 to vector<16xi32>
      %add3A_128 = arith.addi %get3A_118, %add3A_127 : vector<16xi32>
      %swap3A_129 = arith.constant 0 : index
      %swap3A_130 = tpu.vector_load %arg13[%swap3A_129] {strides = array<i32>} : memref<80xi32, #tpu.memory_space<vmem>>, vector<16xi32>,
      %swap3A_131 = vector.shape_cast %swap3A_130 : vector<16xi32> to vector<16xi32>
      %swap3A_132 = vector.shape_cast %add3A_128 : vector<16xi32> to vector<16xi32>
      tpu.vector_store %arg13[%swap3A_129], %swap3A_132 {strides = array<i32>} : memref<80xi32, #tpu.memory_space<vmem>>, vector<16xi32>,
      %shift_right_logical3A = arith.constant 4 : i32
      %shift_right_logical3A_133 = vector.broadcast %shift_right_logical3A : i32 to vector<16xi32>
      %shift_right_logical3A_134 = arith.shrui %get3A_118, %shift_right_logical3A_133 : vector<16xi32>
      %swap3A_135 = arith.constant 0 : i32
      %swap3A_136 = arith.constant 0 : i32
      %swap3A_137 = tpu.memref_slice %arg14[%swap3A_135, %swap3A_136] : memref<2x80xi32, #tpu.memory_space<vmem>> -> memref<1x80xi32, #tpu.memory_space<vmem>>
      %swap3A_138 = tpu.memref_squeeze %swap3A_137 : memref<1x80xi32, #tpu.memory_space<vmem>> -> memref<80xi32, #tpu.memory_space<vmem>>
      %swap3A_139 = arith.constant 0 : index
      %swap3A_140 = tpu.vector_load %swap3A_138[%swap3A_139] {strides = array<i32>} : memref<80xi32, #tpu.memory_space<vmem>>, vector<16xi32>,
      %swap3A_141 = vector.shape_cast %swap3A_140 : vector<16xi32> to vector<16xi32>
      %swap3A_142 = vector.shape_cast %shift_right_logical3A_134 : vector<16xi32> to vector<16xi32>
      tpu.vector_store %swap3A_138[%swap3A_139], %swap3A_142 {strides = array<i32>} : memref<80xi32, #tpu.memory_space<vmem>>, vector<16xi32>,
      %get3A_143 = arith.constant 16 : index
      %get3A_144 = tpu.vector_load %arg10[%get3A_143] {strides = array<i32>} : memref<400xi32, #tpu.memory_space<vmem>>, vector<16xi32>,
      %get3A_145 = vector.shape_cast %get3A_144 : vector<16xi32> to vector<16xi32>
      %add3A_146 = vector.broadcast %mul3A_78 : i32 to vector<16xi32>
      %add3A_147 = arith.addi %get3A_145, %add3A_146 : vector<16xi32>
      %swap3A_148 = arith.constant 16 : index
      %swap3A_149 = tpu.vector_load %arg12[%swap3A_148] {strides = array<i32>} : memref<80xi32, #tpu.memory_space<vmem>>, vector<16xi32>,
      %swap3A_150 = vector.shape_cast %swap3A_149 : vector<16xi32> to vector<16xi32>
      %swap3A_151 = vector.shape_cast %add3A_147 : vector<16xi32> to vector<16xi32>
      tpu.vector_store %arg12[%swap3A_148], %swap3A_151 {strides = array<i32>} : memref<80xi32, #tpu.memory_space<vmem>>, vector<16xi32>,
      %get3A_152 = arith.constant 16 : index
      %get3A_153 = tpu.vector_load %arg11[%get3A_152] {strides = array<i32>} : memref<400xi32, #tpu.memory_space<vmem>>, vector<16xi32>,
      %get3A_154 = vector.shape_cast %get3A_153 : vector<16xi32> to vector<16xi32>
      %swap3A_155 = arith.constant 0 : i32
      %swap3A_156 = arith.constant 0 : i32
      %swap3A_157 = tpu.memref_slice %arg15[%swap3A_155, %swap3A_156] : memref<2x80xi32, #tpu.memory_space<vmem>> -> memref<1x80xi32, #tpu.memory_space<vmem>>
      %swap3A_158 = tpu.memref_squeeze %swap3A_157 : memref<1x80xi32, #tpu.memory_space<vmem>> -> memref<80xi32, #tpu.memory_space<vmem>>
      %swap3A_159 = arith.constant 16 : index
      %swap3A_160 = tpu.vector_load %swap3A_158[%swap3A_159] {strides = array<i32>} : memref<80xi32, #tpu.memory_space<vmem>>, vector<16xi32>,
      %swap3A_161 = vector.shape_cast %swap3A_160 : vector<16xi32> to vector<16xi32>
      %swap3A_162 = vector.shape_cast %get3A_154 : vector<16xi32> to vector<16xi32>
      tpu.vector_store %swap3A_158[%swap3A_159], %swap3A_162 {strides = array<i32>} : memref<80xi32, #tpu.memory_space<vmem>>, vector<16xi32>,
      %add3A_163 = vector.broadcast %mul3A_78 : i32 to vector<16xi32>
      %add3A_164 = arith.addi %get3A_154, %add3A_163 : vector<16xi32>
      %swap3A_165 = arith.constant 16 : index
      %swap3A_166 = tpu.vector_load %arg13[%swap3A_165] {strides = array<i32>} : memref<80xi32, #tpu.memory_space<vmem>>, vector<16xi32>,
      %swap3A_167 = vector.shape_cast %swap3A_166 : vector<16xi32> to vector<16xi32>
      %swap3A_168 = vector.shape_cast %add3A_164 : vector<16xi32> to vector<16xi32>
      tpu.vector_store %arg13[%swap3A_165], %swap3A_168 {strides = array<i32>} : memref<80xi32, #tpu.memory_space<vmem>>, vector<16xi32>,
      %shift_right_logical3A_169 = arith.constant 4 : i32
      %shift_right_logical3A_170 = vector.broadcast %shift_right_logical3A_169 : i32 to vector<16xi32>
      %shift_right_logical3A_171 = arith.shrui %get3A_154, %shift_right_logical3A_170 : vector<16xi32>
      %swap3A_172 = arith.constant 0 : i32
      %swap3A_173 = arith.constant 0 : i32
      %swap3A_174 = tpu.memref_slice %arg14[%swap3A_172, %swap3A_173] : memref<2x80xi32, #tpu.memory_space<vmem>> -> memref<1x80xi32, #tpu.memory_space<vmem>>
      %swap3A_175 = tpu.memref_squeeze %swap3A_174 : memref<1x80xi32, #tpu.memory_space<vmem>> -> memref<80xi32, #tpu.memory_space<vmem>>
      %swap3A_176 = arith.constant 16 : index
      %swap3A_177 = tpu.vector_load %swap3A_175[%swap3A_176] {strides = array<i32>} : memref<80xi32, #tpu.memory_space<vmem>>, vector<16xi32>,
      %swap3A_178 = vector.shape_cast %swap3A_177 : vector<16xi32> to vector<16xi32>
      %swap3A_179 = vector.shape_cast %shift_right_logical3A_171 : vector<16xi32> to vector<16xi32>
      tpu.vector_store %swap3A_175[%swap3A_176], %swap3A_179 {strides = array<i32>} : memref<80xi32, #tpu.memory_space<vmem>>, vector<16xi32>,
      %get3A_180 = arith.constant 32 : index
      %get3A_181 = tpu.vector_load %arg10[%get3A_180] {strides = array<i32>} : memref<400xi32, #tpu.memory_space<vmem>>, vector<16xi32>,
      %get3A_182 = vector.shape_cast %get3A_181 : vector<16xi32> to vector<16xi32>
      %add3A_183 = vector.broadcast %mul3A_78 : i32 to vector<16xi32>
      %add3A_184 = arith.addi %get3A_182, %add3A_183 : vector<16xi32>
      %swap3A_185 = arith.constant 32 : index
      %swap3A_186 = tpu.vector_load %arg12[%swap3A_185] {strides = array<i32>} : memref<80xi32, #tpu.memory_space<vmem>>, vector<16xi32>,
      %swap3A_187 = vector.shape_cast %swap3A_186 : vector<16xi32> to vector<16xi32>
      %swap3A_188 = vector.shape_cast %add3A_184 : vector<16xi32> to vector<16xi32>
      tpu.vector_store %arg12[%swap3A_185], %swap3A_188 {strides = array<i32>} : memref<80xi32, #tpu.memory_space<vmem>>, vector<16xi32>,
      %get3A_189 = arith.constant 32 : index
      %get3A_190 = tpu.vector_load %arg11[%get3A_189] {strides = array<i32>} : memref<400xi32, #tpu.memory_space<vmem>>, vector<16xi32>,
      %get3A_191 = vector.shape_cast %get3A_190 : vector<16xi32> to vector<16xi32>
      %swap3A_192 = arith.constant 0 : i32
      %swap3A_193 = arith.constant 0 : i32
      %swap3A_194 = tpu.memref_slice %arg15[%swap3A_192, %swap3A_193] : memref<2x80xi32, #tpu.memory_space<vmem>> -> memref<1x80xi32, #tpu.memory_space<vmem>>
      %swap3A_195 = tpu.memref_squeeze %swap3A_194 : memref<1x80xi32, #tpu.memory_space<vmem>> -> memref<80xi32, #tpu.memory_space<vmem>>
      %swap3A_196 = arith.constant 32 : index
      %swap3A_197 = tpu.vector_load %swap3A_195[%swap3A_196] {strides = array<i32>} : memref<80xi32, #tpu.memory_space<vmem>>, vector<16xi32>,
      %swap3A_198 = vector.shape_cast %swap3A_197 : vector<16xi32> to vector<16xi32>
      %swap3A_199 = vector.shape_cast %get3A_191 : vector<16xi32> to vector<16xi32>
      tpu.vector_store %swap3A_195[%swap3A_196], %swap3A_199 {strides = array<i32>} : memref<80xi32, #tpu.memory_space<vmem>>, vector<16xi32>,
      %add3A_200 = vector.broadcast %mul3A_78 : i32 to vector<16xi32>
      %add3A_201 = arith.addi %get3A_191, %add3A_200 : vector<16xi32>
      %swap3A_202 = arith.constant 32 : index
      %swap3A_203 = tpu.vector_load %arg13[%swap3A_202] {strides = array<i32>} : memref<80xi32, #tpu.memory_space<vmem>>, vector<16xi32>,
      %swap3A_204 = vector.shape_cast %swap3A_203 : vector<16xi32> to vector<16xi32>
      %swap3A_205 = vector.shape_cast %add3A_201 : vector<16xi32> to vector<16xi32>
      tpu.vector_store %arg13[%swap3A_202], %swap3A_205 {strides = array<i32>} : memref<80xi32, #tpu.memory_space<vmem>>, vector<16xi32>,
      %shift_right_logical3A_206 = arith.constant 4 : i32
      %shift_right_logical3A_207 = vector.broadcast %shift_right_logical3A_206 : i32 to vector<16xi32>
      %shift_right_logical3A_208 = arith.shrui %get3A_191, %shift_right_logical3A_207 : vector<16xi32>
      %swap3A_209 = arith.constant 0 : i32
      %swap3A_210 = arith.constant 0 : i32
      %swap3A_211 = tpu.memref_slice %arg14[%swap3A_209, %swap3A_210] : memref<2x80xi32, #tpu.memory_space<vmem>> -> memref<1x80xi32, #tpu.memory_space<vmem>>
      %swap3A_212 = tpu.memref_squeeze %swap3A_211 : memref<1x80xi32, #tpu.memory_space<vmem>> -> memref<80xi32, #tpu.memory_space<vmem>>
      %swap3A_213 = arith.constant 32 : index
      %swap3A_214 = tpu.vector_load %swap3A_212[%swap3A_213] {strides = array<i32>} : memref<80xi32, #tpu.memory_space<vmem>>, vector<16xi32>,
      %swap3A_215 = vector.shape_cast %swap3A_214 : vector<16xi32> to vector<16xi32>
      %swap3A_216 = vector.shape_cast %shift_right_logical3A_208 : vector<16xi32> to vector<16xi32>
      tpu.vector_store %swap3A_212[%swap3A_213], %swap3A_216 {strides = array<i32>} : memref<80xi32, #tpu.memory_space<vmem>>, vector<16xi32>,
      %get3A_217 = arith.constant 48 : index
      %get3A_218 = tpu.vector_load %arg10[%get3A_217] {strides = array<i32>} : memref<400xi32, #tpu.memory_space<vmem>>, vector<16xi32>,
      %get3A_219 = vector.shape_cast %get3A_218 : vector<16xi32> to vector<16xi32>
      %add3A_220 = vector.broadcast %mul3A_78 : i32 to vector<16xi32>
      %add3A_221 = arith.addi %get3A_219, %add3A_220 : vector<16xi32>
      %swap3A_222 = arith.constant 48 : index
      %swap3A_223 = tpu.vector_load %arg12[%swap3A_222] {strides = array<i32>} : memref<80xi32, #tpu.memory_space<vmem>>, vector<16xi32>,
      %swap3A_224 = vector.shape_cast %swap3A_223 : vector<16xi32> to vector<16xi32>
      %swap3A_225 = vector.shape_cast %add3A_221 : vector<16xi32> to vector<16xi32>
      tpu.vector_store %arg12[%swap3A_222], %swap3A_225 {strides = array<i32>} : memref<80xi32, #tpu.memory_space<vmem>>, vector<16xi32>,
      %get3A_226 = arith.constant 48 : index
      %get3A_227 = tpu.vector_load %arg11[%get3A_226] {strides = array<i32>} : memref<400xi32, #tpu.memory_space<vmem>>, vector<16xi32>,
      %get3A_228 = vector.shape_cast %get3A_227 : vector<16xi32> to vector<16xi32>
      %swap3A_229 = arith.constant 0 : i32
      %swap3A_230 = arith.constant 0 : i32
      %swap3A_231 = tpu.memref_slice %arg15[%swap3A_229, %swap3A_230] : memref<2x80xi32, #tpu.memory_space<vmem>> -> memref<1x80xi32, #tpu.memory_space<vmem>>
      %swap3A_232 = tpu.memref_squeeze %swap3A_231 : memref<1x80xi32, #tpu.memory_space<vmem>> -> memref<80xi32, #tpu.memory_space<vmem>>
      %swap3A_233 = arith.constant 48 : index
      %swap3A_234 = tpu.vector_load %swap3A_232[%swap3A_233] {strides = array<i32>} : memref<80xi32, #tpu.memory_space<vmem>>, vector<16xi32>,
      %swap3A_235 = vector.shape_cast %swap3A_234 : vector<16xi32> to vector<16xi32>
      %swap3A_236 = vector.shape_cast %get3A_228 : vector<16xi32> to vector<16xi32>
      tpu.vector_store %swap3A_232[%swap3A_233], %swap3A_236 {strides = array<i32>} : memref<80xi32, #tpu.memory_space<vmem>>, vector<16xi32>,
      %add3A_237 = vector.broadcast %mul3A_78 : i32 to vector<16xi32>
      %add3A_238 = arith.addi %get3A_228, %add3A_237 : vector<16xi32>
      %swap3A_239 = arith.constant 48 : index
      %swap3A_240 = tpu.vector_load %arg13[%swap3A_239] {strides = array<i32>} : memref<80xi32, #tpu.memory_space<vmem>>, vector<16xi32>,
      %swap3A_241 = vector.shape_cast %swap3A_240 : vector<16xi32> to vector<16xi32>
      %swap3A_242 = vector.shape_cast %add3A_238 : vector<16xi32> to vector<16xi32>
      tpu.vector_store %arg13[%swap3A_239], %swap3A_242 {strides = array<i32>} : memref<80xi32, #tpu.memory_space<vmem>>, vector<16xi32>,
      %shift_right_logical3A_243 = arith.constant 4 : i32
      %shift_right_logical3A_244 = vector.broadcast %shift_right_logical3A_243 : i32 to vector<16xi32>
      %shift_right_logical3A_245 = arith.shrui %get3A_228, %shift_right_logical3A_244 : vector<16xi32>
      %swap3A_246 = arith.constant 0 : i32
      %swap3A_247 = arith.constant 0 : i32
      %swap3A_248 = tpu.memref_slice %arg14[%swap3A_246, %swap3A_247] : memref<2x80xi32, #tpu.memory_space<vmem>> -> memref<1x80xi32, #tpu.memory_space<vmem>>
      %swap3A_249 = tpu.memref_squeeze %swap3A_248 : memref<1x80xi32, #tpu.memory_space<vmem>> -> memref<80xi32, #tpu.memory_space<vmem>>
      %swap3A_250 = arith.constant 48 : index
      %swap3A_251 = tpu.vector_load %swap3A_249[%swap3A_250] {strides = array<i32>} : memref<80xi32, #tpu.memory_space<vmem>>, vector<16xi32>,
      %swap3A_252 = vector.shape_cast %swap3A_251 : vector<16xi32> to vector<16xi32>
      %swap3A_253 = vector.shape_cast %shift_right_logical3A_245 : vector<16xi32> to vector<16xi32>
      tpu.vector_store %swap3A_249[%swap3A_250], %swap3A_253 {strides = array<i32>} : memref<80xi32, #tpu.memory_space<vmem>>, vector<16xi32>,
      %get3A_254 = arith.constant 64 : index
      %get3A_255 = tpu.vector_load %arg10[%get3A_254] {strides = array<i32>} : memref<400xi32, #tpu.memory_space<vmem>>, vector<16xi32>,
      %get3A_256 = vector.shape_cast %get3A_255 : vector<16xi32> to vector<16xi32>
      %add3A_257 = vector.broadcast %mul3A_78 : i32 to vector<16xi32>
      %add3A_258 = arith.addi %get3A_256, %add3A_257 : vector<16xi32>
      %swap3A_259 = arith.constant 64 : index
      %swap3A_260 = tpu.vector_load %arg12[%swap3A_259] {strides = array<i32>} : memref<80xi32, #tpu.memory_space<vmem>>, vector<16xi32>,
      %swap3A_261 = vector.shape_cast %swap3A_260 : vector<16xi32> to vector<16xi32>
      %swap3A_262 = vector.shape_cast %add3A_258 : vector<16xi32> to vector<16xi32>
      tpu.vector_store %arg12[%swap3A_259], %swap3A_262 {strides = array<i32>} : memref<80xi32, #tpu.memory_space<vmem>>, vector<16xi32>,
      %get3A_263 = arith.constant 64 : index
      %get3A_264 = tpu.vector_load %arg11[%get3A_263] {strides = array<i32>} : memref<400xi32, #tpu.memory_space<vmem>>, vector<16xi32>,
      %get3A_265 = vector.shape_cast %get3A_264 : vector<16xi32> to vector<16xi32>
      %swap3A_266 = arith.constant 0 : i32
      %swap3A_267 = arith.constant 0 : i32
      %swap3A_268 = tpu.memref_slice %arg15[%swap3A_266, %swap3A_267] : memref<2x80xi32, #tpu.memory_space<vmem>> -> memref<1x80xi32, #tpu.memory_space<vmem>>
      %swap3A_269 = tpu.memref_squeeze %swap3A_268 : memref<1x80xi32, #tpu.memory_space<vmem>> -> memref<80xi32, #tpu.memory_space<vmem>>
      %swap3A_270 = arith.constant 64 : index
      %swap3A_271 = tpu.vector_load %swap3A_269[%swap3A_270] {strides = array<i32>} : memref<80xi32, #tpu.memory_space<vmem>>, vector<16xi32>,
      %swap3A_272 = vector.shape_cast %swap3A_271 : vector<16xi32> to vector<16xi32>
      %swap3A_273 = vector.shape_cast %get3A_265 : vector<16xi32> to vector<16xi32>
      tpu.vector_store %swap3A_269[%swap3A_270], %swap3A_273 {strides = array<i32>} : memref<80xi32, #tpu.memory_space<vmem>>, vector<16xi32>,
      %add3A_274 = vector.broadcast %mul3A_78 : i32 to vector<16xi32>
      %add3A_275 = arith.addi %get3A_265, %add3A_274 : vector<16xi32>
      %swap3A_276 = arith.constant 64 : index
      %swap3A_277 = tpu.vector_load %arg13[%swap3A_276] {strides = array<i32>} : memref<80xi32, #tpu.memory_space<vmem>>, vector<16xi32>,
      %swap3A_278 = vector.shape_cast %swap3A_277 : vector<16xi32> to vector<16xi32>
      %swap3A_279 = vector.shape_cast %add3A_275 : vector<16xi32> to vector<16xi32>
      tpu.vector_store %arg13[%swap3A_276], %swap3A_279 {strides = array<i32>} : memref<80xi32, #tpu.memory_space<vmem>>, vector<16xi32>,
      %shift_right_logical3A_280 = arith.constant 4 : i32
      %shift_right_logical3A_281 = vector.broadcast %shift_right_logical3A_280 : i32 to vector<16xi32>
      %shift_right_logical3A_282 = arith.shrui %get3A_265, %shift_right_logical3A_281 : vector<16xi32>
      %swap3A_283 = arith.constant 0 : i32
      %swap3A_284 = arith.constant 0 : i32
      %swap3A_285 = tpu.memref_slice %arg14[%swap3A_283, %swap3A_284] : memref<2x80xi32, #tpu.memory_space<vmem>> -> memref<1x80xi32, #tpu.memory_space<vmem>>
      %swap3A_286 = tpu.memref_squeeze %swap3A_285 : memref<1x80xi32, #tpu.memory_space<vmem>> -> memref<80xi32, #tpu.memory_space<vmem>>
      %swap3A_287 = arith.constant 64 : index
      %swap3A_288 = tpu.vector_load %swap3A_286[%swap3A_287] {strides = array<i32>} : memref<80xi32, #tpu.memory_space<vmem>>, vector<16xi32>,
      %swap3A_289 = vector.shape_cast %swap3A_288 : vector<16xi32> to vector<16xi32>
      %swap3A_290 = vector.shape_cast %shift_right_logical3A_282 : vector<16xi32> to vector<16xi32>
      tpu.vector_store %swap3A_286[%swap3A_287], %swap3A_290 {strides = array<i32>} : memref<80xi32, #tpu.memory_space<vmem>>, vector<16xi32>,
      %dma_start3A = arith.constant 0 : i32
      %dma_start3A_291 = arith.constant 0 : i32
      %dma_start3A_292 = tpu.memref_slice %arg6[%dma_start3A, %dma_start3A_291] : memref<20000x128xf32, #tpu.memory_space<hbm>> -> memref<20000x128xf32, #tpu.memory_space<hbm>>
      tpu.enqueue_indirect_dma source(%dma_start3A_292 : memref<20000x128xf32, #tpu.memory_space<hbm>>) target(%arg17 : memref<80x128xf32, #tpu.memory_space<vmem>>) offsets(%arg13 : memref<80xi32, #tpu.memory_space<vmem>>) semaphore(%arg24 : memref<!tpu.dma_semaphore, #tpu.memory_space<semaphore_mem>>)
      %mul3A_293 = arith.constant 160000 : i32
      %mul3A_294 = arith.muli %arg0, %mul3A_293 : i32
      %add3A_295 = arith.addi %mul3A_294, %add3A_107 : i32
      %dma_start3A_296 = arith.constant 0 : i32
      %dma_start3A_297 = tpu.memref_slice %arg4[%add3A_295, %dma_start3A_296] : memref<320000x128xf32, #tpu.memory_space<hbm>> -> memref<80x128xf32, #tpu.memory_space<hbm>>
      %dma_start3A_298 = arith.constant 0 : i32
      %dma_start3A_299 = tpu.memref_slice %arg4[%add3A_295, %dma_start3A_298] : memref<320000x128xf32, #tpu.memory_space<hbm>> -> memref<80x128xf32, #tpu.memory_space<hbm>>
      tpu.enqueue_dma source(%dma_start3A_299 : memref<80x128xf32, #tpu.memory_space<hbm>>) target(%arg18 : memref<80x128xf32, #tpu.memory_space<vmem>>) target_semaphore(%arg25 : memref<!tpu.dma_semaphore, #tpu.memory_space<semaphore_mem>>)
      %dma_start3A_300 = arith.constant 0 : i32
      %dma_start3A_301 = arith.constant 0 : i32
      %dma_start3A_302 = tpu.memref_slice %arg5[%dma_start3A_300, %dma_start3A_301] : memref<20000x128xf32, #tpu.memory_space<hbm>> -> memref<20000x128xf32, #tpu.memory_space<hbm>>
      tpu.enqueue_indirect_dma source(%dma_start3A_302 : memref<20000x128xf32, #tpu.memory_space<hbm>>) target(%arg16 : memref<80x128xf32, #tpu.memory_space<vmem>>) offsets(%arg12 : memref<80xi32, #tpu.memory_space<vmem>>) semaphore(%arg23 : memref<!tpu.dma_semaphore, #tpu.memory_space<semaphore_mem>>)
      %dma_wait3A = arith.constant 0 : i32
      %dma_wait3A_303 = tpu.memref_slice %arg4[%add3A_295, %dma_wait3A] : memref<320000x128xf32, #tpu.memory_space<hbm>> -> memref<80x128xf32, #tpu.memory_space<hbm>>
      %dma_wait3A_304 = arith.constant 0 : i32
      %dma_wait3A_305 = tpu.memref_slice %arg4[%add3A_295, %dma_wait3A_304] : memref<320000x128xf32, #tpu.memory_space<hbm>> -> memref<80x128xf32, #tpu.memory_space<hbm>>
      tpu.wait_dma2 semaphore(%arg25 : memref<!tpu.dma_semaphore, #tpu.memory_space<semaphore_mem>>) src(%dma_wait3A_305 : memref<80x128xf32, #tpu.memory_space<hbm>>) dst(%arg18 : memref<80x128xf32, #tpu.memory_space<vmem>>)
      %dma_wait3A_306 = arith.constant 0 : i32
      %dma_wait3A_307 = arith.constant 0 : i32
      %dma_wait3A_308 = tpu.memref_slice %arg5[%dma_wait3A_306, %dma_wait3A_307] : memref<20000x128xf32, #tpu.memory_space<hbm>> -> memref<20000x128xf32, #tpu.memory_space<hbm>>
      tpu.wait_indirect_dma semaphore(%arg23 : memref<!tpu.dma_semaphore, #tpu.memory_space<semaphore_mem>>) src(%dma_wait3A_308 : memref<20000x128xf32, #tpu.memory_space<hbm>>) dst(%arg16 : memref<80x128xf32, #tpu.memory_space<vmem>>)
      %dma_wait3A_309 = arith.constant 0 : i32
      %dma_wait3A_310 = arith.constant 0 : i32
      %dma_wait3A_311 = tpu.memref_slice %arg6[%dma_wait3A_309, %dma_wait3A_310] : memref<20000x128xf32, #tpu.memory_space<hbm>> -> memref<20000x128xf32, #tpu.memory_space<hbm>>
      tpu.wait_indirect_dma semaphore(%arg24 : memref<!tpu.dma_semaphore, #tpu.memory_space<semaphore_mem>>) src(%dma_wait3A_311 : memref<20000x128xf32, #tpu.memory_space<hbm>>) dst(%arg17 : memref<80x128xf32, #tpu.memory_space<vmem>>)
      %scan3A_312 = arith.constant 0 : i32
      %scan3A_313 = arith.constant 0 : i32
      %scan3A_314 = arith.constant 0 : i32
      %scan3A_315 = arith.constant 5 : i32
      %scan3A_316 = arith.addi %scan3A_314, %scan3A_315 : i32
      %scan3A_317 = arith.constant 1 : i32
      scf.for %scan3A_1300 = %scan3A_314 to %scan3A_316 step %scan3A_317  : i32 {
        %mul3A_1301 = arith.constant 16 : i32
        %mul3A_1302 = arith.muli %scan3A_1300, %mul3A_1301 : i32
        %get3A_1303 = arith.constant 0 : i32
        %get3A_1304 = tpu.memref_slice %arg15[%scan3A_313, %get3A_1303] : memref<2x80xi32, #tpu.memory_space<vmem>> -> memref<1x80xi32, #tpu.memory_space<vmem>>
        %get3A_1305 = tpu.memref_squeeze %get3A_1304 : memref<1x80xi32, #tpu.memory_space<vmem>> -> memref<80xi32, #tpu.memory_space<vmem>>
        %get3A_1306 = arith.index_cast %mul3A_1302 : i32 to index
        %get3A_1307 = tpu.vector_load %get3A_1305[%get3A_1306] {strides = array<i32>} : memref<80xi32, #tpu.memory_space<vmem>>, vector<16xi32>,
        %get3A_1308 = vector.shape_cast %get3A_1307 : vector<16xi32> to vector<16xi32>
        %scan3A_1309 = arith.constant 0 : i32
        %scan3A_1310 = arith.constant 16 : i32
        %scan3A_1311 = arith.addi %scan3A_1309, %scan3A_1310 : i32
        %scan3A_1312 = arith.constant 1 : i32
        scf.for %scan3A_1314 = %scan3A_1309 to %scan3A_1311 step %scan3A_1312  : i32 {
          %mul3A_1315 = arith.constant 16 : i32
          %mul3A_1316 = arith.muli %scan3A_1300, %mul3A_1315 : i32
          %add3A_1317 = arith.addi %mul3A_1316, %scan3A_1314 : i32
          %get3A_1318 = arith.index_cast %add3A_1317 : i32 to index
          %get3A_1319 = arith.constant 0 : index
          %get3A_1320 = tpu.vector_load %arg16[%get3A_1318, %get3A_1319] {strides = array<i32>} : memref<80x128xf32, #tpu.memory_space<vmem>>, vector<1x16xf32>,
          %get3A_1321 = vector.shape_cast %get3A_1320 : vector<1x16xf32> to vector<16xf32>
          %get3A_1322 = arith.index_cast %add3A_1317 : i32 to index
          %get3A_1323 = arith.constant 16 : index
          %get3A_1324 = tpu.vector_load %arg16[%get3A_1322, %get3A_1323] {strides = array<i32>} : memref<80x128xf32, #tpu.memory_space<vmem>>, vector<1x16xf32>,
          %get3A_1325 = vector.shape_cast %get3A_1324 : vector<1x16xf32> to vector<16xf32>
          %get3A_1326 = arith.index_cast %add3A_1317 : i32 to index
          %get3A_1327 = arith.constant 32 : index
          %get3A_1328 = tpu.vector_load %arg16[%get3A_1326, %get3A_1327] {strides = array<i32>} : memref<80x128xf32, #tpu.memory_space<vmem>>, vector<1x16xf32>,
          %get3A_1329 = vector.shape_cast %get3A_1328 : vector<1x16xf32> to vector<16xf32>
          %get3A_1330 = arith.index_cast %add3A_1317 : i32 to index
          %get3A_1331 = arith.constant 48 : index
          %get3A_1332 = tpu.vector_load %arg16[%get3A_1330, %get3A_1331] {strides = array<i32>} : memref<80x128xf32, #tpu.memory_space<vmem>>, vector<1x16xf32>,
          %get3A_1333 = vector.shape_cast %get3A_1332 : vector<1x16xf32> to vector<16xf32>
          %get3A_1334 = arith.index_cast %add3A_1317 : i32 to index
          %get3A_1335 = arith.constant 64 : index
          %get3A_1336 = tpu.vector_load %arg16[%get3A_1334, %get3A_1335] {strides = array<i32>} : memref<80x128xf32, #tpu.memory_space<vmem>>, vector<1x16xf32>,
          %get3A_1337 = vector.shape_cast %get3A_1336 : vector<1x16xf32> to vector<16xf32>
          %get3A_1338 = arith.index_cast %add3A_1317 : i32 to index
          %get3A_1339 = arith.constant 80 : index
          %get3A_1340 = tpu.vector_load %arg16[%get3A_1338, %get3A_1339] {strides = array<i32>} : memref<80x128xf32, #tpu.memory_space<vmem>>, vector<1x16xf32>,
          %get3A_1341 = vector.shape_cast %get3A_1340 : vector<1x16xf32> to vector<16xf32>
          %get3A_1342 = arith.index_cast %add3A_1317 : i32 to index
          %get3A_1343 = arith.constant 96 : index
          %get3A_1344 = tpu.vector_load %arg16[%get3A_1342, %get3A_1343] {strides = array<i32>} : memref<80x128xf32, #tpu.memory_space<vmem>>, vector<1x16xf32>,
          %get3A_1345 = vector.shape_cast %get3A_1344 : vector<1x16xf32> to vector<16xf32>
          %get3A_1346 = arith.index_cast %add3A_1317 : i32 to index
          %get3A_1347 = arith.constant 112 : index
          %get3A_1348 = tpu.vector_load %arg16[%get3A_1346, %get3A_1347] {strides = array<i32>} : memref<80x128xf32, #tpu.memory_space<vmem>>, vector<1x16xf32>,
          %get3A_1349 = vector.shape_cast %get3A_1348 : vector<1x16xf32> to vector<16xf32>
          %get3A_1350 = arith.index_cast %add3A_1317 : i32 to index
          %get3A_1351 = arith.constant 0 : index
          %get3A_1352 = tpu.vector_load %arg17[%get3A_1350, %get3A_1351] {strides = array<i32>} : memref<80x128xf32, #tpu.memory_space<vmem>>, vector<1x16xf32>,
          %get3A_1353 = vector.shape_cast %get3A_1352 : vector<1x16xf32> to vector<16xf32>
          %add3A_1354 = arith.addf %get3A_1321, %get3A_1353 : vector<16xf32>
          %get3A_1355 = arith.index_cast %add3A_1317 : i32 to index
          %get3A_1356 = arith.constant 0 : index
          %get3A_1357 = tpu.vector_load %arg18[%get3A_1355, %get3A_1356] {strides = array<i32>} : memref<80x128xf32, #tpu.memory_space<vmem>>, vector<1x16xf32>,
          %get3A_1358 = vector.shape_cast %get3A_1357 : vector<1x16xf32> to vector<16xf32>
          %add3A_1359 = arith.addf %add3A_1354, %get3A_1358 : vector<16xf32>
          %mul3A_1360 = arith.constant 2.000000e-01 : f32
          %mul3A_1361 = vector.broadcast %mul3A_1360 : f32 to vector<16xf32>
          %mul3A_1362 = arith.mulf %mul3A_1361, %add3A_1359 : vector<16xf32>
          %max3A = arith.maximumf %add3A_1359, %mul3A_1362 : vector<16xf32>
          %mul3A_1363 = arith.mulf %max3A, %get3A_41 : vector<16xf32>
          %get3A_1364 = arith.index_cast %add3A_1317 : i32 to index
          %get3A_1365 = arith.constant 16 : index
          %get3A_1366 = tpu.vector_load %arg17[%get3A_1364, %get3A_1365] {strides = array<i32>} : memref<80x128xf32, #tpu.memory_space<vmem>>, vector<1x16xf32>,
          %get3A_1367 = vector.shape_cast %get3A_1366 : vector<1x16xf32> to vector<16xf32>
          %add3A_1368 = arith.addf %get3A_1325, %get3A_1367 : vector<16xf32>
          %get3A_1369 = arith.index_cast %add3A_1317 : i32 to index
          %get3A_1370 = arith.constant 16 : index
          %get3A_1371 = tpu.vector_load %arg18[%get3A_1369, %get3A_1370] {strides = array<i32>} : memref<80x128xf32, #tpu.memory_space<vmem>>, vector<1x16xf32>,
          %get3A_1372 = vector.shape_cast %get3A_1371 : vector<1x16xf32> to vector<16xf32>
          %add3A_1373 = arith.addf %add3A_1368, %get3A_1372 : vector<16xf32>
          %mul3A_1374 = arith.constant 2.000000e-01 : f32
          %mul3A_1375 = vector.broadcast %mul3A_1374 : f32 to vector<16xf32>
          %mul3A_1376 = arith.mulf %mul3A_1375, %add3A_1373 : vector<16xf32>
          %max3A_1377 = arith.maximumf %add3A_1373, %mul3A_1376 : vector<16xf32>
          %mul3A_1378 = arith.mulf %max3A_1377, %get3A_44 : vector<16xf32>
          %add3A_1379 = arith.addf %mul3A_1363, %mul3A_1378 : vector<16xf32>
          %get3A_1380 = arith.index_cast %add3A_1317 : i32 to index
          %get3A_1381 = arith.constant 32 : index
          %get3A_1382 = tpu.vector_load %arg17[%get3A_1380, %get3A_1381] {strides = array<i32>} : memref<80x128xf32, #tpu.memory_space<vmem>>, vector<1x16xf32>,
          %get3A_1383 = vector.shape_cast %get3A_1382 : vector<1x16xf32> to vector<16xf32>
          %add3A_1384 = arith.addf %get3A_1329, %get3A_1383 : vector<16xf32>
          %get3A_1385 = arith.index_cast %add3A_1317 : i32 to index
          %get3A_1386 = arith.constant 32 : index
          %get3A_1387 = tpu.vector_load %arg18[%get3A_1385, %get3A_1386] {strides = array<i32>} : memref<80x128xf32, #tpu.memory_space<vmem>>, vector<1x16xf32>,
          %get3A_1388 = vector.shape_cast %get3A_1387 : vector<1x16xf32> to vector<16xf32>
          %add3A_1389 = arith.addf %add3A_1384, %get3A_1388 : vector<16xf32>
          %mul3A_1390 = arith.constant 2.000000e-01 : f32
          %mul3A_1391 = vector.broadcast %mul3A_1390 : f32 to vector<16xf32>
          %mul3A_1392 = arith.mulf %mul3A_1391, %add3A_1389 : vector<16xf32>
          %max3A_1393 = arith.maximumf %add3A_1389, %mul3A_1392 : vector<16xf32>
          %mul3A_1394 = arith.mulf %max3A_1393, %get3A_47 : vector<16xf32>
          %add3A_1395 = arith.addf %add3A_1379, %mul3A_1394 : vector<16xf32>
          %get3A_1396 = arith.index_cast %add3A_1317 : i32 to index
          %get3A_1397 = arith.constant 48 : index
          %get3A_1398 = tpu.vector_load %arg17[%get3A_1396, %get3A_1397] {strides = array<i32>} : memref<80x128xf32, #tpu.memory_space<vmem>>, vector<1x16xf32>,
          %get3A_1399 = vector.shape_cast %get3A_1398 : vector<1x16xf32> to vector<16xf32>
          %add3A_1400 = arith.addf %get3A_1333, %get3A_1399 : vector<16xf32>
          %get3A_1401 = arith.index_cast %add3A_1317 : i32 to index
          %get3A_1402 = arith.constant 48 : index
          %get3A_1403 = tpu.vector_load %arg18[%get3A_1401, %get3A_1402] {strides = array<i32>} : memref<80x128xf32, #tpu.memory_space<vmem>>, vector<1x16xf32>,
          %get3A_1404 = vector.shape_cast %get3A_1403 : vector<1x16xf32> to vector<16xf32>
          %add3A_1405 = arith.addf %add3A_1400, %get3A_1404 : vector<16xf32>
          %mul3A_1406 = arith.constant 2.000000e-01 : f32
          %mul3A_1407 = vector.broadcast %mul3A_1406 : f32 to vector<16xf32>
          %mul3A_1408 = arith.mulf %mul3A_1407, %add3A_1405 : vector<16xf32>
          %max3A_1409 = arith.maximumf %add3A_1405, %mul3A_1408 : vector<16xf32>
          %mul3A_1410 = arith.mulf %max3A_1409, %get3A_50 : vector<16xf32>
          %add3A_1411 = arith.addf %add3A_1395, %mul3A_1410 : vector<16xf32>
          %get3A_1412 = arith.index_cast %add3A_1317 : i32 to index
          %get3A_1413 = arith.constant 64 : index
          %get3A_1414 = tpu.vector_load %arg17[%get3A_1412, %get3A_1413] {strides = array<i32>} : memref<80x128xf32, #tpu.memory_space<vmem>>, vector<1x16xf32>,
          %get3A_1415 = vector.shape_cast %get3A_1414 : vector<1x16xf32> to vector<16xf32>
          %add3A_1416 = arith.addf %get3A_1337, %get3A_1415 : vector<16xf32>
          %get3A_1417 = arith.index_cast %add3A_1317 : i32 to index
          %get3A_1418 = arith.constant 64 : index
          %get3A_1419 = tpu.vector_load %arg18[%get3A_1417, %get3A_1418] {strides = array<i32>} : memref<80x128xf32, #tpu.memory_space<vmem>>, vector<1x16xf32>,
          %get3A_1420 = vector.shape_cast %get3A_1419 : vector<1x16xf32> to vector<16xf32>
          %add3A_1421 = arith.addf %add3A_1416, %get3A_1420 : vector<16xf32>
          %mul3A_1422 = arith.constant 2.000000e-01 : f32
          %mul3A_1423 = vector.broadcast %mul3A_1422 : f32 to vector<16xf32>
          %mul3A_1424 = arith.mulf %mul3A_1423, %add3A_1421 : vector<16xf32>
          %max3A_1425 = arith.maximumf %add3A_1421, %mul3A_1424 : vector<16xf32>
          %mul3A_1426 = arith.mulf %max3A_1425, %get3A_53 : vector<16xf32>
          %get3A_1427 = arith.index_cast %add3A_1317 : i32 to index
          %get3A_1428 = arith.constant 80 : index
          %get3A_1429 = tpu.vector_load %arg17[%get3A_1427, %get3A_1428] {strides = array<i32>} : memref<80x128xf32, #tpu.memory_space<vmem>>, vector<1x16xf32>,
          %get3A_1430 = vector.shape_cast %get3A_1429 : vector<1x16xf32> to vector<16xf32>
          %add3A_1431 = arith.addf %get3A_1341, %get3A_1430 : vector<16xf32>
          %get3A_1432 = arith.index_cast %add3A_1317 : i32 to index
          %get3A_1433 = arith.constant 80 : index
          %get3A_1434 = tpu.vector_load %arg18[%get3A_1432, %get3A_1433] {strides = array<i32>} : memref<80x128xf32, #tpu.memory_space<vmem>>, vector<1x16xf32>,
          %get3A_1435 = vector.shape_cast %get3A_1434 : vector<1x16xf32> to vector<16xf32>
          %add3A_1436 = arith.addf %add3A_1431, %get3A_1435 : vector<16xf32>
          %mul3A_1437 = arith.constant 2.000000e-01 : f32
          %mul3A_1438 = vector.broadcast %mul3A_1437 : f32 to vector<16xf32>
          %mul3A_1439 = arith.mulf %mul3A_1438, %add3A_1436 : vector<16xf32>
          %max3A_1440 = arith.maximumf %add3A_1436, %mul3A_1439 : vector<16xf32>
          %mul3A_1441 = arith.mulf %max3A_1440, %get3A_56 : vector<16xf32>
          %add3A_1442 = arith.addf %mul3A_1426, %mul3A_1441 : vector<16xf32>
          %get3A_1443 = arith.index_cast %add3A_1317 : i32 to index
          %get3A_1444 = arith.constant 96 : index
          %get3A_1445 = tpu.vector_load %arg17[%get3A_1443, %get3A_1444] {strides = array<i32>} : memref<80x128xf32, #tpu.memory_space<vmem>>, vector<1x16xf32>,
          %get3A_1446 = vector.shape_cast %get3A_1445 : vector<1x16xf32> to vector<16xf32>
          %add3A_1447 = arith.addf %get3A_1345, %get3A_1446 : vector<16xf32>
          %get3A_1448 = arith.index_cast %add3A_1317 : i32 to index
          %get3A_1449 = arith.constant 96 : index
          %get3A_1450 = tpu.vector_load %arg18[%get3A_1448, %get3A_1449] {strides = array<i32>} : memref<80x128xf32, #tpu.memory_space<vmem>>, vector<1x16xf32>,
          %get3A_1451 = vector.shape_cast %get3A_1450 : vector<1x16xf32> to vector<16xf32>
          %add3A_1452 = arith.addf %add3A_1447, %get3A_1451 : vector<16xf32>
          %mul3A_1453 = arith.constant 2.000000e-01 : f32
          %mul3A_1454 = vector.broadcast %mul3A_1453 : f32 to vector<16xf32>
          %mul3A_1455 = arith.mulf %mul3A_1454, %add3A_1452 : vector<16xf32>
          %max3A_1456 = arith.maximumf %add3A_1452, %mul3A_1455 : vector<16xf32>
          %mul3A_1457 = arith.mulf %max3A_1456, %get3A_59 : vector<16xf32>
          %add3A_1458 = arith.addf %add3A_1442, %mul3A_1457 : vector<16xf32>
          %get3A_1459 = arith.index_cast %add3A_1317 : i32 to index
          %get3A_1460 = arith.constant 112 : index
          %get3A_1461 = tpu.vector_load %arg17[%get3A_1459, %get3A_1460] {strides = array<i32>} : memref<80x128xf32, #tpu.memory_space<vmem>>, vector<1x16xf32>,
          %get3A_1462 = vector.shape_cast %get3A_1461 : vector<1x16xf32> to vector<16xf32>
          %add3A_1463 = arith.addf %get3A_1349, %get3A_1462 : vector<16xf32>
          %get3A_1464 = arith.index_cast %add3A_1317 : i32 to index
          %get3A_1465 = arith.constant 112 : index
          %get3A_1466 = tpu.vector_load %arg18[%get3A_1464, %get3A_1465] {strides = array<i32>} : memref<80x128xf32, #tpu.memory_space<vmem>>, vector<1x16xf32>,
          %get3A_1467 = vector.shape_cast %get3A_1466 : vector<1x16xf32> to vector<16xf32>
          %add3A_1468 = arith.addf %add3A_1463, %get3A_1467 : vector<16xf32>
          %mul3A_1469 = arith.constant 2.000000e-01 : f32
          %mul3A_1470 = vector.broadcast %mul3A_1469 : f32 to vector<16xf32>
          %mul3A_1471 = arith.mulf %mul3A_1470, %add3A_1468 : vector<16xf32>
          %max3A_1472 = arith.maximumf %add3A_1468, %mul3A_1471 : vector<16xf32>
          %mul3A_1473 = arith.mulf %max3A_1472, %get3A_62 : vector<16xf32>
          %add3A_1474 = arith.addf %add3A_1458, %mul3A_1473 : vector<16xf32>
          %lt3A = arith.constant 0 : i32
          %lt3A_1475 = vector.broadcast %lt3A : i32 to vector<16xi32>
          %lt3A_1476 = arith.cmpi slt, %xor3A_64, %lt3A_1475 : vector<16xi32>
          %add3A_1477 = arith.constant 16 : i32
          %add3A_1478 = vector.broadcast %add3A_1477 : i32 to vector<16xi32>
          %add3A_1479 = arith.addi %xor3A_64, %add3A_1478 : vector<16xi32>
          %select_n3A = arith.select %lt3A_1476, %add3A_1479, %xor3A_64 : vector<16xi1>, vector<16xi32>
          %broadcast_in_dim3A_1480 = vector.shape_cast %select_n3A : vector<16xi32> to vector<16x1xi32>
          %gather3A = vector.shape_cast %broadcast_in_dim3A_1480 : vector<16x1xi32> to vector<16xi32>
          %gather3A_1481 = tpu.dynamic_gather %add3A_1411[%gather3A] in [0] : vector<16xf32>, vector<16xi32> -> vector<16xf32>
          %add3A_1482 = arith.addf %add3A_1411, %gather3A_1481 : vector<16xf32>
          %lt3A_1483 = arith.constant 0 : i32
          %lt3A_1484 = vector.broadcast %lt3A_1483 : i32 to vector<16xi32>
          %lt3A_1485 = arith.cmpi slt, %xor3A_67, %lt3A_1484 : vector<16xi32>
          %add3A_1486 = arith.constant 16 : i32
          %add3A_1487 = vector.broadcast %add3A_1486 : i32 to vector<16xi32>
          %add3A_1488 = arith.addi %xor3A_67, %add3A_1487 : vector<16xi32>
          %select_n3A_1489 = arith.select %lt3A_1485, %add3A_1488, %xor3A_67 : vector<16xi1>, vector<16xi32>
          %broadcast_in_dim3A_1490 = vector.shape_cast %select_n3A_1489 : vector<16xi32> to vector<16x1xi32>
          %gather3A_1491 = vector.shape_cast %broadcast_in_dim3A_1490 : vector<16x1xi32> to vector<16xi32>
          %gather3A_1492 = tpu.dynamic_gather %add3A_1482[%gather3A_1491] in [0] : vector<16xf32>, vector<16xi32> -> vector<16xf32>
          %add3A_1493 = arith.addf %add3A_1482, %gather3A_1492 : vector<16xf32>
          %lt3A_1494 = arith.constant 0 : i32
          %lt3A_1495 = vector.broadcast %lt3A_1494 : i32 to vector<16xi32>
          %lt3A_1496 = arith.cmpi slt, %xor3A_70, %lt3A_1495 : vector<16xi32>
          %add3A_1497 = arith.constant 16 : i32
          %add3A_1498 = vector.broadcast %add3A_1497 : i32 to vector<16xi32>
          %add3A_1499 = arith.addi %xor3A_70, %add3A_1498 : vector<16xi32>
          %select_n3A_1500 = arith.select %lt3A_1496, %add3A_1499, %xor3A_70 : vector<16xi1>, vector<16xi32>
          %broadcast_in_dim3A_1501 = vector.shape_cast %select_n3A_1500 : vector<16xi32> to vector<16x1xi32>
          %gather3A_1502 = vector.shape_cast %broadcast_in_dim3A_1501 : vector<16x1xi32> to vector<16xi32>
          %gather3A_1503 = tpu.dynamic_gather %add3A_1493[%gather3A_1502] in [0] : vector<16xf32>, vector<16xi32> -> vector<16xf32>
          %add3A_1504 = arith.addf %add3A_1493, %gather3A_1503 : vector<16xf32>
          %lt3A_1505 = arith.constant 0 : i32
          %lt3A_1506 = vector.broadcast %lt3A_1505 : i32 to vector<16xi32>
          %lt3A_1507 = arith.cmpi slt, %xor3A_73, %lt3A_1506 : vector<16xi32>
          %add3A_1508 = arith.constant 16 : i32
          %add3A_1509 = vector.broadcast %add3A_1508 : i32 to vector<16xi32>
          %add3A_1510 = arith.addi %xor3A_73, %add3A_1509 : vector<16xi32>
          %select_n3A_1511 = arith.select %lt3A_1507, %add3A_1510, %xor3A_73 : vector<16xi1>, vector<16xi32>
          %broadcast_in_dim3A_1512 = vector.shape_cast %select_n3A_1511 : vector<16xi32> to vector<16x1xi32>
          %gather3A_1513 = vector.shape_cast %broadcast_in_dim3A_1512 : vector<16x1xi32> to vector<16xi32>
          %gather3A_1514 = tpu.dynamic_gather %add3A_1504[%gather3A_1513] in [0] : vector<16xf32>, vector<16xi32> -> vector<16xf32>
          %add3A_1515 = arith.addf %add3A_1504, %gather3A_1514 : vector<16xf32>
          %exp3A = math.exp %add3A_1515 : vector<16xf32>
          %lt3A_1516 = arith.constant 0 : i32
          %lt3A_1517 = vector.broadcast %lt3A_1516 : i32 to vector<16xi32>
          %lt3A_1518 = arith.cmpi slt, %xor3A_64, %lt3A_1517 : vector<16xi32>
          %add3A_1519 = arith.constant 16 : i32
          %add3A_1520 = vector.broadcast %add3A_1519 : i32 to vector<16xi32>
          %add3A_1521 = arith.addi %xor3A_64, %add3A_1520 : vector<16xi32>
          %select_n3A_1522 = arith.select %lt3A_1518, %add3A_1521, %xor3A_64 : vector<16xi1>, vector<16xi32>
          %broadcast_in_dim3A_1523 = vector.shape_cast %select_n3A_1522 : vector<16xi32> to vector<16x1xi32>
          %gather3A_1524 = vector.shape_cast %broadcast_in_dim3A_1523 : vector<16x1xi32> to vector<16xi32>
          %gather3A_1525 = tpu.dynamic_gather %add3A_1474[%gather3A_1524] in [0] : vector<16xf32>, vector<16xi32> -> vector<16xf32>
          %add3A_1526 = arith.addf %add3A_1474, %gather3A_1525 : vector<16xf32>
          %lt3A_1527 = arith.constant 0 : i32
          %lt3A_1528 = vector.broadcast %lt3A_1527 : i32 to vector<16xi32>
          %lt3A_1529 = arith.cmpi slt, %xor3A_67, %lt3A_1528 : vector<16xi32>
          %add3A_1530 = arith.constant 16 : i32
          %add3A_1531 = vector.broadcast %add3A_1530 : i32 to vector<16xi32>
          %add3A_1532 = arith.addi %xor3A_67, %add3A_1531 : vector<16xi32>
          %select_n3A_1533 = arith.select %lt3A_1529, %add3A_1532, %xor3A_67 : vector<16xi1>, vector<16xi32>
          %broadcast_in_dim3A_1534 = vector.shape_cast %select_n3A_1533 : vector<16xi32> to vector<16x1xi32>
          %gather3A_1535 = vector.shape_cast %broadcast_in_dim3A_1534 : vector<16x1xi32> to vector<16xi32>
          %gather3A_1536 = tpu.dynamic_gather %add3A_1526[%gather3A_1535] in [0] : vector<16xf32>, vector<16xi32> -> vector<16xf32>
          %add3A_1537 = arith.addf %add3A_1526, %gather3A_1536 : vector<16xf32>
          %lt3A_1538 = arith.constant 0 : i32
          %lt3A_1539 = vector.broadcast %lt3A_1538 : i32 to vector<16xi32>
          %lt3A_1540 = arith.cmpi slt, %xor3A_70, %lt3A_1539 : vector<16xi32>
          %add3A_1541 = arith.constant 16 : i32
          %add3A_1542 = vector.broadcast %add3A_1541 : i32 to vector<16xi32>
          %add3A_1543 = arith.addi %xor3A_70, %add3A_1542 : vector<16xi32>
          %select_n3A_1544 = arith.select %lt3A_1540, %add3A_1543, %xor3A_70 : vector<16xi1>, vector<16xi32>
          %broadcast_in_dim3A_1545 = vector.shape_cast %select_n3A_1544 : vector<16xi32> to vector<16x1xi32>
          %gather3A_1546 = vector.shape_cast %broadcast_in_dim3A_1545 : vector<16x1xi32> to vector<16xi32>
          %gather3A_1547 = tpu.dynamic_gather %add3A_1537[%gather3A_1546] in [0] : vector<16xf32>, vector<16xi32> -> vector<16xf32>
          %add3A_1548 = arith.addf %add3A_1537, %gather3A_1547 : vector<16xf32>
          %lt3A_1549 = arith.constant 0 : i32
          %lt3A_1550 = vector.broadcast %lt3A_1549 : i32 to vector<16xi32>
          %lt3A_1551 = arith.cmpi slt, %xor3A_73, %lt3A_1550 : vector<16xi32>
          %add3A_1552 = arith.constant 16 : i32
          %add3A_1553 = vector.broadcast %add3A_1552 : i32 to vector<16xi32>
          %add3A_1554 = arith.addi %xor3A_73, %add3A_1553 : vector<16xi32>
          %select_n3A_1555 = arith.select %lt3A_1551, %add3A_1554, %xor3A_73 : vector<16xi1>, vector<16xi32>
          %broadcast_in_dim3A_1556 = vector.shape_cast %select_n3A_1555 : vector<16xi32> to vector<16x1xi32>
          %gather3A_1557 = vector.shape_cast %broadcast_in_dim3A_1556 : vector<16x1xi32> to vector<16xi32>
          %gather3A_1558 = tpu.dynamic_gather %add3A_1548[%gather3A_1557] in [0] : vector<16xf32>, vector<16xi32> -> vector<16xf32>
          %add3A_1559 = arith.addf %add3A_1548, %gather3A_1558 : vector<16xf32>
          %exp3A_1560 = math.exp %add3A_1559 : vector<16xf32>
          %mul3A_1561 = arith.mulf %exp3A, %get3A_1321 : vector<16xf32>
          %swap3A_1562 = arith.index_cast %add3A_1317 : i32 to index
          %swap3A_1563 = arith.constant 0 : index
          %swap3A_1564 = tpu.vector_load %arg16[%swap3A_1562, %swap3A_1563] {strides = array<i32>} : memref<80x128xf32, #tpu.memory_space<vmem>>, vector<1x16xf32>,
          %swap3A_1565 = vector.shape_cast %swap3A_1564 : vector<1x16xf32> to vector<16xf32>
          %swap3A_1566 = vector.shape_cast %mul3A_1561 : vector<16xf32> to vector<1x16xf32>
          tpu.vector_store %arg16[%swap3A_1562, %swap3A_1563], %swap3A_1566 {strides = array<i32>} : memref<80x128xf32, #tpu.memory_space<vmem>>, vector<1x16xf32>,
          %mul3A_1567 = arith.mulf %exp3A, %get3A_1325 : vector<16xf32>
          %swap3A_1568 = arith.index_cast %add3A_1317 : i32 to index
          %swap3A_1569 = arith.constant 16 : index
          %swap3A_1570 = tpu.vector_load %arg16[%swap3A_1568, %swap3A_1569] {strides = array<i32>} : memref<80x128xf32, #tpu.memory_space<vmem>>, vector<1x16xf32>,
          %swap3A_1571 = vector.shape_cast %swap3A_1570 : vector<1x16xf32> to vector<16xf32>
          %swap3A_1572 = vector.shape_cast %mul3A_1567 : vector<16xf32> to vector<1x16xf32>
          tpu.vector_store %arg16[%swap3A_1568, %swap3A_1569], %swap3A_1572 {strides = array<i32>} : memref<80x128xf32, #tpu.memory_space<vmem>>, vector<1x16xf32>,
          %mul3A_1573 = arith.mulf %exp3A, %get3A_1329 : vector<16xf32>
          %swap3A_1574 = arith.index_cast %add3A_1317 : i32 to index
          %swap3A_1575 = arith.constant 32 : index
          %swap3A_1576 = tpu.vector_load %arg16[%swap3A_1574, %swap3A_1575] {strides = array<i32>} : memref<80x128xf32, #tpu.memory_space<vmem>>, vector<1x16xf32>,
          %swap3A_1577 = vector.shape_cast %swap3A_1576 : vector<1x16xf32> to vector<16xf32>
          %swap3A_1578 = vector.shape_cast %mul3A_1573 : vector<16xf32> to vector<1x16xf32>
          tpu.vector_store %arg16[%swap3A_1574, %swap3A_1575], %swap3A_1578 {strides = array<i32>} : memref<80x128xf32, #tpu.memory_space<vmem>>, vector<1x16xf32>,
          %mul3A_1579 = arith.mulf %exp3A, %get3A_1333 : vector<16xf32>
          %swap3A_1580 = arith.index_cast %add3A_1317 : i32 to index
          %swap3A_1581 = arith.constant 48 : index
          %swap3A_1582 = tpu.vector_load %arg16[%swap3A_1580, %swap3A_1581] {strides = array<i32>} : memref<80x128xf32, #tpu.memory_space<vmem>>, vector<1x16xf32>,
          %swap3A_1583 = vector.shape_cast %swap3A_1582 : vector<1x16xf32> to vector<16xf32>
          %swap3A_1584 = vector.shape_cast %mul3A_1579 : vector<16xf32> to vector<1x16xf32>
          tpu.vector_store %arg16[%swap3A_1580, %swap3A_1581], %swap3A_1584 {strides = array<i32>} : memref<80x128xf32, #tpu.memory_space<vmem>>, vector<1x16xf32>,
          %mul3A_1585 = arith.mulf %exp3A_1560, %get3A_1337 : vector<16xf32>
          %swap3A_1586 = arith.index_cast %add3A_1317 : i32 to index
          %swap3A_1587 = arith.constant 64 : index
          %swap3A_1588 = tpu.vector_load %arg16[%swap3A_1586, %swap3A_1587] {strides = array<i32>} : memref<80x128xf32, #tpu.memory_space<vmem>>, vector<1x16xf32>,
          %swap3A_1589 = vector.shape_cast %swap3A_1588 : vector<1x16xf32> to vector<16xf32>
          %swap3A_1590 = vector.shape_cast %mul3A_1585 : vector<16xf32> to vector<1x16xf32>
          tpu.vector_store %arg16[%swap3A_1586, %swap3A_1587], %swap3A_1590 {strides = array<i32>} : memref<80x128xf32, #tpu.memory_space<vmem>>, vector<1x16xf32>,
          %mul3A_1591 = arith.mulf %exp3A_1560, %get3A_1341 : vector<16xf32>
          %swap3A_1592 = arith.index_cast %add3A_1317 : i32 to index
          %swap3A_1593 = arith.constant 80 : index
          %swap3A_1594 = tpu.vector_load %arg16[%swap3A_1592, %swap3A_1593] {strides = array<i32>} : memref<80x128xf32, #tpu.memory_space<vmem>>, vector<1x16xf32>,
          %swap3A_1595 = vector.shape_cast %swap3A_1594 : vector<1x16xf32> to vector<16xf32>
          %swap3A_1596 = vector.shape_cast %mul3A_1591 : vector<16xf32> to vector<1x16xf32>
          tpu.vector_store %arg16[%swap3A_1592, %swap3A_1593], %swap3A_1596 {strides = array<i32>} : memref<80x128xf32, #tpu.memory_space<vmem>>, vector<1x16xf32>,
          %mul3A_1597 = arith.mulf %exp3A_1560, %get3A_1345 : vector<16xf32>
          %swap3A_1598 = arith.index_cast %add3A_1317 : i32 to index
          %swap3A_1599 = arith.constant 96 : index
          %swap3A_1600 = tpu.vector_load %arg16[%swap3A_1598, %swap3A_1599] {strides = array<i32>} : memref<80x128xf32, #tpu.memory_space<vmem>>, vector<1x16xf32>,
          %swap3A_1601 = vector.shape_cast %swap3A_1600 : vector<1x16xf32> to vector<16xf32>
          %swap3A_1602 = vector.shape_cast %mul3A_1597 : vector<16xf32> to vector<1x16xf32>
          tpu.vector_store %arg16[%swap3A_1598, %swap3A_1599], %swap3A_1602 {strides = array<i32>} : memref<80x128xf32, #tpu.memory_space<vmem>>, vector<1x16xf32>,
          %mul3A_1603 = arith.mulf %exp3A_1560, %get3A_1349 : vector<16xf32>
          %swap3A_1604 = arith.index_cast %add3A_1317 : i32 to index
          %swap3A_1605 = arith.constant 112 : index
          %swap3A_1606 = tpu.vector_load %arg16[%swap3A_1604, %swap3A_1605] {strides = array<i32>} : memref<80x128xf32, #tpu.memory_space<vmem>>, vector<1x16xf32>,
          %swap3A_1607 = vector.shape_cast %swap3A_1606 : vector<1x16xf32> to vector<16xf32>
          %swap3A_1608 = vector.shape_cast %mul3A_1603 : vector<16xf32> to vector<1x16xf32>
          tpu.vector_store %arg16[%swap3A_1604, %swap3A_1605], %swap3A_1608 {strides = array<i32>} : memref<80x128xf32, #tpu.memory_space<vmem>>, vector<1x16xf32>,
          %add3A_1609 = vector.broadcast %scan3A_1314 : i32 to vector<16xi32>
          %add3A_1610 = arith.addi %mul3A_76, %add3A_1609 : vector<16xi32>
          %lt3A_1611 = arith.constant 0 : i32
          %lt3A_1612 = vector.broadcast %lt3A_1611 : i32 to vector<16xi32>
          %lt3A_1613 = arith.cmpi slt, %add3A_1610, %lt3A_1612 : vector<16xi32>
          %add3A_1614 = arith.constant 16 : i32
          %add3A_1615 = vector.broadcast %add3A_1614 : i32 to vector<16xi32>
          %add3A_1616 = arith.addi %add3A_1610, %add3A_1615 : vector<16xi32>
          %select_n3A_1617 = arith.select %lt3A_1613, %add3A_1616, %add3A_1610 : vector<16xi1>, vector<16xi32>
          %broadcast_in_dim3A_1618 = vector.shape_cast %select_n3A_1617 : vector<16xi32> to vector<16x1xi32>
          %gather3A_1619 = vector.shape_cast %broadcast_in_dim3A_1618 : vector<16x1xi32> to vector<16xi32>
          %gather3A_1620 = tpu.dynamic_gather %get3A_1308[%gather3A_1619] in [0] : vector<16xi32>, vector<16xi32> -> vector<16xi32>
          %and3A = arith.constant 15 : i32
          %and3A_1621 = vector.broadcast %and3A : i32 to vector<16xi32>
          %and3A_1622 = arith.andi %gather3A_1620, %and3A_1621 : vector<16xi32>
          %eq3A = arith.cmpi eq, %iota3A, %and3A_1622 : vector<16xi32>
          %jit3A = arith.constant 0.000000e+00 : f32
          %broadcast_in_dim3A_1623 = vector.broadcast %jit3A : f32 to vector<16xf32>
          %select_n3A_1624 = arith.select %eq3A, %exp3A, %broadcast_in_dim3A_1623 : vector<16xi1>, vector<16xf32>
          %swap3A_1625 = arith.index_cast %add3A_1317 : i32 to index
          %swap3A_1626 = arith.constant 0 : index
          %swap3A_1627 = tpu.vector_load %arg19[%swap3A_1625, %swap3A_1626] {strides = array<i32>} : memref<80x128xf32, #tpu.memory_space<vmem>>, vector<1x16xf32>,
          %swap3A_1628 = vector.shape_cast %swap3A_1627 : vector<1x16xf32> to vector<16xf32>
          %swap3A_1629 = vector.shape_cast %select_n3A_1624 : vector<16xf32> to vector<1x16xf32>
          tpu.vector_store %arg19[%swap3A_1625, %swap3A_1626], %swap3A_1629 {strides = array<i32>} : memref<80x128xf32, #tpu.memory_space<vmem>>, vector<1x16xf32>,
          %jit3A_1630 = arith.constant 0.000000e+00 : f32
          %broadcast_in_dim3A_1631 = vector.broadcast %jit3A_1630 : f32 to vector<16xf32>
          %select_n3A_1632 = arith.select %eq3A, %exp3A_1560, %broadcast_in_dim3A_1631 : vector<16xi1>, vector<16xf32>
          %swap3A_1633 = arith.index_cast %add3A_1317 : i32 to index
          %swap3A_1634 = arith.constant 16 : index
          %swap3A_1635 = tpu.vector_load %arg19[%swap3A_1633, %swap3A_1634] {strides = array<i32>} : memref<80x128xf32, #tpu.memory_space<vmem>>, vector<1x16xf32>,
          %swap3A_1636 = vector.shape_cast %swap3A_1635 : vector<1x16xf32> to vector<16xf32>
          %swap3A_1637 = vector.shape_cast %select_n3A_1632 : vector<16xf32> to vector<1x16xf32>
          tpu.vector_store %arg19[%swap3A_1633, %swap3A_1634], %swap3A_1637 {strides = array<i32>} : memref<80x128xf32, #tpu.memory_space<vmem>>, vector<1x16xf32>,
        }
        %scan3A_1313 = arith.constant 16 : i32
      }
      %scan3A_318 = arith.constant 5 : i32
      %dma_start3A_319 = arith.constant 0 : i32
      %dma_start3A_320 = arith.constant 0 : i32
      %dma_start3A_321 = tpu.memref_slice %arg15[%dma_start3A_319, %dma_start3A_320] : memref<2x80xi32, #tpu.memory_space<vmem>> -> memref<1x80xi32, #tpu.memory_space<vmem>>
      %dma_start3A_322 = tpu.memref_squeeze %dma_start3A_321 : memref<1x80xi32, #tpu.memory_space<vmem>> -> memref<80xi32, #tpu.memory_space<vmem>>
      %dma_start3A_323 = arith.constant 0 : i32
      %dma_start3A_324 = arith.constant 0 : i32
      %dma_start3A_325 = tpu.memref_slice %arg21[%dma_start3A_323, %dma_start3A_324] : memref<10240x128xf32, #tpu.memory_space<vmem_shared>> -> memref<10240x128xf32, #tpu.memory_space<vmem_shared>>
      tpu.enqueue_indirect_dma source(%arg16 : memref<80x128xf32, #tpu.memory_space<vmem>>) target(%dma_start3A_325 : memref<10240x128xf32, #tpu.memory_space<vmem_shared>>) offsets(%dma_start3A_322 : memref<80xi32, #tpu.memory_space<vmem>>) semaphore(%arg26 : memref<!tpu.dma_semaphore, #tpu.memory_space<semaphore_mem>>) {add = true}
      %dma_start3A_326 = arith.constant 0 : i32
      %dma_start3A_327 = arith.constant 0 : i32
      %dma_start3A_328 = tpu.memref_slice %arg14[%dma_start3A_326, %dma_start3A_327] : memref<2x80xi32, #tpu.memory_space<vmem>> -> memref<1x80xi32, #tpu.memory_space<vmem>>
      %dma_start3A_329 = tpu.memref_squeeze %dma_start3A_328 : memref<1x80xi32, #tpu.memory_space<vmem>> -> memref<80xi32, #tpu.memory_space<vmem>>
      %dma_start3A_330 = arith.constant 0 : i32
      %dma_start3A_331 = arith.constant 0 : i32
      %dma_start3A_332 = tpu.memref_slice %arg22[%dma_start3A_330, %dma_start3A_331] : memref<640x128xf32, #tpu.memory_space<vmem_shared>> -> memref<640x128xf32, #tpu.memory_space<vmem_shared>>
      tpu.enqueue_indirect_dma source(%arg19 : memref<80x128xf32, #tpu.memory_space<vmem>>) target(%dma_start3A_332 : memref<640x128xf32, #tpu.memory_space<vmem_shared>>) offsets(%dma_start3A_329 : memref<80xi32, #tpu.memory_space<vmem>>) semaphore(%arg27 : memref<!tpu.dma_semaphore, #tpu.memory_space<semaphore_mem>>) {add = true}
      %add3A_333 = arith.constant 80 : i32
      %add3A_334 = arith.addi %add3A_105, %add3A_333 : i32
      %get3A_335 = arith.constant 80 : index
      %get3A_336 = tpu.vector_load %arg10[%get3A_335] {strides = array<i32>} : memref<400xi32, #tpu.memory_space<vmem>>, vector<16xi32>,
      %get3A_337 = vector.shape_cast %get3A_336 : vector<16xi32> to vector<16xi32>
      %add3A_338 = vector.broadcast %mul3A_78 : i32 to vector<16xi32>
      %add3A_339 = arith.addi %get3A_337, %add3A_338 : vector<16xi32>
      %swap3A_340 = arith.constant 0 : index
      %swap3A_341 = tpu.vector_load %arg12[%swap3A_340] {strides = array<i32>} : memref<80xi32, #tpu.memory_space<vmem>>, vector<16xi32>,
      %swap3A_342 = vector.shape_cast %swap3A_341 : vector<16xi32> to vector<16xi32>
      %swap3A_343 = vector.shape_cast %add3A_339 : vector<16xi32> to vector<16xi32>
      tpu.vector_store %arg12[%swap3A_340], %swap3A_343 {strides = array<i32>} : memref<80xi32, #tpu.memory_space<vmem>>, vector<16xi32>,
      %get3A_344 = arith.constant 80 : index
      %get3A_345 = tpu.vector_load %arg11[%get3A_344] {strides = array<i32>} : memref<400xi32, #tpu.memory_space<vmem>>, vector<16xi32>,
      %get3A_346 = vector.shape_cast %get3A_345 : vector<16xi32> to vector<16xi32>
      %swap3A_347 = arith.constant 1 : i32
      %swap3A_348 = arith.constant 0 : i32
      %swap3A_349 = tpu.memref_slice %arg15[%swap3A_347, %swap3A_348] : memref<2x80xi32, #tpu.memory_space<vmem>> -> memref<1x80xi32, #tpu.memory_space<vmem>>
      %swap3A_350 = tpu.memref_squeeze %swap3A_349 : memref<1x80xi32, #tpu.memory_space<vmem>> -> memref<80xi32, #tpu.memory_space<vmem>>
      %swap3A_351 = arith.constant 0 : index
      %swap3A_352 = tpu.vector_load %swap3A_350[%swap3A_351] {strides = array<i32>} : memref<80xi32, #tpu.memory_space<vmem>>, vector<16xi32>,
      %swap3A_353 = vector.shape_cast %swap3A_352 : vector<16xi32> to vector<16xi32>
      %swap3A_354 = vector.shape_cast %get3A_346 : vector<16xi32> to vector<16xi32>
      tpu.vector_store %swap3A_350[%swap3A_351], %swap3A_354 {strides = array<i32>} : memref<80xi32, #tpu.memory_space<vmem>>, vector<16xi32>,
      %add3A_355 = vector.broadcast %mul3A_78 : i32 to vector<16xi32>
      %add3A_356 = arith.addi %get3A_346, %add3A_355 : vector<16xi32>
      %swap3A_357 = arith.constant 0 : index
      %swap3A_358 = tpu.vector_load %arg13[%swap3A_357] {strides = array<i32>} : memref<80xi32, #tpu.memory_space<vmem>>, vector<16xi32>,
      %swap3A_359 = vector.shape_cast %swap3A_358 : vector<16xi32> to vector<16xi32>
      %swap3A_360 = vector.shape_cast %add3A_356 : vector<16xi32> to vector<16xi32>
      tpu.vector_store %arg13[%swap3A_357], %swap3A_360 {strides = array<i32>} : memref<80xi32, #tpu.memory_space<vmem>>, vector<16xi32>,
      %shift_right_logical3A_361 = arith.constant 4 : i32
      %shift_right_logical3A_362 = vector.broadcast %shift_right_logical3A_361 : i32 to vector<16xi32>
      %shift_right_logical3A_363 = arith.shrui %get3A_346, %shift_right_logical3A_362 : vector<16xi32>
      %swap3A_364 = arith.constant 1 : i32
      %swap3A_365 = arith.constant 0 : i32
      %swap3A_366 = tpu.memref_slice %arg14[%swap3A_364, %swap3A_365] : memref<2x80xi32, #tpu.memory_space<vmem>> -> memref<1x80xi32, #tpu.memory_space<vmem>>
      %swap3A_367 = tpu.memref_squeeze %swap3A_366 : memref<1x80xi32, #tpu.memory_space<vmem>> -> memref<80xi32, #tpu.memory_space<vmem>>
      %swap3A_368 = arith.constant 0 : index
      %swap3A_369 = tpu.vector_load %swap3A_367[%swap3A_368] {strides = array<i32>} : memref<80xi32, #tpu.memory_space<vmem>>, vector<16xi32>,
      %swap3A_370 = vector.shape_cast %swap3A_369 : vector<16xi32> to vector<16xi32>
      %swap3A_371 = vector.shape_cast %shift_right_logical3A_363 : vector<16xi32> to vector<16xi32>
      tpu.vector_store %swap3A_367[%swap3A_368], %swap3A_371 {strides = array<i32>} : memref<80xi32, #tpu.memory_space<vmem>>, vector<16xi32>,
      %get3A_372 = arith.constant 96 : index
      %get3A_373 = tpu.vector_load %arg10[%get3A_372] {strides = array<i32>} : memref<400xi32, #tpu.memory_space<vmem>>, vector<16xi32>,
      %get3A_374 = vector.shape_cast %get3A_373 : vector<16xi32> to vector<16xi32>
      %add3A_375 = vector.broadcast %mul3A_78 : i32 to vector<16xi32>
      %add3A_376 = arith.addi %get3A_374, %add3A_375 : vector<16xi32>
      %swap3A_377 = arith.constant 16 : index
      %swap3A_378 = tpu.vector_load %arg12[%swap3A_377] {strides = array<i32>} : memref<80xi32, #tpu.memory_space<vmem>>, vector<16xi32>,
      %swap3A_379 = vector.shape_cast %swap3A_378 : vector<16xi32> to vector<16xi32>
      %swap3A_380 = vector.shape_cast %add3A_376 : vector<16xi32> to vector<16xi32>
      tpu.vector_store %arg12[%swap3A_377], %swap3A_380 {strides = array<i32>} : memref<80xi32, #tpu.memory_space<vmem>>, vector<16xi32>,
      %get3A_381 = arith.constant 96 : index
      %get3A_382 = tpu.vector_load %arg11[%get3A_381] {strides = array<i32>} : memref<400xi32, #tpu.memory_space<vmem>>, vector<16xi32>,
      %get3A_383 = vector.shape_cast %get3A_382 : vector<16xi32> to vector<16xi32>
      %swap3A_384 = arith.constant 1 : i32
      %swap3A_385 = arith.constant 0 : i32
      %swap3A_386 = tpu.memref_slice %arg15[%swap3A_384, %swap3A_385] : memref<2x80xi32, #tpu.memory_space<vmem>> -> memref<1x80xi32, #tpu.memory_space<vmem>>
      %swap3A_387 = tpu.memref_squeeze %swap3A_386 : memref<1x80xi32, #tpu.memory_space<vmem>> -> memref<80xi32, #tpu.memory_space<vmem>>
      %swap3A_388 = arith.constant 16 : index
      %swap3A_389 = tpu.vector_load %swap3A_387[%swap3A_388] {strides = array<i32>} : memref<80xi32, #tpu.memory_space<vmem>>, vector<16xi32>,
      %swap3A_390 = vector.shape_cast %swap3A_389 : vector<16xi32> to vector<16xi32>
      %swap3A_391 = vector.shape_cast %get3A_383 : vector<16xi32> to vector<16xi32>
      tpu.vector_store %swap3A_387[%swap3A_388], %swap3A_391 {strides = array<i32>} : memref<80xi32, #tpu.memory_space<vmem>>, vector<16xi32>,
      %add3A_392 = vector.broadcast %mul3A_78 : i32 to vector<16xi32>
      %add3A_393 = arith.addi %get3A_383, %add3A_392 : vector<16xi32>
      %swap3A_394 = arith.constant 16 : index
      %swap3A_395 = tpu.vector_load %arg13[%swap3A_394] {strides = array<i32>} : memref<80xi32, #tpu.memory_space<vmem>>, vector<16xi32>,
      %swap3A_396 = vector.shape_cast %swap3A_395 : vector<16xi32> to vector<16xi32>
      %swap3A_397 = vector.shape_cast %add3A_393 : vector<16xi32> to vector<16xi32>
      tpu.vector_store %arg13[%swap3A_394], %swap3A_397 {strides = array<i32>} : memref<80xi32, #tpu.memory_space<vmem>>, vector<16xi32>,
      %shift_right_logical3A_398 = arith.constant 4 : i32
      %shift_right_logical3A_399 = vector.broadcast %shift_right_logical3A_398 : i32 to vector<16xi32>
      %shift_right_logical3A_400 = arith.shrui %get3A_383, %shift_right_logical3A_399 : vector<16xi32>
      %swap3A_401 = arith.constant 1 : i32
      %swap3A_402 = arith.constant 0 : i32
      %swap3A_403 = tpu.memref_slice %arg14[%swap3A_401, %swap3A_402] : memref<2x80xi32, #tpu.memory_space<vmem>> -> memref<1x80xi32, #tpu.memory_space<vmem>>
      %swap3A_404 = tpu.memref_squeeze %swap3A_403 : memref<1x80xi32, #tpu.memory_space<vmem>> -> memref<80xi32, #tpu.memory_space<vmem>>
      %swap3A_405 = arith.constant 16 : index
      %swap3A_406 = tpu.vector_load %swap3A_404[%swap3A_405] {strides = array<i32>} : memref<80xi32, #tpu.memory_space<vmem>>, vector<16xi32>,
      %swap3A_407 = vector.shape_cast %swap3A_406 : vector<16xi32> to vector<16xi32>
      %swap3A_408 = vector.shape_cast %shift_right_logical3A_400 : vector<16xi32> to vector<16xi32>
      tpu.vector_store %swap3A_404[%swap3A_405], %swap3A_408 {strides = array<i32>} : memref<80xi32, #tpu.memory_space<vmem>>, vector<16xi32>,
      %get3A_409 = arith.constant 112 : index
      %get3A_410 = tpu.vector_load %arg10[%get3A_409] {strides = array<i32>} : memref<400xi32, #tpu.memory_space<vmem>>, vector<16xi32>,
      %get3A_411 = vector.shape_cast %get3A_410 : vector<16xi32> to vector<16xi32>
      %add3A_412 = vector.broadcast %mul3A_78 : i32 to vector<16xi32>
      %add3A_413 = arith.addi %get3A_411, %add3A_412 : vector<16xi32>
      %swap3A_414 = arith.constant 32 : index
      %swap3A_415 = tpu.vector_load %arg12[%swap3A_414] {strides = array<i32>} : memref<80xi32, #tpu.memory_space<vmem>>, vector<16xi32>,
      %swap3A_416 = vector.shape_cast %swap3A_415 : vector<16xi32> to vector<16xi32>
      %swap3A_417 = vector.shape_cast %add3A_413 : vector<16xi32> to vector<16xi32>
      tpu.vector_store %arg12[%swap3A_414], %swap3A_417 {strides = array<i32>} : memref<80xi32, #tpu.memory_space<vmem>>, vector<16xi32>,
      %get3A_418 = arith.constant 112 : index
      %get3A_419 = tpu.vector_load %arg11[%get3A_418] {strides = array<i32>} : memref<400xi32, #tpu.memory_space<vmem>>, vector<16xi32>,
      %get3A_420 = vector.shape_cast %get3A_419 : vector<16xi32> to vector<16xi32>
      %swap3A_421 = arith.constant 1 : i32
      %swap3A_422 = arith.constant 0 : i32
      %swap3A_423 = tpu.memref_slice %arg15[%swap3A_421, %swap3A_422] : memref<2x80xi32, #tpu.memory_space<vmem>> -> memref<1x80xi32, #tpu.memory_space<vmem>>
      %swap3A_424 = tpu.memref_squeeze %swap3A_423 : memref<1x80xi32, #tpu.memory_space<vmem>> -> memref<80xi32, #tpu.memory_space<vmem>>
      %swap3A_425 = arith.constant 32 : index
      %swap3A_426 = tpu.vector_load %swap3A_424[%swap3A_425] {strides = array<i32>} : memref<80xi32, #tpu.memory_space<vmem>>, vector<16xi32>,
      %swap3A_427 = vector.shape_cast %swap3A_426 : vector<16xi32> to vector<16xi32>
      %swap3A_428 = vector.shape_cast %get3A_420 : vector<16xi32> to vector<16xi32>
      tpu.vector_store %swap3A_424[%swap3A_425], %swap3A_428 {strides = array<i32>} : memref<80xi32, #tpu.memory_space<vmem>>, vector<16xi32>,
      %add3A_429 = vector.broadcast %mul3A_78 : i32 to vector<16xi32>
      %add3A_430 = arith.addi %get3A_420, %add3A_429 : vector<16xi32>
      %swap3A_431 = arith.constant 32 : index
      %swap3A_432 = tpu.vector_load %arg13[%swap3A_431] {strides = array<i32>} : memref<80xi32, #tpu.memory_space<vmem>>, vector<16xi32>,
      %swap3A_433 = vector.shape_cast %swap3A_432 : vector<16xi32> to vector<16xi32>
      %swap3A_434 = vector.shape_cast %add3A_430 : vector<16xi32> to vector<16xi32>
      tpu.vector_store %arg13[%swap3A_431], %swap3A_434 {strides = array<i32>} : memref<80xi32, #tpu.memory_space<vmem>>, vector<16xi32>,
      %shift_right_logical3A_435 = arith.constant 4 : i32
      %shift_right_logical3A_436 = vector.broadcast %shift_right_logical3A_435 : i32 to vector<16xi32>
      %shift_right_logical3A_437 = arith.shrui %get3A_420, %shift_right_logical3A_436 : vector<16xi32>
      %swap3A_438 = arith.constant 1 : i32
      %swap3A_439 = arith.constant 0 : i32
      %swap3A_440 = tpu.memref_slice %arg14[%swap3A_438, %swap3A_439] : memref<2x80xi32, #tpu.memory_space<vmem>> -> memref<1x80xi32, #tpu.memory_space<vmem>>
      %swap3A_441 = tpu.memref_squeeze %swap3A_440 : memref<1x80xi32, #tpu.memory_space<vmem>> -> memref<80xi32, #tpu.memory_space<vmem>>
      %swap3A_442 = arith.constant 32 : index
      %swap3A_443 = tpu.vector_load %swap3A_441[%swap3A_442] {strides = array<i32>} : memref<80xi32, #tpu.memory_space<vmem>>, vector<16xi32>,
      %swap3A_444 = vector.shape_cast %swap3A_443 : vector<16xi32> to vector<16xi32>
      %swap3A_445 = vector.shape_cast %shift_right_logical3A_437 : vector<16xi32> to vector<16xi32>
      tpu.vector_store %swap3A_441[%swap3A_442], %swap3A_445 {strides = array<i32>} : memref<80xi32, #tpu.memory_space<vmem>>, vector<16xi32>,
      %get3A_446 = arith.constant 128 : index
      %get3A_447 = tpu.vector_load %arg10[%get3A_446] {strides = array<i32>} : memref<400xi32, #tpu.memory_space<vmem>>, vector<16xi32>,
      %get3A_448 = vector.shape_cast %get3A_447 : vector<16xi32> to vector<16xi32>
      %add3A_449 = vector.broadcast %mul3A_78 : i32 to vector<16xi32>
      %add3A_450 = arith.addi %get3A_448, %add3A_449 : vector<16xi32>
      %swap3A_451 = arith.constant 48 : index
      %swap3A_452 = tpu.vector_load %arg12[%swap3A_451] {strides = array<i32>} : memref<80xi32, #tpu.memory_space<vmem>>, vector<16xi32>,
      %swap3A_453 = vector.shape_cast %swap3A_452 : vector<16xi32> to vector<16xi32>
      %swap3A_454 = vector.shape_cast %add3A_450 : vector<16xi32> to vector<16xi32>
      tpu.vector_store %arg12[%swap3A_451], %swap3A_454 {strides = array<i32>} : memref<80xi32, #tpu.memory_space<vmem>>, vector<16xi32>,
      %get3A_455 = arith.constant 128 : index
      %get3A_456 = tpu.vector_load %arg11[%get3A_455] {strides = array<i32>} : memref<400xi32, #tpu.memory_space<vmem>>, vector<16xi32>,
      %get3A_457 = vector.shape_cast %get3A_456 : vector<16xi32> to vector<16xi32>
      %swap3A_458 = arith.constant 1 : i32
      %swap3A_459 = arith.constant 0 : i32
      %swap3A_460 = tpu.memref_slice %arg15[%swap3A_458, %swap3A_459] : memref<2x80xi32, #tpu.memory_space<vmem>> -> memref<1x80xi32, #tpu.memory_space<vmem>>
      %swap3A_461 = tpu.memref_squeeze %swap3A_460 : memref<1x80xi32, #tpu.memory_space<vmem>> -> memref<80xi32, #tpu.memory_space<vmem>>
      %swap3A_462 = arith.constant 48 : index
      %swap3A_463 = tpu.vector_load %swap3A_461[%swap3A_462] {strides = array<i32>} : memref<80xi32, #tpu.memory_space<vmem>>, vector<16xi32>,
      %swap3A_464 = vector.shape_cast %swap3A_463 : vector<16xi32> to vector<16xi32>
      %swap3A_465 = vector.shape_cast %get3A_457 : vector<16xi32> to vector<16xi32>
      tpu.vector_store %swap3A_461[%swap3A_462], %swap3A_465 {strides = array<i32>} : memref<80xi32, #tpu.memory_space<vmem>>, vector<16xi32>,
      %add3A_466 = vector.broadcast %mul3A_78 : i32 to vector<16xi32>
      %add3A_467 = arith.addi %get3A_457, %add3A_466 : vector<16xi32>
      %swap3A_468 = arith.constant 48 : index
      %swap3A_469 = tpu.vector_load %arg13[%swap3A_468] {strides = array<i32>} : memref<80xi32, #tpu.memory_space<vmem>>, vector<16xi32>,
      %swap3A_470 = vector.shape_cast %swap3A_469 : vector<16xi32> to vector<16xi32>
      %swap3A_471 = vector.shape_cast %add3A_467 : vector<16xi32> to vector<16xi32>
      tpu.vector_store %arg13[%swap3A_468], %swap3A_471 {strides = array<i32>} : memref<80xi32, #tpu.memory_space<vmem>>, vector<16xi32>,
      %shift_right_logical3A_472 = arith.constant 4 : i32
      %shift_right_logical3A_473 = vector.broadcast %shift_right_logical3A_472 : i32 to vector<16xi32>
      %shift_right_logical3A_474 = arith.shrui %get3A_457, %shift_right_logical3A_473 : vector<16xi32>
      %swap3A_475 = arith.constant 1 : i32
      %swap3A_476 = arith.constant 0 : i32
      %swap3A_477 = tpu.memref_slice %arg14[%swap3A_475, %swap3A_476] : memref<2x80xi32, #tpu.memory_space<vmem>> -> memref<1x80xi32, #tpu.memory_space<vmem>>
      %swap3A_478 = tpu.memref_squeeze %swap3A_477 : memref<1x80xi32, #tpu.memory_space<vmem>> -> memref<80xi32, #tpu.memory_space<vmem>>
      %swap3A_479 = arith.constant 48 : index
      %swap3A_480 = tpu.vector_load %swap3A_478[%swap3A_479] {strides = array<i32>} : memref<80xi32, #tpu.memory_space<vmem>>, vector<16xi32>,
      %swap3A_481 = vector.shape_cast %swap3A_480 : vector<16xi32> to vector<16xi32>
      %swap3A_482 = vector.shape_cast %shift_right_logical3A_474 : vector<16xi32> to vector<16xi32>
      tpu.vector_store %swap3A_478[%swap3A_479], %swap3A_482 {strides = array<i32>} : memref<80xi32, #tpu.memory_space<vmem>>, vector<16xi32>,
      %get3A_483 = arith.constant 144 : index
      %get3A_484 = tpu.vector_load %arg10[%get3A_483] {strides = array<i32>} : memref<400xi32, #tpu.memory_space<vmem>>, vector<16xi32>,
      %get3A_485 = vector.shape_cast %get3A_484 : vector<16xi32> to vector<16xi32>
      %add3A_486 = vector.broadcast %mul3A_78 : i32 to vector<16xi32>
      %add3A_487 = arith.addi %get3A_485, %add3A_486 : vector<16xi32>
      %swap3A_488 = arith.constant 64 : index
      %swap3A_489 = tpu.vector_load %arg12[%swap3A_488] {strides = array<i32>} : memref<80xi32, #tpu.memory_space<vmem>>, vector<16xi32>,
      %swap3A_490 = vector.shape_cast %swap3A_489 : vector<16xi32> to vector<16xi32>
      %swap3A_491 = vector.shape_cast %add3A_487 : vector<16xi32> to vector<16xi32>
      tpu.vector_store %arg12[%swap3A_488], %swap3A_491 {strides = array<i32>} : memref<80xi32, #tpu.memory_space<vmem>>, vector<16xi32>,
      %get3A_492 = arith.constant 144 : index
      %get3A_493 = tpu.vector_load %arg11[%get3A_492] {strides = array<i32>} : memref<400xi32, #tpu.memory_space<vmem>>, vector<16xi32>,
      %get3A_494 = vector.shape_cast %get3A_493 : vector<16xi32> to vector<16xi32>
      %swap3A_495 = arith.constant 1 : i32
      %swap3A_496 = arith.constant 0 : i32
      %swap3A_497 = tpu.memref_slice %arg15[%swap3A_495, %swap3A_496] : memref<2x80xi32, #tpu.memory_space<vmem>> -> memref<1x80xi32, #tpu.memory_space<vmem>>
      %swap3A_498 = tpu.memref_squeeze %swap3A_497 : memref<1x80xi32, #tpu.memory_space<vmem>> -> memref<80xi32, #tpu.memory_space<vmem>>
      %swap3A_499 = arith.constant 64 : index
      %swap3A_500 = tpu.vector_load %swap3A_498[%swap3A_499] {strides = array<i32>} : memref<80xi32, #tpu.memory_space<vmem>>, vector<16xi32>,
      %swap3A_501 = vector.shape_cast %swap3A_500 : vector<16xi32> to vector<16xi32>
      %swap3A_502 = vector.shape_cast %get3A_494 : vector<16xi32> to vector<16xi32>
      tpu.vector_store %swap3A_498[%swap3A_499], %swap3A_502 {strides = array<i32>} : memref<80xi32, #tpu.memory_space<vmem>>, vector<16xi32>,
      %add3A_503 = vector.broadcast %mul3A_78 : i32 to vector<16xi32>
      %add3A_504 = arith.addi %get3A_494, %add3A_503 : vector<16xi32>
      %swap3A_505 = arith.constant 64 : index
      %swap3A_506 = tpu.vector_load %arg13[%swap3A_505] {strides = array<i32>} : memref<80xi32, #tpu.memory_space<vmem>>, vector<16xi32>,
      %swap3A_507 = vector.shape_cast %swap3A_506 : vector<16xi32> to vector<16xi32>
      %swap3A_508 = vector.shape_cast %add3A_504 : vector<16xi32> to vector<16xi32>
      tpu.vector_store %arg13[%swap3A_505], %swap3A_508 {strides = array<i32>} : memref<80xi32, #tpu.memory_space<vmem>>, vector<16xi32>,
      %shift_right_logical3A_509 = arith.constant 4 : i32
      %shift_right_logical3A_510 = vector.broadcast %shift_right_logical3A_509 : i32 to vector<16xi32>
      %shift_right_logical3A_511 = arith.shrui %get3A_494, %shift_right_logical3A_510 : vector<16xi32>
      %swap3A_512 = arith.constant 1 : i32
      %swap3A_513 = arith.constant 0 : i32
      %swap3A_514 = tpu.memref_slice %arg14[%swap3A_512, %swap3A_513] : memref<2x80xi32, #tpu.memory_space<vmem>> -> memref<1x80xi32, #tpu.memory_space<vmem>>
      %swap3A_515 = tpu.memref_squeeze %swap3A_514 : memref<1x80xi32, #tpu.memory_space<vmem>> -> memref<80xi32, #tpu.memory_space<vmem>>
      %swap3A_516 = arith.constant 64 : index
      %swap3A_517 = tpu.vector_load %swap3A_515[%swap3A_516] {strides = array<i32>} : memref<80xi32, #tpu.memory_space<vmem>>, vector<16xi32>,
      %swap3A_518 = vector.shape_cast %swap3A_517 : vector<16xi32> to vector<16xi32>
      %swap3A_519 = vector.shape_cast %shift_right_logical3A_511 : vector<16xi32> to vector<16xi32>
      tpu.vector_store %swap3A_515[%swap3A_516], %swap3A_519 {strides = array<i32>} : memref<80xi32, #tpu.memory_space<vmem>>, vector<16xi32>,
      %dma_start3A_520 = arith.constant 0 : i32
      %dma_start3A_521 = arith.constant 0 : i32
      %dma_start3A_522 = tpu.memref_slice %arg6[%dma_start3A_520, %dma_start3A_521] : memref<20000x128xf32, #tpu.memory_space<hbm>> -> memref<20000x128xf32, #tpu.memory_space<hbm>>
      tpu.enqueue_indirect_dma source(%dma_start3A_522 : memref<20000x128xf32, #tpu.memory_space<hbm>>) target(%arg17 : memref<80x128xf32, #tpu.memory_space<vmem>>) offsets(%arg13 : memref<80xi32, #tpu.memory_space<vmem>>) semaphore(%arg24 : memref<!tpu.dma_semaphore, #tpu.memory_space<semaphore_mem>>)
      %mul3A_523 = arith.constant 160000 : i32
      %mul3A_524 = arith.muli %arg0, %mul3A_523 : i32
      %add3A_525 = arith.addi %mul3A_524, %add3A_334 : i32
      %dma_start3A_526 = arith.constant 0 : i32
      %dma_start3A_527 = tpu.memref_slice %arg4[%add3A_525, %dma_start3A_526] : memref<320000x128xf32, #tpu.memory_space<hbm>> -> memref<80x128xf32, #tpu.memory_space<hbm>>
      %dma_start3A_528 = arith.constant 0 : i32
      %dma_start3A_529 = tpu.memref_slice %arg4[%add3A_525, %dma_start3A_528] : memref<320000x128xf32, #tpu.memory_space<hbm>> -> memref<80x128xf32, #tpu.memory_space<hbm>>
      tpu.enqueue_dma source(%dma_start3A_529 : memref<80x128xf32, #tpu.memory_space<hbm>>) target(%arg18 : memref<80x128xf32, #tpu.memory_space<vmem>>) target_semaphore(%arg25 : memref<!tpu.dma_semaphore, #tpu.memory_space<semaphore_mem>>)
      %dma_wait3A_530 = arith.constant 0 : i32
      %dma_wait3A_531 = arith.constant 0 : i32
      %dma_wait3A_532 = tpu.memref_slice %arg15[%dma_wait3A_530, %dma_wait3A_531] : memref<2x80xi32, #tpu.memory_space<vmem>> -> memref<1x80xi32, #tpu.memory_space<vmem>>
      %dma_wait3A_533 = tpu.memref_squeeze %dma_wait3A_532 : memref<1x80xi32, #tpu.memory_space<vmem>> -> memref<80xi32, #tpu.memory_space<vmem>>
      %dma_wait3A_534 = arith.constant 0 : i32
      %dma_wait3A_535 = arith.constant 0 : i32
      %dma_wait3A_536 = tpu.memref_slice %arg21[%dma_wait3A_534, %dma_wait3A_535] : memref<10240x128xf32, #tpu.memory_space<vmem_shared>> -> memref<10240x128xf32, #tpu.memory_space<vmem_shared>>
      tpu.wait_indirect_dma semaphore(%arg26 : memref<!tpu.dma_semaphore, #tpu.memory_space<semaphore_mem>>) src(%arg16 : memref<80x128xf32, #tpu.memory_space<vmem>>) dst(%dma_wait3A_536 : memref<10240x128xf32, #tpu.memory_space<vmem_shared>>)
      %dma_wait3A_537 = arith.constant 0 : i32
      %dma_wait3A_538 = arith.constant 0 : i32
      %dma_wait3A_539 = tpu.memref_slice %arg14[%dma_wait3A_537, %dma_wait3A_538] : memref<2x80xi32, #tpu.memory_space<vmem>> -> memref<1x80xi32, #tpu.memory_space<vmem>>
      %dma_wait3A_540 = tpu.memref_squeeze %dma_wait3A_539 : memref<1x80xi32, #tpu.memory_space<vmem>> -> memref<80xi32, #tpu.memory_space<vmem>>
      %dma_wait3A_541 = arith.constant 0 : i32
      %dma_wait3A_542 = arith.constant 0 : i32
      %dma_wait3A_543 = tpu.memref_slice %arg22[%dma_wait3A_541, %dma_wait3A_542] : memref<640x128xf32, #tpu.memory_space<vmem_shared>> -> memref<640x128xf32, #tpu.memory_space<vmem_shared>>
      tpu.wait_indirect_dma semaphore(%arg27 : memref<!tpu.dma_semaphore, #tpu.memory_space<semaphore_mem>>) src(%arg19 : memref<80x128xf32, #tpu.memory_space<vmem>>) dst(%dma_wait3A_543 : memref<640x128xf32, #tpu.memory_space<vmem_shared>>)
      %dma_start3A_544 = arith.constant 0 : i32
      %dma_start3A_545 = arith.constant 0 : i32
      %dma_start3A_546 = tpu.memref_slice %arg5[%dma_start3A_544, %dma_start3A_545] : memref<20000x128xf32, #tpu.memory_space<hbm>> -> memref<20000x128xf32, #tpu.memory_space<hbm>>
      tpu.enqueue_indirect_dma source(%dma_start3A_546 : memref<20000x128xf32, #tpu.memory_space<hbm>>) target(%arg16 : memref<80x128xf32, #tpu.memory_space<vmem>>) offsets(%arg12 : memref<80xi32, #tpu.memory_space<vmem>>) semaphore(%arg23 : memref<!tpu.dma_semaphore, #tpu.memory_space<semaphore_mem>>)
      %dma_wait3A_547 = arith.constant 0 : i32
      %dma_wait3A_548 = tpu.memref_slice %arg4[%add3A_525, %dma_wait3A_547] : memref<320000x128xf32, #tpu.memory_space<hbm>> -> memref<80x128xf32, #tpu.memory_space<hbm>>
      %dma_wait3A_549 = arith.constant 0 : i32
      %dma_wait3A_550 = tpu.memref_slice %arg4[%add3A_525, %dma_wait3A_549] : memref<320000x128xf32, #tpu.memory_space<hbm>> -> memref<80x128xf32, #tpu.memory_space<hbm>>
      tpu.wait_dma2 semaphore(%arg25 : memref<!tpu.dma_semaphore, #tpu.memory_space<semaphore_mem>>) src(%dma_wait3A_550 : memref<80x128xf32, #tpu.memory_space<hbm>>) dst(%arg18 : memref<80x128xf32, #tpu.memory_space<vmem>>)
      %dma_wait3A_551 = arith.constant 0 : i32
      %dma_wait3A_552 = arith.constant 0 : i32
      %dma_wait3A_553 = tpu.memref_slice %arg5[%dma_wait3A_551, %dma_wait3A_552] : memref<20000x128xf32, #tpu.memory_space<hbm>> -> memref<20000x128xf32, #tpu.memory_space<hbm>>
      tpu.wait_indirect_dma semaphore(%arg23 : memref<!tpu.dma_semaphore, #tpu.memory_space<semaphore_mem>>) src(%dma_wait3A_553 : memref<20000x128xf32, #tpu.memory_space<hbm>>) dst(%arg16 : memref<80x128xf32, #tpu.memory_space<vmem>>)
      %dma_wait3A_554 = arith.constant 0 : i32
      %dma_wait3A_555 = arith.constant 0 : i32
      %dma_wait3A_556 = tpu.memref_slice %arg6[%dma_wait3A_554, %dma_wait3A_555] : memref<20000x128xf32, #tpu.memory_space<hbm>> -> memref<20000x128xf32, #tpu.memory_space<hbm>>
      tpu.wait_indirect_dma semaphore(%arg24 : memref<!tpu.dma_semaphore, #tpu.memory_space<semaphore_mem>>) src(%dma_wait3A_556 : memref<20000x128xf32, #tpu.memory_space<hbm>>) dst(%arg17 : memref<80x128xf32, #tpu.memory_space<vmem>>)
      %scan3A_557 = arith.constant 0 : i32
      %scan3A_558 = arith.constant 1 : i32
      %scan3A_559 = arith.constant 0 : i32
      %scan3A_560 = arith.constant 5 : i32
      %scan3A_561 = arith.addi %scan3A_559, %scan3A_560 : i32
      %scan3A_562 = arith.constant 1 : i32
      scf.for %scan3A_1300 = %scan3A_559 to %scan3A_561 step %scan3A_562  : i32 {
        %mul3A_1301 = arith.constant 16 : i32
        %mul3A_1302 = arith.muli %scan3A_1300, %mul3A_1301 : i32
        %get3A_1303 = arith.constant 0 : i32
        %get3A_1304 = tpu.memref_slice %arg15[%scan3A_558, %get3A_1303] : memref<2x80xi32, #tpu.memory_space<vmem>> -> memref<1x80xi32, #tpu.memory_space<vmem>>
        %get3A_1305 = tpu.memref_squeeze %get3A_1304 : memref<1x80xi32, #tpu.memory_space<vmem>> -> memref<80xi32, #tpu.memory_space<vmem>>
        %get3A_1306 = arith.index_cast %mul3A_1302 : i32 to index
        %get3A_1307 = tpu.vector_load %get3A_1305[%get3A_1306] {strides = array<i32>} : memref<80xi32, #tpu.memory_space<vmem>>, vector<16xi32>,
        %get3A_1308 = vector.shape_cast %get3A_1307 : vector<16xi32> to vector<16xi32>
        %scan3A_1309 = arith.constant 0 : i32
        %scan3A_1310 = arith.constant 16 : i32
        %scan3A_1311 = arith.addi %scan3A_1309, %scan3A_1310 : i32
        %scan3A_1312 = arith.constant 1 : i32
        scf.for %scan3A_1314 = %scan3A_1309 to %scan3A_1311 step %scan3A_1312  : i32 {
          %mul3A_1315 = arith.constant 16 : i32
          %mul3A_1316 = arith.muli %scan3A_1300, %mul3A_1315 : i32
          %add3A_1317 = arith.addi %mul3A_1316, %scan3A_1314 : i32
          %get3A_1318 = arith.index_cast %add3A_1317 : i32 to index
          %get3A_1319 = arith.constant 0 : index
          %get3A_1320 = tpu.vector_load %arg16[%get3A_1318, %get3A_1319] {strides = array<i32>} : memref<80x128xf32, #tpu.memory_space<vmem>>, vector<1x16xf32>,
          %get3A_1321 = vector.shape_cast %get3A_1320 : vector<1x16xf32> to vector<16xf32>
          %get3A_1322 = arith.index_cast %add3A_1317 : i32 to index
          %get3A_1323 = arith.constant 16 : index
          %get3A_1324 = tpu.vector_load %arg16[%get3A_1322, %get3A_1323] {strides = array<i32>} : memref<80x128xf32, #tpu.memory_space<vmem>>, vector<1x16xf32>,
          %get3A_1325 = vector.shape_cast %get3A_1324 : vector<1x16xf32> to vector<16xf32>
          %get3A_1326 = arith.index_cast %add3A_1317 : i32 to index
          %get3A_1327 = arith.constant 32 : index
          %get3A_1328 = tpu.vector_load %arg16[%get3A_1326, %get3A_1327] {strides = array<i32>} : memref<80x128xf32, #tpu.memory_space<vmem>>, vector<1x16xf32>,
          %get3A_1329 = vector.shape_cast %get3A_1328 : vector<1x16xf32> to vector<16xf32>
          %get3A_1330 = arith.index_cast %add3A_1317 : i32 to index
          %get3A_1331 = arith.constant 48 : index
          %get3A_1332 = tpu.vector_load %arg16[%get3A_1330, %get3A_1331] {strides = array<i32>} : memref<80x128xf32, #tpu.memory_space<vmem>>, vector<1x16xf32>,
          %get3A_1333 = vector.shape_cast %get3A_1332 : vector<1x16xf32> to vector<16xf32>
          %get3A_1334 = arith.index_cast %add3A_1317 : i32 to index
          %get3A_1335 = arith.constant 64 : index
          %get3A_1336 = tpu.vector_load %arg16[%get3A_1334, %get3A_1335] {strides = array<i32>} : memref<80x128xf32, #tpu.memory_space<vmem>>, vector<1x16xf32>,
          %get3A_1337 = vector.shape_cast %get3A_1336 : vector<1x16xf32> to vector<16xf32>
          %get3A_1338 = arith.index_cast %add3A_1317 : i32 to index
          %get3A_1339 = arith.constant 80 : index
          %get3A_1340 = tpu.vector_load %arg16[%get3A_1338, %get3A_1339] {strides = array<i32>} : memref<80x128xf32, #tpu.memory_space<vmem>>, vector<1x16xf32>,
          %get3A_1341 = vector.shape_cast %get3A_1340 : vector<1x16xf32> to vector<16xf32>
          %get3A_1342 = arith.index_cast %add3A_1317 : i32 to index
          %get3A_1343 = arith.constant 96 : index
          %get3A_1344 = tpu.vector_load %arg16[%get3A_1342, %get3A_1343] {strides = array<i32>} : memref<80x128xf32, #tpu.memory_space<vmem>>, vector<1x16xf32>,
          %get3A_1345 = vector.shape_cast %get3A_1344 : vector<1x16xf32> to vector<16xf32>
          %get3A_1346 = arith.index_cast %add3A_1317 : i32 to index
          %get3A_1347 = arith.constant 112 : index
          %get3A_1348 = tpu.vector_load %arg16[%get3A_1346, %get3A_1347] {strides = array<i32>} : memref<80x128xf32, #tpu.memory_space<vmem>>, vector<1x16xf32>,
          %get3A_1349 = vector.shape_cast %get3A_1348 : vector<1x16xf32> to vector<16xf32>
          %get3A_1350 = arith.index_cast %add3A_1317 : i32 to index
          %get3A_1351 = arith.constant 0 : index
          %get3A_1352 = tpu.vector_load %arg17[%get3A_1350, %get3A_1351] {strides = array<i32>} : memref<80x128xf32, #tpu.memory_space<vmem>>, vector<1x16xf32>,
          %get3A_1353 = vector.shape_cast %get3A_1352 : vector<1x16xf32> to vector<16xf32>
          %add3A_1354 = arith.addf %get3A_1321, %get3A_1353 : vector<16xf32>
          %get3A_1355 = arith.index_cast %add3A_1317 : i32 to index
          %get3A_1356 = arith.constant 0 : index
          %get3A_1357 = tpu.vector_load %arg18[%get3A_1355, %get3A_1356] {strides = array<i32>} : memref<80x128xf32, #tpu.memory_space<vmem>>, vector<1x16xf32>,
          %get3A_1358 = vector.shape_cast %get3A_1357 : vector<1x16xf32> to vector<16xf32>
          %add3A_1359 = arith.addf %add3A_1354, %get3A_1358 : vector<16xf32>
          %mul3A_1360 = arith.constant 2.000000e-01 : f32
          %mul3A_1361 = vector.broadcast %mul3A_1360 : f32 to vector<16xf32>
          %mul3A_1362 = arith.mulf %mul3A_1361, %add3A_1359 : vector<16xf32>
          %max3A = arith.maximumf %add3A_1359, %mul3A_1362 : vector<16xf32>
          %mul3A_1363 = arith.mulf %max3A, %get3A_41 : vector<16xf32>
          %get3A_1364 = arith.index_cast %add3A_1317 : i32 to index
          %get3A_1365 = arith.constant 16 : index
          %get3A_1366 = tpu.vector_load %arg17[%get3A_1364, %get3A_1365] {strides = array<i32>} : memref<80x128xf32, #tpu.memory_space<vmem>>, vector<1x16xf32>,
          %get3A_1367 = vector.shape_cast %get3A_1366 : vector<1x16xf32> to vector<16xf32>
          %add3A_1368 = arith.addf %get3A_1325, %get3A_1367 : vector<16xf32>
          %get3A_1369 = arith.index_cast %add3A_1317 : i32 to index
          %get3A_1370 = arith.constant 16 : index
          %get3A_1371 = tpu.vector_load %arg18[%get3A_1369, %get3A_1370] {strides = array<i32>} : memref<80x128xf32, #tpu.memory_space<vmem>>, vector<1x16xf32>,
          %get3A_1372 = vector.shape_cast %get3A_1371 : vector<1x16xf32> to vector<16xf32>
          %add3A_1373 = arith.addf %add3A_1368, %get3A_1372 : vector<16xf32>
          %mul3A_1374 = arith.constant 2.000000e-01 : f32
          %mul3A_1375 = vector.broadcast %mul3A_1374 : f32 to vector<16xf32>
          %mul3A_1376 = arith.mulf %mul3A_1375, %add3A_1373 : vector<16xf32>
          %max3A_1377 = arith.maximumf %add3A_1373, %mul3A_1376 : vector<16xf32>
          %mul3A_1378 = arith.mulf %max3A_1377, %get3A_44 : vector<16xf32>
          %add3A_1379 = arith.addf %mul3A_1363, %mul3A_1378 : vector<16xf32>
          %get3A_1380 = arith.index_cast %add3A_1317 : i32 to index
          %get3A_1381 = arith.constant 32 : index
          %get3A_1382 = tpu.vector_load %arg17[%get3A_1380, %get3A_1381] {strides = array<i32>} : memref<80x128xf32, #tpu.memory_space<vmem>>, vector<1x16xf32>,
          %get3A_1383 = vector.shape_cast %get3A_1382 : vector<1x16xf32> to vector<16xf32>
          %add3A_1384 = arith.addf %get3A_1329, %get3A_1383 : vector<16xf32>
          %get3A_1385 = arith.index_cast %add3A_1317 : i32 to index
          %get3A_1386 = arith.constant 32 : index
          %get3A_1387 = tpu.vector_load %arg18[%get3A_1385, %get3A_1386] {strides = array<i32>} : memref<80x128xf32, #tpu.memory_space<vmem>>, vector<1x16xf32>,
          %get3A_1388 = vector.shape_cast %get3A_1387 : vector<1x16xf32> to vector<16xf32>
          %add3A_1389 = arith.addf %add3A_1384, %get3A_1388 : vector<16xf32>
          %mul3A_1390 = arith.constant 2.000000e-01 : f32
          %mul3A_1391 = vector.broadcast %mul3A_1390 : f32 to vector<16xf32>
          %mul3A_1392 = arith.mulf %mul3A_1391, %add3A_1389 : vector<16xf32>
          %max3A_1393 = arith.maximumf %add3A_1389, %mul3A_1392 : vector<16xf32>
          %mul3A_1394 = arith.mulf %max3A_1393, %get3A_47 : vector<16xf32>
          %add3A_1395 = arith.addf %add3A_1379, %mul3A_1394 : vector<16xf32>
          %get3A_1396 = arith.index_cast %add3A_1317 : i32 to index
          %get3A_1397 = arith.constant 48 : index
          %get3A_1398 = tpu.vector_load %arg17[%get3A_1396, %get3A_1397] {strides = array<i32>} : memref<80x128xf32, #tpu.memory_space<vmem>>, vector<1x16xf32>,
          %get3A_1399 = vector.shape_cast %get3A_1398 : vector<1x16xf32> to vector<16xf32>
          %add3A_1400 = arith.addf %get3A_1333, %get3A_1399 : vector<16xf32>
          %get3A_1401 = arith.index_cast %add3A_1317 : i32 to index
          %get3A_1402 = arith.constant 48 : index
          %get3A_1403 = tpu.vector_load %arg18[%get3A_1401, %get3A_1402] {strides = array<i32>} : memref<80x128xf32, #tpu.memory_space<vmem>>, vector<1x16xf32>,
          %get3A_1404 = vector.shape_cast %get3A_1403 : vector<1x16xf32> to vector<16xf32>
          %add3A_1405 = arith.addf %add3A_1400, %get3A_1404 : vector<16xf32>
          %mul3A_1406 = arith.constant 2.000000e-01 : f32
          %mul3A_1407 = vector.broadcast %mul3A_1406 : f32 to vector<16xf32>
          %mul3A_1408 = arith.mulf %mul3A_1407, %add3A_1405 : vector<16xf32>
          %max3A_1409 = arith.maximumf %add3A_1405, %mul3A_1408 : vector<16xf32>
          %mul3A_1410 = arith.mulf %max3A_1409, %get3A_50 : vector<16xf32>
          %add3A_1411 = arith.addf %add3A_1395, %mul3A_1410 : vector<16xf32>
          %get3A_1412 = arith.index_cast %add3A_1317 : i32 to index
          %get3A_1413 = arith.constant 64 : index
          %get3A_1414 = tpu.vector_load %arg17[%get3A_1412, %get3A_1413] {strides = array<i32>} : memref<80x128xf32, #tpu.memory_space<vmem>>, vector<1x16xf32>,
          %get3A_1415 = vector.shape_cast %get3A_1414 : vector<1x16xf32> to vector<16xf32>
          %add3A_1416 = arith.addf %get3A_1337, %get3A_1415 : vector<16xf32>
          %get3A_1417 = arith.index_cast %add3A_1317 : i32 to index
          %get3A_1418 = arith.constant 64 : index
          %get3A_1419 = tpu.vector_load %arg18[%get3A_1417, %get3A_1418] {strides = array<i32>} : memref<80x128xf32, #tpu.memory_space<vmem>>, vector<1x16xf32>,
          %get3A_1420 = vector.shape_cast %get3A_1419 : vector<1x16xf32> to vector<16xf32>
          %add3A_1421 = arith.addf %add3A_1416, %get3A_1420 : vector<16xf32>
          %mul3A_1422 = arith.constant 2.000000e-01 : f32
          %mul3A_1423 = vector.broadcast %mul3A_1422 : f32 to vector<16xf32>
          %mul3A_1424 = arith.mulf %mul3A_1423, %add3A_1421 : vector<16xf32>
          %max3A_1425 = arith.maximumf %add3A_1421, %mul3A_1424 : vector<16xf32>
          %mul3A_1426 = arith.mulf %max3A_1425, %get3A_53 : vector<16xf32>
          %get3A_1427 = arith.index_cast %add3A_1317 : i32 to index
          %get3A_1428 = arith.constant 80 : index
          %get3A_1429 = tpu.vector_load %arg17[%get3A_1427, %get3A_1428] {strides = array<i32>} : memref<80x128xf32, #tpu.memory_space<vmem>>, vector<1x16xf32>,
          %get3A_1430 = vector.shape_cast %get3A_1429 : vector<1x16xf32> to vector<16xf32>
          %add3A_1431 = arith.addf %get3A_1341, %get3A_1430 : vector<16xf32>
          %get3A_1432 = arith.index_cast %add3A_1317 : i32 to index
          %get3A_1433 = arith.constant 80 : index
          %get3A_1434 = tpu.vector_load %arg18[%get3A_1432, %get3A_1433] {strides = array<i32>} : memref<80x128xf32, #tpu.memory_space<vmem>>, vector<1x16xf32>,
          %get3A_1435 = vector.shape_cast %get3A_1434 : vector<1x16xf32> to vector<16xf32>
          %add3A_1436 = arith.addf %add3A_1431, %get3A_1435 : vector<16xf32>
          %mul3A_1437 = arith.constant 2.000000e-01 : f32
          %mul3A_1438 = vector.broadcast %mul3A_1437 : f32 to vector<16xf32>
          %mul3A_1439 = arith.mulf %mul3A_1438, %add3A_1436 : vector<16xf32>
          %max3A_1440 = arith.maximumf %add3A_1436, %mul3A_1439 : vector<16xf32>
          %mul3A_1441 = arith.mulf %max3A_1440, %get3A_56 : vector<16xf32>
          %add3A_1442 = arith.addf %mul3A_1426, %mul3A_1441 : vector<16xf32>
          %get3A_1443 = arith.index_cast %add3A_1317 : i32 to index
          %get3A_1444 = arith.constant 96 : index
          %get3A_1445 = tpu.vector_load %arg17[%get3A_1443, %get3A_1444] {strides = array<i32>} : memref<80x128xf32, #tpu.memory_space<vmem>>, vector<1x16xf32>,
          %get3A_1446 = vector.shape_cast %get3A_1445 : vector<1x16xf32> to vector<16xf32>
          %add3A_1447 = arith.addf %get3A_1345, %get3A_1446 : vector<16xf32>
          %get3A_1448 = arith.index_cast %add3A_1317 : i32 to index
          %get3A_1449 = arith.constant 96 : index
          %get3A_1450 = tpu.vector_load %arg18[%get3A_1448, %get3A_1449] {strides = array<i32>} : memref<80x128xf32, #tpu.memory_space<vmem>>, vector<1x16xf32>,
          %get3A_1451 = vector.shape_cast %get3A_1450 : vector<1x16xf32> to vector<16xf32>
          %add3A_1452 = arith.addf %add3A_1447, %get3A_1451 : vector<16xf32>
          %mul3A_1453 = arith.constant 2.000000e-01 : f32
          %mul3A_1454 = vector.broadcast %mul3A_1453 : f32 to vector<16xf32>
          %mul3A_1455 = arith.mulf %mul3A_1454, %add3A_1452 : vector<16xf32>
          %max3A_1456 = arith.maximumf %add3A_1452, %mul3A_1455 : vector<16xf32>
          %mul3A_1457 = arith.mulf %max3A_1456, %get3A_59 : vector<16xf32>
          %add3A_1458 = arith.addf %add3A_1442, %mul3A_1457 : vector<16xf32>
          %get3A_1459 = arith.index_cast %add3A_1317 : i32 to index
          %get3A_1460 = arith.constant 112 : index
          %get3A_1461 = tpu.vector_load %arg17[%get3A_1459, %get3A_1460] {strides = array<i32>} : memref<80x128xf32, #tpu.memory_space<vmem>>, vector<1x16xf32>,
          %get3A_1462 = vector.shape_cast %get3A_1461 : vector<1x16xf32> to vector<16xf32>
          %add3A_1463 = arith.addf %get3A_1349, %get3A_1462 : vector<16xf32>
          %get3A_1464 = arith.index_cast %add3A_1317 : i32 to index
          %get3A_1465 = arith.constant 112 : index
          %get3A_1466 = tpu.vector_load %arg18[%get3A_1464, %get3A_1465] {strides = array<i32>} : memref<80x128xf32, #tpu.memory_space<vmem>>, vector<1x16xf32>,
          %get3A_1467 = vector.shape_cast %get3A_1466 : vector<1x16xf32> to vector<16xf32>
          %add3A_1468 = arith.addf %add3A_1463, %get3A_1467 : vector<16xf32>
          %mul3A_1469 = arith.constant 2.000000e-01 : f32
          %mul3A_1470 = vector.broadcast %mul3A_1469 : f32 to vector<16xf32>
          %mul3A_1471 = arith.mulf %mul3A_1470, %add3A_1468 : vector<16xf32>
          %max3A_1472 = arith.maximumf %add3A_1468, %mul3A_1471 : vector<16xf32>
          %mul3A_1473 = arith.mulf %max3A_1472, %get3A_62 : vector<16xf32>
          %add3A_1474 = arith.addf %add3A_1458, %mul3A_1473 : vector<16xf32>
          %lt3A = arith.constant 0 : i32
          %lt3A_1475 = vector.broadcast %lt3A : i32 to vector<16xi32>
          %lt3A_1476 = arith.cmpi slt, %xor3A_64, %lt3A_1475 : vector<16xi32>
          %add3A_1477 = arith.constant 16 : i32
          %add3A_1478 = vector.broadcast %add3A_1477 : i32 to vector<16xi32>
          %add3A_1479 = arith.addi %xor3A_64, %add3A_1478 : vector<16xi32>
          %select_n3A = arith.select %lt3A_1476, %add3A_1479, %xor3A_64 : vector<16xi1>, vector<16xi32>
          %broadcast_in_dim3A_1480 = vector.shape_cast %select_n3A : vector<16xi32> to vector<16x1xi32>
          %gather3A = vector.shape_cast %broadcast_in_dim3A_1480 : vector<16x1xi32> to vector<16xi32>
          %gather3A_1481 = tpu.dynamic_gather %add3A_1411[%gather3A] in [0] : vector<16xf32>, vector<16xi32> -> vector<16xf32>
          %add3A_1482 = arith.addf %add3A_1411, %gather3A_1481 : vector<16xf32>
          %lt3A_1483 = arith.constant 0 : i32
          %lt3A_1484 = vector.broadcast %lt3A_1483 : i32 to vector<16xi32>
          %lt3A_1485 = arith.cmpi slt, %xor3A_67, %lt3A_1484 : vector<16xi32>
          %add3A_1486 = arith.constant 16 : i32
          %add3A_1487 = vector.broadcast %add3A_1486 : i32 to vector<16xi32>
          %add3A_1488 = arith.addi %xor3A_67, %add3A_1487 : vector<16xi32>
          %select_n3A_1489 = arith.select %lt3A_1485, %add3A_1488, %xor3A_67 : vector<16xi1>, vector<16xi32>
          %broadcast_in_dim3A_1490 = vector.shape_cast %select_n3A_1489 : vector<16xi32> to vector<16x1xi32>
          %gather3A_1491 = vector.shape_cast %broadcast_in_dim3A_1490 : vector<16x1xi32> to vector<16xi32>
          %gather3A_1492 = tpu.dynamic_gather %add3A_1482[%gather3A_1491] in [0] : vector<16xf32>, vector<16xi32> -> vector<16xf32>
          %add3A_1493 = arith.addf %add3A_1482, %gather3A_1492 : vector<16xf32>
          %lt3A_1494 = arith.constant 0 : i32
          %lt3A_1495 = vector.broadcast %lt3A_1494 : i32 to vector<16xi32>
          %lt3A_1496 = arith.cmpi slt, %xor3A_70, %lt3A_1495 : vector<16xi32>
          %add3A_1497 = arith.constant 16 : i32
          %add3A_1498 = vector.broadcast %add3A_1497 : i32 to vector<16xi32>
          %add3A_1499 = arith.addi %xor3A_70, %add3A_1498 : vector<16xi32>
          %select_n3A_1500 = arith.select %lt3A_1496, %add3A_1499, %xor3A_70 : vector<16xi1>, vector<16xi32>
          %broadcast_in_dim3A_1501 = vector.shape_cast %select_n3A_1500 : vector<16xi32> to vector<16x1xi32>
          %gather3A_1502 = vector.shape_cast %broadcast_in_dim3A_1501 : vector<16x1xi32> to vector<16xi32>
          %gather3A_1503 = tpu.dynamic_gather %add3A_1493[%gather3A_1502] in [0] : vector<16xf32>, vector<16xi32> -> vector<16xf32>
          %add3A_1504 = arith.addf %add3A_1493, %gather3A_1503 : vector<16xf32>
          %lt3A_1505 = arith.constant 0 : i32
          %lt3A_1506 = vector.broadcast %lt3A_1505 : i32 to vector<16xi32>
          %lt3A_1507 = arith.cmpi slt, %xor3A_73, %lt3A_1506 : vector<16xi32>
          %add3A_1508 = arith.constant 16 : i32
          %add3A_1509 = vector.broadcast %add3A_1508 : i32 to vector<16xi32>
          %add3A_1510 = arith.addi %xor3A_73, %add3A_1509 : vector<16xi32>
          %select_n3A_1511 = arith.select %lt3A_1507, %add3A_1510, %xor3A_73 : vector<16xi1>, vector<16xi32>
          %broadcast_in_dim3A_1512 = vector.shape_cast %select_n3A_1511 : vector<16xi32> to vector<16x1xi32>
          %gather3A_1513 = vector.shape_cast %broadcast_in_dim3A_1512 : vector<16x1xi32> to vector<16xi32>
          %gather3A_1514 = tpu.dynamic_gather %add3A_1504[%gather3A_1513] in [0] : vector<16xf32>, vector<16xi32> -> vector<16xf32>
          %add3A_1515 = arith.addf %add3A_1504, %gather3A_1514 : vector<16xf32>
          %exp3A = math.exp %add3A_1515 : vector<16xf32>
          %lt3A_1516 = arith.constant 0 : i32
          %lt3A_1517 = vector.broadcast %lt3A_1516 : i32 to vector<16xi32>
          %lt3A_1518 = arith.cmpi slt, %xor3A_64, %lt3A_1517 : vector<16xi32>
          %add3A_1519 = arith.constant 16 : i32
          %add3A_1520 = vector.broadcast %add3A_1519 : i32 to vector<16xi32>
          %add3A_1521 = arith.addi %xor3A_64, %add3A_1520 : vector<16xi32>
          %select_n3A_1522 = arith.select %lt3A_1518, %add3A_1521, %xor3A_64 : vector<16xi1>, vector<16xi32>
          %broadcast_in_dim3A_1523 = vector.shape_cast %select_n3A_1522 : vector<16xi32> to vector<16x1xi32>
          %gather3A_1524 = vector.shape_cast %broadcast_in_dim3A_1523 : vector<16x1xi32> to vector<16xi32>
          %gather3A_1525 = tpu.dynamic_gather %add3A_1474[%gather3A_1524] in [0] : vector<16xf32>, vector<16xi32> -> vector<16xf32>
          %add3A_1526 = arith.addf %add3A_1474, %gather3A_1525 : vector<16xf32>
          %lt3A_1527 = arith.constant 0 : i32
          %lt3A_1528 = vector.broadcast %lt3A_1527 : i32 to vector<16xi32>
          %lt3A_1529 = arith.cmpi slt, %xor3A_67, %lt3A_1528 : vector<16xi32>
          %add3A_1530 = arith.constant 16 : i32
          %add3A_1531 = vector.broadcast %add3A_1530 : i32 to vector<16xi32>
          %add3A_1532 = arith.addi %xor3A_67, %add3A_1531 : vector<16xi32>
          %select_n3A_1533 = arith.select %lt3A_1529, %add3A_1532, %xor3A_67 : vector<16xi1>, vector<16xi32>
          %broadcast_in_dim3A_1534 = vector.shape_cast %select_n3A_1533 : vector<16xi32> to vector<16x1xi32>
          %gather3A_1535 = vector.shape_cast %broadcast_in_dim3A_1534 : vector<16x1xi32> to vector<16xi32>
          %gather3A_1536 = tpu.dynamic_gather %add3A_1526[%gather3A_1535] in [0] : vector<16xf32>, vector<16xi32> -> vector<16xf32>
          %add3A_1537 = arith.addf %add3A_1526, %gather3A_1536 : vector<16xf32>
          %lt3A_1538 = arith.constant 0 : i32
          %lt3A_1539 = vector.broadcast %lt3A_1538 : i32 to vector<16xi32>
          %lt3A_1540 = arith.cmpi slt, %xor3A_70, %lt3A_1539 : vector<16xi32>
          %add3A_1541 = arith.constant 16 : i32
          %add3A_1542 = vector.broadcast %add3A_1541 : i32 to vector<16xi32>
          %add3A_1543 = arith.addi %xor3A_70, %add3A_1542 : vector<16xi32>
          %select_n3A_1544 = arith.select %lt3A_1540, %add3A_1543, %xor3A_70 : vector<16xi1>, vector<16xi32>
          %broadcast_in_dim3A_1545 = vector.shape_cast %select_n3A_1544 : vector<16xi32> to vector<16x1xi32>
          %gather3A_1546 = vector.shape_cast %broadcast_in_dim3A_1545 : vector<16x1xi32> to vector<16xi32>
          %gather3A_1547 = tpu.dynamic_gather %add3A_1537[%gather3A_1546] in [0] : vector<16xf32>, vector<16xi32> -> vector<16xf32>
          %add3A_1548 = arith.addf %add3A_1537, %gather3A_1547 : vector<16xf32>
          %lt3A_1549 = arith.constant 0 : i32
          %lt3A_1550 = vector.broadcast %lt3A_1549 : i32 to vector<16xi32>
          %lt3A_1551 = arith.cmpi slt, %xor3A_73, %lt3A_1550 : vector<16xi32>
          %add3A_1552 = arith.constant 16 : i32
          %add3A_1553 = vector.broadcast %add3A_1552 : i32 to vector<16xi32>
          %add3A_1554 = arith.addi %xor3A_73, %add3A_1553 : vector<16xi32>
          %select_n3A_1555 = arith.select %lt3A_1551, %add3A_1554, %xor3A_73 : vector<16xi1>, vector<16xi32>
          %broadcast_in_dim3A_1556 = vector.shape_cast %select_n3A_1555 : vector<16xi32> to vector<16x1xi32>
          %gather3A_1557 = vector.shape_cast %broadcast_in_dim3A_1556 : vector<16x1xi32> to vector<16xi32>
          %gather3A_1558 = tpu.dynamic_gather %add3A_1548[%gather3A_1557] in [0] : vector<16xf32>, vector<16xi32> -> vector<16xf32>
          %add3A_1559 = arith.addf %add3A_1548, %gather3A_1558 : vector<16xf32>
          %exp3A_1560 = math.exp %add3A_1559 : vector<16xf32>
          %mul3A_1561 = arith.mulf %exp3A, %get3A_1321 : vector<16xf32>
          %swap3A_1562 = arith.index_cast %add3A_1317 : i32 to index
          %swap3A_1563 = arith.constant 0 : index
          %swap3A_1564 = tpu.vector_load %arg16[%swap3A_1562, %swap3A_1563] {strides = array<i32>} : memref<80x128xf32, #tpu.memory_space<vmem>>, vector<1x16xf32>,
          %swap3A_1565 = vector.shape_cast %swap3A_1564 : vector<1x16xf32> to vector<16xf32>
          %swap3A_1566 = vector.shape_cast %mul3A_1561 : vector<16xf32> to vector<1x16xf32>
          tpu.vector_store %arg16[%swap3A_1562, %swap3A_1563], %swap3A_1566 {strides = array<i32>} : memref<80x128xf32, #tpu.memory_space<vmem>>, vector<1x16xf32>,
          %mul3A_1567 = arith.mulf %exp3A, %get3A_1325 : vector<16xf32>
          %swap3A_1568 = arith.index_cast %add3A_1317 : i32 to index
          %swap3A_1569 = arith.constant 16 : index
          %swap3A_1570 = tpu.vector_load %arg16[%swap3A_1568, %swap3A_1569] {strides = array<i32>} : memref<80x128xf32, #tpu.memory_space<vmem>>, vector<1x16xf32>,
          %swap3A_1571 = vector.shape_cast %swap3A_1570 : vector<1x16xf32> to vector<16xf32>
          %swap3A_1572 = vector.shape_cast %mul3A_1567 : vector<16xf32> to vector<1x16xf32>
          tpu.vector_store %arg16[%swap3A_1568, %swap3A_1569], %swap3A_1572 {strides = array<i32>} : memref<80x128xf32, #tpu.memory_space<vmem>>, vector<1x16xf32>,
          %mul3A_1573 = arith.mulf %exp3A, %get3A_1329 : vector<16xf32>
          %swap3A_1574 = arith.index_cast %add3A_1317 : i32 to index
          %swap3A_1575 = arith.constant 32 : index
          %swap3A_1576 = tpu.vector_load %arg16[%swap3A_1574, %swap3A_1575] {strides = array<i32>} : memref<80x128xf32, #tpu.memory_space<vmem>>, vector<1x16xf32>,
          %swap3A_1577 = vector.shape_cast %swap3A_1576 : vector<1x16xf32> to vector<16xf32>
          %swap3A_1578 = vector.shape_cast %mul3A_1573 : vector<16xf32> to vector<1x16xf32>
          tpu.vector_store %arg16[%swap3A_1574, %swap3A_1575], %swap3A_1578 {strides = array<i32>} : memref<80x128xf32, #tpu.memory_space<vmem>>, vector<1x16xf32>,
          %mul3A_1579 = arith.mulf %exp3A, %get3A_1333 : vector<16xf32>
          %swap3A_1580 = arith.index_cast %add3A_1317 : i32 to index
          %swap3A_1581 = arith.constant 48 : index
          %swap3A_1582 = tpu.vector_load %arg16[%swap3A_1580, %swap3A_1581] {strides = array<i32>} : memref<80x128xf32, #tpu.memory_space<vmem>>, vector<1x16xf32>,
          %swap3A_1583 = vector.shape_cast %swap3A_1582 : vector<1x16xf32> to vector<16xf32>
          %swap3A_1584 = vector.shape_cast %mul3A_1579 : vector<16xf32> to vector<1x16xf32>
          tpu.vector_store %arg16[%swap3A_1580, %swap3A_1581], %swap3A_1584 {strides = array<i32>} : memref<80x128xf32, #tpu.memory_space<vmem>>, vector<1x16xf32>,
          %mul3A_1585 = arith.mulf %exp3A_1560, %get3A_1337 : vector<16xf32>
          %swap3A_1586 = arith.index_cast %add3A_1317 : i32 to index
          %swap3A_1587 = arith.constant 64 : index
          %swap3A_1588 = tpu.vector_load %arg16[%swap3A_1586, %swap3A_1587] {strides = array<i32>} : memref<80x128xf32, #tpu.memory_space<vmem>>, vector<1x16xf32>,
          %swap3A_1589 = vector.shape_cast %swap3A_1588 : vector<1x16xf32> to vector<16xf32>
          %swap3A_1590 = vector.shape_cast %mul3A_1585 : vector<16xf32> to vector<1x16xf32>
          tpu.vector_store %arg16[%swap3A_1586, %swap3A_1587], %swap3A_1590 {strides = array<i32>} : memref<80x128xf32, #tpu.memory_space<vmem>>, vector<1x16xf32>,
          %mul3A_1591 = arith.mulf %exp3A_1560, %get3A_1341 : vector<16xf32>
          %swap3A_1592 = arith.index_cast %add3A_1317 : i32 to index
          %swap3A_1593 = arith.constant 80 : index
          %swap3A_1594 = tpu.vector_load %arg16[%swap3A_1592, %swap3A_1593] {strides = array<i32>} : memref<80x128xf32, #tpu.memory_space<vmem>>, vector<1x16xf32>,
          %swap3A_1595 = vector.shape_cast %swap3A_1594 : vector<1x16xf32> to vector<16xf32>
          %swap3A_1596 = vector.shape_cast %mul3A_1591 : vector<16xf32> to vector<1x16xf32>
          tpu.vector_store %arg16[%swap3A_1592, %swap3A_1593], %swap3A_1596 {strides = array<i32>} : memref<80x128xf32, #tpu.memory_space<vmem>>, vector<1x16xf32>,
          %mul3A_1597 = arith.mulf %exp3A_1560, %get3A_1345 : vector<16xf32>
          %swap3A_1598 = arith.index_cast %add3A_1317 : i32 to index
          %swap3A_1599 = arith.constant 96 : index
          %swap3A_1600 = tpu.vector_load %arg16[%swap3A_1598, %swap3A_1599] {strides = array<i32>} : memref<80x128xf32, #tpu.memory_space<vmem>>, vector<1x16xf32>,
          %swap3A_1601 = vector.shape_cast %swap3A_1600 : vector<1x16xf32> to vector<16xf32>
          %swap3A_1602 = vector.shape_cast %mul3A_1597 : vector<16xf32> to vector<1x16xf32>
          tpu.vector_store %arg16[%swap3A_1598, %swap3A_1599], %swap3A_1602 {strides = array<i32>} : memref<80x128xf32, #tpu.memory_space<vmem>>, vector<1x16xf32>,
          %mul3A_1603 = arith.mulf %exp3A_1560, %get3A_1349 : vector<16xf32>
          %swap3A_1604 = arith.index_cast %add3A_1317 : i32 to index
          %swap3A_1605 = arith.constant 112 : index
          %swap3A_1606 = tpu.vector_load %arg16[%swap3A_1604, %swap3A_1605] {strides = array<i32>} : memref<80x128xf32, #tpu.memory_space<vmem>>, vector<1x16xf32>,
          %swap3A_1607 = vector.shape_cast %swap3A_1606 : vector<1x16xf32> to vector<16xf32>
          %swap3A_1608 = vector.shape_cast %mul3A_1603 : vector<16xf32> to vector<1x16xf32>
          tpu.vector_store %arg16[%swap3A_1604, %swap3A_1605], %swap3A_1608 {strides = array<i32>} : memref<80x128xf32, #tpu.memory_space<vmem>>, vector<1x16xf32>,
          %add3A_1609 = vector.broadcast %scan3A_1314 : i32 to vector<16xi32>
          %add3A_1610 = arith.addi %mul3A_76, %add3A_1609 : vector<16xi32>
          %lt3A_1611 = arith.constant 0 : i32
          %lt3A_1612 = vector.broadcast %lt3A_1611 : i32 to vector<16xi32>
          %lt3A_1613 = arith.cmpi slt, %add3A_1610, %lt3A_1612 : vector<16xi32>
          %add3A_1614 = arith.constant 16 : i32
          %add3A_1615 = vector.broadcast %add3A_1614 : i32 to vector<16xi32>
          %add3A_1616 = arith.addi %add3A_1610, %add3A_1615 : vector<16xi32>
          %select_n3A_1617 = arith.select %lt3A_1613, %add3A_1616, %add3A_1610 : vector<16xi1>, vector<16xi32>
          %broadcast_in_dim3A_1618 = vector.shape_cast %select_n3A_1617 : vector<16xi32> to vector<16x1xi32>
          %gather3A_1619 = vector.shape_cast %broadcast_in_dim3A_1618 : vector<16x1xi32> to vector<16xi32>
          %gather3A_1620 = tpu.dynamic_gather %get3A_1308[%gather3A_1619] in [0] : vector<16xi32>, vector<16xi32> -> vector<16xi32>
          %and3A = arith.constant 15 : i32
          %and3A_1621 = vector.broadcast %and3A : i32 to vector<16xi32>
          %and3A_1622 = arith.andi %gather3A_1620, %and3A_1621 : vector<16xi32>
          %eq3A = arith.cmpi eq, %iota3A, %and3A_1622 : vector<16xi32>
          %jit3A = arith.constant 0.000000e+00 : f32
          %broadcast_in_dim3A_1623 = vector.broadcast %jit3A : f32 to vector<16xf32>
          %select_n3A_1624 = arith.select %eq3A, %exp3A, %broadcast_in_dim3A_1623 : vector<16xi1>, vector<16xf32>
          %swap3A_1625 = arith.index_cast %add3A_1317 : i32 to index
          %swap3A_1626 = arith.constant 0 : index
          %swap3A_1627 = tpu.vector_load %arg19[%swap3A_1625, %swap3A_1626] {strides = array<i32>} : memref<80x128xf32, #tpu.memory_space<vmem>>, vector<1x16xf32>,
          %swap3A_1628 = vector.shape_cast %swap3A_1627 : vector<1x16xf32> to vector<16xf32>
          %swap3A_1629 = vector.shape_cast %select_n3A_1624 : vector<16xf32> to vector<1x16xf32>
          tpu.vector_store %arg19[%swap3A_1625, %swap3A_1626], %swap3A_1629 {strides = array<i32>} : memref<80x128xf32, #tpu.memory_space<vmem>>, vector<1x16xf32>,
          %jit3A_1630 = arith.constant 0.000000e+00 : f32
          %broadcast_in_dim3A_1631 = vector.broadcast %jit3A_1630 : f32 to vector<16xf32>
          %select_n3A_1632 = arith.select %eq3A, %exp3A_1560, %broadcast_in_dim3A_1631 : vector<16xi1>, vector<16xf32>
          %swap3A_1633 = arith.index_cast %add3A_1317 : i32 to index
          %swap3A_1634 = arith.constant 16 : index
          %swap3A_1635 = tpu.vector_load %arg19[%swap3A_1633, %swap3A_1634] {strides = array<i32>} : memref<80x128xf32, #tpu.memory_space<vmem>>, vector<1x16xf32>,
          %swap3A_1636 = vector.shape_cast %swap3A_1635 : vector<1x16xf32> to vector<16xf32>
          %swap3A_1637 = vector.shape_cast %select_n3A_1632 : vector<16xf32> to vector<1x16xf32>
          tpu.vector_store %arg19[%swap3A_1633, %swap3A_1634], %swap3A_1637 {strides = array<i32>} : memref<80x128xf32, #tpu.memory_space<vmem>>, vector<1x16xf32>,
        }
        %scan3A_1313 = arith.constant 16 : i32
      }
      %scan3A_563 = arith.constant 5 : i32
      %dma_start3A_564 = arith.constant 1 : i32
      %dma_start3A_565 = arith.constant 0 : i32
      %dma_start3A_566 = tpu.memref_slice %arg15[%dma_start3A_564, %dma_start3A_565] : memref<2x80xi32, #tpu.memory_space<vmem>> -> memref<1x80xi32, #tpu.memory_space<vmem>>
      %dma_start3A_567 = tpu.memref_squeeze %dma_start3A_566 : memref<1x80xi32, #tpu.memory_space<vmem>> -> memref<80xi32, #tpu.memory_space<vmem>>
      %dma_start3A_568 = arith.constant 0 : i32
      %dma_start3A_569 = arith.constant 0 : i32
      %dma_start3A_570 = tpu.memref_slice %arg21[%dma_start3A_568, %dma_start3A_569] : memref<10240x128xf32, #tpu.memory_space<vmem_shared>> -> memref<10240x128xf32, #tpu.memory_space<vmem_shared>>
      tpu.enqueue_indirect_dma source(%arg16 : memref<80x128xf32, #tpu.memory_space<vmem>>) target(%dma_start3A_570 : memref<10240x128xf32, #tpu.memory_space<vmem_shared>>) offsets(%dma_start3A_567 : memref<80xi32, #tpu.memory_space<vmem>>) semaphore(%arg26 : memref<!tpu.dma_semaphore, #tpu.memory_space<semaphore_mem>>) {add = true}
      %dma_start3A_571 = arith.constant 1 : i32
      %dma_start3A_572 = arith.constant 0 : i32
      %dma_start3A_573 = tpu.memref_slice %arg14[%dma_start3A_571, %dma_start3A_572] : memref<2x80xi32, #tpu.memory_space<vmem>> -> memref<1x80xi32, #tpu.memory_space<vmem>>
      %dma_start3A_574 = tpu.memref_squeeze %dma_start3A_573 : memref<1x80xi32, #tpu.memory_space<vmem>> -> memref<80xi32, #tpu.memory_space<vmem>>
      %dma_start3A_575 = arith.constant 0 : i32
      %dma_start3A_576 = arith.constant 0 : i32
      %dma_start3A_577 = tpu.memref_slice %arg22[%dma_start3A_575, %dma_start3A_576] : memref<640x128xf32, #tpu.memory_space<vmem_shared>> -> memref<640x128xf32, #tpu.memory_space<vmem_shared>>
      tpu.enqueue_indirect_dma source(%arg19 : memref<80x128xf32, #tpu.memory_space<vmem>>) target(%dma_start3A_577 : memref<640x128xf32, #tpu.memory_space<vmem_shared>>) offsets(%dma_start3A_574 : memref<80xi32, #tpu.memory_space<vmem>>) semaphore(%arg27 : memref<!tpu.dma_semaphore, #tpu.memory_space<semaphore_mem>>) {add = true}
      %add3A_578 = arith.constant 160 : i32
      %add3A_579 = arith.addi %add3A_105, %add3A_578 : i32
      %get3A_580 = arith.constant 160 : index
      %get3A_581 = tpu.vector_load %arg10[%get3A_580] {strides = array<i32>} : memref<400xi32, #tpu.memory_space<vmem>>, vector<16xi32>,
      %get3A_582 = vector.shape_cast %get3A_581 : vector<16xi32> to vector<16xi32>
      %add3A_583 = vector.broadcast %mul3A_78 : i32 to vector<16xi32>
      %add3A_584 = arith.addi %get3A_582, %add3A_583 : vector<16xi32>
      %swap3A_585 = arith.constant 0 : index
      %swap3A_586 = tpu.vector_load %arg12[%swap3A_585] {strides = array<i32>} : memref<80xi32, #tpu.memory_space<vmem>>, vector<16xi32>,
      %swap3A_587 = vector.shape_cast %swap3A_586 : vector<16xi32> to vector<16xi32>
      %swap3A_588 = vector.shape_cast %add3A_584 : vector<16xi32> to vector<16xi32>
      tpu.vector_store %arg12[%swap3A_585], %swap3A_588 {strides = array<i32>} : memref<80xi32, #tpu.memory_space<vmem>>, vector<16xi32>,
      %get3A_589 = arith.constant 160 : index
      %get3A_590 = tpu.vector_load %arg11[%get3A_589] {strides = array<i32>} : memref<400xi32, #tpu.memory_space<vmem>>, vector<16xi32>,
      %get3A_591 = vector.shape_cast %get3A_590 : vector<16xi32> to vector<16xi32>
      %swap3A_592 = arith.constant 0 : i32
      %swap3A_593 = arith.constant 0 : i32
      %swap3A_594 = tpu.memref_slice %arg15[%swap3A_592, %swap3A_593] : memref<2x80xi32, #tpu.memory_space<vmem>> -> memref<1x80xi32, #tpu.memory_space<vmem>>
      %swap3A_595 = tpu.memref_squeeze %swap3A_594 : memref<1x80xi32, #tpu.memory_space<vmem>> -> memref<80xi32, #tpu.memory_space<vmem>>
      %swap3A_596 = arith.constant 0 : index
      %swap3A_597 = tpu.vector_load %swap3A_595[%swap3A_596] {strides = array<i32>} : memref<80xi32, #tpu.memory_space<vmem>>, vector<16xi32>,
      %swap3A_598 = vector.shape_cast %swap3A_597 : vector<16xi32> to vector<16xi32>
      %swap3A_599 = vector.shape_cast %get3A_591 : vector<16xi32> to vector<16xi32>
      tpu.vector_store %swap3A_595[%swap3A_596], %swap3A_599 {strides = array<i32>} : memref<80xi32, #tpu.memory_space<vmem>>, vector<16xi32>,
      %add3A_600 = vector.broadcast %mul3A_78 : i32 to vector<16xi32>
      %add3A_601 = arith.addi %get3A_591, %add3A_600 : vector<16xi32>
      %swap3A_602 = arith.constant 0 : index
      %swap3A_603 = tpu.vector_load %arg13[%swap3A_602] {strides = array<i32>} : memref<80xi32, #tpu.memory_space<vmem>>, vector<16xi32>,
      %swap3A_604 = vector.shape_cast %swap3A_603 : vector<16xi32> to vector<16xi32>
      %swap3A_605 = vector.shape_cast %add3A_601 : vector<16xi32> to vector<16xi32>
      tpu.vector_store %arg13[%swap3A_602], %swap3A_605 {strides = array<i32>} : memref<80xi32, #tpu.memory_space<vmem>>, vector<16xi32>,
      %shift_right_logical3A_606 = arith.constant 4 : i32
      %shift_right_logical3A_607 = vector.broadcast %shift_right_logical3A_606 : i32 to vector<16xi32>
      %shift_right_logical3A_608 = arith.shrui %get3A_591, %shift_right_logical3A_607 : vector<16xi32>
      %swap3A_609 = arith.constant 0 : i32
      %swap3A_610 = arith.constant 0 : i32
      %swap3A_611 = tpu.memref_slice %arg14[%swap3A_609, %swap3A_610] : memref<2x80xi32, #tpu.memory_space<vmem>> -> memref<1x80xi32, #tpu.memory_space<vmem>>
      %swap3A_612 = tpu.memref_squeeze %swap3A_611 : memref<1x80xi32, #tpu.memory_space<vmem>> -> memref<80xi32, #tpu.memory_space<vmem>>
      %swap3A_613 = arith.constant 0 : index
      %swap3A_614 = tpu.vector_load %swap3A_612[%swap3A_613] {strides = array<i32>} : memref<80xi32, #tpu.memory_space<vmem>>, vector<16xi32>,
      %swap3A_615 = vector.shape_cast %swap3A_614 : vector<16xi32> to vector<16xi32>
      %swap3A_616 = vector.shape_cast %shift_right_logical3A_608 : vector<16xi32> to vector<16xi32>
      tpu.vector_store %swap3A_612[%swap3A_613], %swap3A_616 {strides = array<i32>} : memref<80xi32, #tpu.memory_space<vmem>>, vector<16xi32>,
      %get3A_617 = arith.constant 176 : index
      %get3A_618 = tpu.vector_load %arg10[%get3A_617] {strides = array<i32>} : memref<400xi32, #tpu.memory_space<vmem>>, vector<16xi32>,
      %get3A_619 = vector.shape_cast %get3A_618 : vector<16xi32> to vector<16xi32>
      %add3A_620 = vector.broadcast %mul3A_78 : i32 to vector<16xi32>
      %add3A_621 = arith.addi %get3A_619, %add3A_620 : vector<16xi32>
      %swap3A_622 = arith.constant 16 : index
      %swap3A_623 = tpu.vector_load %arg12[%swap3A_622] {strides = array<i32>} : memref<80xi32, #tpu.memory_space<vmem>>, vector<16xi32>,
      %swap3A_624 = vector.shape_cast %swap3A_623 : vector<16xi32> to vector<16xi32>
      %swap3A_625 = vector.shape_cast %add3A_621 : vector<16xi32> to vector<16xi32>
      tpu.vector_store %arg12[%swap3A_622], %swap3A_625 {strides = array<i32>} : memref<80xi32, #tpu.memory_space<vmem>>, vector<16xi32>,
      %get3A_626 = arith.constant 176 : index
      %get3A_627 = tpu.vector_load %arg11[%get3A_626] {strides = array<i32>} : memref<400xi32, #tpu.memory_space<vmem>>, vector<16xi32>,
      %get3A_628 = vector.shape_cast %get3A_627 : vector<16xi32> to vector<16xi32>
      %swap3A_629 = arith.constant 0 : i32
      %swap3A_630 = arith.constant 0 : i32
      %swap3A_631 = tpu.memref_slice %arg15[%swap3A_629, %swap3A_630] : memref<2x80xi32, #tpu.memory_space<vmem>> -> memref<1x80xi32, #tpu.memory_space<vmem>>
      %swap3A_632 = tpu.memref_squeeze %swap3A_631 : memref<1x80xi32, #tpu.memory_space<vmem>> -> memref<80xi32, #tpu.memory_space<vmem>>
      %swap3A_633 = arith.constant 16 : index
      %swap3A_634 = tpu.vector_load %swap3A_632[%swap3A_633] {strides = array<i32>} : memref<80xi32, #tpu.memory_space<vmem>>, vector<16xi32>,
      %swap3A_635 = vector.shape_cast %swap3A_634 : vector<16xi32> to vector<16xi32>
      %swap3A_636 = vector.shape_cast %get3A_628 : vector<16xi32> to vector<16xi32>
      tpu.vector_store %swap3A_632[%swap3A_633], %swap3A_636 {strides = array<i32>} : memref<80xi32, #tpu.memory_space<vmem>>, vector<16xi32>,
      %add3A_637 = vector.broadcast %mul3A_78 : i32 to vector<16xi32>
      %add3A_638 = arith.addi %get3A_628, %add3A_637 : vector<16xi32>
      %swap3A_639 = arith.constant 16 : index
      %swap3A_640 = tpu.vector_load %arg13[%swap3A_639] {strides = array<i32>} : memref<80xi32, #tpu.memory_space<vmem>>, vector<16xi32>,
      %swap3A_641 = vector.shape_cast %swap3A_640 : vector<16xi32> to vector<16xi32>
      %swap3A_642 = vector.shape_cast %add3A_638 : vector<16xi32> to vector<16xi32>
      tpu.vector_store %arg13[%swap3A_639], %swap3A_642 {strides = array<i32>} : memref<80xi32, #tpu.memory_space<vmem>>, vector<16xi32>,
      %shift_right_logical3A_643 = arith.constant 4 : i32
      %shift_right_logical3A_644 = vector.broadcast %shift_right_logical3A_643 : i32 to vector<16xi32>
      %shift_right_logical3A_645 = arith.shrui %get3A_628, %shift_right_logical3A_644 : vector<16xi32>
      %swap3A_646 = arith.constant 0 : i32
      %swap3A_647 = arith.constant 0 : i32
      %swap3A_648 = tpu.memref_slice %arg14[%swap3A_646, %swap3A_647] : memref<2x80xi32, #tpu.memory_space<vmem>> -> memref<1x80xi32, #tpu.memory_space<vmem>>
      %swap3A_649 = tpu.memref_squeeze %swap3A_648 : memref<1x80xi32, #tpu.memory_space<vmem>> -> memref<80xi32, #tpu.memory_space<vmem>>
      %swap3A_650 = arith.constant 16 : index
      %swap3A_651 = tpu.vector_load %swap3A_649[%swap3A_650] {strides = array<i32>} : memref<80xi32, #tpu.memory_space<vmem>>, vector<16xi32>,
      %swap3A_652 = vector.shape_cast %swap3A_651 : vector<16xi32> to vector<16xi32>
      %swap3A_653 = vector.shape_cast %shift_right_logical3A_645 : vector<16xi32> to vector<16xi32>
      tpu.vector_store %swap3A_649[%swap3A_650], %swap3A_653 {strides = array<i32>} : memref<80xi32, #tpu.memory_space<vmem>>, vector<16xi32>,
      %get3A_654 = arith.constant 192 : index
      %get3A_655 = tpu.vector_load %arg10[%get3A_654] {strides = array<i32>} : memref<400xi32, #tpu.memory_space<vmem>>, vector<16xi32>,
      %get3A_656 = vector.shape_cast %get3A_655 : vector<16xi32> to vector<16xi32>
      %add3A_657 = vector.broadcast %mul3A_78 : i32 to vector<16xi32>
      %add3A_658 = arith.addi %get3A_656, %add3A_657 : vector<16xi32>
      %swap3A_659 = arith.constant 32 : index
      %swap3A_660 = tpu.vector_load %arg12[%swap3A_659] {strides = array<i32>} : memref<80xi32, #tpu.memory_space<vmem>>, vector<16xi32>,
      %swap3A_661 = vector.shape_cast %swap3A_660 : vector<16xi32> to vector<16xi32>
      %swap3A_662 = vector.shape_cast %add3A_658 : vector<16xi32> to vector<16xi32>
      tpu.vector_store %arg12[%swap3A_659], %swap3A_662 {strides = array<i32>} : memref<80xi32, #tpu.memory_space<vmem>>, vector<16xi32>,
      %get3A_663 = arith.constant 192 : index
      %get3A_664 = tpu.vector_load %arg11[%get3A_663] {strides = array<i32>} : memref<400xi32, #tpu.memory_space<vmem>>, vector<16xi32>,
      %get3A_665 = vector.shape_cast %get3A_664 : vector<16xi32> to vector<16xi32>
      %swap3A_666 = arith.constant 0 : i32
      %swap3A_667 = arith.constant 0 : i32
      %swap3A_668 = tpu.memref_slice %arg15[%swap3A_666, %swap3A_667] : memref<2x80xi32, #tpu.memory_space<vmem>> -> memref<1x80xi32, #tpu.memory_space<vmem>>
      %swap3A_669 = tpu.memref_squeeze %swap3A_668 : memref<1x80xi32, #tpu.memory_space<vmem>> -> memref<80xi32, #tpu.memory_space<vmem>>
      %swap3A_670 = arith.constant 32 : index
      %swap3A_671 = tpu.vector_load %swap3A_669[%swap3A_670] {strides = array<i32>} : memref<80xi32, #tpu.memory_space<vmem>>, vector<16xi32>,
      %swap3A_672 = vector.shape_cast %swap3A_671 : vector<16xi32> to vector<16xi32>
      %swap3A_673 = vector.shape_cast %get3A_665 : vector<16xi32> to vector<16xi32>
      tpu.vector_store %swap3A_669[%swap3A_670], %swap3A_673 {strides = array<i32>} : memref<80xi32, #tpu.memory_space<vmem>>, vector<16xi32>,
      %add3A_674 = vector.broadcast %mul3A_78 : i32 to vector<16xi32>
      %add3A_675 = arith.addi %get3A_665, %add3A_674 : vector<16xi32>
      %swap3A_676 = arith.constant 32 : index
      %swap3A_677 = tpu.vector_load %arg13[%swap3A_676] {strides = array<i32>} : memref<80xi32, #tpu.memory_space<vmem>>, vector<16xi32>,
      %swap3A_678 = vector.shape_cast %swap3A_677 : vector<16xi32> to vector<16xi32>
      %swap3A_679 = vector.shape_cast %add3A_675 : vector<16xi32> to vector<16xi32>
      tpu.vector_store %arg13[%swap3A_676], %swap3A_679 {strides = array<i32>} : memref<80xi32, #tpu.memory_space<vmem>>, vector<16xi32>,
      %shift_right_logical3A_680 = arith.constant 4 : i32
      %shift_right_logical3A_681 = vector.broadcast %shift_right_logical3A_680 : i32 to vector<16xi32>
      %shift_right_logical3A_682 = arith.shrui %get3A_665, %shift_right_logical3A_681 : vector<16xi32>
      %swap3A_683 = arith.constant 0 : i32
      %swap3A_684 = arith.constant 0 : i32
      %swap3A_685 = tpu.memref_slice %arg14[%swap3A_683, %swap3A_684] : memref<2x80xi32, #tpu.memory_space<vmem>> -> memref<1x80xi32, #tpu.memory_space<vmem>>
      %swap3A_686 = tpu.memref_squeeze %swap3A_685 : memref<1x80xi32, #tpu.memory_space<vmem>> -> memref<80xi32, #tpu.memory_space<vmem>>
      %swap3A_687 = arith.constant 32 : index
      %swap3A_688 = tpu.vector_load %swap3A_686[%swap3A_687] {strides = array<i32>} : memref<80xi32, #tpu.memory_space<vmem>>, vector<16xi32>,
      %swap3A_689 = vector.shape_cast %swap3A_688 : vector<16xi32> to vector<16xi32>
      %swap3A_690 = vector.shape_cast %shift_right_logical3A_682 : vector<16xi32> to vector<16xi32>
      tpu.vector_store %swap3A_686[%swap3A_687], %swap3A_690 {strides = array<i32>} : memref<80xi32, #tpu.memory_space<vmem>>, vector<16xi32>,
      %get3A_691 = arith.constant 208 : index
      %get3A_692 = tpu.vector_load %arg10[%get3A_691] {strides = array<i32>} : memref<400xi32, #tpu.memory_space<vmem>>, vector<16xi32>,
      %get3A_693 = vector.shape_cast %get3A_692 : vector<16xi32> to vector<16xi32>
      %add3A_694 = vector.broadcast %mul3A_78 : i32 to vector<16xi32>
      %add3A_695 = arith.addi %get3A_693, %add3A_694 : vector<16xi32>
      %swap3A_696 = arith.constant 48 : index
      %swap3A_697 = tpu.vector_load %arg12[%swap3A_696] {strides = array<i32>} : memref<80xi32, #tpu.memory_space<vmem>>, vector<16xi32>,
      %swap3A_698 = vector.shape_cast %swap3A_697 : vector<16xi32> to vector<16xi32>
      %swap3A_699 = vector.shape_cast %add3A_695 : vector<16xi32> to vector<16xi32>
      tpu.vector_store %arg12[%swap3A_696], %swap3A_699 {strides = array<i32>} : memref<80xi32, #tpu.memory_space<vmem>>, vector<16xi32>,
      %get3A_700 = arith.constant 208 : index
      %get3A_701 = tpu.vector_load %arg11[%get3A_700] {strides = array<i32>} : memref<400xi32, #tpu.memory_space<vmem>>, vector<16xi32>,
      %get3A_702 = vector.shape_cast %get3A_701 : vector<16xi32> to vector<16xi32>
      %swap3A_703 = arith.constant 0 : i32
      %swap3A_704 = arith.constant 0 : i32
      %swap3A_705 = tpu.memref_slice %arg15[%swap3A_703, %swap3A_704] : memref<2x80xi32, #tpu.memory_space<vmem>> -> memref<1x80xi32, #tpu.memory_space<vmem>>
      %swap3A_706 = tpu.memref_squeeze %swap3A_705 : memref<1x80xi32, #tpu.memory_space<vmem>> -> memref<80xi32, #tpu.memory_space<vmem>>
      %swap3A_707 = arith.constant 48 : index
      %swap3A_708 = tpu.vector_load %swap3A_706[%swap3A_707] {strides = array<i32>} : memref<80xi32, #tpu.memory_space<vmem>>, vector<16xi32>,
      %swap3A_709 = vector.shape_cast %swap3A_708 : vector<16xi32> to vector<16xi32>
      %swap3A_710 = vector.shape_cast %get3A_702 : vector<16xi32> to vector<16xi32>
      tpu.vector_store %swap3A_706[%swap3A_707], %swap3A_710 {strides = array<i32>} : memref<80xi32, #tpu.memory_space<vmem>>, vector<16xi32>,
      %add3A_711 = vector.broadcast %mul3A_78 : i32 to vector<16xi32>
      %add3A_712 = arith.addi %get3A_702, %add3A_711 : vector<16xi32>
      %swap3A_713 = arith.constant 48 : index
      %swap3A_714 = tpu.vector_load %arg13[%swap3A_713] {strides = array<i32>} : memref<80xi32, #tpu.memory_space<vmem>>, vector<16xi32>,
      %swap3A_715 = vector.shape_cast %swap3A_714 : vector<16xi32> to vector<16xi32>
      %swap3A_716 = vector.shape_cast %add3A_712 : vector<16xi32> to vector<16xi32>
      tpu.vector_store %arg13[%swap3A_713], %swap3A_716 {strides = array<i32>} : memref<80xi32, #tpu.memory_space<vmem>>, vector<16xi32>,
      %shift_right_logical3A_717 = arith.constant 4 : i32
      %shift_right_logical3A_718 = vector.broadcast %shift_right_logical3A_717 : i32 to vector<16xi32>
      %shift_right_logical3A_719 = arith.shrui %get3A_702, %shift_right_logical3A_718 : vector<16xi32>
      %swap3A_720 = arith.constant 0 : i32
      %swap3A_721 = arith.constant 0 : i32
      %swap3A_722 = tpu.memref_slice %arg14[%swap3A_720, %swap3A_721] : memref<2x80xi32, #tpu.memory_space<vmem>> -> memref<1x80xi32, #tpu.memory_space<vmem>>
      %swap3A_723 = tpu.memref_squeeze %swap3A_722 : memref<1x80xi32, #tpu.memory_space<vmem>> -> memref<80xi32, #tpu.memory_space<vmem>>
      %swap3A_724 = arith.constant 48 : index
      %swap3A_725 = tpu.vector_load %swap3A_723[%swap3A_724] {strides = array<i32>} : memref<80xi32, #tpu.memory_space<vmem>>, vector<16xi32>,
      %swap3A_726 = vector.shape_cast %swap3A_725 : vector<16xi32> to vector<16xi32>
      %swap3A_727 = vector.shape_cast %shift_right_logical3A_719 : vector<16xi32> to vector<16xi32>
      tpu.vector_store %swap3A_723[%swap3A_724], %swap3A_727 {strides = array<i32>} : memref<80xi32, #tpu.memory_space<vmem>>, vector<16xi32>,
      %get3A_728 = arith.constant 224 : index
      %get3A_729 = tpu.vector_load %arg10[%get3A_728] {strides = array<i32>} : memref<400xi32, #tpu.memory_space<vmem>>, vector<16xi32>,
      %get3A_730 = vector.shape_cast %get3A_729 : vector<16xi32> to vector<16xi32>
      %add3A_731 = vector.broadcast %mul3A_78 : i32 to vector<16xi32>
      %add3A_732 = arith.addi %get3A_730, %add3A_731 : vector<16xi32>
      %swap3A_733 = arith.constant 64 : index
      %swap3A_734 = tpu.vector_load %arg12[%swap3A_733] {strides = array<i32>} : memref<80xi32, #tpu.memory_space<vmem>>, vector<16xi32>,
      %swap3A_735 = vector.shape_cast %swap3A_734 : vector<16xi32> to vector<16xi32>
      %swap3A_736 = vector.shape_cast %add3A_732 : vector<16xi32> to vector<16xi32>
      tpu.vector_store %arg12[%swap3A_733], %swap3A_736 {strides = array<i32>} : memref<80xi32, #tpu.memory_space<vmem>>, vector<16xi32>,
      %get3A_737 = arith.constant 224 : index
      %get3A_738 = tpu.vector_load %arg11[%get3A_737] {strides = array<i32>} : memref<400xi32, #tpu.memory_space<vmem>>, vector<16xi32>,
      %get3A_739 = vector.shape_cast %get3A_738 : vector<16xi32> to vector<16xi32>
      %swap3A_740 = arith.constant 0 : i32
      %swap3A_741 = arith.constant 0 : i32
      %swap3A_742 = tpu.memref_slice %arg15[%swap3A_740, %swap3A_741] : memref<2x80xi32, #tpu.memory_space<vmem>> -> memref<1x80xi32, #tpu.memory_space<vmem>>
      %swap3A_743 = tpu.memref_squeeze %swap3A_742 : memref<1x80xi32, #tpu.memory_space<vmem>> -> memref<80xi32, #tpu.memory_space<vmem>>
      %swap3A_744 = arith.constant 64 : index
      %swap3A_745 = tpu.vector_load %swap3A_743[%swap3A_744] {strides = array<i32>} : memref<80xi32, #tpu.memory_space<vmem>>, vector<16xi32>,
      %swap3A_746 = vector.shape_cast %swap3A_745 : vector<16xi32> to vector<16xi32>
      %swap3A_747 = vector.shape_cast %get3A_739 : vector<16xi32> to vector<16xi32>
      tpu.vector_store %swap3A_743[%swap3A_744], %swap3A_747 {strides = array<i32>} : memref<80xi32, #tpu.memory_space<vmem>>, vector<16xi32>,
      %add3A_748 = vector.broadcast %mul3A_78 : i32 to vector<16xi32>
      %add3A_749 = arith.addi %get3A_739, %add3A_748 : vector<16xi32>
      %swap3A_750 = arith.constant 64 : index
      %swap3A_751 = tpu.vector_load %arg13[%swap3A_750] {strides = array<i32>} : memref<80xi32, #tpu.memory_space<vmem>>, vector<16xi32>,
      %swap3A_752 = vector.shape_cast %swap3A_751 : vector<16xi32> to vector<16xi32>
      %swap3A_753 = vector.shape_cast %add3A_749 : vector<16xi32> to vector<16xi32>
      tpu.vector_store %arg13[%swap3A_750], %swap3A_753 {strides = array<i32>} : memref<80xi32, #tpu.memory_space<vmem>>, vector<16xi32>,
      %shift_right_logical3A_754 = arith.constant 4 : i32
      %shift_right_logical3A_755 = vector.broadcast %shift_right_logical3A_754 : i32 to vector<16xi32>
      %shift_right_logical3A_756 = arith.shrui %get3A_739, %shift_right_logical3A_755 : vector<16xi32>
      %swap3A_757 = arith.constant 0 : i32
      %swap3A_758 = arith.constant 0 : i32
      %swap3A_759 = tpu.memref_slice %arg14[%swap3A_757, %swap3A_758] : memref<2x80xi32, #tpu.memory_space<vmem>> -> memref<1x80xi32, #tpu.memory_space<vmem>>
      %swap3A_760 = tpu.memref_squeeze %swap3A_759 : memref<1x80xi32, #tpu.memory_space<vmem>> -> memref<80xi32, #tpu.memory_space<vmem>>
      %swap3A_761 = arith.constant 64 : index
      %swap3A_762 = tpu.vector_load %swap3A_760[%swap3A_761] {strides = array<i32>} : memref<80xi32, #tpu.memory_space<vmem>>, vector<16xi32>,
      %swap3A_763 = vector.shape_cast %swap3A_762 : vector<16xi32> to vector<16xi32>
      %swap3A_764 = vector.shape_cast %shift_right_logical3A_756 : vector<16xi32> to vector<16xi32>
      tpu.vector_store %swap3A_760[%swap3A_761], %swap3A_764 {strides = array<i32>} : memref<80xi32, #tpu.memory_space<vmem>>, vector<16xi32>,
      %dma_start3A_765 = arith.constant 0 : i32
      %dma_start3A_766 = arith.constant 0 : i32
      %dma_start3A_767 = tpu.memref_slice %arg6[%dma_start3A_765, %dma_start3A_766] : memref<20000x128xf32, #tpu.memory_space<hbm>> -> memref<20000x128xf32, #tpu.memory_space<hbm>>
      tpu.enqueue_indirect_dma source(%dma_start3A_767 : memref<20000x128xf32, #tpu.memory_space<hbm>>) target(%arg17 : memref<80x128xf32, #tpu.memory_space<vmem>>) offsets(%arg13 : memref<80xi32, #tpu.memory_space<vmem>>) semaphore(%arg24 : memref<!tpu.dma_semaphore, #tpu.memory_space<semaphore_mem>>)
      %mul3A_768 = arith.constant 160000 : i32
      %mul3A_769 = arith.muli %arg0, %mul3A_768 : i32
      %add3A_770 = arith.addi %mul3A_769, %add3A_579 : i32
      %dma_start3A_771 = arith.constant 0 : i32
      %dma_start3A_772 = tpu.memref_slice %arg4[%add3A_770, %dma_start3A_771] : memref<320000x128xf32, #tpu.memory_space<hbm>> -> memref<80x128xf32, #tpu.memory_space<hbm>>
      %dma_start3A_773 = arith.constant 0 : i32
      %dma_start3A_774 = tpu.memref_slice %arg4[%add3A_770, %dma_start3A_773] : memref<320000x128xf32, #tpu.memory_space<hbm>> -> memref<80x128xf32, #tpu.memory_space<hbm>>
      tpu.enqueue_dma source(%dma_start3A_774 : memref<80x128xf32, #tpu.memory_space<hbm>>) target(%arg18 : memref<80x128xf32, #tpu.memory_space<vmem>>) target_semaphore(%arg25 : memref<!tpu.dma_semaphore, #tpu.memory_space<semaphore_mem>>)
      %dma_wait3A_775 = arith.constant 1 : i32
      %dma_wait3A_776 = arith.constant 0 : i32
      %dma_wait3A_777 = tpu.memref_slice %arg15[%dma_wait3A_775, %dma_wait3A_776] : memref<2x80xi32, #tpu.memory_space<vmem>> -> memref<1x80xi32, #tpu.memory_space<vmem>>
      %dma_wait3A_778 = tpu.memref_squeeze %dma_wait3A_777 : memref<1x80xi32, #tpu.memory_space<vmem>> -> memref<80xi32, #tpu.memory_space<vmem>>
      %dma_wait3A_779 = arith.constant 0 : i32
      %dma_wait3A_780 = arith.constant 0 : i32
      %dma_wait3A_781 = tpu.memref_slice %arg21[%dma_wait3A_779, %dma_wait3A_780] : memref<10240x128xf32, #tpu.memory_space<vmem_shared>> -> memref<10240x128xf32, #tpu.memory_space<vmem_shared>>
      tpu.wait_indirect_dma semaphore(%arg26 : memref<!tpu.dma_semaphore, #tpu.memory_space<semaphore_mem>>) src(%arg16 : memref<80x128xf32, #tpu.memory_space<vmem>>) dst(%dma_wait3A_781 : memref<10240x128xf32, #tpu.memory_space<vmem_shared>>)
      %dma_wait3A_782 = arith.constant 1 : i32
      %dma_wait3A_783 = arith.constant 0 : i32
      %dma_wait3A_784 = tpu.memref_slice %arg14[%dma_wait3A_782, %dma_wait3A_783] : memref<2x80xi32, #tpu.memory_space<vmem>> -> memref<1x80xi32, #tpu.memory_space<vmem>>
      %dma_wait3A_785 = tpu.memref_squeeze %dma_wait3A_784 : memref<1x80xi32, #tpu.memory_space<vmem>> -> memref<80xi32, #tpu.memory_space<vmem>>
      %dma_wait3A_786 = arith.constant 0 : i32
      %dma_wait3A_787 = arith.constant 0 : i32
      %dma_wait3A_788 = tpu.memref_slice %arg22[%dma_wait3A_786, %dma_wait3A_787] : memref<640x128xf32, #tpu.memory_space<vmem_shared>> -> memref<640x128xf32, #tpu.memory_space<vmem_shared>>
      tpu.wait_indirect_dma semaphore(%arg27 : memref<!tpu.dma_semaphore, #tpu.memory_space<semaphore_mem>>) src(%arg19 : memref<80x128xf32, #tpu.memory_space<vmem>>) dst(%dma_wait3A_788 : memref<640x128xf32, #tpu.memory_space<vmem_shared>>)
      %dma_start3A_789 = arith.constant 0 : i32
      %dma_start3A_790 = arith.constant 0 : i32
      %dma_start3A_791 = tpu.memref_slice %arg5[%dma_start3A_789, %dma_start3A_790] : memref<20000x128xf32, #tpu.memory_space<hbm>> -> memref<20000x128xf32, #tpu.memory_space<hbm>>
      tpu.enqueue_indirect_dma source(%dma_start3A_791 : memref<20000x128xf32, #tpu.memory_space<hbm>>) target(%arg16 : memref<80x128xf32, #tpu.memory_space<vmem>>) offsets(%arg12 : memref<80xi32, #tpu.memory_space<vmem>>) semaphore(%arg23 : memref<!tpu.dma_semaphore, #tpu.memory_space<semaphore_mem>>)
      %dma_wait3A_792 = arith.constant 0 : i32
      %dma_wait3A_793 = tpu.memref_slice %arg4[%add3A_770, %dma_wait3A_792] : memref<320000x128xf32, #tpu.memory_space<hbm>> -> memref<80x128xf32, #tpu.memory_space<hbm>>
      %dma_wait3A_794 = arith.constant 0 : i32
      %dma_wait3A_795 = tpu.memref_slice %arg4[%add3A_770, %dma_wait3A_794] : memref<320000x128xf32, #tpu.memory_space<hbm>> -> memref<80x128xf32, #tpu.memory_space<hbm>>
      tpu.wait_dma2 semaphore(%arg25 : memref<!tpu.dma_semaphore, #tpu.memory_space<semaphore_mem>>) src(%dma_wait3A_795 : memref<80x128xf32, #tpu.memory_space<hbm>>) dst(%arg18 : memref<80x128xf32, #tpu.memory_space<vmem>>)
      %dma_wait3A_796 = arith.constant 0 : i32
      %dma_wait3A_797 = arith.constant 0 : i32
      %dma_wait3A_798 = tpu.memref_slice %arg5[%dma_wait3A_796, %dma_wait3A_797] : memref<20000x128xf32, #tpu.memory_space<hbm>> -> memref<20000x128xf32, #tpu.memory_space<hbm>>
      tpu.wait_indirect_dma semaphore(%arg23 : memref<!tpu.dma_semaphore, #tpu.memory_space<semaphore_mem>>) src(%dma_wait3A_798 : memref<20000x128xf32, #tpu.memory_space<hbm>>) dst(%arg16 : memref<80x128xf32, #tpu.memory_space<vmem>>)
      %dma_wait3A_799 = arith.constant 0 : i32
      %dma_wait3A_800 = arith.constant 0 : i32
      %dma_wait3A_801 = tpu.memref_slice %arg6[%dma_wait3A_799, %dma_wait3A_800] : memref<20000x128xf32, #tpu.memory_space<hbm>> -> memref<20000x128xf32, #tpu.memory_space<hbm>>
      tpu.wait_indirect_dma semaphore(%arg24 : memref<!tpu.dma_semaphore, #tpu.memory_space<semaphore_mem>>) src(%dma_wait3A_801 : memref<20000x128xf32, #tpu.memory_space<hbm>>) dst(%arg17 : memref<80x128xf32, #tpu.memory_space<vmem>>)
      %scan3A_802 = arith.constant 0 : i32
      %scan3A_803 = arith.constant 0 : i32
      %scan3A_804 = arith.constant 0 : i32
      %scan3A_805 = arith.constant 5 : i32
      %scan3A_806 = arith.addi %scan3A_804, %scan3A_805 : i32
      %scan3A_807 = arith.constant 1 : i32
      scf.for %scan3A_1300 = %scan3A_804 to %scan3A_806 step %scan3A_807  : i32 {
        %mul3A_1301 = arith.constant 16 : i32
        %mul3A_1302 = arith.muli %scan3A_1300, %mul3A_1301 : i32
        %get3A_1303 = arith.constant 0 : i32
        %get3A_1304 = tpu.memref_slice %arg15[%scan3A_803, %get3A_1303] : memref<2x80xi32, #tpu.memory_space<vmem>> -> memref<1x80xi32, #tpu.memory_space<vmem>>
        %get3A_1305 = tpu.memref_squeeze %get3A_1304 : memref<1x80xi32, #tpu.memory_space<vmem>> -> memref<80xi32, #tpu.memory_space<vmem>>
        %get3A_1306 = arith.index_cast %mul3A_1302 : i32 to index
        %get3A_1307 = tpu.vector_load %get3A_1305[%get3A_1306] {strides = array<i32>} : memref<80xi32, #tpu.memory_space<vmem>>, vector<16xi32>,
        %get3A_1308 = vector.shape_cast %get3A_1307 : vector<16xi32> to vector<16xi32>
        %scan3A_1309 = arith.constant 0 : i32
        %scan3A_1310 = arith.constant 16 : i32
        %scan3A_1311 = arith.addi %scan3A_1309, %scan3A_1310 : i32
        %scan3A_1312 = arith.constant 1 : i32
        scf.for %scan3A_1314 = %scan3A_1309 to %scan3A_1311 step %scan3A_1312  : i32 {
          %mul3A_1315 = arith.constant 16 : i32
          %mul3A_1316 = arith.muli %scan3A_1300, %mul3A_1315 : i32
          %add3A_1317 = arith.addi %mul3A_1316, %scan3A_1314 : i32
          %get3A_1318 = arith.index_cast %add3A_1317 : i32 to index
          %get3A_1319 = arith.constant 0 : index
          %get3A_1320 = tpu.vector_load %arg16[%get3A_1318, %get3A_1319] {strides = array<i32>} : memref<80x128xf32, #tpu.memory_space<vmem>>, vector<1x16xf32>,
          %get3A_1321 = vector.shape_cast %get3A_1320 : vector<1x16xf32> to vector<16xf32>
          %get3A_1322 = arith.index_cast %add3A_1317 : i32 to index
          %get3A_1323 = arith.constant 16 : index
          %get3A_1324 = tpu.vector_load %arg16[%get3A_1322, %get3A_1323] {strides = array<i32>} : memref<80x128xf32, #tpu.memory_space<vmem>>, vector<1x16xf32>,
          %get3A_1325 = vector.shape_cast %get3A_1324 : vector<1x16xf32> to vector<16xf32>
          %get3A_1326 = arith.index_cast %add3A_1317 : i32 to index
          %get3A_1327 = arith.constant 32 : index
          %get3A_1328 = tpu.vector_load %arg16[%get3A_1326, %get3A_1327] {strides = array<i32>} : memref<80x128xf32, #tpu.memory_space<vmem>>, vector<1x16xf32>,
          %get3A_1329 = vector.shape_cast %get3A_1328 : vector<1x16xf32> to vector<16xf32>
          %get3A_1330 = arith.index_cast %add3A_1317 : i32 to index
          %get3A_1331 = arith.constant 48 : index
          %get3A_1332 = tpu.vector_load %arg16[%get3A_1330, %get3A_1331] {strides = array<i32>} : memref<80x128xf32, #tpu.memory_space<vmem>>, vector<1x16xf32>,
          %get3A_1333 = vector.shape_cast %get3A_1332 : vector<1x16xf32> to vector<16xf32>
          %get3A_1334 = arith.index_cast %add3A_1317 : i32 to index
          %get3A_1335 = arith.constant 64 : index
          %get3A_1336 = tpu.vector_load %arg16[%get3A_1334, %get3A_1335] {strides = array<i32>} : memref<80x128xf32, #tpu.memory_space<vmem>>, vector<1x16xf32>,
          %get3A_1337 = vector.shape_cast %get3A_1336 : vector<1x16xf32> to vector<16xf32>
          %get3A_1338 = arith.index_cast %add3A_1317 : i32 to index
          %get3A_1339 = arith.constant 80 : index
          %get3A_1340 = tpu.vector_load %arg16[%get3A_1338, %get3A_1339] {strides = array<i32>} : memref<80x128xf32, #tpu.memory_space<vmem>>, vector<1x16xf32>,
          %get3A_1341 = vector.shape_cast %get3A_1340 : vector<1x16xf32> to vector<16xf32>
          %get3A_1342 = arith.index_cast %add3A_1317 : i32 to index
          %get3A_1343 = arith.constant 96 : index
          %get3A_1344 = tpu.vector_load %arg16[%get3A_1342, %get3A_1343] {strides = array<i32>} : memref<80x128xf32, #tpu.memory_space<vmem>>, vector<1x16xf32>,
          %get3A_1345 = vector.shape_cast %get3A_1344 : vector<1x16xf32> to vector<16xf32>
          %get3A_1346 = arith.index_cast %add3A_1317 : i32 to index
          %get3A_1347 = arith.constant 112 : index
          %get3A_1348 = tpu.vector_load %arg16[%get3A_1346, %get3A_1347] {strides = array<i32>} : memref<80x128xf32, #tpu.memory_space<vmem>>, vector<1x16xf32>,
          %get3A_1349 = vector.shape_cast %get3A_1348 : vector<1x16xf32> to vector<16xf32>
          %get3A_1350 = arith.index_cast %add3A_1317 : i32 to index
          %get3A_1351 = arith.constant 0 : index
          %get3A_1352 = tpu.vector_load %arg17[%get3A_1350, %get3A_1351] {strides = array<i32>} : memref<80x128xf32, #tpu.memory_space<vmem>>, vector<1x16xf32>,
          %get3A_1353 = vector.shape_cast %get3A_1352 : vector<1x16xf32> to vector<16xf32>
          %add3A_1354 = arith.addf %get3A_1321, %get3A_1353 : vector<16xf32>
          %get3A_1355 = arith.index_cast %add3A_1317 : i32 to index
          %get3A_1356 = arith.constant 0 : index
          %get3A_1357 = tpu.vector_load %arg18[%get3A_1355, %get3A_1356] {strides = array<i32>} : memref<80x128xf32, #tpu.memory_space<vmem>>, vector<1x16xf32>,
          %get3A_1358 = vector.shape_cast %get3A_1357 : vector<1x16xf32> to vector<16xf32>
          %add3A_1359 = arith.addf %add3A_1354, %get3A_1358 : vector<16xf32>
          %mul3A_1360 = arith.constant 2.000000e-01 : f32
          %mul3A_1361 = vector.broadcast %mul3A_1360 : f32 to vector<16xf32>
          %mul3A_1362 = arith.mulf %mul3A_1361, %add3A_1359 : vector<16xf32>
          %max3A = arith.maximumf %add3A_1359, %mul3A_1362 : vector<16xf32>
          %mul3A_1363 = arith.mulf %max3A, %get3A_41 : vector<16xf32>
          %get3A_1364 = arith.index_cast %add3A_1317 : i32 to index
          %get3A_1365 = arith.constant 16 : index
          %get3A_1366 = tpu.vector_load %arg17[%get3A_1364, %get3A_1365] {strides = array<i32>} : memref<80x128xf32, #tpu.memory_space<vmem>>, vector<1x16xf32>,
          %get3A_1367 = vector.shape_cast %get3A_1366 : vector<1x16xf32> to vector<16xf32>
          %add3A_1368 = arith.addf %get3A_1325, %get3A_1367 : vector<16xf32>
          %get3A_1369 = arith.index_cast %add3A_1317 : i32 to index
          %get3A_1370 = arith.constant 16 : index
          %get3A_1371 = tpu.vector_load %arg18[%get3A_1369, %get3A_1370] {strides = array<i32>} : memref<80x128xf32, #tpu.memory_space<vmem>>, vector<1x16xf32>,
          %get3A_1372 = vector.shape_cast %get3A_1371 : vector<1x16xf32> to vector<16xf32>
          %add3A_1373 = arith.addf %add3A_1368, %get3A_1372 : vector<16xf32>
          %mul3A_1374 = arith.constant 2.000000e-01 : f32
          %mul3A_1375 = vector.broadcast %mul3A_1374 : f32 to vector<16xf32>
          %mul3A_1376 = arith.mulf %mul3A_1375, %add3A_1373 : vector<16xf32>
          %max3A_1377 = arith.maximumf %add3A_1373, %mul3A_1376 : vector<16xf32>
          %mul3A_1378 = arith.mulf %max3A_1377, %get3A_44 : vector<16xf32>
          %add3A_1379 = arith.addf %mul3A_1363, %mul3A_1378 : vector<16xf32>
          %get3A_1380 = arith.index_cast %add3A_1317 : i32 to index
          %get3A_1381 = arith.constant 32 : index
          %get3A_1382 = tpu.vector_load %arg17[%get3A_1380, %get3A_1381] {strides = array<i32>} : memref<80x128xf32, #tpu.memory_space<vmem>>, vector<1x16xf32>,
          %get3A_1383 = vector.shape_cast %get3A_1382 : vector<1x16xf32> to vector<16xf32>
          %add3A_1384 = arith.addf %get3A_1329, %get3A_1383 : vector<16xf32>
          %get3A_1385 = arith.index_cast %add3A_1317 : i32 to index
          %get3A_1386 = arith.constant 32 : index
          %get3A_1387 = tpu.vector_load %arg18[%get3A_1385, %get3A_1386] {strides = array<i32>} : memref<80x128xf32, #tpu.memory_space<vmem>>, vector<1x16xf32>,
          %get3A_1388 = vector.shape_cast %get3A_1387 : vector<1x16xf32> to vector<16xf32>
          %add3A_1389 = arith.addf %add3A_1384, %get3A_1388 : vector<16xf32>
          %mul3A_1390 = arith.constant 2.000000e-01 : f32
          %mul3A_1391 = vector.broadcast %mul3A_1390 : f32 to vector<16xf32>
          %mul3A_1392 = arith.mulf %mul3A_1391, %add3A_1389 : vector<16xf32>
          %max3A_1393 = arith.maximumf %add3A_1389, %mul3A_1392 : vector<16xf32>
          %mul3A_1394 = arith.mulf %max3A_1393, %get3A_47 : vector<16xf32>
          %add3A_1395 = arith.addf %add3A_1379, %mul3A_1394 : vector<16xf32>
          %get3A_1396 = arith.index_cast %add3A_1317 : i32 to index
          %get3A_1397 = arith.constant 48 : index
          %get3A_1398 = tpu.vector_load %arg17[%get3A_1396, %get3A_1397] {strides = array<i32>} : memref<80x128xf32, #tpu.memory_space<vmem>>, vector<1x16xf32>,
          %get3A_1399 = vector.shape_cast %get3A_1398 : vector<1x16xf32> to vector<16xf32>
          %add3A_1400 = arith.addf %get3A_1333, %get3A_1399 : vector<16xf32>
          %get3A_1401 = arith.index_cast %add3A_1317 : i32 to index
          %get3A_1402 = arith.constant 48 : index
          %get3A_1403 = tpu.vector_load %arg18[%get3A_1401, %get3A_1402] {strides = array<i32>} : memref<80x128xf32, #tpu.memory_space<vmem>>, vector<1x16xf32>,
          %get3A_1404 = vector.shape_cast %get3A_1403 : vector<1x16xf32> to vector<16xf32>
          %add3A_1405 = arith.addf %add3A_1400, %get3A_1404 : vector<16xf32>
          %mul3A_1406 = arith.constant 2.000000e-01 : f32
          %mul3A_1407 = vector.broadcast %mul3A_1406 : f32 to vector<16xf32>
          %mul3A_1408 = arith.mulf %mul3A_1407, %add3A_1405 : vector<16xf32>
          %max3A_1409 = arith.maximumf %add3A_1405, %mul3A_1408 : vector<16xf32>
          %mul3A_1410 = arith.mulf %max3A_1409, %get3A_50 : vector<16xf32>
          %add3A_1411 = arith.addf %add3A_1395, %mul3A_1410 : vector<16xf32>
          %get3A_1412 = arith.index_cast %add3A_1317 : i32 to index
          %get3A_1413 = arith.constant 64 : index
          %get3A_1414 = tpu.vector_load %arg17[%get3A_1412, %get3A_1413] {strides = array<i32>} : memref<80x128xf32, #tpu.memory_space<vmem>>, vector<1x16xf32>,
          %get3A_1415 = vector.shape_cast %get3A_1414 : vector<1x16xf32> to vector<16xf32>
          %add3A_1416 = arith.addf %get3A_1337, %get3A_1415 : vector<16xf32>
          %get3A_1417 = arith.index_cast %add3A_1317 : i32 to index
          %get3A_1418 = arith.constant 64 : index
          %get3A_1419 = tpu.vector_load %arg18[%get3A_1417, %get3A_1418] {strides = array<i32>} : memref<80x128xf32, #tpu.memory_space<vmem>>, vector<1x16xf32>,
          %get3A_1420 = vector.shape_cast %get3A_1419 : vector<1x16xf32> to vector<16xf32>
          %add3A_1421 = arith.addf %add3A_1416, %get3A_1420 : vector<16xf32>
          %mul3A_1422 = arith.constant 2.000000e-01 : f32
          %mul3A_1423 = vector.broadcast %mul3A_1422 : f32 to vector<16xf32>
          %mul3A_1424 = arith.mulf %mul3A_1423, %add3A_1421 : vector<16xf32>
          %max3A_1425 = arith.maximumf %add3A_1421, %mul3A_1424 : vector<16xf32>
          %mul3A_1426 = arith.mulf %max3A_1425, %get3A_53 : vector<16xf32>
          %get3A_1427 = arith.index_cast %add3A_1317 : i32 to index
          %get3A_1428 = arith.constant 80 : index
          %get3A_1429 = tpu.vector_load %arg17[%get3A_1427, %get3A_1428] {strides = array<i32>} : memref<80x128xf32, #tpu.memory_space<vmem>>, vector<1x16xf32>,
          %get3A_1430 = vector.shape_cast %get3A_1429 : vector<1x16xf32> to vector<16xf32>
          %add3A_1431 = arith.addf %get3A_1341, %get3A_1430 : vector<16xf32>
          %get3A_1432 = arith.index_cast %add3A_1317 : i32 to index
          %get3A_1433 = arith.constant 80 : index
          %get3A_1434 = tpu.vector_load %arg18[%get3A_1432, %get3A_1433] {strides = array<i32>} : memref<80x128xf32, #tpu.memory_space<vmem>>, vector<1x16xf32>,
          %get3A_1435 = vector.shape_cast %get3A_1434 : vector<1x16xf32> to vector<16xf32>
          %add3A_1436 = arith.addf %add3A_1431, %get3A_1435 : vector<16xf32>
          %mul3A_1437 = arith.constant 2.000000e-01 : f32
          %mul3A_1438 = vector.broadcast %mul3A_1437 : f32 to vector<16xf32>
          %mul3A_1439 = arith.mulf %mul3A_1438, %add3A_1436 : vector<16xf32>
          %max3A_1440 = arith.maximumf %add3A_1436, %mul3A_1439 : vector<16xf32>
          %mul3A_1441 = arith.mulf %max3A_1440, %get3A_56 : vector<16xf32>
          %add3A_1442 = arith.addf %mul3A_1426, %mul3A_1441 : vector<16xf32>
          %get3A_1443 = arith.index_cast %add3A_1317 : i32 to index
          %get3A_1444 = arith.constant 96 : index
          %get3A_1445 = tpu.vector_load %arg17[%get3A_1443, %get3A_1444] {strides = array<i32>} : memref<80x128xf32, #tpu.memory_space<vmem>>, vector<1x16xf32>,
          %get3A_1446 = vector.shape_cast %get3A_1445 : vector<1x16xf32> to vector<16xf32>
          %add3A_1447 = arith.addf %get3A_1345, %get3A_1446 : vector<16xf32>
          %get3A_1448 = arith.index_cast %add3A_1317 : i32 to index
          %get3A_1449 = arith.constant 96 : index
          %get3A_1450 = tpu.vector_load %arg18[%get3A_1448, %get3A_1449] {strides = array<i32>} : memref<80x128xf32, #tpu.memory_space<vmem>>, vector<1x16xf32>,
          %get3A_1451 = vector.shape_cast %get3A_1450 : vector<1x16xf32> to vector<16xf32>
          %add3A_1452 = arith.addf %add3A_1447, %get3A_1451 : vector<16xf32>
          %mul3A_1453 = arith.constant 2.000000e-01 : f32
          %mul3A_1454 = vector.broadcast %mul3A_1453 : f32 to vector<16xf32>
          %mul3A_1455 = arith.mulf %mul3A_1454, %add3A_1452 : vector<16xf32>
          %max3A_1456 = arith.maximumf %add3A_1452, %mul3A_1455 : vector<16xf32>
          %mul3A_1457 = arith.mulf %max3A_1456, %get3A_59 : vector<16xf32>
          %add3A_1458 = arith.addf %add3A_1442, %mul3A_1457 : vector<16xf32>
          %get3A_1459 = arith.index_cast %add3A_1317 : i32 to index
          %get3A_1460 = arith.constant 112 : index
          %get3A_1461 = tpu.vector_load %arg17[%get3A_1459, %get3A_1460] {strides = array<i32>} : memref<80x128xf32, #tpu.memory_space<vmem>>, vector<1x16xf32>,
          %get3A_1462 = vector.shape_cast %get3A_1461 : vector<1x16xf32> to vector<16xf32>
          %add3A_1463 = arith.addf %get3A_1349, %get3A_1462 : vector<16xf32>
          %get3A_1464 = arith.index_cast %add3A_1317 : i32 to index
          %get3A_1465 = arith.constant 112 : index
          %get3A_1466 = tpu.vector_load %arg18[%get3A_1464, %get3A_1465] {strides = array<i32>} : memref<80x128xf32, #tpu.memory_space<vmem>>, vector<1x16xf32>,
          %get3A_1467 = vector.shape_cast %get3A_1466 : vector<1x16xf32> to vector<16xf32>
          %add3A_1468 = arith.addf %add3A_1463, %get3A_1467 : vector<16xf32>
          %mul3A_1469 = arith.constant 2.000000e-01 : f32
          %mul3A_1470 = vector.broadcast %mul3A_1469 : f32 to vector<16xf32>
          %mul3A_1471 = arith.mulf %mul3A_1470, %add3A_1468 : vector<16xf32>
          %max3A_1472 = arith.maximumf %add3A_1468, %mul3A_1471 : vector<16xf32>
          %mul3A_1473 = arith.mulf %max3A_1472, %get3A_62 : vector<16xf32>
          %add3A_1474 = arith.addf %add3A_1458, %mul3A_1473 : vector<16xf32>
          %lt3A = arith.constant 0 : i32
          %lt3A_1475 = vector.broadcast %lt3A : i32 to vector<16xi32>
          %lt3A_1476 = arith.cmpi slt, %xor3A_64, %lt3A_1475 : vector<16xi32>
          %add3A_1477 = arith.constant 16 : i32
          %add3A_1478 = vector.broadcast %add3A_1477 : i32 to vector<16xi32>
          %add3A_1479 = arith.addi %xor3A_64, %add3A_1478 : vector<16xi32>
          %select_n3A = arith.select %lt3A_1476, %add3A_1479, %xor3A_64 : vector<16xi1>, vector<16xi32>
          %broadcast_in_dim3A_1480 = vector.shape_cast %select_n3A : vector<16xi32> to vector<16x1xi32>
          %gather3A = vector.shape_cast %broadcast_in_dim3A_1480 : vector<16x1xi32> to vector<16xi32>
          %gather3A_1481 = tpu.dynamic_gather %add3A_1411[%gather3A] in [0] : vector<16xf32>, vector<16xi32> -> vector<16xf32>
          %add3A_1482 = arith.addf %add3A_1411, %gather3A_1481 : vector<16xf32>
          %lt3A_1483 = arith.constant 0 : i32
          %lt3A_1484 = vector.broadcast %lt3A_1483 : i32 to vector<16xi32>
          %lt3A_1485 = arith.cmpi slt, %xor3A_67, %lt3A_1484 : vector<16xi32>
          %add3A_1486 = arith.constant 16 : i32
          %add3A_1487 = vector.broadcast %add3A_1486 : i32 to vector<16xi32>
          %add3A_1488 = arith.addi %xor3A_67, %add3A_1487 : vector<16xi32>
          %select_n3A_1489 = arith.select %lt3A_1485, %add3A_1488, %xor3A_67 : vector<16xi1>, vector<16xi32>
          %broadcast_in_dim3A_1490 = vector.shape_cast %select_n3A_1489 : vector<16xi32> to vector<16x1xi32>
          %gather3A_1491 = vector.shape_cast %broadcast_in_dim3A_1490 : vector<16x1xi32> to vector<16xi32>
          %gather3A_1492 = tpu.dynamic_gather %add3A_1482[%gather3A_1491] in [0] : vector<16xf32>, vector<16xi32> -> vector<16xf32>
          %add3A_1493 = arith.addf %add3A_1482, %gather3A_1492 : vector<16xf32>
          %lt3A_1494 = arith.constant 0 : i32
          %lt3A_1495 = vector.broadcast %lt3A_1494 : i32 to vector<16xi32>
          %lt3A_1496 = arith.cmpi slt, %xor3A_70, %lt3A_1495 : vector<16xi32>
          %add3A_1497 = arith.constant 16 : i32
          %add3A_1498 = vector.broadcast %add3A_1497 : i32 to vector<16xi32>
          %add3A_1499 = arith.addi %xor3A_70, %add3A_1498 : vector<16xi32>
          %select_n3A_1500 = arith.select %lt3A_1496, %add3A_1499, %xor3A_70 : vector<16xi1>, vector<16xi32>
          %broadcast_in_dim3A_1501 = vector.shape_cast %select_n3A_1500 : vector<16xi32> to vector<16x1xi32>
          %gather3A_1502 = vector.shape_cast %broadcast_in_dim3A_1501 : vector<16x1xi32> to vector<16xi32>
          %gather3A_1503 = tpu.dynamic_gather %add3A_1493[%gather3A_1502] in [0] : vector<16xf32>, vector<16xi32> -> vector<16xf32>
          %add3A_1504 = arith.addf %add3A_1493, %gather3A_1503 : vector<16xf32>
          %lt3A_1505 = arith.constant 0 : i32
          %lt3A_1506 = vector.broadcast %lt3A_1505 : i32 to vector<16xi32>
          %lt3A_1507 = arith.cmpi slt, %xor3A_73, %lt3A_1506 : vector<16xi32>
          %add3A_1508 = arith.constant 16 : i32
          %add3A_1509 = vector.broadcast %add3A_1508 : i32 to vector<16xi32>
          %add3A_1510 = arith.addi %xor3A_73, %add3A_1509 : vector<16xi32>
          %select_n3A_1511 = arith.select %lt3A_1507, %add3A_1510, %xor3A_73 : vector<16xi1>, vector<16xi32>
          %broadcast_in_dim3A_1512 = vector.shape_cast %select_n3A_1511 : vector<16xi32> to vector<16x1xi32>
          %gather3A_1513 = vector.shape_cast %broadcast_in_dim3A_1512 : vector<16x1xi32> to vector<16xi32>
          %gather3A_1514 = tpu.dynamic_gather %add3A_1504[%gather3A_1513] in [0] : vector<16xf32>, vector<16xi32> -> vector<16xf32>
          %add3A_1515 = arith.addf %add3A_1504, %gather3A_1514 : vector<16xf32>
          %exp3A = math.exp %add3A_1515 : vector<16xf32>
          %lt3A_1516 = arith.constant 0 : i32
          %lt3A_1517 = vector.broadcast %lt3A_1516 : i32 to vector<16xi32>
          %lt3A_1518 = arith.cmpi slt, %xor3A_64, %lt3A_1517 : vector<16xi32>
          %add3A_1519 = arith.constant 16 : i32
          %add3A_1520 = vector.broadcast %add3A_1519 : i32 to vector<16xi32>
          %add3A_1521 = arith.addi %xor3A_64, %add3A_1520 : vector<16xi32>
          %select_n3A_1522 = arith.select %lt3A_1518, %add3A_1521, %xor3A_64 : vector<16xi1>, vector<16xi32>
          %broadcast_in_dim3A_1523 = vector.shape_cast %select_n3A_1522 : vector<16xi32> to vector<16x1xi32>
          %gather3A_1524 = vector.shape_cast %broadcast_in_dim3A_1523 : vector<16x1xi32> to vector<16xi32>
          %gather3A_1525 = tpu.dynamic_gather %add3A_1474[%gather3A_1524] in [0] : vector<16xf32>, vector<16xi32> -> vector<16xf32>
          %add3A_1526 = arith.addf %add3A_1474, %gather3A_1525 : vector<16xf32>
          %lt3A_1527 = arith.constant 0 : i32
          %lt3A_1528 = vector.broadcast %lt3A_1527 : i32 to vector<16xi32>
          %lt3A_1529 = arith.cmpi slt, %xor3A_67, %lt3A_1528 : vector<16xi32>
          %add3A_1530 = arith.constant 16 : i32
          %add3A_1531 = vector.broadcast %add3A_1530 : i32 to vector<16xi32>
          %add3A_1532 = arith.addi %xor3A_67, %add3A_1531 : vector<16xi32>
          %select_n3A_1533 = arith.select %lt3A_1529, %add3A_1532, %xor3A_67 : vector<16xi1>, vector<16xi32>
          %broadcast_in_dim3A_1534 = vector.shape_cast %select_n3A_1533 : vector<16xi32> to vector<16x1xi32>
          %gather3A_1535 = vector.shape_cast %broadcast_in_dim3A_1534 : vector<16x1xi32> to vector<16xi32>
          %gather3A_1536 = tpu.dynamic_gather %add3A_1526[%gather3A_1535] in [0] : vector<16xf32>, vector<16xi32> -> vector<16xf32>
          %add3A_1537 = arith.addf %add3A_1526, %gather3A_1536 : vector<16xf32>
          %lt3A_1538 = arith.constant 0 : i32
          %lt3A_1539 = vector.broadcast %lt3A_1538 : i32 to vector<16xi32>
          %lt3A_1540 = arith.cmpi slt, %xor3A_70, %lt3A_1539 : vector<16xi32>
          %add3A_1541 = arith.constant 16 : i32
          %add3A_1542 = vector.broadcast %add3A_1541 : i32 to vector<16xi32>
          %add3A_1543 = arith.addi %xor3A_70, %add3A_1542 : vector<16xi32>
          %select_n3A_1544 = arith.select %lt3A_1540, %add3A_1543, %xor3A_70 : vector<16xi1>, vector<16xi32>
          %broadcast_in_dim3A_1545 = vector.shape_cast %select_n3A_1544 : vector<16xi32> to vector<16x1xi32>
          %gather3A_1546 = vector.shape_cast %broadcast_in_dim3A_1545 : vector<16x1xi32> to vector<16xi32>
          %gather3A_1547 = tpu.dynamic_gather %add3A_1537[%gather3A_1546] in [0] : vector<16xf32>, vector<16xi32> -> vector<16xf32>
          %add3A_1548 = arith.addf %add3A_1537, %gather3A_1547 : vector<16xf32>
          %lt3A_1549 = arith.constant 0 : i32
          %lt3A_1550 = vector.broadcast %lt3A_1549 : i32 to vector<16xi32>
          %lt3A_1551 = arith.cmpi slt, %xor3A_73, %lt3A_1550 : vector<16xi32>
          %add3A_1552 = arith.constant 16 : i32
          %add3A_1553 = vector.broadcast %add3A_1552 : i32 to vector<16xi32>
          %add3A_1554 = arith.addi %xor3A_73, %add3A_1553 : vector<16xi32>
          %select_n3A_1555 = arith.select %lt3A_1551, %add3A_1554, %xor3A_73 : vector<16xi1>, vector<16xi32>
          %broadcast_in_dim3A_1556 = vector.shape_cast %select_n3A_1555 : vector<16xi32> to vector<16x1xi32>
          %gather3A_1557 = vector.shape_cast %broadcast_in_dim3A_1556 : vector<16x1xi32> to vector<16xi32>
          %gather3A_1558 = tpu.dynamic_gather %add3A_1548[%gather3A_1557] in [0] : vector<16xf32>, vector<16xi32> -> vector<16xf32>
          %add3A_1559 = arith.addf %add3A_1548, %gather3A_1558 : vector<16xf32>
          %exp3A_1560 = math.exp %add3A_1559 : vector<16xf32>
          %mul3A_1561 = arith.mulf %exp3A, %get3A_1321 : vector<16xf32>
          %swap3A_1562 = arith.index_cast %add3A_1317 : i32 to index
          %swap3A_1563 = arith.constant 0 : index
          %swap3A_1564 = tpu.vector_load %arg16[%swap3A_1562, %swap3A_1563] {strides = array<i32>} : memref<80x128xf32, #tpu.memory_space<vmem>>, vector<1x16xf32>,
          %swap3A_1565 = vector.shape_cast %swap3A_1564 : vector<1x16xf32> to vector<16xf32>
          %swap3A_1566 = vector.shape_cast %mul3A_1561 : vector<16xf32> to vector<1x16xf32>
          tpu.vector_store %arg16[%swap3A_1562, %swap3A_1563], %swap3A_1566 {strides = array<i32>} : memref<80x128xf32, #tpu.memory_space<vmem>>, vector<1x16xf32>,
          %mul3A_1567 = arith.mulf %exp3A, %get3A_1325 : vector<16xf32>
          %swap3A_1568 = arith.index_cast %add3A_1317 : i32 to index
          %swap3A_1569 = arith.constant 16 : index
          %swap3A_1570 = tpu.vector_load %arg16[%swap3A_1568, %swap3A_1569] {strides = array<i32>} : memref<80x128xf32, #tpu.memory_space<vmem>>, vector<1x16xf32>,
          %swap3A_1571 = vector.shape_cast %swap3A_1570 : vector<1x16xf32> to vector<16xf32>
          %swap3A_1572 = vector.shape_cast %mul3A_1567 : vector<16xf32> to vector<1x16xf32>
          tpu.vector_store %arg16[%swap3A_1568, %swap3A_1569], %swap3A_1572 {strides = array<i32>} : memref<80x128xf32, #tpu.memory_space<vmem>>, vector<1x16xf32>,
          %mul3A_1573 = arith.mulf %exp3A, %get3A_1329 : vector<16xf32>
          %swap3A_1574 = arith.index_cast %add3A_1317 : i32 to index
          %swap3A_1575 = arith.constant 32 : index
          %swap3A_1576 = tpu.vector_load %arg16[%swap3A_1574, %swap3A_1575] {strides = array<i32>} : memref<80x128xf32, #tpu.memory_space<vmem>>, vector<1x16xf32>,
          %swap3A_1577 = vector.shape_cast %swap3A_1576 : vector<1x16xf32> to vector<16xf32>
          %swap3A_1578 = vector.shape_cast %mul3A_1573 : vector<16xf32> to vector<1x16xf32>
          tpu.vector_store %arg16[%swap3A_1574, %swap3A_1575], %swap3A_1578 {strides = array<i32>} : memref<80x128xf32, #tpu.memory_space<vmem>>, vector<1x16xf32>,
          %mul3A_1579 = arith.mulf %exp3A, %get3A_1333 : vector<16xf32>
          %swap3A_1580 = arith.index_cast %add3A_1317 : i32 to index
          %swap3A_1581 = arith.constant 48 : index
          %swap3A_1582 = tpu.vector_load %arg16[%swap3A_1580, %swap3A_1581] {strides = array<i32>} : memref<80x128xf32, #tpu.memory_space<vmem>>, vector<1x16xf32>,
          %swap3A_1583 = vector.shape_cast %swap3A_1582 : vector<1x16xf32> to vector<16xf32>
          %swap3A_1584 = vector.shape_cast %mul3A_1579 : vector<16xf32> to vector<1x16xf32>
          tpu.vector_store %arg16[%swap3A_1580, %swap3A_1581], %swap3A_1584 {strides = array<i32>} : memref<80x128xf32, #tpu.memory_space<vmem>>, vector<1x16xf32>,
          %mul3A_1585 = arith.mulf %exp3A_1560, %get3A_1337 : vector<16xf32>
          %swap3A_1586 = arith.index_cast %add3A_1317 : i32 to index
          %swap3A_1587 = arith.constant 64 : index
          %swap3A_1588 = tpu.vector_load %arg16[%swap3A_1586, %swap3A_1587] {strides = array<i32>} : memref<80x128xf32, #tpu.memory_space<vmem>>, vector<1x16xf32>,
          %swap3A_1589 = vector.shape_cast %swap3A_1588 : vector<1x16xf32> to vector<16xf32>
          %swap3A_1590 = vector.shape_cast %mul3A_1585 : vector<16xf32> to vector<1x16xf32>
          tpu.vector_store %arg16[%swap3A_1586, %swap3A_1587], %swap3A_1590 {strides = array<i32>} : memref<80x128xf32, #tpu.memory_space<vmem>>, vector<1x16xf32>,
          %mul3A_1591 = arith.mulf %exp3A_1560, %get3A_1341 : vector<16xf32>
          %swap3A_1592 = arith.index_cast %add3A_1317 : i32 to index
          %swap3A_1593 = arith.constant 80 : index
          %swap3A_1594 = tpu.vector_load %arg16[%swap3A_1592, %swap3A_1593] {strides = array<i32>} : memref<80x128xf32, #tpu.memory_space<vmem>>, vector<1x16xf32>,
          %swap3A_1595 = vector.shape_cast %swap3A_1594 : vector<1x16xf32> to vector<16xf32>
          %swap3A_1596 = vector.shape_cast %mul3A_1591 : vector<16xf32> to vector<1x16xf32>
          tpu.vector_store %arg16[%swap3A_1592, %swap3A_1593], %swap3A_1596 {strides = array<i32>} : memref<80x128xf32, #tpu.memory_space<vmem>>, vector<1x16xf32>,
          %mul3A_1597 = arith.mulf %exp3A_1560, %get3A_1345 : vector<16xf32>
          %swap3A_1598 = arith.index_cast %add3A_1317 : i32 to index
          %swap3A_1599 = arith.constant 96 : index
          %swap3A_1600 = tpu.vector_load %arg16[%swap3A_1598, %swap3A_1599] {strides = array<i32>} : memref<80x128xf32, #tpu.memory_space<vmem>>, vector<1x16xf32>,
          %swap3A_1601 = vector.shape_cast %swap3A_1600 : vector<1x16xf32> to vector<16xf32>
          %swap3A_1602 = vector.shape_cast %mul3A_1597 : vector<16xf32> to vector<1x16xf32>
          tpu.vector_store %arg16[%swap3A_1598, %swap3A_1599], %swap3A_1602 {strides = array<i32>} : memref<80x128xf32, #tpu.memory_space<vmem>>, vector<1x16xf32>,
          %mul3A_1603 = arith.mulf %exp3A_1560, %get3A_1349 : vector<16xf32>
          %swap3A_1604 = arith.index_cast %add3A_1317 : i32 to index
          %swap3A_1605 = arith.constant 112 : index
          %swap3A_1606 = tpu.vector_load %arg16[%swap3A_1604, %swap3A_1605] {strides = array<i32>} : memref<80x128xf32, #tpu.memory_space<vmem>>, vector<1x16xf32>,
          %swap3A_1607 = vector.shape_cast %swap3A_1606 : vector<1x16xf32> to vector<16xf32>
          %swap3A_1608 = vector.shape_cast %mul3A_1603 : vector<16xf32> to vector<1x16xf32>
          tpu.vector_store %arg16[%swap3A_1604, %swap3A_1605], %swap3A_1608 {strides = array<i32>} : memref<80x128xf32, #tpu.memory_space<vmem>>, vector<1x16xf32>,
          %add3A_1609 = vector.broadcast %scan3A_1314 : i32 to vector<16xi32>
          %add3A_1610 = arith.addi %mul3A_76, %add3A_1609 : vector<16xi32>
          %lt3A_1611 = arith.constant 0 : i32
          %lt3A_1612 = vector.broadcast %lt3A_1611 : i32 to vector<16xi32>
          %lt3A_1613 = arith.cmpi slt, %add3A_1610, %lt3A_1612 : vector<16xi32>
          %add3A_1614 = arith.constant 16 : i32
          %add3A_1615 = vector.broadcast %add3A_1614 : i32 to vector<16xi32>
          %add3A_1616 = arith.addi %add3A_1610, %add3A_1615 : vector<16xi32>
          %select_n3A_1617 = arith.select %lt3A_1613, %add3A_1616, %add3A_1610 : vector<16xi1>, vector<16xi32>
          %broadcast_in_dim3A_1618 = vector.shape_cast %select_n3A_1617 : vector<16xi32> to vector<16x1xi32>
          %gather3A_1619 = vector.shape_cast %broadcast_in_dim3A_1618 : vector<16x1xi32> to vector<16xi32>
          %gather3A_1620 = tpu.dynamic_gather %get3A_1308[%gather3A_1619] in [0] : vector<16xi32>, vector<16xi32> -> vector<16xi32>
          %and3A = arith.constant 15 : i32
          %and3A_1621 = vector.broadcast %and3A : i32 to vector<16xi32>
          %and3A_1622 = arith.andi %gather3A_1620, %and3A_1621 : vector<16xi32>
          %eq3A = arith.cmpi eq, %iota3A, %and3A_1622 : vector<16xi32>
          %jit3A = arith.constant 0.000000e+00 : f32
          %broadcast_in_dim3A_1623 = vector.broadcast %jit3A : f32 to vector<16xf32>
          %select_n3A_1624 = arith.select %eq3A, %exp3A, %broadcast_in_dim3A_1623 : vector<16xi1>, vector<16xf32>
          %swap3A_1625 = arith.index_cast %add3A_1317 : i32 to index
          %swap3A_1626 = arith.constant 0 : index
          %swap3A_1627 = tpu.vector_load %arg19[%swap3A_1625, %swap3A_1626] {strides = array<i32>} : memref<80x128xf32, #tpu.memory_space<vmem>>, vector<1x16xf32>,
          %swap3A_1628 = vector.shape_cast %swap3A_1627 : vector<1x16xf32> to vector<16xf32>
          %swap3A_1629 = vector.shape_cast %select_n3A_1624 : vector<16xf32> to vector<1x16xf32>
          tpu.vector_store %arg19[%swap3A_1625, %swap3A_1626], %swap3A_1629 {strides = array<i32>} : memref<80x128xf32, #tpu.memory_space<vmem>>, vector<1x16xf32>,
          %jit3A_1630 = arith.constant 0.000000e+00 : f32
          %broadcast_in_dim3A_1631 = vector.broadcast %jit3A_1630 : f32 to vector<16xf32>
          %select_n3A_1632 = arith.select %eq3A, %exp3A_1560, %broadcast_in_dim3A_1631 : vector<16xi1>, vector<16xf32>
          %swap3A_1633 = arith.index_cast %add3A_1317 : i32 to index
          %swap3A_1634 = arith.constant 16 : index
          %swap3A_1635 = tpu.vector_load %arg19[%swap3A_1633, %swap3A_1634] {strides = array<i32>} : memref<80x128xf32, #tpu.memory_space<vmem>>, vector<1x16xf32>,
          %swap3A_1636 = vector.shape_cast %swap3A_1635 : vector<1x16xf32> to vector<16xf32>
          %swap3A_1637 = vector.shape_cast %select_n3A_1632 : vector<16xf32> to vector<1x16xf32>
          tpu.vector_store %arg19[%swap3A_1633, %swap3A_1634], %swap3A_1637 {strides = array<i32>} : memref<80x128xf32, #tpu.memory_space<vmem>>, vector<1x16xf32>,
        }
        %scan3A_1313 = arith.constant 16 : i32
      }
      %scan3A_808 = arith.constant 5 : i32
      %dma_start3A_809 = arith.constant 0 : i32
      %dma_start3A_810 = arith.constant 0 : i32
      %dma_start3A_811 = tpu.memref_slice %arg15[%dma_start3A_809, %dma_start3A_810] : memref<2x80xi32, #tpu.memory_space<vmem>> -> memref<1x80xi32, #tpu.memory_space<vmem>>
      %dma_start3A_812 = tpu.memref_squeeze %dma_start3A_811 : memref<1x80xi32, #tpu.memory_space<vmem>> -> memref<80xi32, #tpu.memory_space<vmem>>
      %dma_start3A_813 = arith.constant 0 : i32
      %dma_start3A_814 = arith.constant 0 : i32
      %dma_start3A_815 = tpu.memref_slice %arg21[%dma_start3A_813, %dma_start3A_814] : memref<10240x128xf32, #tpu.memory_space<vmem_shared>> -> memref<10240x128xf32, #tpu.memory_space<vmem_shared>>
      tpu.enqueue_indirect_dma source(%arg16 : memref<80x128xf32, #tpu.memory_space<vmem>>) target(%dma_start3A_815 : memref<10240x128xf32, #tpu.memory_space<vmem_shared>>) offsets(%dma_start3A_812 : memref<80xi32, #tpu.memory_space<vmem>>) semaphore(%arg26 : memref<!tpu.dma_semaphore, #tpu.memory_space<semaphore_mem>>) {add = true}
      %dma_start3A_816 = arith.constant 0 : i32
      %dma_start3A_817 = arith.constant 0 : i32
      %dma_start3A_818 = tpu.memref_slice %arg14[%dma_start3A_816, %dma_start3A_817] : memref<2x80xi32, #tpu.memory_space<vmem>> -> memref<1x80xi32, #tpu.memory_space<vmem>>
      %dma_start3A_819 = tpu.memref_squeeze %dma_start3A_818 : memref<1x80xi32, #tpu.memory_space<vmem>> -> memref<80xi32, #tpu.memory_space<vmem>>
      %dma_start3A_820 = arith.constant 0 : i32
      %dma_start3A_821 = arith.constant 0 : i32
      %dma_start3A_822 = tpu.memref_slice %arg22[%dma_start3A_820, %dma_start3A_821] : memref<640x128xf32, #tpu.memory_space<vmem_shared>> -> memref<640x128xf32, #tpu.memory_space<vmem_shared>>
      tpu.enqueue_indirect_dma source(%arg19 : memref<80x128xf32, #tpu.memory_space<vmem>>) target(%dma_start3A_822 : memref<640x128xf32, #tpu.memory_space<vmem_shared>>) offsets(%dma_start3A_819 : memref<80xi32, #tpu.memory_space<vmem>>) semaphore(%arg27 : memref<!tpu.dma_semaphore, #tpu.memory_space<semaphore_mem>>) {add = true}
      %add3A_823 = arith.constant 240 : i32
      %add3A_824 = arith.addi %add3A_105, %add3A_823 : i32
      %get3A_825 = arith.constant 240 : index
      %get3A_826 = tpu.vector_load %arg10[%get3A_825] {strides = array<i32>} : memref<400xi32, #tpu.memory_space<vmem>>, vector<16xi32>,
      %get3A_827 = vector.shape_cast %get3A_826 : vector<16xi32> to vector<16xi32>
      %add3A_828 = vector.broadcast %mul3A_78 : i32 to vector<16xi32>
      %add3A_829 = arith.addi %get3A_827, %add3A_828 : vector<16xi32>
      %swap3A_830 = arith.constant 0 : index
      %swap3A_831 = tpu.vector_load %arg12[%swap3A_830] {strides = array<i32>} : memref<80xi32, #tpu.memory_space<vmem>>, vector<16xi32>,
      %swap3A_832 = vector.shape_cast %swap3A_831 : vector<16xi32> to vector<16xi32>
      %swap3A_833 = vector.shape_cast %add3A_829 : vector<16xi32> to vector<16xi32>
      tpu.vector_store %arg12[%swap3A_830], %swap3A_833 {strides = array<i32>} : memref<80xi32, #tpu.memory_space<vmem>>, vector<16xi32>,
      %get3A_834 = arith.constant 240 : index
      %get3A_835 = tpu.vector_load %arg11[%get3A_834] {strides = array<i32>} : memref<400xi32, #tpu.memory_space<vmem>>, vector<16xi32>,
      %get3A_836 = vector.shape_cast %get3A_835 : vector<16xi32> to vector<16xi32>
      %swap3A_837 = arith.constant 1 : i32
      %swap3A_838 = arith.constant 0 : i32
      %swap3A_839 = tpu.memref_slice %arg15[%swap3A_837, %swap3A_838] : memref<2x80xi32, #tpu.memory_space<vmem>> -> memref<1x80xi32, #tpu.memory_space<vmem>>
      %swap3A_840 = tpu.memref_squeeze %swap3A_839 : memref<1x80xi32, #tpu.memory_space<vmem>> -> memref<80xi32, #tpu.memory_space<vmem>>
      %swap3A_841 = arith.constant 0 : index
      %swap3A_842 = tpu.vector_load %swap3A_840[%swap3A_841] {strides = array<i32>} : memref<80xi32, #tpu.memory_space<vmem>>, vector<16xi32>,
      %swap3A_843 = vector.shape_cast %swap3A_842 : vector<16xi32> to vector<16xi32>
      %swap3A_844 = vector.shape_cast %get3A_836 : vector<16xi32> to vector<16xi32>
      tpu.vector_store %swap3A_840[%swap3A_841], %swap3A_844 {strides = array<i32>} : memref<80xi32, #tpu.memory_space<vmem>>, vector<16xi32>,
      %add3A_845 = vector.broadcast %mul3A_78 : i32 to vector<16xi32>
      %add3A_846 = arith.addi %get3A_836, %add3A_845 : vector<16xi32>
      %swap3A_847 = arith.constant 0 : index
      %swap3A_848 = tpu.vector_load %arg13[%swap3A_847] {strides = array<i32>} : memref<80xi32, #tpu.memory_space<vmem>>, vector<16xi32>,
      %swap3A_849 = vector.shape_cast %swap3A_848 : vector<16xi32> to vector<16xi32>
      %swap3A_850 = vector.shape_cast %add3A_846 : vector<16xi32> to vector<16xi32>
      tpu.vector_store %arg13[%swap3A_847], %swap3A_850 {strides = array<i32>} : memref<80xi32, #tpu.memory_space<vmem>>, vector<16xi32>,
      %shift_right_logical3A_851 = arith.constant 4 : i32
      %shift_right_logical3A_852 = vector.broadcast %shift_right_logical3A_851 : i32 to vector<16xi32>
      %shift_right_logical3A_853 = arith.shrui %get3A_836, %shift_right_logical3A_852 : vector<16xi32>
      %swap3A_854 = arith.constant 1 : i32
      %swap3A_855 = arith.constant 0 : i32
      %swap3A_856 = tpu.memref_slice %arg14[%swap3A_854, %swap3A_855] : memref<2x80xi32, #tpu.memory_space<vmem>> -> memref<1x80xi32, #tpu.memory_space<vmem>>
      %swap3A_857 = tpu.memref_squeeze %swap3A_856 : memref<1x80xi32, #tpu.memory_space<vmem>> -> memref<80xi32, #tpu.memory_space<vmem>>
      %swap3A_858 = arith.constant 0 : index
      %swap3A_859 = tpu.vector_load %swap3A_857[%swap3A_858] {strides = array<i32>} : memref<80xi32, #tpu.memory_space<vmem>>, vector<16xi32>,
      %swap3A_860 = vector.shape_cast %swap3A_859 : vector<16xi32> to vector<16xi32>
      %swap3A_861 = vector.shape_cast %shift_right_logical3A_853 : vector<16xi32> to vector<16xi32>
      tpu.vector_store %swap3A_857[%swap3A_858], %swap3A_861 {strides = array<i32>} : memref<80xi32, #tpu.memory_space<vmem>>, vector<16xi32>,
      %get3A_862 = arith.constant 256 : index
      %get3A_863 = tpu.vector_load %arg10[%get3A_862] {strides = array<i32>} : memref<400xi32, #tpu.memory_space<vmem>>, vector<16xi32>,
      %get3A_864 = vector.shape_cast %get3A_863 : vector<16xi32> to vector<16xi32>
      %add3A_865 = vector.broadcast %mul3A_78 : i32 to vector<16xi32>
      %add3A_866 = arith.addi %get3A_864, %add3A_865 : vector<16xi32>
      %swap3A_867 = arith.constant 16 : index
      %swap3A_868 = tpu.vector_load %arg12[%swap3A_867] {strides = array<i32>} : memref<80xi32, #tpu.memory_space<vmem>>, vector<16xi32>,
      %swap3A_869 = vector.shape_cast %swap3A_868 : vector<16xi32> to vector<16xi32>
      %swap3A_870 = vector.shape_cast %add3A_866 : vector<16xi32> to vector<16xi32>
      tpu.vector_store %arg12[%swap3A_867], %swap3A_870 {strides = array<i32>} : memref<80xi32, #tpu.memory_space<vmem>>, vector<16xi32>,
      %get3A_871 = arith.constant 256 : index
      %get3A_872 = tpu.vector_load %arg11[%get3A_871] {strides = array<i32>} : memref<400xi32, #tpu.memory_space<vmem>>, vector<16xi32>,
      %get3A_873 = vector.shape_cast %get3A_872 : vector<16xi32> to vector<16xi32>
      %swap3A_874 = arith.constant 1 : i32
      %swap3A_875 = arith.constant 0 : i32
      %swap3A_876 = tpu.memref_slice %arg15[%swap3A_874, %swap3A_875] : memref<2x80xi32, #tpu.memory_space<vmem>> -> memref<1x80xi32, #tpu.memory_space<vmem>>
      %swap3A_877 = tpu.memref_squeeze %swap3A_876 : memref<1x80xi32, #tpu.memory_space<vmem>> -> memref<80xi32, #tpu.memory_space<vmem>>
      %swap3A_878 = arith.constant 16 : index
      %swap3A_879 = tpu.vector_load %swap3A_877[%swap3A_878] {strides = array<i32>} : memref<80xi32, #tpu.memory_space<vmem>>, vector<16xi32>,
      %swap3A_880 = vector.shape_cast %swap3A_879 : vector<16xi32> to vector<16xi32>
      %swap3A_881 = vector.shape_cast %get3A_873 : vector<16xi32> to vector<16xi32>
      tpu.vector_store %swap3A_877[%swap3A_878], %swap3A_881 {strides = array<i32>} : memref<80xi32, #tpu.memory_space<vmem>>, vector<16xi32>,
      %add3A_882 = vector.broadcast %mul3A_78 : i32 to vector<16xi32>
      %add3A_883 = arith.addi %get3A_873, %add3A_882 : vector<16xi32>
      %swap3A_884 = arith.constant 16 : index
      %swap3A_885 = tpu.vector_load %arg13[%swap3A_884] {strides = array<i32>} : memref<80xi32, #tpu.memory_space<vmem>>, vector<16xi32>,
      %swap3A_886 = vector.shape_cast %swap3A_885 : vector<16xi32> to vector<16xi32>
      %swap3A_887 = vector.shape_cast %add3A_883 : vector<16xi32> to vector<16xi32>
      tpu.vector_store %arg13[%swap3A_884], %swap3A_887 {strides = array<i32>} : memref<80xi32, #tpu.memory_space<vmem>>, vector<16xi32>,
      %shift_right_logical3A_888 = arith.constant 4 : i32
      %shift_right_logical3A_889 = vector.broadcast %shift_right_logical3A_888 : i32 to vector<16xi32>
      %shift_right_logical3A_890 = arith.shrui %get3A_873, %shift_right_logical3A_889 : vector<16xi32>
      %swap3A_891 = arith.constant 1 : i32
      %swap3A_892 = arith.constant 0 : i32
      %swap3A_893 = tpu.memref_slice %arg14[%swap3A_891, %swap3A_892] : memref<2x80xi32, #tpu.memory_space<vmem>> -> memref<1x80xi32, #tpu.memory_space<vmem>>
      %swap3A_894 = tpu.memref_squeeze %swap3A_893 : memref<1x80xi32, #tpu.memory_space<vmem>> -> memref<80xi32, #tpu.memory_space<vmem>>
      %swap3A_895 = arith.constant 16 : index
      %swap3A_896 = tpu.vector_load %swap3A_894[%swap3A_895] {strides = array<i32>} : memref<80xi32, #tpu.memory_space<vmem>>, vector<16xi32>,
      %swap3A_897 = vector.shape_cast %swap3A_896 : vector<16xi32> to vector<16xi32>
      %swap3A_898 = vector.shape_cast %shift_right_logical3A_890 : vector<16xi32> to vector<16xi32>
      tpu.vector_store %swap3A_894[%swap3A_895], %swap3A_898 {strides = array<i32>} : memref<80xi32, #tpu.memory_space<vmem>>, vector<16xi32>,
      %get3A_899 = arith.constant 272 : index
      %get3A_900 = tpu.vector_load %arg10[%get3A_899] {strides = array<i32>} : memref<400xi32, #tpu.memory_space<vmem>>, vector<16xi32>,
      %get3A_901 = vector.shape_cast %get3A_900 : vector<16xi32> to vector<16xi32>
      %add3A_902 = vector.broadcast %mul3A_78 : i32 to vector<16xi32>
      %add3A_903 = arith.addi %get3A_901, %add3A_902 : vector<16xi32>
      %swap3A_904 = arith.constant 32 : index
      %swap3A_905 = tpu.vector_load %arg12[%swap3A_904] {strides = array<i32>} : memref<80xi32, #tpu.memory_space<vmem>>, vector<16xi32>,
      %swap3A_906 = vector.shape_cast %swap3A_905 : vector<16xi32> to vector<16xi32>
      %swap3A_907 = vector.shape_cast %add3A_903 : vector<16xi32> to vector<16xi32>
      tpu.vector_store %arg12[%swap3A_904], %swap3A_907 {strides = array<i32>} : memref<80xi32, #tpu.memory_space<vmem>>, vector<16xi32>,
      %get3A_908 = arith.constant 272 : index
      %get3A_909 = tpu.vector_load %arg11[%get3A_908] {strides = array<i32>} : memref<400xi32, #tpu.memory_space<vmem>>, vector<16xi32>,
      %get3A_910 = vector.shape_cast %get3A_909 : vector<16xi32> to vector<16xi32>
      %swap3A_911 = arith.constant 1 : i32
      %swap3A_912 = arith.constant 0 : i32
      %swap3A_913 = tpu.memref_slice %arg15[%swap3A_911, %swap3A_912] : memref<2x80xi32, #tpu.memory_space<vmem>> -> memref<1x80xi32, #tpu.memory_space<vmem>>
      %swap3A_914 = tpu.memref_squeeze %swap3A_913 : memref<1x80xi32, #tpu.memory_space<vmem>> -> memref<80xi32, #tpu.memory_space<vmem>>
      %swap3A_915 = arith.constant 32 : index
      %swap3A_916 = tpu.vector_load %swap3A_914[%swap3A_915] {strides = array<i32>} : memref<80xi32, #tpu.memory_space<vmem>>, vector<16xi32>,
      %swap3A_917 = vector.shape_cast %swap3A_916 : vector<16xi32> to vector<16xi32>
      %swap3A_918 = vector.shape_cast %get3A_910 : vector<16xi32> to vector<16xi32>
      tpu.vector_store %swap3A_914[%swap3A_915], %swap3A_918 {strides = array<i32>} : memref<80xi32, #tpu.memory_space<vmem>>, vector<16xi32>,
      %add3A_919 = vector.broadcast %mul3A_78 : i32 to vector<16xi32>
      %add3A_920 = arith.addi %get3A_910, %add3A_919 : vector<16xi32>
      %swap3A_921 = arith.constant 32 : index
      %swap3A_922 = tpu.vector_load %arg13[%swap3A_921] {strides = array<i32>} : memref<80xi32, #tpu.memory_space<vmem>>, vector<16xi32>,
      %swap3A_923 = vector.shape_cast %swap3A_922 : vector<16xi32> to vector<16xi32>
      %swap3A_924 = vector.shape_cast %add3A_920 : vector<16xi32> to vector<16xi32>
      tpu.vector_store %arg13[%swap3A_921], %swap3A_924 {strides = array<i32>} : memref<80xi32, #tpu.memory_space<vmem>>, vector<16xi32>,
      %shift_right_logical3A_925 = arith.constant 4 : i32
      %shift_right_logical3A_926 = vector.broadcast %shift_right_logical3A_925 : i32 to vector<16xi32>
      %shift_right_logical3A_927 = arith.shrui %get3A_910, %shift_right_logical3A_926 : vector<16xi32>
      %swap3A_928 = arith.constant 1 : i32
      %swap3A_929 = arith.constant 0 : i32
      %swap3A_930 = tpu.memref_slice %arg14[%swap3A_928, %swap3A_929] : memref<2x80xi32, #tpu.memory_space<vmem>> -> memref<1x80xi32, #tpu.memory_space<vmem>>
      %swap3A_931 = tpu.memref_squeeze %swap3A_930 : memref<1x80xi32, #tpu.memory_space<vmem>> -> memref<80xi32, #tpu.memory_space<vmem>>
      %swap3A_932 = arith.constant 32 : index
      %swap3A_933 = tpu.vector_load %swap3A_931[%swap3A_932] {strides = array<i32>} : memref<80xi32, #tpu.memory_space<vmem>>, vector<16xi32>,
      %swap3A_934 = vector.shape_cast %swap3A_933 : vector<16xi32> to vector<16xi32>
      %swap3A_935 = vector.shape_cast %shift_right_logical3A_927 : vector<16xi32> to vector<16xi32>
      tpu.vector_store %swap3A_931[%swap3A_932], %swap3A_935 {strides = array<i32>} : memref<80xi32, #tpu.memory_space<vmem>>, vector<16xi32>,
      %get3A_936 = arith.constant 288 : index
      %get3A_937 = tpu.vector_load %arg10[%get3A_936] {strides = array<i32>} : memref<400xi32, #tpu.memory_space<vmem>>, vector<16xi32>,
      %get3A_938 = vector.shape_cast %get3A_937 : vector<16xi32> to vector<16xi32>
      %add3A_939 = vector.broadcast %mul3A_78 : i32 to vector<16xi32>
      %add3A_940 = arith.addi %get3A_938, %add3A_939 : vector<16xi32>
      %swap3A_941 = arith.constant 48 : index
      %swap3A_942 = tpu.vector_load %arg12[%swap3A_941] {strides = array<i32>} : memref<80xi32, #tpu.memory_space<vmem>>, vector<16xi32>,
      %swap3A_943 = vector.shape_cast %swap3A_942 : vector<16xi32> to vector<16xi32>
      %swap3A_944 = vector.shape_cast %add3A_940 : vector<16xi32> to vector<16xi32>
      tpu.vector_store %arg12[%swap3A_941], %swap3A_944 {strides = array<i32>} : memref<80xi32, #tpu.memory_space<vmem>>, vector<16xi32>,
      %get3A_945 = arith.constant 288 : index
      %get3A_946 = tpu.vector_load %arg11[%get3A_945] {strides = array<i32>} : memref<400xi32, #tpu.memory_space<vmem>>, vector<16xi32>,
      %get3A_947 = vector.shape_cast %get3A_946 : vector<16xi32> to vector<16xi32>
      %swap3A_948 = arith.constant 1 : i32
      %swap3A_949 = arith.constant 0 : i32
      %swap3A_950 = tpu.memref_slice %arg15[%swap3A_948, %swap3A_949] : memref<2x80xi32, #tpu.memory_space<vmem>> -> memref<1x80xi32, #tpu.memory_space<vmem>>
      %swap3A_951 = tpu.memref_squeeze %swap3A_950 : memref<1x80xi32, #tpu.memory_space<vmem>> -> memref<80xi32, #tpu.memory_space<vmem>>
      %swap3A_952 = arith.constant 48 : index
      %swap3A_953 = tpu.vector_load %swap3A_951[%swap3A_952] {strides = array<i32>} : memref<80xi32, #tpu.memory_space<vmem>>, vector<16xi32>,
      %swap3A_954 = vector.shape_cast %swap3A_953 : vector<16xi32> to vector<16xi32>
      %swap3A_955 = vector.shape_cast %get3A_947 : vector<16xi32> to vector<16xi32>
      tpu.vector_store %swap3A_951[%swap3A_952], %swap3A_955 {strides = array<i32>} : memref<80xi32, #tpu.memory_space<vmem>>, vector<16xi32>,
      %add3A_956 = vector.broadcast %mul3A_78 : i32 to vector<16xi32>
      %add3A_957 = arith.addi %get3A_947, %add3A_956 : vector<16xi32>
      %swap3A_958 = arith.constant 48 : index
      %swap3A_959 = tpu.vector_load %arg13[%swap3A_958] {strides = array<i32>} : memref<80xi32, #tpu.memory_space<vmem>>, vector<16xi32>,
      %swap3A_960 = vector.shape_cast %swap3A_959 : vector<16xi32> to vector<16xi32>
      %swap3A_961 = vector.shape_cast %add3A_957 : vector<16xi32> to vector<16xi32>
      tpu.vector_store %arg13[%swap3A_958], %swap3A_961 {strides = array<i32>} : memref<80xi32, #tpu.memory_space<vmem>>, vector<16xi32>,
      %shift_right_logical3A_962 = arith.constant 4 : i32
      %shift_right_logical3A_963 = vector.broadcast %shift_right_logical3A_962 : i32 to vector<16xi32>
      %shift_right_logical3A_964 = arith.shrui %get3A_947, %shift_right_logical3A_963 : vector<16xi32>
      %swap3A_965 = arith.constant 1 : i32
      %swap3A_966 = arith.constant 0 : i32
      %swap3A_967 = tpu.memref_slice %arg14[%swap3A_965, %swap3A_966] : memref<2x80xi32, #tpu.memory_space<vmem>> -> memref<1x80xi32, #tpu.memory_space<vmem>>
      %swap3A_968 = tpu.memref_squeeze %swap3A_967 : memref<1x80xi32, #tpu.memory_space<vmem>> -> memref<80xi32, #tpu.memory_space<vmem>>
      %swap3A_969 = arith.constant 48 : index
      %swap3A_970 = tpu.vector_load %swap3A_968[%swap3A_969] {strides = array<i32>} : memref<80xi32, #tpu.memory_space<vmem>>, vector<16xi32>,
      %swap3A_971 = vector.shape_cast %swap3A_970 : vector<16xi32> to vector<16xi32>
      %swap3A_972 = vector.shape_cast %shift_right_logical3A_964 : vector<16xi32> to vector<16xi32>
      tpu.vector_store %swap3A_968[%swap3A_969], %swap3A_972 {strides = array<i32>} : memref<80xi32, #tpu.memory_space<vmem>>, vector<16xi32>,
      %get3A_973 = arith.constant 304 : index
      %get3A_974 = tpu.vector_load %arg10[%get3A_973] {strides = array<i32>} : memref<400xi32, #tpu.memory_space<vmem>>, vector<16xi32>,
      %get3A_975 = vector.shape_cast %get3A_974 : vector<16xi32> to vector<16xi32>
      %add3A_976 = vector.broadcast %mul3A_78 : i32 to vector<16xi32>
      %add3A_977 = arith.addi %get3A_975, %add3A_976 : vector<16xi32>
      %swap3A_978 = arith.constant 64 : index
      %swap3A_979 = tpu.vector_load %arg12[%swap3A_978] {strides = array<i32>} : memref<80xi32, #tpu.memory_space<vmem>>, vector<16xi32>,
      %swap3A_980 = vector.shape_cast %swap3A_979 : vector<16xi32> to vector<16xi32>
      %swap3A_981 = vector.shape_cast %add3A_977 : vector<16xi32> to vector<16xi32>
      tpu.vector_store %arg12[%swap3A_978], %swap3A_981 {strides = array<i32>} : memref<80xi32, #tpu.memory_space<vmem>>, vector<16xi32>,
      %get3A_982 = arith.constant 304 : index
      %get3A_983 = tpu.vector_load %arg11[%get3A_982] {strides = array<i32>} : memref<400xi32, #tpu.memory_space<vmem>>, vector<16xi32>,
      %get3A_984 = vector.shape_cast %get3A_983 : vector<16xi32> to vector<16xi32>
      %swap3A_985 = arith.constant 1 : i32
      %swap3A_986 = arith.constant 0 : i32
      %swap3A_987 = tpu.memref_slice %arg15[%swap3A_985, %swap3A_986] : memref<2x80xi32, #tpu.memory_space<vmem>> -> memref<1x80xi32, #tpu.memory_space<vmem>>
      %swap3A_988 = tpu.memref_squeeze %swap3A_987 : memref<1x80xi32, #tpu.memory_space<vmem>> -> memref<80xi32, #tpu.memory_space<vmem>>
      %swap3A_989 = arith.constant 64 : index
      %swap3A_990 = tpu.vector_load %swap3A_988[%swap3A_989] {strides = array<i32>} : memref<80xi32, #tpu.memory_space<vmem>>, vector<16xi32>,
      %swap3A_991 = vector.shape_cast %swap3A_990 : vector<16xi32> to vector<16xi32>
      %swap3A_992 = vector.shape_cast %get3A_984 : vector<16xi32> to vector<16xi32>
      tpu.vector_store %swap3A_988[%swap3A_989], %swap3A_992 {strides = array<i32>} : memref<80xi32, #tpu.memory_space<vmem>>, vector<16xi32>,
      %add3A_993 = vector.broadcast %mul3A_78 : i32 to vector<16xi32>
      %add3A_994 = arith.addi %get3A_984, %add3A_993 : vector<16xi32>
      %swap3A_995 = arith.constant 64 : index
      %swap3A_996 = tpu.vector_load %arg13[%swap3A_995] {strides = array<i32>} : memref<80xi32, #tpu.memory_space<vmem>>, vector<16xi32>,
      %swap3A_997 = vector.shape_cast %swap3A_996 : vector<16xi32> to vector<16xi32>
      %swap3A_998 = vector.shape_cast %add3A_994 : vector<16xi32> to vector<16xi32>
      tpu.vector_store %arg13[%swap3A_995], %swap3A_998 {strides = array<i32>} : memref<80xi32, #tpu.memory_space<vmem>>, vector<16xi32>,
      %shift_right_logical3A_999 = arith.constant 4 : i32
      %shift_right_logical3A_1000 = vector.broadcast %shift_right_logical3A_999 : i32 to vector<16xi32>
      %shift_right_logical3A_1001 = arith.shrui %get3A_984, %shift_right_logical3A_1000 : vector<16xi32>
      %swap3A_1002 = arith.constant 1 : i32
      %swap3A_1003 = arith.constant 0 : i32
      %swap3A_1004 = tpu.memref_slice %arg14[%swap3A_1002, %swap3A_1003] : memref<2x80xi32, #tpu.memory_space<vmem>> -> memref<1x80xi32, #tpu.memory_space<vmem>>
      %swap3A_1005 = tpu.memref_squeeze %swap3A_1004 : memref<1x80xi32, #tpu.memory_space<vmem>> -> memref<80xi32, #tpu.memory_space<vmem>>
      %swap3A_1006 = arith.constant 64 : index
      %swap3A_1007 = tpu.vector_load %swap3A_1005[%swap3A_1006] {strides = array<i32>} : memref<80xi32, #tpu.memory_space<vmem>>, vector<16xi32>,
      %swap3A_1008 = vector.shape_cast %swap3A_1007 : vector<16xi32> to vector<16xi32>
      %swap3A_1009 = vector.shape_cast %shift_right_logical3A_1001 : vector<16xi32> to vector<16xi32>
      tpu.vector_store %swap3A_1005[%swap3A_1006], %swap3A_1009 {strides = array<i32>} : memref<80xi32, #tpu.memory_space<vmem>>, vector<16xi32>,
      %dma_start3A_1010 = arith.constant 0 : i32
      %dma_start3A_1011 = arith.constant 0 : i32
      %dma_start3A_1012 = tpu.memref_slice %arg6[%dma_start3A_1010, %dma_start3A_1011] : memref<20000x128xf32, #tpu.memory_space<hbm>> -> memref<20000x128xf32, #tpu.memory_space<hbm>>
      tpu.enqueue_indirect_dma source(%dma_start3A_1012 : memref<20000x128xf32, #tpu.memory_space<hbm>>) target(%arg17 : memref<80x128xf32, #tpu.memory_space<vmem>>) offsets(%arg13 : memref<80xi32, #tpu.memory_space<vmem>>) semaphore(%arg24 : memref<!tpu.dma_semaphore, #tpu.memory_space<semaphore_mem>>)
      %mul3A_1013 = arith.constant 160000 : i32
      %mul3A_1014 = arith.muli %arg0, %mul3A_1013 : i32
      %add3A_1015 = arith.addi %mul3A_1014, %add3A_824 : i32
      %dma_start3A_1016 = arith.constant 0 : i32
      %dma_start3A_1017 = tpu.memref_slice %arg4[%add3A_1015, %dma_start3A_1016] : memref<320000x128xf32, #tpu.memory_space<hbm>> -> memref<80x128xf32, #tpu.memory_space<hbm>>
      %dma_start3A_1018 = arith.constant 0 : i32
      %dma_start3A_1019 = tpu.memref_slice %arg4[%add3A_1015, %dma_start3A_1018] : memref<320000x128xf32, #tpu.memory_space<hbm>> -> memref<80x128xf32, #tpu.memory_space<hbm>>
      tpu.enqueue_dma source(%dma_start3A_1019 : memref<80x128xf32, #tpu.memory_space<hbm>>) target(%arg18 : memref<80x128xf32, #tpu.memory_space<vmem>>) target_semaphore(%arg25 : memref<!tpu.dma_semaphore, #tpu.memory_space<semaphore_mem>>)
      %dma_wait3A_1020 = arith.constant 0 : i32
      %dma_wait3A_1021 = arith.constant 0 : i32
      %dma_wait3A_1022 = tpu.memref_slice %arg15[%dma_wait3A_1020, %dma_wait3A_1021] : memref<2x80xi32, #tpu.memory_space<vmem>> -> memref<1x80xi32, #tpu.memory_space<vmem>>
      %dma_wait3A_1023 = tpu.memref_squeeze %dma_wait3A_1022 : memref<1x80xi32, #tpu.memory_space<vmem>> -> memref<80xi32, #tpu.memory_space<vmem>>
      %dma_wait3A_1024 = arith.constant 0 : i32
      %dma_wait3A_1025 = arith.constant 0 : i32
      %dma_wait3A_1026 = tpu.memref_slice %arg21[%dma_wait3A_1024, %dma_wait3A_1025] : memref<10240x128xf32, #tpu.memory_space<vmem_shared>> -> memref<10240x128xf32, #tpu.memory_space<vmem_shared>>
      tpu.wait_indirect_dma semaphore(%arg26 : memref<!tpu.dma_semaphore, #tpu.memory_space<semaphore_mem>>) src(%arg16 : memref<80x128xf32, #tpu.memory_space<vmem>>) dst(%dma_wait3A_1026 : memref<10240x128xf32, #tpu.memory_space<vmem_shared>>)
      %dma_wait3A_1027 = arith.constant 0 : i32
      %dma_wait3A_1028 = arith.constant 0 : i32
      %dma_wait3A_1029 = tpu.memref_slice %arg14[%dma_wait3A_1027, %dma_wait3A_1028] : memref<2x80xi32, #tpu.memory_space<vmem>> -> memref<1x80xi32, #tpu.memory_space<vmem>>
      %dma_wait3A_1030 = tpu.memref_squeeze %dma_wait3A_1029 : memref<1x80xi32, #tpu.memory_space<vmem>> -> memref<80xi32, #tpu.memory_space<vmem>>
      %dma_wait3A_1031 = arith.constant 0 : i32
      %dma_wait3A_1032 = arith.constant 0 : i32
      %dma_wait3A_1033 = tpu.memref_slice %arg22[%dma_wait3A_1031, %dma_wait3A_1032] : memref<640x128xf32, #tpu.memory_space<vmem_shared>> -> memref<640x128xf32, #tpu.memory_space<vmem_shared>>
      tpu.wait_indirect_dma semaphore(%arg27 : memref<!tpu.dma_semaphore, #tpu.memory_space<semaphore_mem>>) src(%arg19 : memref<80x128xf32, #tpu.memory_space<vmem>>) dst(%dma_wait3A_1033 : memref<640x128xf32, #tpu.memory_space<vmem_shared>>)
      %dma_start3A_1034 = arith.constant 0 : i32
      %dma_start3A_1035 = arith.constant 0 : i32
      %dma_start3A_1036 = tpu.memref_slice %arg5[%dma_start3A_1034, %dma_start3A_1035] : memref<20000x128xf32, #tpu.memory_space<hbm>> -> memref<20000x128xf32, #tpu.memory_space<hbm>>
      tpu.enqueue_indirect_dma source(%dma_start3A_1036 : memref<20000x128xf32, #tpu.memory_space<hbm>>) target(%arg16 : memref<80x128xf32, #tpu.memory_space<vmem>>) offsets(%arg12 : memref<80xi32, #tpu.memory_space<vmem>>) semaphore(%arg23 : memref<!tpu.dma_semaphore, #tpu.memory_space<semaphore_mem>>)
      %dma_wait3A_1037 = arith.constant 0 : i32
      %dma_wait3A_1038 = tpu.memref_slice %arg4[%add3A_1015, %dma_wait3A_1037] : memref<320000x128xf32, #tpu.memory_space<hbm>> -> memref<80x128xf32, #tpu.memory_space<hbm>>
      %dma_wait3A_1039 = arith.constant 0 : i32
      %dma_wait3A_1040 = tpu.memref_slice %arg4[%add3A_1015, %dma_wait3A_1039] : memref<320000x128xf32, #tpu.memory_space<hbm>> -> memref<80x128xf32, #tpu.memory_space<hbm>>
      tpu.wait_dma2 semaphore(%arg25 : memref<!tpu.dma_semaphore, #tpu.memory_space<semaphore_mem>>) src(%dma_wait3A_1040 : memref<80x128xf32, #tpu.memory_space<hbm>>) dst(%arg18 : memref<80x128xf32, #tpu.memory_space<vmem>>)
      %dma_wait3A_1041 = arith.constant 0 : i32
      %dma_wait3A_1042 = arith.constant 0 : i32
      %dma_wait3A_1043 = tpu.memref_slice %arg5[%dma_wait3A_1041, %dma_wait3A_1042] : memref<20000x128xf32, #tpu.memory_space<hbm>> -> memref<20000x128xf32, #tpu.memory_space<hbm>>
      tpu.wait_indirect_dma semaphore(%arg23 : memref<!tpu.dma_semaphore, #tpu.memory_space<semaphore_mem>>) src(%dma_wait3A_1043 : memref<20000x128xf32, #tpu.memory_space<hbm>>) dst(%arg16 : memref<80x128xf32, #tpu.memory_space<vmem>>)
      %dma_wait3A_1044 = arith.constant 0 : i32
      %dma_wait3A_1045 = arith.constant 0 : i32
      %dma_wait3A_1046 = tpu.memref_slice %arg6[%dma_wait3A_1044, %dma_wait3A_1045] : memref<20000x128xf32, #tpu.memory_space<hbm>> -> memref<20000x128xf32, #tpu.memory_space<hbm>>
      tpu.wait_indirect_dma semaphore(%arg24 : memref<!tpu.dma_semaphore, #tpu.memory_space<semaphore_mem>>) src(%dma_wait3A_1046 : memref<20000x128xf32, #tpu.memory_space<hbm>>) dst(%arg17 : memref<80x128xf32, #tpu.memory_space<vmem>>)
      %scan3A_1047 = arith.constant 0 : i32
      %scan3A_1048 = arith.constant 1 : i32
      %scan3A_1049 = arith.constant 0 : i32
      %scan3A_1050 = arith.constant 5 : i32
      %scan3A_1051 = arith.addi %scan3A_1049, %scan3A_1050 : i32
      %scan3A_1052 = arith.constant 1 : i32
      scf.for %scan3A_1300 = %scan3A_1049 to %scan3A_1051 step %scan3A_1052  : i32 {
        %mul3A_1301 = arith.constant 16 : i32
        %mul3A_1302 = arith.muli %scan3A_1300, %mul3A_1301 : i32
        %get3A_1303 = arith.constant 0 : i32
        %get3A_1304 = tpu.memref_slice %arg15[%scan3A_1048, %get3A_1303] : memref<2x80xi32, #tpu.memory_space<vmem>> -> memref<1x80xi32, #tpu.memory_space<vmem>>
        %get3A_1305 = tpu.memref_squeeze %get3A_1304 : memref<1x80xi32, #tpu.memory_space<vmem>> -> memref<80xi32, #tpu.memory_space<vmem>>
        %get3A_1306 = arith.index_cast %mul3A_1302 : i32 to index
        %get3A_1307 = tpu.vector_load %get3A_1305[%get3A_1306] {strides = array<i32>} : memref<80xi32, #tpu.memory_space<vmem>>, vector<16xi32>,
        %get3A_1308 = vector.shape_cast %get3A_1307 : vector<16xi32> to vector<16xi32>
        %scan3A_1309 = arith.constant 0 : i32
        %scan3A_1310 = arith.constant 16 : i32
        %scan3A_1311 = arith.addi %scan3A_1309, %scan3A_1310 : i32
        %scan3A_1312 = arith.constant 1 : i32
        scf.for %scan3A_1314 = %scan3A_1309 to %scan3A_1311 step %scan3A_1312  : i32 {
          %mul3A_1315 = arith.constant 16 : i32
          %mul3A_1316 = arith.muli %scan3A_1300, %mul3A_1315 : i32
          %add3A_1317 = arith.addi %mul3A_1316, %scan3A_1314 : i32
          %get3A_1318 = arith.index_cast %add3A_1317 : i32 to index
          %get3A_1319 = arith.constant 0 : index
          %get3A_1320 = tpu.vector_load %arg16[%get3A_1318, %get3A_1319] {strides = array<i32>} : memref<80x128xf32, #tpu.memory_space<vmem>>, vector<1x16xf32>,
          %get3A_1321 = vector.shape_cast %get3A_1320 : vector<1x16xf32> to vector<16xf32>
          %get3A_1322 = arith.index_cast %add3A_1317 : i32 to index
          %get3A_1323 = arith.constant 16 : index
          %get3A_1324 = tpu.vector_load %arg16[%get3A_1322, %get3A_1323] {strides = array<i32>} : memref<80x128xf32, #tpu.memory_space<vmem>>, vector<1x16xf32>,
          %get3A_1325 = vector.shape_cast %get3A_1324 : vector<1x16xf32> to vector<16xf32>
          %get3A_1326 = arith.index_cast %add3A_1317 : i32 to index
          %get3A_1327 = arith.constant 32 : index
          %get3A_1328 = tpu.vector_load %arg16[%get3A_1326, %get3A_1327] {strides = array<i32>} : memref<80x128xf32, #tpu.memory_space<vmem>>, vector<1x16xf32>,
          %get3A_1329 = vector.shape_cast %get3A_1328 : vector<1x16xf32> to vector<16xf32>
          %get3A_1330 = arith.index_cast %add3A_1317 : i32 to index
          %get3A_1331 = arith.constant 48 : index
          %get3A_1332 = tpu.vector_load %arg16[%get3A_1330, %get3A_1331] {strides = array<i32>} : memref<80x128xf32, #tpu.memory_space<vmem>>, vector<1x16xf32>,
          %get3A_1333 = vector.shape_cast %get3A_1332 : vector<1x16xf32> to vector<16xf32>
          %get3A_1334 = arith.index_cast %add3A_1317 : i32 to index
          %get3A_1335 = arith.constant 64 : index
          %get3A_1336 = tpu.vector_load %arg16[%get3A_1334, %get3A_1335] {strides = array<i32>} : memref<80x128xf32, #tpu.memory_space<vmem>>, vector<1x16xf32>,
          %get3A_1337 = vector.shape_cast %get3A_1336 : vector<1x16xf32> to vector<16xf32>
          %get3A_1338 = arith.index_cast %add3A_1317 : i32 to index
          %get3A_1339 = arith.constant 80 : index
          %get3A_1340 = tpu.vector_load %arg16[%get3A_1338, %get3A_1339] {strides = array<i32>} : memref<80x128xf32, #tpu.memory_space<vmem>>, vector<1x16xf32>,
          %get3A_1341 = vector.shape_cast %get3A_1340 : vector<1x16xf32> to vector<16xf32>
          %get3A_1342 = arith.index_cast %add3A_1317 : i32 to index
          %get3A_1343 = arith.constant 96 : index
          %get3A_1344 = tpu.vector_load %arg16[%get3A_1342, %get3A_1343] {strides = array<i32>} : memref<80x128xf32, #tpu.memory_space<vmem>>, vector<1x16xf32>,
          %get3A_1345 = vector.shape_cast %get3A_1344 : vector<1x16xf32> to vector<16xf32>
          %get3A_1346 = arith.index_cast %add3A_1317 : i32 to index
          %get3A_1347 = arith.constant 112 : index
          %get3A_1348 = tpu.vector_load %arg16[%get3A_1346, %get3A_1347] {strides = array<i32>} : memref<80x128xf32, #tpu.memory_space<vmem>>, vector<1x16xf32>,
          %get3A_1349 = vector.shape_cast %get3A_1348 : vector<1x16xf32> to vector<16xf32>
          %get3A_1350 = arith.index_cast %add3A_1317 : i32 to index
          %get3A_1351 = arith.constant 0 : index
          %get3A_1352 = tpu.vector_load %arg17[%get3A_1350, %get3A_1351] {strides = array<i32>} : memref<80x128xf32, #tpu.memory_space<vmem>>, vector<1x16xf32>,
          %get3A_1353 = vector.shape_cast %get3A_1352 : vector<1x16xf32> to vector<16xf32>
          %add3A_1354 = arith.addf %get3A_1321, %get3A_1353 : vector<16xf32>
          %get3A_1355 = arith.index_cast %add3A_1317 : i32 to index
          %get3A_1356 = arith.constant 0 : index
          %get3A_1357 = tpu.vector_load %arg18[%get3A_1355, %get3A_1356] {strides = array<i32>} : memref<80x128xf32, #tpu.memory_space<vmem>>, vector<1x16xf32>,
          %get3A_1358 = vector.shape_cast %get3A_1357 : vector<1x16xf32> to vector<16xf32>
          %add3A_1359 = arith.addf %add3A_1354, %get3A_1358 : vector<16xf32>
          %mul3A_1360 = arith.constant 2.000000e-01 : f32
          %mul3A_1361 = vector.broadcast %mul3A_1360 : f32 to vector<16xf32>
          %mul3A_1362 = arith.mulf %mul3A_1361, %add3A_1359 : vector<16xf32>
          %max3A = arith.maximumf %add3A_1359, %mul3A_1362 : vector<16xf32>
          %mul3A_1363 = arith.mulf %max3A, %get3A_41 : vector<16xf32>
          %get3A_1364 = arith.index_cast %add3A_1317 : i32 to index
          %get3A_1365 = arith.constant 16 : index
          %get3A_1366 = tpu.vector_load %arg17[%get3A_1364, %get3A_1365] {strides = array<i32>} : memref<80x128xf32, #tpu.memory_space<vmem>>, vector<1x16xf32>,
          %get3A_1367 = vector.shape_cast %get3A_1366 : vector<1x16xf32> to vector<16xf32>
          %add3A_1368 = arith.addf %get3A_1325, %get3A_1367 : vector<16xf32>
          %get3A_1369 = arith.index_cast %add3A_1317 : i32 to index
          %get3A_1370 = arith.constant 16 : index
          %get3A_1371 = tpu.vector_load %arg18[%get3A_1369, %get3A_1370] {strides = array<i32>} : memref<80x128xf32, #tpu.memory_space<vmem>>, vector<1x16xf32>,
          %get3A_1372 = vector.shape_cast %get3A_1371 : vector<1x16xf32> to vector<16xf32>
          %add3A_1373 = arith.addf %add3A_1368, %get3A_1372 : vector<16xf32>
          %mul3A_1374 = arith.constant 2.000000e-01 : f32
          %mul3A_1375 = vector.broadcast %mul3A_1374 : f32 to vector<16xf32>
          %mul3A_1376 = arith.mulf %mul3A_1375, %add3A_1373 : vector<16xf32>
          %max3A_1377 = arith.maximumf %add3A_1373, %mul3A_1376 : vector<16xf32>
          %mul3A_1378 = arith.mulf %max3A_1377, %get3A_44 : vector<16xf32>
          %add3A_1379 = arith.addf %mul3A_1363, %mul3A_1378 : vector<16xf32>
          %get3A_1380 = arith.index_cast %add3A_1317 : i32 to index
          %get3A_1381 = arith.constant 32 : index
          %get3A_1382 = tpu.vector_load %arg17[%get3A_1380, %get3A_1381] {strides = array<i32>} : memref<80x128xf32, #tpu.memory_space<vmem>>, vector<1x16xf32>,
          %get3A_1383 = vector.shape_cast %get3A_1382 : vector<1x16xf32> to vector<16xf32>
          %add3A_1384 = arith.addf %get3A_1329, %get3A_1383 : vector<16xf32>
          %get3A_1385 = arith.index_cast %add3A_1317 : i32 to index
          %get3A_1386 = arith.constant 32 : index
          %get3A_1387 = tpu.vector_load %arg18[%get3A_1385, %get3A_1386] {strides = array<i32>} : memref<80x128xf32, #tpu.memory_space<vmem>>, vector<1x16xf32>,
          %get3A_1388 = vector.shape_cast %get3A_1387 : vector<1x16xf32> to vector<16xf32>
          %add3A_1389 = arith.addf %add3A_1384, %get3A_1388 : vector<16xf32>
          %mul3A_1390 = arith.constant 2.000000e-01 : f32
          %mul3A_1391 = vector.broadcast %mul3A_1390 : f32 to vector<16xf32>
          %mul3A_1392 = arith.mulf %mul3A_1391, %add3A_1389 : vector<16xf32>
          %max3A_1393 = arith.maximumf %add3A_1389, %mul3A_1392 : vector<16xf32>
          %mul3A_1394 = arith.mulf %max3A_1393, %get3A_47 : vector<16xf32>
          %add3A_1395 = arith.addf %add3A_1379, %mul3A_1394 : vector<16xf32>
          %get3A_1396 = arith.index_cast %add3A_1317 : i32 to index
          %get3A_1397 = arith.constant 48 : index
          %get3A_1398 = tpu.vector_load %arg17[%get3A_1396, %get3A_1397] {strides = array<i32>} : memref<80x128xf32, #tpu.memory_space<vmem>>, vector<1x16xf32>,
          %get3A_1399 = vector.shape_cast %get3A_1398 : vector<1x16xf32> to vector<16xf32>
          %add3A_1400 = arith.addf %get3A_1333, %get3A_1399 : vector<16xf32>
          %get3A_1401 = arith.index_cast %add3A_1317 : i32 to index
          %get3A_1402 = arith.constant 48 : index
          %get3A_1403 = tpu.vector_load %arg18[%get3A_1401, %get3A_1402] {strides = array<i32>} : memref<80x128xf32, #tpu.memory_space<vmem>>, vector<1x16xf32>,
          %get3A_1404 = vector.shape_cast %get3A_1403 : vector<1x16xf32> to vector<16xf32>
          %add3A_1405 = arith.addf %add3A_1400, %get3A_1404 : vector<16xf32>
          %mul3A_1406 = arith.constant 2.000000e-01 : f32
          %mul3A_1407 = vector.broadcast %mul3A_1406 : f32 to vector<16xf32>
          %mul3A_1408 = arith.mulf %mul3A_1407, %add3A_1405 : vector<16xf32>
          %max3A_1409 = arith.maximumf %add3A_1405, %mul3A_1408 : vector<16xf32>
          %mul3A_1410 = arith.mulf %max3A_1409, %get3A_50 : vector<16xf32>
          %add3A_1411 = arith.addf %add3A_1395, %mul3A_1410 : vector<16xf32>
          %get3A_1412 = arith.index_cast %add3A_1317 : i32 to index
          %get3A_1413 = arith.constant 64 : index
          %get3A_1414 = tpu.vector_load %arg17[%get3A_1412, %get3A_1413] {strides = array<i32>} : memref<80x128xf32, #tpu.memory_space<vmem>>, vector<1x16xf32>,
          %get3A_1415 = vector.shape_cast %get3A_1414 : vector<1x16xf32> to vector<16xf32>
          %add3A_1416 = arith.addf %get3A_1337, %get3A_1415 : vector<16xf32>
          %get3A_1417 = arith.index_cast %add3A_1317 : i32 to index
          %get3A_1418 = arith.constant 64 : index
          %get3A_1419 = tpu.vector_load %arg18[%get3A_1417, %get3A_1418] {strides = array<i32>} : memref<80x128xf32, #tpu.memory_space<vmem>>, vector<1x16xf32>,
          %get3A_1420 = vector.shape_cast %get3A_1419 : vector<1x16xf32> to vector<16xf32>
          %add3A_1421 = arith.addf %add3A_1416, %get3A_1420 : vector<16xf32>
          %mul3A_1422 = arith.constant 2.000000e-01 : f32
          %mul3A_1423 = vector.broadcast %mul3A_1422 : f32 to vector<16xf32>
          %mul3A_1424 = arith.mulf %mul3A_1423, %add3A_1421 : vector<16xf32>
          %max3A_1425 = arith.maximumf %add3A_1421, %mul3A_1424 : vector<16xf32>
          %mul3A_1426 = arith.mulf %max3A_1425, %get3A_53 : vector<16xf32>
          %get3A_1427 = arith.index_cast %add3A_1317 : i32 to index
          %get3A_1428 = arith.constant 80 : index
          %get3A_1429 = tpu.vector_load %arg17[%get3A_1427, %get3A_1428] {strides = array<i32>} : memref<80x128xf32, #tpu.memory_space<vmem>>, vector<1x16xf32>,
          %get3A_1430 = vector.shape_cast %get3A_1429 : vector<1x16xf32> to vector<16xf32>
          %add3A_1431 = arith.addf %get3A_1341, %get3A_1430 : vector<16xf32>
          %get3A_1432 = arith.index_cast %add3A_1317 : i32 to index
          %get3A_1433 = arith.constant 80 : index
          %get3A_1434 = tpu.vector_load %arg18[%get3A_1432, %get3A_1433] {strides = array<i32>} : memref<80x128xf32, #tpu.memory_space<vmem>>, vector<1x16xf32>,
          %get3A_1435 = vector.shape_cast %get3A_1434 : vector<1x16xf32> to vector<16xf32>
          %add3A_1436 = arith.addf %add3A_1431, %get3A_1435 : vector<16xf32>
          %mul3A_1437 = arith.constant 2.000000e-01 : f32
          %mul3A_1438 = vector.broadcast %mul3A_1437 : f32 to vector<16xf32>
          %mul3A_1439 = arith.mulf %mul3A_1438, %add3A_1436 : vector<16xf32>
          %max3A_1440 = arith.maximumf %add3A_1436, %mul3A_1439 : vector<16xf32>
          %mul3A_1441 = arith.mulf %max3A_1440, %get3A_56 : vector<16xf32>
          %add3A_1442 = arith.addf %mul3A_1426, %mul3A_1441 : vector<16xf32>
          %get3A_1443 = arith.index_cast %add3A_1317 : i32 to index
          %get3A_1444 = arith.constant 96 : index
          %get3A_1445 = tpu.vector_load %arg17[%get3A_1443, %get3A_1444] {strides = array<i32>} : memref<80x128xf32, #tpu.memory_space<vmem>>, vector<1x16xf32>,
          %get3A_1446 = vector.shape_cast %get3A_1445 : vector<1x16xf32> to vector<16xf32>
          %add3A_1447 = arith.addf %get3A_1345, %get3A_1446 : vector<16xf32>
          %get3A_1448 = arith.index_cast %add3A_1317 : i32 to index
          %get3A_1449 = arith.constant 96 : index
          %get3A_1450 = tpu.vector_load %arg18[%get3A_1448, %get3A_1449] {strides = array<i32>} : memref<80x128xf32, #tpu.memory_space<vmem>>, vector<1x16xf32>,
          %get3A_1451 = vector.shape_cast %get3A_1450 : vector<1x16xf32> to vector<16xf32>
          %add3A_1452 = arith.addf %add3A_1447, %get3A_1451 : vector<16xf32>
          %mul3A_1453 = arith.constant 2.000000e-01 : f32
          %mul3A_1454 = vector.broadcast %mul3A_1453 : f32 to vector<16xf32>
          %mul3A_1455 = arith.mulf %mul3A_1454, %add3A_1452 : vector<16xf32>
          %max3A_1456 = arith.maximumf %add3A_1452, %mul3A_1455 : vector<16xf32>
          %mul3A_1457 = arith.mulf %max3A_1456, %get3A_59 : vector<16xf32>
          %add3A_1458 = arith.addf %add3A_1442, %mul3A_1457 : vector<16xf32>
          %get3A_1459 = arith.index_cast %add3A_1317 : i32 to index
          %get3A_1460 = arith.constant 112 : index
          %get3A_1461 = tpu.vector_load %arg17[%get3A_1459, %get3A_1460] {strides = array<i32>} : memref<80x128xf32, #tpu.memory_space<vmem>>, vector<1x16xf32>,
          %get3A_1462 = vector.shape_cast %get3A_1461 : vector<1x16xf32> to vector<16xf32>
          %add3A_1463 = arith.addf %get3A_1349, %get3A_1462 : vector<16xf32>
          %get3A_1464 = arith.index_cast %add3A_1317 : i32 to index
          %get3A_1465 = arith.constant 112 : index
          %get3A_1466 = tpu.vector_load %arg18[%get3A_1464, %get3A_1465] {strides = array<i32>} : memref<80x128xf32, #tpu.memory_space<vmem>>, vector<1x16xf32>,
          %get3A_1467 = vector.shape_cast %get3A_1466 : vector<1x16xf32> to vector<16xf32>
          %add3A_1468 = arith.addf %add3A_1463, %get3A_1467 : vector<16xf32>
          %mul3A_1469 = arith.constant 2.000000e-01 : f32
          %mul3A_1470 = vector.broadcast %mul3A_1469 : f32 to vector<16xf32>
          %mul3A_1471 = arith.mulf %mul3A_1470, %add3A_1468 : vector<16xf32>
          %max3A_1472 = arith.maximumf %add3A_1468, %mul3A_1471 : vector<16xf32>
          %mul3A_1473 = arith.mulf %max3A_1472, %get3A_62 : vector<16xf32>
          %add3A_1474 = arith.addf %add3A_1458, %mul3A_1473 : vector<16xf32>
          %lt3A = arith.constant 0 : i32
          %lt3A_1475 = vector.broadcast %lt3A : i32 to vector<16xi32>
          %lt3A_1476 = arith.cmpi slt, %xor3A_64, %lt3A_1475 : vector<16xi32>
          %add3A_1477 = arith.constant 16 : i32
          %add3A_1478 = vector.broadcast %add3A_1477 : i32 to vector<16xi32>
          %add3A_1479 = arith.addi %xor3A_64, %add3A_1478 : vector<16xi32>
          %select_n3A = arith.select %lt3A_1476, %add3A_1479, %xor3A_64 : vector<16xi1>, vector<16xi32>
          %broadcast_in_dim3A_1480 = vector.shape_cast %select_n3A : vector<16xi32> to vector<16x1xi32>
          %gather3A = vector.shape_cast %broadcast_in_dim3A_1480 : vector<16x1xi32> to vector<16xi32>
          %gather3A_1481 = tpu.dynamic_gather %add3A_1411[%gather3A] in [0] : vector<16xf32>, vector<16xi32> -> vector<16xf32>
          %add3A_1482 = arith.addf %add3A_1411, %gather3A_1481 : vector<16xf32>
          %lt3A_1483 = arith.constant 0 : i32
          %lt3A_1484 = vector.broadcast %lt3A_1483 : i32 to vector<16xi32>
          %lt3A_1485 = arith.cmpi slt, %xor3A_67, %lt3A_1484 : vector<16xi32>
          %add3A_1486 = arith.constant 16 : i32
          %add3A_1487 = vector.broadcast %add3A_1486 : i32 to vector<16xi32>
          %add3A_1488 = arith.addi %xor3A_67, %add3A_1487 : vector<16xi32>
          %select_n3A_1489 = arith.select %lt3A_1485, %add3A_1488, %xor3A_67 : vector<16xi1>, vector<16xi32>
          %broadcast_in_dim3A_1490 = vector.shape_cast %select_n3A_1489 : vector<16xi32> to vector<16x1xi32>
          %gather3A_1491 = vector.shape_cast %broadcast_in_dim3A_1490 : vector<16x1xi32> to vector<16xi32>
          %gather3A_1492 = tpu.dynamic_gather %add3A_1482[%gather3A_1491] in [0] : vector<16xf32>, vector<16xi32> -> vector<16xf32>
          %add3A_1493 = arith.addf %add3A_1482, %gather3A_1492 : vector<16xf32>
          %lt3A_1494 = arith.constant 0 : i32
          %lt3A_1495 = vector.broadcast %lt3A_1494 : i32 to vector<16xi32>
          %lt3A_1496 = arith.cmpi slt, %xor3A_70, %lt3A_1495 : vector<16xi32>
          %add3A_1497 = arith.constant 16 : i32
          %add3A_1498 = vector.broadcast %add3A_1497 : i32 to vector<16xi32>
          %add3A_1499 = arith.addi %xor3A_70, %add3A_1498 : vector<16xi32>
          %select_n3A_1500 = arith.select %lt3A_1496, %add3A_1499, %xor3A_70 : vector<16xi1>, vector<16xi32>
          %broadcast_in_dim3A_1501 = vector.shape_cast %select_n3A_1500 : vector<16xi32> to vector<16x1xi32>
          %gather3A_1502 = vector.shape_cast %broadcast_in_dim3A_1501 : vector<16x1xi32> to vector<16xi32>
          %gather3A_1503 = tpu.dynamic_gather %add3A_1493[%gather3A_1502] in [0] : vector<16xf32>, vector<16xi32> -> vector<16xf32>
          %add3A_1504 = arith.addf %add3A_1493, %gather3A_1503 : vector<16xf32>
          %lt3A_1505 = arith.constant 0 : i32
          %lt3A_1506 = vector.broadcast %lt3A_1505 : i32 to vector<16xi32>
          %lt3A_1507 = arith.cmpi slt, %xor3A_73, %lt3A_1506 : vector<16xi32>
          %add3A_1508 = arith.constant 16 : i32
          %add3A_1509 = vector.broadcast %add3A_1508 : i32 to vector<16xi32>
          %add3A_1510 = arith.addi %xor3A_73, %add3A_1509 : vector<16xi32>
          %select_n3A_1511 = arith.select %lt3A_1507, %add3A_1510, %xor3A_73 : vector<16xi1>, vector<16xi32>
          %broadcast_in_dim3A_1512 = vector.shape_cast %select_n3A_1511 : vector<16xi32> to vector<16x1xi32>
          %gather3A_1513 = vector.shape_cast %broadcast_in_dim3A_1512 : vector<16x1xi32> to vector<16xi32>
          %gather3A_1514 = tpu.dynamic_gather %add3A_1504[%gather3A_1513] in [0] : vector<16xf32>, vector<16xi32> -> vector<16xf32>
          %add3A_1515 = arith.addf %add3A_1504, %gather3A_1514 : vector<16xf32>
          %exp3A = math.exp %add3A_1515 : vector<16xf32>
          %lt3A_1516 = arith.constant 0 : i32
          %lt3A_1517 = vector.broadcast %lt3A_1516 : i32 to vector<16xi32>
          %lt3A_1518 = arith.cmpi slt, %xor3A_64, %lt3A_1517 : vector<16xi32>
          %add3A_1519 = arith.constant 16 : i32
          %add3A_1520 = vector.broadcast %add3A_1519 : i32 to vector<16xi32>
          %add3A_1521 = arith.addi %xor3A_64, %add3A_1520 : vector<16xi32>
          %select_n3A_1522 = arith.select %lt3A_1518, %add3A_1521, %xor3A_64 : vector<16xi1>, vector<16xi32>
          %broadcast_in_dim3A_1523 = vector.shape_cast %select_n3A_1522 : vector<16xi32> to vector<16x1xi32>
          %gather3A_1524 = vector.shape_cast %broadcast_in_dim3A_1523 : vector<16x1xi32> to vector<16xi32>
          %gather3A_1525 = tpu.dynamic_gather %add3A_1474[%gather3A_1524] in [0] : vector<16xf32>, vector<16xi32> -> vector<16xf32>
          %add3A_1526 = arith.addf %add3A_1474, %gather3A_1525 : vector<16xf32>
          %lt3A_1527 = arith.constant 0 : i32
          %lt3A_1528 = vector.broadcast %lt3A_1527 : i32 to vector<16xi32>
          %lt3A_1529 = arith.cmpi slt, %xor3A_67, %lt3A_1528 : vector<16xi32>
          %add3A_1530 = arith.constant 16 : i32
          %add3A_1531 = vector.broadcast %add3A_1530 : i32 to vector<16xi32>
          %add3A_1532 = arith.addi %xor3A_67, %add3A_1531 : vector<16xi32>
          %select_n3A_1533 = arith.select %lt3A_1529, %add3A_1532, %xor3A_67 : vector<16xi1>, vector<16xi32>
          %broadcast_in_dim3A_1534 = vector.shape_cast %select_n3A_1533 : vector<16xi32> to vector<16x1xi32>
          %gather3A_1535 = vector.shape_cast %broadcast_in_dim3A_1534 : vector<16x1xi32> to vector<16xi32>
          %gather3A_1536 = tpu.dynamic_gather %add3A_1526[%gather3A_1535] in [0] : vector<16xf32>, vector<16xi32> -> vector<16xf32>
          %add3A_1537 = arith.addf %add3A_1526, %gather3A_1536 : vector<16xf32>
          %lt3A_1538 = arith.constant 0 : i32
          %lt3A_1539 = vector.broadcast %lt3A_1538 : i32 to vector<16xi32>
          %lt3A_1540 = arith.cmpi slt, %xor3A_70, %lt3A_1539 : vector<16xi32>
          %add3A_1541 = arith.constant 16 : i32
          %add3A_1542 = vector.broadcast %add3A_1541 : i32 to vector<16xi32>
          %add3A_1543 = arith.addi %xor3A_70, %add3A_1542 : vector<16xi32>
          %select_n3A_1544 = arith.select %lt3A_1540, %add3A_1543, %xor3A_70 : vector<16xi1>, vector<16xi32>
          %broadcast_in_dim3A_1545 = vector.shape_cast %select_n3A_1544 : vector<16xi32> to vector<16x1xi32>
          %gather3A_1546 = vector.shape_cast %broadcast_in_dim3A_1545 : vector<16x1xi32> to vector<16xi32>
          %gather3A_1547 = tpu.dynamic_gather %add3A_1537[%gather3A_1546] in [0] : vector<16xf32>, vector<16xi32> -> vector<16xf32>
          %add3A_1548 = arith.addf %add3A_1537, %gather3A_1547 : vector<16xf32>
          %lt3A_1549 = arith.constant 0 : i32
          %lt3A_1550 = vector.broadcast %lt3A_1549 : i32 to vector<16xi32>
          %lt3A_1551 = arith.cmpi slt, %xor3A_73, %lt3A_1550 : vector<16xi32>
          %add3A_1552 = arith.constant 16 : i32
          %add3A_1553 = vector.broadcast %add3A_1552 : i32 to vector<16xi32>
          %add3A_1554 = arith.addi %xor3A_73, %add3A_1553 : vector<16xi32>
          %select_n3A_1555 = arith.select %lt3A_1551, %add3A_1554, %xor3A_73 : vector<16xi1>, vector<16xi32>
          %broadcast_in_dim3A_1556 = vector.shape_cast %select_n3A_1555 : vector<16xi32> to vector<16x1xi32>
          %gather3A_1557 = vector.shape_cast %broadcast_in_dim3A_1556 : vector<16x1xi32> to vector<16xi32>
          %gather3A_1558 = tpu.dynamic_gather %add3A_1548[%gather3A_1557] in [0] : vector<16xf32>, vector<16xi32> -> vector<16xf32>
          %add3A_1559 = arith.addf %add3A_1548, %gather3A_1558 : vector<16xf32>
          %exp3A_1560 = math.exp %add3A_1559 : vector<16xf32>
          %mul3A_1561 = arith.mulf %exp3A, %get3A_1321 : vector<16xf32>
          %swap3A_1562 = arith.index_cast %add3A_1317 : i32 to index
          %swap3A_1563 = arith.constant 0 : index
          %swap3A_1564 = tpu.vector_load %arg16[%swap3A_1562, %swap3A_1563] {strides = array<i32>} : memref<80x128xf32, #tpu.memory_space<vmem>>, vector<1x16xf32>,
          %swap3A_1565 = vector.shape_cast %swap3A_1564 : vector<1x16xf32> to vector<16xf32>
          %swap3A_1566 = vector.shape_cast %mul3A_1561 : vector<16xf32> to vector<1x16xf32>
          tpu.vector_store %arg16[%swap3A_1562, %swap3A_1563], %swap3A_1566 {strides = array<i32>} : memref<80x128xf32, #tpu.memory_space<vmem>>, vector<1x16xf32>,
          %mul3A_1567 = arith.mulf %exp3A, %get3A_1325 : vector<16xf32>
          %swap3A_1568 = arith.index_cast %add3A_1317 : i32 to index
          %swap3A_1569 = arith.constant 16 : index
          %swap3A_1570 = tpu.vector_load %arg16[%swap3A_1568, %swap3A_1569] {strides = array<i32>} : memref<80x128xf32, #tpu.memory_space<vmem>>, vector<1x16xf32>,
          %swap3A_1571 = vector.shape_cast %swap3A_1570 : vector<1x16xf32> to vector<16xf32>
          %swap3A_1572 = vector.shape_cast %mul3A_1567 : vector<16xf32> to vector<1x16xf32>
          tpu.vector_store %arg16[%swap3A_1568, %swap3A_1569], %swap3A_1572 {strides = array<i32>} : memref<80x128xf32, #tpu.memory_space<vmem>>, vector<1x16xf32>,
          %mul3A_1573 = arith.mulf %exp3A, %get3A_1329 : vector<16xf32>
          %swap3A_1574 = arith.index_cast %add3A_1317 : i32 to index
          %swap3A_1575 = arith.constant 32 : index
          %swap3A_1576 = tpu.vector_load %arg16[%swap3A_1574, %swap3A_1575] {strides = array<i32>} : memref<80x128xf32, #tpu.memory_space<vmem>>, vector<1x16xf32>,
          %swap3A_1577 = vector.shape_cast %swap3A_1576 : vector<1x16xf32> to vector<16xf32>
          %swap3A_1578 = vector.shape_cast %mul3A_1573 : vector<16xf32> to vector<1x16xf32>
          tpu.vector_store %arg16[%swap3A_1574, %swap3A_1575], %swap3A_1578 {strides = array<i32>} : memref<80x128xf32, #tpu.memory_space<vmem>>, vector<1x16xf32>,
          %mul3A_1579 = arith.mulf %exp3A, %get3A_1333 : vector<16xf32>
          %swap3A_1580 = arith.index_cast %add3A_1317 : i32 to index
          %swap3A_1581 = arith.constant 48 : index
          %swap3A_1582 = tpu.vector_load %arg16[%swap3A_1580, %swap3A_1581] {strides = array<i32>} : memref<80x128xf32, #tpu.memory_space<vmem>>, vector<1x16xf32>,
          %swap3A_1583 = vector.shape_cast %swap3A_1582 : vector<1x16xf32> to vector<16xf32>
          %swap3A_1584 = vector.shape_cast %mul3A_1579 : vector<16xf32> to vector<1x16xf32>
          tpu.vector_store %arg16[%swap3A_1580, %swap3A_1581], %swap3A_1584 {strides = array<i32>} : memref<80x128xf32, #tpu.memory_space<vmem>>, vector<1x16xf32>,
          %mul3A_1585 = arith.mulf %exp3A_1560, %get3A_1337 : vector<16xf32>
          %swap3A_1586 = arith.index_cast %add3A_1317 : i32 to index
          %swap3A_1587 = arith.constant 64 : index
          %swap3A_1588 = tpu.vector_load %arg16[%swap3A_1586, %swap3A_1587] {strides = array<i32>} : memref<80x128xf32, #tpu.memory_space<vmem>>, vector<1x16xf32>,
          %swap3A_1589 = vector.shape_cast %swap3A_1588 : vector<1x16xf32> to vector<16xf32>
          %swap3A_1590 = vector.shape_cast %mul3A_1585 : vector<16xf32> to vector<1x16xf32>
          tpu.vector_store %arg16[%swap3A_1586, %swap3A_1587], %swap3A_1590 {strides = array<i32>} : memref<80x128xf32, #tpu.memory_space<vmem>>, vector<1x16xf32>,
          %mul3A_1591 = arith.mulf %exp3A_1560, %get3A_1341 : vector<16xf32>
          %swap3A_1592 = arith.index_cast %add3A_1317 : i32 to index
          %swap3A_1593 = arith.constant 80 : index
          %swap3A_1594 = tpu.vector_load %arg16[%swap3A_1592, %swap3A_1593] {strides = array<i32>} : memref<80x128xf32, #tpu.memory_space<vmem>>, vector<1x16xf32>,
          %swap3A_1595 = vector.shape_cast %swap3A_1594 : vector<1x16xf32> to vector<16xf32>
          %swap3A_1596 = vector.shape_cast %mul3A_1591 : vector<16xf32> to vector<1x16xf32>
          tpu.vector_store %arg16[%swap3A_1592, %swap3A_1593], %swap3A_1596 {strides = array<i32>} : memref<80x128xf32, #tpu.memory_space<vmem>>, vector<1x16xf32>,
          %mul3A_1597 = arith.mulf %exp3A_1560, %get3A_1345 : vector<16xf32>
          %swap3A_1598 = arith.index_cast %add3A_1317 : i32 to index
          %swap3A_1599 = arith.constant 96 : index
          %swap3A_1600 = tpu.vector_load %arg16[%swap3A_1598, %swap3A_1599] {strides = array<i32>} : memref<80x128xf32, #tpu.memory_space<vmem>>, vector<1x16xf32>,
          %swap3A_1601 = vector.shape_cast %swap3A_1600 : vector<1x16xf32> to vector<16xf32>
          %swap3A_1602 = vector.shape_cast %mul3A_1597 : vector<16xf32> to vector<1x16xf32>
          tpu.vector_store %arg16[%swap3A_1598, %swap3A_1599], %swap3A_1602 {strides = array<i32>} : memref<80x128xf32, #tpu.memory_space<vmem>>, vector<1x16xf32>,
          %mul3A_1603 = arith.mulf %exp3A_1560, %get3A_1349 : vector<16xf32>
          %swap3A_1604 = arith.index_cast %add3A_1317 : i32 to index
          %swap3A_1605 = arith.constant 112 : index
          %swap3A_1606 = tpu.vector_load %arg16[%swap3A_1604, %swap3A_1605] {strides = array<i32>} : memref<80x128xf32, #tpu.memory_space<vmem>>, vector<1x16xf32>,
          %swap3A_1607 = vector.shape_cast %swap3A_1606 : vector<1x16xf32> to vector<16xf32>
          %swap3A_1608 = vector.shape_cast %mul3A_1603 : vector<16xf32> to vector<1x16xf32>
          tpu.vector_store %arg16[%swap3A_1604, %swap3A_1605], %swap3A_1608 {strides = array<i32>} : memref<80x128xf32, #tpu.memory_space<vmem>>, vector<1x16xf32>,
          %add3A_1609 = vector.broadcast %scan3A_1314 : i32 to vector<16xi32>
          %add3A_1610 = arith.addi %mul3A_76, %add3A_1609 : vector<16xi32>
          %lt3A_1611 = arith.constant 0 : i32
          %lt3A_1612 = vector.broadcast %lt3A_1611 : i32 to vector<16xi32>
          %lt3A_1613 = arith.cmpi slt, %add3A_1610, %lt3A_1612 : vector<16xi32>
          %add3A_1614 = arith.constant 16 : i32
          %add3A_1615 = vector.broadcast %add3A_1614 : i32 to vector<16xi32>
          %add3A_1616 = arith.addi %add3A_1610, %add3A_1615 : vector<16xi32>
          %select_n3A_1617 = arith.select %lt3A_1613, %add3A_1616, %add3A_1610 : vector<16xi1>, vector<16xi32>
          %broadcast_in_dim3A_1618 = vector.shape_cast %select_n3A_1617 : vector<16xi32> to vector<16x1xi32>
          %gather3A_1619 = vector.shape_cast %broadcast_in_dim3A_1618 : vector<16x1xi32> to vector<16xi32>
          %gather3A_1620 = tpu.dynamic_gather %get3A_1308[%gather3A_1619] in [0] : vector<16xi32>, vector<16xi32> -> vector<16xi32>
          %and3A = arith.constant 15 : i32
          %and3A_1621 = vector.broadcast %and3A : i32 to vector<16xi32>
          %and3A_1622 = arith.andi %gather3A_1620, %and3A_1621 : vector<16xi32>
          %eq3A = arith.cmpi eq, %iota3A, %and3A_1622 : vector<16xi32>
          %jit3A = arith.constant 0.000000e+00 : f32
          %broadcast_in_dim3A_1623 = vector.broadcast %jit3A : f32 to vector<16xf32>
          %select_n3A_1624 = arith.select %eq3A, %exp3A, %broadcast_in_dim3A_1623 : vector<16xi1>, vector<16xf32>
          %swap3A_1625 = arith.index_cast %add3A_1317 : i32 to index
          %swap3A_1626 = arith.constant 0 : index
          %swap3A_1627 = tpu.vector_load %arg19[%swap3A_1625, %swap3A_1626] {strides = array<i32>} : memref<80x128xf32, #tpu.memory_space<vmem>>, vector<1x16xf32>,
          %swap3A_1628 = vector.shape_cast %swap3A_1627 : vector<1x16xf32> to vector<16xf32>
          %swap3A_1629 = vector.shape_cast %select_n3A_1624 : vector<16xf32> to vector<1x16xf32>
          tpu.vector_store %arg19[%swap3A_1625, %swap3A_1626], %swap3A_1629 {strides = array<i32>} : memref<80x128xf32, #tpu.memory_space<vmem>>, vector<1x16xf32>,
          %jit3A_1630 = arith.constant 0.000000e+00 : f32
          %broadcast_in_dim3A_1631 = vector.broadcast %jit3A_1630 : f32 to vector<16xf32>
          %select_n3A_1632 = arith.select %eq3A, %exp3A_1560, %broadcast_in_dim3A_1631 : vector<16xi1>, vector<16xf32>
          %swap3A_1633 = arith.index_cast %add3A_1317 : i32 to index
          %swap3A_1634 = arith.constant 16 : index
          %swap3A_1635 = tpu.vector_load %arg19[%swap3A_1633, %swap3A_1634] {strides = array<i32>} : memref<80x128xf32, #tpu.memory_space<vmem>>, vector<1x16xf32>,
          %swap3A_1636 = vector.shape_cast %swap3A_1635 : vector<1x16xf32> to vector<16xf32>
          %swap3A_1637 = vector.shape_cast %select_n3A_1632 : vector<16xf32> to vector<1x16xf32>
          tpu.vector_store %arg19[%swap3A_1633, %swap3A_1634], %swap3A_1637 {strides = array<i32>} : memref<80x128xf32, #tpu.memory_space<vmem>>, vector<1x16xf32>,
        }
        %scan3A_1313 = arith.constant 16 : i32
      }
      %scan3A_1053 = arith.constant 5 : i32
      %dma_start3A_1054 = arith.constant 1 : i32
      %dma_start3A_1055 = arith.constant 0 : i32
      %dma_start3A_1056 = tpu.memref_slice %arg15[%dma_start3A_1054, %dma_start3A_1055] : memref<2x80xi32, #tpu.memory_space<vmem>> -> memref<1x80xi32, #tpu.memory_space<vmem>>
      %dma_start3A_1057 = tpu.memref_squeeze %dma_start3A_1056 : memref<1x80xi32, #tpu.memory_space<vmem>> -> memref<80xi32, #tpu.memory_space<vmem>>
      %dma_start3A_1058 = arith.constant 0 : i32
      %dma_start3A_1059 = arith.constant 0 : i32
      %dma_start3A_1060 = tpu.memref_slice %arg21[%dma_start3A_1058, %dma_start3A_1059] : memref<10240x128xf32, #tpu.memory_space<vmem_shared>> -> memref<10240x128xf32, #tpu.memory_space<vmem_shared>>
      tpu.enqueue_indirect_dma source(%arg16 : memref<80x128xf32, #tpu.memory_space<vmem>>) target(%dma_start3A_1060 : memref<10240x128xf32, #tpu.memory_space<vmem_shared>>) offsets(%dma_start3A_1057 : memref<80xi32, #tpu.memory_space<vmem>>) semaphore(%arg26 : memref<!tpu.dma_semaphore, #tpu.memory_space<semaphore_mem>>) {add = true}
      %dma_start3A_1061 = arith.constant 1 : i32
      %dma_start3A_1062 = arith.constant 0 : i32
      %dma_start3A_1063 = tpu.memref_slice %arg14[%dma_start3A_1061, %dma_start3A_1062] : memref<2x80xi32, #tpu.memory_space<vmem>> -> memref<1x80xi32, #tpu.memory_space<vmem>>
      %dma_start3A_1064 = tpu.memref_squeeze %dma_start3A_1063 : memref<1x80xi32, #tpu.memory_space<vmem>> -> memref<80xi32, #tpu.memory_space<vmem>>
      %dma_start3A_1065 = arith.constant 0 : i32
      %dma_start3A_1066 = arith.constant 0 : i32
      %dma_start3A_1067 = tpu.memref_slice %arg22[%dma_start3A_1065, %dma_start3A_1066] : memref<640x128xf32, #tpu.memory_space<vmem_shared>> -> memref<640x128xf32, #tpu.memory_space<vmem_shared>>
      tpu.enqueue_indirect_dma source(%arg19 : memref<80x128xf32, #tpu.memory_space<vmem>>) target(%dma_start3A_1067 : memref<640x128xf32, #tpu.memory_space<vmem_shared>>) offsets(%dma_start3A_1064 : memref<80xi32, #tpu.memory_space<vmem>>) semaphore(%arg27 : memref<!tpu.dma_semaphore, #tpu.memory_space<semaphore_mem>>) {add = true}
      %add3A_1068 = arith.constant 320 : i32
      %add3A_1069 = arith.addi %add3A_105, %add3A_1068 : i32
      %get3A_1070 = arith.constant 320 : index
      %get3A_1071 = tpu.vector_load %arg10[%get3A_1070] {strides = array<i32>} : memref<400xi32, #tpu.memory_space<vmem>>, vector<16xi32>,
      %get3A_1072 = vector.shape_cast %get3A_1071 : vector<16xi32> to vector<16xi32>
      %add3A_1073 = vector.broadcast %mul3A_78 : i32 to vector<16xi32>
      %add3A_1074 = arith.addi %get3A_1072, %add3A_1073 : vector<16xi32>
      %swap3A_1075 = arith.constant 0 : index
      %swap3A_1076 = tpu.vector_load %arg12[%swap3A_1075] {strides = array<i32>} : memref<80xi32, #tpu.memory_space<vmem>>, vector<16xi32>,
      %swap3A_1077 = vector.shape_cast %swap3A_1076 : vector<16xi32> to vector<16xi32>
      %swap3A_1078 = vector.shape_cast %add3A_1074 : vector<16xi32> to vector<16xi32>
      tpu.vector_store %arg12[%swap3A_1075], %swap3A_1078 {strides = array<i32>} : memref<80xi32, #tpu.memory_space<vmem>>, vector<16xi32>,
      %get3A_1079 = arith.constant 320 : index
      %get3A_1080 = tpu.vector_load %arg11[%get3A_1079] {strides = array<i32>} : memref<400xi32, #tpu.memory_space<vmem>>, vector<16xi32>,
      %get3A_1081 = vector.shape_cast %get3A_1080 : vector<16xi32> to vector<16xi32>
      %swap3A_1082 = arith.constant 0 : i32
      %swap3A_1083 = arith.constant 0 : i32
      %swap3A_1084 = tpu.memref_slice %arg15[%swap3A_1082, %swap3A_1083] : memref<2x80xi32, #tpu.memory_space<vmem>> -> memref<1x80xi32, #tpu.memory_space<vmem>>
      %swap3A_1085 = tpu.memref_squeeze %swap3A_1084 : memref<1x80xi32, #tpu.memory_space<vmem>> -> memref<80xi32, #tpu.memory_space<vmem>>
      %swap3A_1086 = arith.constant 0 : index
      %swap3A_1087 = tpu.vector_load %swap3A_1085[%swap3A_1086] {strides = array<i32>} : memref<80xi32, #tpu.memory_space<vmem>>, vector<16xi32>,
      %swap3A_1088 = vector.shape_cast %swap3A_1087 : vector<16xi32> to vector<16xi32>
      %swap3A_1089 = vector.shape_cast %get3A_1081 : vector<16xi32> to vector<16xi32>
      tpu.vector_store %swap3A_1085[%swap3A_1086], %swap3A_1089 {strides = array<i32>} : memref<80xi32, #tpu.memory_space<vmem>>, vector<16xi32>,
      %add3A_1090 = vector.broadcast %mul3A_78 : i32 to vector<16xi32>
      %add3A_1091 = arith.addi %get3A_1081, %add3A_1090 : vector<16xi32>
      %swap3A_1092 = arith.constant 0 : index
      %swap3A_1093 = tpu.vector_load %arg13[%swap3A_1092] {strides = array<i32>} : memref<80xi32, #tpu.memory_space<vmem>>, vector<16xi32>,
      %swap3A_1094 = vector.shape_cast %swap3A_1093 : vector<16xi32> to vector<16xi32>
      %swap3A_1095 = vector.shape_cast %add3A_1091 : vector<16xi32> to vector<16xi32>
      tpu.vector_store %arg13[%swap3A_1092], %swap3A_1095 {strides = array<i32>} : memref<80xi32, #tpu.memory_space<vmem>>, vector<16xi32>,
      %shift_right_logical3A_1096 = arith.constant 4 : i32
      %shift_right_logical3A_1097 = vector.broadcast %shift_right_logical3A_1096 : i32 to vector<16xi32>
      %shift_right_logical3A_1098 = arith.shrui %get3A_1081, %shift_right_logical3A_1097 : vector<16xi32>
      %swap3A_1099 = arith.constant 0 : i32
      %swap3A_1100 = arith.constant 0 : i32
      %swap3A_1101 = tpu.memref_slice %arg14[%swap3A_1099, %swap3A_1100] : memref<2x80xi32, #tpu.memory_space<vmem>> -> memref<1x80xi32, #tpu.memory_space<vmem>>
      %swap3A_1102 = tpu.memref_squeeze %swap3A_1101 : memref<1x80xi32, #tpu.memory_space<vmem>> -> memref<80xi32, #tpu.memory_space<vmem>>
      %swap3A_1103 = arith.constant 0 : index
      %swap3A_1104 = tpu.vector_load %swap3A_1102[%swap3A_1103] {strides = array<i32>} : memref<80xi32, #tpu.memory_space<vmem>>, vector<16xi32>,
      %swap3A_1105 = vector.shape_cast %swap3A_1104 : vector<16xi32> to vector<16xi32>
      %swap3A_1106 = vector.shape_cast %shift_right_logical3A_1098 : vector<16xi32> to vector<16xi32>
      tpu.vector_store %swap3A_1102[%swap3A_1103], %swap3A_1106 {strides = array<i32>} : memref<80xi32, #tpu.memory_space<vmem>>, vector<16xi32>,
      %get3A_1107 = arith.constant 336 : index
      %get3A_1108 = tpu.vector_load %arg10[%get3A_1107] {strides = array<i32>} : memref<400xi32, #tpu.memory_space<vmem>>, vector<16xi32>,
      %get3A_1109 = vector.shape_cast %get3A_1108 : vector<16xi32> to vector<16xi32>
      %add3A_1110 = vector.broadcast %mul3A_78 : i32 to vector<16xi32>
      %add3A_1111 = arith.addi %get3A_1109, %add3A_1110 : vector<16xi32>
      %swap3A_1112 = arith.constant 16 : index
      %swap3A_1113 = tpu.vector_load %arg12[%swap3A_1112] {strides = array<i32>} : memref<80xi32, #tpu.memory_space<vmem>>, vector<16xi32>,
      %swap3A_1114 = vector.shape_cast %swap3A_1113 : vector<16xi32> to vector<16xi32>
      %swap3A_1115 = vector.shape_cast %add3A_1111 : vector<16xi32> to vector<16xi32>
      tpu.vector_store %arg12[%swap3A_1112], %swap3A_1115 {strides = array<i32>} : memref<80xi32, #tpu.memory_space<vmem>>, vector<16xi32>,
      %get3A_1116 = arith.constant 336 : index
      %get3A_1117 = tpu.vector_load %arg11[%get3A_1116] {strides = array<i32>} : memref<400xi32, #tpu.memory_space<vmem>>, vector<16xi32>,
      %get3A_1118 = vector.shape_cast %get3A_1117 : vector<16xi32> to vector<16xi32>
      %swap3A_1119 = arith.constant 0 : i32
      %swap3A_1120 = arith.constant 0 : i32
      %swap3A_1121 = tpu.memref_slice %arg15[%swap3A_1119, %swap3A_1120] : memref<2x80xi32, #tpu.memory_space<vmem>> -> memref<1x80xi32, #tpu.memory_space<vmem>>
      %swap3A_1122 = tpu.memref_squeeze %swap3A_1121 : memref<1x80xi32, #tpu.memory_space<vmem>> -> memref<80xi32, #tpu.memory_space<vmem>>
      %swap3A_1123 = arith.constant 16 : index
      %swap3A_1124 = tpu.vector_load %swap3A_1122[%swap3A_1123] {strides = array<i32>} : memref<80xi32, #tpu.memory_space<vmem>>, vector<16xi32>,
      %swap3A_1125 = vector.shape_cast %swap3A_1124 : vector<16xi32> to vector<16xi32>
      %swap3A_1126 = vector.shape_cast %get3A_1118 : vector<16xi32> to vector<16xi32>
      tpu.vector_store %swap3A_1122[%swap3A_1123], %swap3A_1126 {strides = array<i32>} : memref<80xi32, #tpu.memory_space<vmem>>, vector<16xi32>,
      %add3A_1127 = vector.broadcast %mul3A_78 : i32 to vector<16xi32>
      %add3A_1128 = arith.addi %get3A_1118, %add3A_1127 : vector<16xi32>
      %swap3A_1129 = arith.constant 16 : index
      %swap3A_1130 = tpu.vector_load %arg13[%swap3A_1129] {strides = array<i32>} : memref<80xi32, #tpu.memory_space<vmem>>, vector<16xi32>,
      %swap3A_1131 = vector.shape_cast %swap3A_1130 : vector<16xi32> to vector<16xi32>
      %swap3A_1132 = vector.shape_cast %add3A_1128 : vector<16xi32> to vector<16xi32>
      tpu.vector_store %arg13[%swap3A_1129], %swap3A_1132 {strides = array<i32>} : memref<80xi32, #tpu.memory_space<vmem>>, vector<16xi32>,
      %shift_right_logical3A_1133 = arith.constant 4 : i32
      %shift_right_logical3A_1134 = vector.broadcast %shift_right_logical3A_1133 : i32 to vector<16xi32>
      %shift_right_logical3A_1135 = arith.shrui %get3A_1118, %shift_right_logical3A_1134 : vector<16xi32>
      %swap3A_1136 = arith.constant 0 : i32
      %swap3A_1137 = arith.constant 0 : i32
      %swap3A_1138 = tpu.memref_slice %arg14[%swap3A_1136, %swap3A_1137] : memref<2x80xi32, #tpu.memory_space<vmem>> -> memref<1x80xi32, #tpu.memory_space<vmem>>
      %swap3A_1139 = tpu.memref_squeeze %swap3A_1138 : memref<1x80xi32, #tpu.memory_space<vmem>> -> memref<80xi32, #tpu.memory_space<vmem>>
      %swap3A_1140 = arith.constant 16 : index
      %swap3A_1141 = tpu.vector_load %swap3A_1139[%swap3A_1140] {strides = array<i32>} : memref<80xi32, #tpu.memory_space<vmem>>, vector<16xi32>,
      %swap3A_1142 = vector.shape_cast %swap3A_1141 : vector<16xi32> to vector<16xi32>
      %swap3A_1143 = vector.shape_cast %shift_right_logical3A_1135 : vector<16xi32> to vector<16xi32>
      tpu.vector_store %swap3A_1139[%swap3A_1140], %swap3A_1143 {strides = array<i32>} : memref<80xi32, #tpu.memory_space<vmem>>, vector<16xi32>,
      %get3A_1144 = arith.constant 352 : index
      %get3A_1145 = tpu.vector_load %arg10[%get3A_1144] {strides = array<i32>} : memref<400xi32, #tpu.memory_space<vmem>>, vector<16xi32>,
      %get3A_1146 = vector.shape_cast %get3A_1145 : vector<16xi32> to vector<16xi32>
      %add3A_1147 = vector.broadcast %mul3A_78 : i32 to vector<16xi32>
      %add3A_1148 = arith.addi %get3A_1146, %add3A_1147 : vector<16xi32>
      %swap3A_1149 = arith.constant 32 : index
      %swap3A_1150 = tpu.vector_load %arg12[%swap3A_1149] {strides = array<i32>} : memref<80xi32, #tpu.memory_space<vmem>>, vector<16xi32>,
      %swap3A_1151 = vector.shape_cast %swap3A_1150 : vector<16xi32> to vector<16xi32>
      %swap3A_1152 = vector.shape_cast %add3A_1148 : vector<16xi32> to vector<16xi32>
      tpu.vector_store %arg12[%swap3A_1149], %swap3A_1152 {strides = array<i32>} : memref<80xi32, #tpu.memory_space<vmem>>, vector<16xi32>,
      %get3A_1153 = arith.constant 352 : index
      %get3A_1154 = tpu.vector_load %arg11[%get3A_1153] {strides = array<i32>} : memref<400xi32, #tpu.memory_space<vmem>>, vector<16xi32>,
      %get3A_1155 = vector.shape_cast %get3A_1154 : vector<16xi32> to vector<16xi32>
      %swap3A_1156 = arith.constant 0 : i32
      %swap3A_1157 = arith.constant 0 : i32
      %swap3A_1158 = tpu.memref_slice %arg15[%swap3A_1156, %swap3A_1157] : memref<2x80xi32, #tpu.memory_space<vmem>> -> memref<1x80xi32, #tpu.memory_space<vmem>>
      %swap3A_1159 = tpu.memref_squeeze %swap3A_1158 : memref<1x80xi32, #tpu.memory_space<vmem>> -> memref<80xi32, #tpu.memory_space<vmem>>
      %swap3A_1160 = arith.constant 32 : index
      %swap3A_1161 = tpu.vector_load %swap3A_1159[%swap3A_1160] {strides = array<i32>} : memref<80xi32, #tpu.memory_space<vmem>>, vector<16xi32>,
      %swap3A_1162 = vector.shape_cast %swap3A_1161 : vector<16xi32> to vector<16xi32>
      %swap3A_1163 = vector.shape_cast %get3A_1155 : vector<16xi32> to vector<16xi32>
      tpu.vector_store %swap3A_1159[%swap3A_1160], %swap3A_1163 {strides = array<i32>} : memref<80xi32, #tpu.memory_space<vmem>>, vector<16xi32>,
      %add3A_1164 = vector.broadcast %mul3A_78 : i32 to vector<16xi32>
      %add3A_1165 = arith.addi %get3A_1155, %add3A_1164 : vector<16xi32>
      %swap3A_1166 = arith.constant 32 : index
      %swap3A_1167 = tpu.vector_load %arg13[%swap3A_1166] {strides = array<i32>} : memref<80xi32, #tpu.memory_space<vmem>>, vector<16xi32>,
      %swap3A_1168 = vector.shape_cast %swap3A_1167 : vector<16xi32> to vector<16xi32>
      %swap3A_1169 = vector.shape_cast %add3A_1165 : vector<16xi32> to vector<16xi32>
      tpu.vector_store %arg13[%swap3A_1166], %swap3A_1169 {strides = array<i32>} : memref<80xi32, #tpu.memory_space<vmem>>, vector<16xi32>,
      %shift_right_logical3A_1170 = arith.constant 4 : i32
      %shift_right_logical3A_1171 = vector.broadcast %shift_right_logical3A_1170 : i32 to vector<16xi32>
      %shift_right_logical3A_1172 = arith.shrui %get3A_1155, %shift_right_logical3A_1171 : vector<16xi32>
      %swap3A_1173 = arith.constant 0 : i32
      %swap3A_1174 = arith.constant 0 : i32
      %swap3A_1175 = tpu.memref_slice %arg14[%swap3A_1173, %swap3A_1174] : memref<2x80xi32, #tpu.memory_space<vmem>> -> memref<1x80xi32, #tpu.memory_space<vmem>>
      %swap3A_1176 = tpu.memref_squeeze %swap3A_1175 : memref<1x80xi32, #tpu.memory_space<vmem>> -> memref<80xi32, #tpu.memory_space<vmem>>
      %swap3A_1177 = arith.constant 32 : index
      %swap3A_1178 = tpu.vector_load %swap3A_1176[%swap3A_1177] {strides = array<i32>} : memref<80xi32, #tpu.memory_space<vmem>>, vector<16xi32>,
      %swap3A_1179 = vector.shape_cast %swap3A_1178 : vector<16xi32> to vector<16xi32>
      %swap3A_1180 = vector.shape_cast %shift_right_logical3A_1172 : vector<16xi32> to vector<16xi32>
      tpu.vector_store %swap3A_1176[%swap3A_1177], %swap3A_1180 {strides = array<i32>} : memref<80xi32, #tpu.memory_space<vmem>>, vector<16xi32>,
      %get3A_1181 = arith.constant 368 : index
      %get3A_1182 = tpu.vector_load %arg10[%get3A_1181] {strides = array<i32>} : memref<400xi32, #tpu.memory_space<vmem>>, vector<16xi32>,
      %get3A_1183 = vector.shape_cast %get3A_1182 : vector<16xi32> to vector<16xi32>
      %add3A_1184 = vector.broadcast %mul3A_78 : i32 to vector<16xi32>
      %add3A_1185 = arith.addi %get3A_1183, %add3A_1184 : vector<16xi32>
      %swap3A_1186 = arith.constant 48 : index
      %swap3A_1187 = tpu.vector_load %arg12[%swap3A_1186] {strides = array<i32>} : memref<80xi32, #tpu.memory_space<vmem>>, vector<16xi32>,
      %swap3A_1188 = vector.shape_cast %swap3A_1187 : vector<16xi32> to vector<16xi32>
      %swap3A_1189 = vector.shape_cast %add3A_1185 : vector<16xi32> to vector<16xi32>
      tpu.vector_store %arg12[%swap3A_1186], %swap3A_1189 {strides = array<i32>} : memref<80xi32, #tpu.memory_space<vmem>>, vector<16xi32>,
      %get3A_1190 = arith.constant 368 : index
      %get3A_1191 = tpu.vector_load %arg11[%get3A_1190] {strides = array<i32>} : memref<400xi32, #tpu.memory_space<vmem>>, vector<16xi32>,
      %get3A_1192 = vector.shape_cast %get3A_1191 : vector<16xi32> to vector<16xi32>
      %swap3A_1193 = arith.constant 0 : i32
      %swap3A_1194 = arith.constant 0 : i32
      %swap3A_1195 = tpu.memref_slice %arg15[%swap3A_1193, %swap3A_1194] : memref<2x80xi32, #tpu.memory_space<vmem>> -> memref<1x80xi32, #tpu.memory_space<vmem>>
      %swap3A_1196 = tpu.memref_squeeze %swap3A_1195 : memref<1x80xi32, #tpu.memory_space<vmem>> -> memref<80xi32, #tpu.memory_space<vmem>>
      %swap3A_1197 = arith.constant 48 : index
      %swap3A_1198 = tpu.vector_load %swap3A_1196[%swap3A_1197] {strides = array<i32>} : memref<80xi32, #tpu.memory_space<vmem>>, vector<16xi32>,
      %swap3A_1199 = vector.shape_cast %swap3A_1198 : vector<16xi32> to vector<16xi32>
      %swap3A_1200 = vector.shape_cast %get3A_1192 : vector<16xi32> to vector<16xi32>
      tpu.vector_store %swap3A_1196[%swap3A_1197], %swap3A_1200 {strides = array<i32>} : memref<80xi32, #tpu.memory_space<vmem>>, vector<16xi32>,
      %add3A_1201 = vector.broadcast %mul3A_78 : i32 to vector<16xi32>
      %add3A_1202 = arith.addi %get3A_1192, %add3A_1201 : vector<16xi32>
      %swap3A_1203 = arith.constant 48 : index
      %swap3A_1204 = tpu.vector_load %arg13[%swap3A_1203] {strides = array<i32>} : memref<80xi32, #tpu.memory_space<vmem>>, vector<16xi32>,
      %swap3A_1205 = vector.shape_cast %swap3A_1204 : vector<16xi32> to vector<16xi32>
      %swap3A_1206 = vector.shape_cast %add3A_1202 : vector<16xi32> to vector<16xi32>
      tpu.vector_store %arg13[%swap3A_1203], %swap3A_1206 {strides = array<i32>} : memref<80xi32, #tpu.memory_space<vmem>>, vector<16xi32>,
      %shift_right_logical3A_1207 = arith.constant 4 : i32
      %shift_right_logical3A_1208 = vector.broadcast %shift_right_logical3A_1207 : i32 to vector<16xi32>
      %shift_right_logical3A_1209 = arith.shrui %get3A_1192, %shift_right_logical3A_1208 : vector<16xi32>
      %swap3A_1210 = arith.constant 0 : i32
      %swap3A_1211 = arith.constant 0 : i32
      %swap3A_1212 = tpu.memref_slice %arg14[%swap3A_1210, %swap3A_1211] : memref<2x80xi32, #tpu.memory_space<vmem>> -> memref<1x80xi32, #tpu.memory_space<vmem>>
      %swap3A_1213 = tpu.memref_squeeze %swap3A_1212 : memref<1x80xi32, #tpu.memory_space<vmem>> -> memref<80xi32, #tpu.memory_space<vmem>>
      %swap3A_1214 = arith.constant 48 : index
      %swap3A_1215 = tpu.vector_load %swap3A_1213[%swap3A_1214] {strides = array<i32>} : memref<80xi32, #tpu.memory_space<vmem>>, vector<16xi32>,
      %swap3A_1216 = vector.shape_cast %swap3A_1215 : vector<16xi32> to vector<16xi32>
      %swap3A_1217 = vector.shape_cast %shift_right_logical3A_1209 : vector<16xi32> to vector<16xi32>
      tpu.vector_store %swap3A_1213[%swap3A_1214], %swap3A_1217 {strides = array<i32>} : memref<80xi32, #tpu.memory_space<vmem>>, vector<16xi32>,
      %get3A_1218 = arith.constant 384 : index
      %get3A_1219 = tpu.vector_load %arg10[%get3A_1218] {strides = array<i32>} : memref<400xi32, #tpu.memory_space<vmem>>, vector<16xi32>,
      %get3A_1220 = vector.shape_cast %get3A_1219 : vector<16xi32> to vector<16xi32>
      %add3A_1221 = vector.broadcast %mul3A_78 : i32 to vector<16xi32>
      %add3A_1222 = arith.addi %get3A_1220, %add3A_1221 : vector<16xi32>
      %swap3A_1223 = arith.constant 64 : index
      %swap3A_1224 = tpu.vector_load %arg12[%swap3A_1223] {strides = array<i32>} : memref<80xi32, #tpu.memory_space<vmem>>, vector<16xi32>,
      %swap3A_1225 = vector.shape_cast %swap3A_1224 : vector<16xi32> to vector<16xi32>
      %swap3A_1226 = vector.shape_cast %add3A_1222 : vector<16xi32> to vector<16xi32>
      tpu.vector_store %arg12[%swap3A_1223], %swap3A_1226 {strides = array<i32>} : memref<80xi32, #tpu.memory_space<vmem>>, vector<16xi32>,
      %get3A_1227 = arith.constant 384 : index
      %get3A_1228 = tpu.vector_load %arg11[%get3A_1227] {strides = array<i32>} : memref<400xi32, #tpu.memory_space<vmem>>, vector<16xi32>,
      %get3A_1229 = vector.shape_cast %get3A_1228 : vector<16xi32> to vector<16xi32>
      %swap3A_1230 = arith.constant 0 : i32
      %swap3A_1231 = arith.constant 0 : i32
      %swap3A_1232 = tpu.memref_slice %arg15[%swap3A_1230, %swap3A_1231] : memref<2x80xi32, #tpu.memory_space<vmem>> -> memref<1x80xi32, #tpu.memory_space<vmem>>
      %swap3A_1233 = tpu.memref_squeeze %swap3A_1232 : memref<1x80xi32, #tpu.memory_space<vmem>> -> memref<80xi32, #tpu.memory_space<vmem>>
      %swap3A_1234 = arith.constant 64 : index
      %swap3A_1235 = tpu.vector_load %swap3A_1233[%swap3A_1234] {strides = array<i32>} : memref<80xi32, #tpu.memory_space<vmem>>, vector<16xi32>,
      %swap3A_1236 = vector.shape_cast %swap3A_1235 : vector<16xi32> to vector<16xi32>
      %swap3A_1237 = vector.shape_cast %get3A_1229 : vector<16xi32> to vector<16xi32>
      tpu.vector_store %swap3A_1233[%swap3A_1234], %swap3A_1237 {strides = array<i32>} : memref<80xi32, #tpu.memory_space<vmem>>, vector<16xi32>,
      %add3A_1238 = vector.broadcast %mul3A_78 : i32 to vector<16xi32>
      %add3A_1239 = arith.addi %get3A_1229, %add3A_1238 : vector<16xi32>
      %swap3A_1240 = arith.constant 64 : index
      %swap3A_1241 = tpu.vector_load %arg13[%swap3A_1240] {strides = array<i32>} : memref<80xi32, #tpu.memory_space<vmem>>, vector<16xi32>,
      %swap3A_1242 = vector.shape_cast %swap3A_1241 : vector<16xi32> to vector<16xi32>
      %swap3A_1243 = vector.shape_cast %add3A_1239 : vector<16xi32> to vector<16xi32>
      tpu.vector_store %arg13[%swap3A_1240], %swap3A_1243 {strides = array<i32>} : memref<80xi32, #tpu.memory_space<vmem>>, vector<16xi32>,
      %shift_right_logical3A_1244 = arith.constant 4 : i32
      %shift_right_logical3A_1245 = vector.broadcast %shift_right_logical3A_1244 : i32 to vector<16xi32>
      %shift_right_logical3A_1246 = arith.shrui %get3A_1229, %shift_right_logical3A_1245 : vector<16xi32>
      %swap3A_1247 = arith.constant 0 : i32
      %swap3A_1248 = arith.constant 0 : i32
      %swap3A_1249 = tpu.memref_slice %arg14[%swap3A_1247, %swap3A_1248] : memref<2x80xi32, #tpu.memory_space<vmem>> -> memref<1x80xi32, #tpu.memory_space<vmem>>
      %swap3A_1250 = tpu.memref_squeeze %swap3A_1249 : memref<1x80xi32, #tpu.memory_space<vmem>> -> memref<80xi32, #tpu.memory_space<vmem>>
      %swap3A_1251 = arith.constant 64 : index
      %swap3A_1252 = tpu.vector_load %swap3A_1250[%swap3A_1251] {strides = array<i32>} : memref<80xi32, #tpu.memory_space<vmem>>, vector<16xi32>,
      %swap3A_1253 = vector.shape_cast %swap3A_1252 : vector<16xi32> to vector<16xi32>
      %swap3A_1254 = vector.shape_cast %shift_right_logical3A_1246 : vector<16xi32> to vector<16xi32>
      tpu.vector_store %swap3A_1250[%swap3A_1251], %swap3A_1254 {strides = array<i32>} : memref<80xi32, #tpu.memory_space<vmem>>, vector<16xi32>,
      %dma_start3A_1255 = arith.constant 0 : i32
      %dma_start3A_1256 = arith.constant 0 : i32
      %dma_start3A_1257 = tpu.memref_slice %arg6[%dma_start3A_1255, %dma_start3A_1256] : memref<20000x128xf32, #tpu.memory_space<hbm>> -> memref<20000x128xf32, #tpu.memory_space<hbm>>
      tpu.enqueue_indirect_dma source(%dma_start3A_1257 : memref<20000x128xf32, #tpu.memory_space<hbm>>) target(%arg17 : memref<80x128xf32, #tpu.memory_space<vmem>>) offsets(%arg13 : memref<80xi32, #tpu.memory_space<vmem>>) semaphore(%arg24 : memref<!tpu.dma_semaphore, #tpu.memory_space<semaphore_mem>>)
      %mul3A_1258 = arith.constant 160000 : i32
      %mul3A_1259 = arith.muli %arg0, %mul3A_1258 : i32
      %add3A_1260 = arith.addi %mul3A_1259, %add3A_1069 : i32
      %dma_start3A_1261 = arith.constant 0 : i32
      %dma_start3A_1262 = tpu.memref_slice %arg4[%add3A_1260, %dma_start3A_1261] : memref<320000x128xf32, #tpu.memory_space<hbm>> -> memref<80x128xf32, #tpu.memory_space<hbm>>
      %dma_start3A_1263 = arith.constant 0 : i32
      %dma_start3A_1264 = tpu.memref_slice %arg4[%add3A_1260, %dma_start3A_1263] : memref<320000x128xf32, #tpu.memory_space<hbm>> -> memref<80x128xf32, #tpu.memory_space<hbm>>
      tpu.enqueue_dma source(%dma_start3A_1264 : memref<80x128xf32, #tpu.memory_space<hbm>>) target(%arg18 : memref<80x128xf32, #tpu.memory_space<vmem>>) target_semaphore(%arg25 : memref<!tpu.dma_semaphore, #tpu.memory_space<semaphore_mem>>)
      %dma_wait3A_1265 = arith.constant 1 : i32
      %dma_wait3A_1266 = arith.constant 0 : i32
      %dma_wait3A_1267 = tpu.memref_slice %arg15[%dma_wait3A_1265, %dma_wait3A_1266] : memref<2x80xi32, #tpu.memory_space<vmem>> -> memref<1x80xi32, #tpu.memory_space<vmem>>
      %dma_wait3A_1268 = tpu.memref_squeeze %dma_wait3A_1267 : memref<1x80xi32, #tpu.memory_space<vmem>> -> memref<80xi32, #tpu.memory_space<vmem>>
      %dma_wait3A_1269 = arith.constant 0 : i32
      %dma_wait3A_1270 = arith.constant 0 : i32
      %dma_wait3A_1271 = tpu.memref_slice %arg21[%dma_wait3A_1269, %dma_wait3A_1270] : memref<10240x128xf32, #tpu.memory_space<vmem_shared>> -> memref<10240x128xf32, #tpu.memory_space<vmem_shared>>
      tpu.wait_indirect_dma semaphore(%arg26 : memref<!tpu.dma_semaphore, #tpu.memory_space<semaphore_mem>>) src(%arg16 : memref<80x128xf32, #tpu.memory_space<vmem>>) dst(%dma_wait3A_1271 : memref<10240x128xf32, #tpu.memory_space<vmem_shared>>)
      %dma_wait3A_1272 = arith.constant 1 : i32
      %dma_wait3A_1273 = arith.constant 0 : i32
      %dma_wait3A_1274 = tpu.memref_slice %arg14[%dma_wait3A_1272, %dma_wait3A_1273] : memref<2x80xi32, #tpu.memory_space<vmem>> -> memref<1x80xi32, #tpu.memory_space<vmem>>
      %dma_wait3A_1275 = tpu.memref_squeeze %dma_wait3A_1274 : memref<1x80xi32, #tpu.memory_space<vmem>> -> memref<80xi32, #tpu.memory_space<vmem>>
      %dma_wait3A_1276 = arith.constant 0 : i32
      %dma_wait3A_1277 = arith.constant 0 : i32
      %dma_wait3A_1278 = tpu.memref_slice %arg22[%dma_wait3A_1276, %dma_wait3A_1277] : memref<640x128xf32, #tpu.memory_space<vmem_shared>> -> memref<640x128xf32, #tpu.memory_space<vmem_shared>>
      tpu.wait_indirect_dma semaphore(%arg27 : memref<!tpu.dma_semaphore, #tpu.memory_space<semaphore_mem>>) src(%arg19 : memref<80x128xf32, #tpu.memory_space<vmem>>) dst(%dma_wait3A_1278 : memref<640x128xf32, #tpu.memory_space<vmem_shared>>)
      %dma_start3A_1279 = arith.constant 0 : i32
      %dma_start3A_1280 = arith.constant 0 : i32
      %dma_start3A_1281 = tpu.memref_slice %arg5[%dma_start3A_1279, %dma_start3A_1280] : memref<20000x128xf32, #tpu.memory_space<hbm>> -> memref<20000x128xf32, #tpu.memory_space<hbm>>
      tpu.enqueue_indirect_dma source(%dma_start3A_1281 : memref<20000x128xf32, #tpu.memory_space<hbm>>) target(%arg16 : memref<80x128xf32, #tpu.memory_space<vmem>>) offsets(%arg12 : memref<80xi32, #tpu.memory_space<vmem>>) semaphore(%arg23 : memref<!tpu.dma_semaphore, #tpu.memory_space<semaphore_mem>>)
      %dma_wait3A_1282 = arith.constant 0 : i32
      %dma_wait3A_1283 = tpu.memref_slice %arg4[%add3A_1260, %dma_wait3A_1282] : memref<320000x128xf32, #tpu.memory_space<hbm>> -> memref<80x128xf32, #tpu.memory_space<hbm>>
      %dma_wait3A_1284 = arith.constant 0 : i32
      %dma_wait3A_1285 = tpu.memref_slice %arg4[%add3A_1260, %dma_wait3A_1284] : memref<320000x128xf32, #tpu.memory_space<hbm>> -> memref<80x128xf32, #tpu.memory_space<hbm>>
      tpu.wait_dma2 semaphore(%arg25 : memref<!tpu.dma_semaphore, #tpu.memory_space<semaphore_mem>>) src(%dma_wait3A_1285 : memref<80x128xf32, #tpu.memory_space<hbm>>) dst(%arg18 : memref<80x128xf32, #tpu.memory_space<vmem>>)
      %dma_wait3A_1286 = arith.constant 0 : i32
      %dma_wait3A_1287 = arith.constant 0 : i32
      %dma_wait3A_1288 = tpu.memref_slice %arg5[%dma_wait3A_1286, %dma_wait3A_1287] : memref<20000x128xf32, #tpu.memory_space<hbm>> -> memref<20000x128xf32, #tpu.memory_space<hbm>>
      tpu.wait_indirect_dma semaphore(%arg23 : memref<!tpu.dma_semaphore, #tpu.memory_space<semaphore_mem>>) src(%dma_wait3A_1288 : memref<20000x128xf32, #tpu.memory_space<hbm>>) dst(%arg16 : memref<80x128xf32, #tpu.memory_space<vmem>>)
      %dma_wait3A_1289 = arith.constant 0 : i32
      %dma_wait3A_1290 = arith.constant 0 : i32
      %dma_wait3A_1291 = tpu.memref_slice %arg6[%dma_wait3A_1289, %dma_wait3A_1290] : memref<20000x128xf32, #tpu.memory_space<hbm>> -> memref<20000x128xf32, #tpu.memory_space<hbm>>
      tpu.wait_indirect_dma semaphore(%arg24 : memref<!tpu.dma_semaphore, #tpu.memory_space<semaphore_mem>>) src(%dma_wait3A_1291 : memref<20000x128xf32, #tpu.memory_space<hbm>>) dst(%arg17 : memref<80x128xf32, #tpu.memory_space<vmem>>)
      %scan3A_1292 = arith.constant 0 : i32
      %scan3A_1293 = arith.constant 0 : i32
      %scan3A_1294 = arith.constant 0 : i32
      %scan3A_1295 = arith.constant 5 : i32
      %scan3A_1296 = arith.addi %scan3A_1294, %scan3A_1295 : i32
      %scan3A_1297 = arith.constant 1 : i32
      scf.for %scan3A_1300 = %scan3A_1294 to %scan3A_1296 step %scan3A_1297  : i32 {
        %mul3A_1301 = arith.constant 16 : i32
        %mul3A_1302 = arith.muli %scan3A_1300, %mul3A_1301 : i32
        %get3A_1303 = arith.constant 0 : i32
        %get3A_1304 = tpu.memref_slice %arg15[%scan3A_1293, %get3A_1303] : memref<2x80xi32, #tpu.memory_space<vmem>> -> memref<1x80xi32, #tpu.memory_space<vmem>>
        %get3A_1305 = tpu.memref_squeeze %get3A_1304 : memref<1x80xi32, #tpu.memory_space<vmem>> -> memref<80xi32, #tpu.memory_space<vmem>>
        %get3A_1306 = arith.index_cast %mul3A_1302 : i32 to index
        %get3A_1307 = tpu.vector_load %get3A_1305[%get3A_1306] {strides = array<i32>} : memref<80xi32, #tpu.memory_space<vmem>>, vector<16xi32>,
        %get3A_1308 = vector.shape_cast %get3A_1307 : vector<16xi32> to vector<16xi32>
        %scan3A_1309 = arith.constant 0 : i32
        %scan3A_1310 = arith.constant 16 : i32
        %scan3A_1311 = arith.addi %scan3A_1309, %scan3A_1310 : i32
        %scan3A_1312 = arith.constant 1 : i32
        scf.for %scan3A_1314 = %scan3A_1309 to %scan3A_1311 step %scan3A_1312  : i32 {
          %mul3A_1315 = arith.constant 16 : i32
          %mul3A_1316 = arith.muli %scan3A_1300, %mul3A_1315 : i32
          %add3A_1317 = arith.addi %mul3A_1316, %scan3A_1314 : i32
          %get3A_1318 = arith.index_cast %add3A_1317 : i32 to index
          %get3A_1319 = arith.constant 0 : index
          %get3A_1320 = tpu.vector_load %arg16[%get3A_1318, %get3A_1319] {strides = array<i32>} : memref<80x128xf32, #tpu.memory_space<vmem>>, vector<1x16xf32>,
          %get3A_1321 = vector.shape_cast %get3A_1320 : vector<1x16xf32> to vector<16xf32>
          %get3A_1322 = arith.index_cast %add3A_1317 : i32 to index
          %get3A_1323 = arith.constant 16 : index
          %get3A_1324 = tpu.vector_load %arg16[%get3A_1322, %get3A_1323] {strides = array<i32>} : memref<80x128xf32, #tpu.memory_space<vmem>>, vector<1x16xf32>,
          %get3A_1325 = vector.shape_cast %get3A_1324 : vector<1x16xf32> to vector<16xf32>
          %get3A_1326 = arith.index_cast %add3A_1317 : i32 to index
          %get3A_1327 = arith.constant 32 : index
          %get3A_1328 = tpu.vector_load %arg16[%get3A_1326, %get3A_1327] {strides = array<i32>} : memref<80x128xf32, #tpu.memory_space<vmem>>, vector<1x16xf32>,
          %get3A_1329 = vector.shape_cast %get3A_1328 : vector<1x16xf32> to vector<16xf32>
          %get3A_1330 = arith.index_cast %add3A_1317 : i32 to index
          %get3A_1331 = arith.constant 48 : index
          %get3A_1332 = tpu.vector_load %arg16[%get3A_1330, %get3A_1331] {strides = array<i32>} : memref<80x128xf32, #tpu.memory_space<vmem>>, vector<1x16xf32>,
          %get3A_1333 = vector.shape_cast %get3A_1332 : vector<1x16xf32> to vector<16xf32>
          %get3A_1334 = arith.index_cast %add3A_1317 : i32 to index
          %get3A_1335 = arith.constant 64 : index
          %get3A_1336 = tpu.vector_load %arg16[%get3A_1334, %get3A_1335] {strides = array<i32>} : memref<80x128xf32, #tpu.memory_space<vmem>>, vector<1x16xf32>,
          %get3A_1337 = vector.shape_cast %get3A_1336 : vector<1x16xf32> to vector<16xf32>
          %get3A_1338 = arith.index_cast %add3A_1317 : i32 to index
          %get3A_1339 = arith.constant 80 : index
          %get3A_1340 = tpu.vector_load %arg16[%get3A_1338, %get3A_1339] {strides = array<i32>} : memref<80x128xf32, #tpu.memory_space<vmem>>, vector<1x16xf32>,
          %get3A_1341 = vector.shape_cast %get3A_1340 : vector<1x16xf32> to vector<16xf32>
          %get3A_1342 = arith.index_cast %add3A_1317 : i32 to index
          %get3A_1343 = arith.constant 96 : index
          %get3A_1344 = tpu.vector_load %arg16[%get3A_1342, %get3A_1343] {strides = array<i32>} : memref<80x128xf32, #tpu.memory_space<vmem>>, vector<1x16xf32>,
          %get3A_1345 = vector.shape_cast %get3A_1344 : vector<1x16xf32> to vector<16xf32>
          %get3A_1346 = arith.index_cast %add3A_1317 : i32 to index
          %get3A_1347 = arith.constant 112 : index
          %get3A_1348 = tpu.vector_load %arg16[%get3A_1346, %get3A_1347] {strides = array<i32>} : memref<80x128xf32, #tpu.memory_space<vmem>>, vector<1x16xf32>,
          %get3A_1349 = vector.shape_cast %get3A_1348 : vector<1x16xf32> to vector<16xf32>
          %get3A_1350 = arith.index_cast %add3A_1317 : i32 to index
          %get3A_1351 = arith.constant 0 : index
          %get3A_1352 = tpu.vector_load %arg17[%get3A_1350, %get3A_1351] {strides = array<i32>} : memref<80x128xf32, #tpu.memory_space<vmem>>, vector<1x16xf32>,
          %get3A_1353 = vector.shape_cast %get3A_1352 : vector<1x16xf32> to vector<16xf32>
          %add3A_1354 = arith.addf %get3A_1321, %get3A_1353 : vector<16xf32>
          %get3A_1355 = arith.index_cast %add3A_1317 : i32 to index
          %get3A_1356 = arith.constant 0 : index
          %get3A_1357 = tpu.vector_load %arg18[%get3A_1355, %get3A_1356] {strides = array<i32>} : memref<80x128xf32, #tpu.memory_space<vmem>>, vector<1x16xf32>,
          %get3A_1358 = vector.shape_cast %get3A_1357 : vector<1x16xf32> to vector<16xf32>
          %add3A_1359 = arith.addf %add3A_1354, %get3A_1358 : vector<16xf32>
          %mul3A_1360 = arith.constant 2.000000e-01 : f32
          %mul3A_1361 = vector.broadcast %mul3A_1360 : f32 to vector<16xf32>
          %mul3A_1362 = arith.mulf %mul3A_1361, %add3A_1359 : vector<16xf32>
          %max3A = arith.maximumf %add3A_1359, %mul3A_1362 : vector<16xf32>
          %mul3A_1363 = arith.mulf %max3A, %get3A_41 : vector<16xf32>
          %get3A_1364 = arith.index_cast %add3A_1317 : i32 to index
          %get3A_1365 = arith.constant 16 : index
          %get3A_1366 = tpu.vector_load %arg17[%get3A_1364, %get3A_1365] {strides = array<i32>} : memref<80x128xf32, #tpu.memory_space<vmem>>, vector<1x16xf32>,
          %get3A_1367 = vector.shape_cast %get3A_1366 : vector<1x16xf32> to vector<16xf32>
          %add3A_1368 = arith.addf %get3A_1325, %get3A_1367 : vector<16xf32>
          %get3A_1369 = arith.index_cast %add3A_1317 : i32 to index
          %get3A_1370 = arith.constant 16 : index
          %get3A_1371 = tpu.vector_load %arg18[%get3A_1369, %get3A_1370] {strides = array<i32>} : memref<80x128xf32, #tpu.memory_space<vmem>>, vector<1x16xf32>,
          %get3A_1372 = vector.shape_cast %get3A_1371 : vector<1x16xf32> to vector<16xf32>
          %add3A_1373 = arith.addf %add3A_1368, %get3A_1372 : vector<16xf32>
          %mul3A_1374 = arith.constant 2.000000e-01 : f32
          %mul3A_1375 = vector.broadcast %mul3A_1374 : f32 to vector<16xf32>
          %mul3A_1376 = arith.mulf %mul3A_1375, %add3A_1373 : vector<16xf32>
          %max3A_1377 = arith.maximumf %add3A_1373, %mul3A_1376 : vector<16xf32>
          %mul3A_1378 = arith.mulf %max3A_1377, %get3A_44 : vector<16xf32>
          %add3A_1379 = arith.addf %mul3A_1363, %mul3A_1378 : vector<16xf32>
          %get3A_1380 = arith.index_cast %add3A_1317 : i32 to index
          %get3A_1381 = arith.constant 32 : index
          %get3A_1382 = tpu.vector_load %arg17[%get3A_1380, %get3A_1381] {strides = array<i32>} : memref<80x128xf32, #tpu.memory_space<vmem>>, vector<1x16xf32>,
          %get3A_1383 = vector.shape_cast %get3A_1382 : vector<1x16xf32> to vector<16xf32>
          %add3A_1384 = arith.addf %get3A_1329, %get3A_1383 : vector<16xf32>
          %get3A_1385 = arith.index_cast %add3A_1317 : i32 to index
          %get3A_1386 = arith.constant 32 : index
          %get3A_1387 = tpu.vector_load %arg18[%get3A_1385, %get3A_1386] {strides = array<i32>} : memref<80x128xf32, #tpu.memory_space<vmem>>, vector<1x16xf32>,
          %get3A_1388 = vector.shape_cast %get3A_1387 : vector<1x16xf32> to vector<16xf32>
          %add3A_1389 = arith.addf %add3A_1384, %get3A_1388 : vector<16xf32>
          %mul3A_1390 = arith.constant 2.000000e-01 : f32
          %mul3A_1391 = vector.broadcast %mul3A_1390 : f32 to vector<16xf32>
          %mul3A_1392 = arith.mulf %mul3A_1391, %add3A_1389 : vector<16xf32>
          %max3A_1393 = arith.maximumf %add3A_1389, %mul3A_1392 : vector<16xf32>
          %mul3A_1394 = arith.mulf %max3A_1393, %get3A_47 : vector<16xf32>
          %add3A_1395 = arith.addf %add3A_1379, %mul3A_1394 : vector<16xf32>
          %get3A_1396 = arith.index_cast %add3A_1317 : i32 to index
          %get3A_1397 = arith.constant 48 : index
          %get3A_1398 = tpu.vector_load %arg17[%get3A_1396, %get3A_1397] {strides = array<i32>} : memref<80x128xf32, #tpu.memory_space<vmem>>, vector<1x16xf32>,
          %get3A_1399 = vector.shape_cast %get3A_1398 : vector<1x16xf32> to vector<16xf32>
          %add3A_1400 = arith.addf %get3A_1333, %get3A_1399 : vector<16xf32>
          %get3A_1401 = arith.index_cast %add3A_1317 : i32 to index
          %get3A_1402 = arith.constant 48 : index
          %get3A_1403 = tpu.vector_load %arg18[%get3A_1401, %get3A_1402] {strides = array<i32>} : memref<80x128xf32, #tpu.memory_space<vmem>>, vector<1x16xf32>,
          %get3A_1404 = vector.shape_cast %get3A_1403 : vector<1x16xf32> to vector<16xf32>
          %add3A_1405 = arith.addf %add3A_1400, %get3A_1404 : vector<16xf32>
          %mul3A_1406 = arith.constant 2.000000e-01 : f32
          %mul3A_1407 = vector.broadcast %mul3A_1406 : f32 to vector<16xf32>
          %mul3A_1408 = arith.mulf %mul3A_1407, %add3A_1405 : vector<16xf32>
          %max3A_1409 = arith.maximumf %add3A_1405, %mul3A_1408 : vector<16xf32>
          %mul3A_1410 = arith.mulf %max3A_1409, %get3A_50 : vector<16xf32>
          %add3A_1411 = arith.addf %add3A_1395, %mul3A_1410 : vector<16xf32>
          %get3A_1412 = arith.index_cast %add3A_1317 : i32 to index
          %get3A_1413 = arith.constant 64 : index
          %get3A_1414 = tpu.vector_load %arg17[%get3A_1412, %get3A_1413] {strides = array<i32>} : memref<80x128xf32, #tpu.memory_space<vmem>>, vector<1x16xf32>,
          %get3A_1415 = vector.shape_cast %get3A_1414 : vector<1x16xf32> to vector<16xf32>
          %add3A_1416 = arith.addf %get3A_1337, %get3A_1415 : vector<16xf32>
          %get3A_1417 = arith.index_cast %add3A_1317 : i32 to index
          %get3A_1418 = arith.constant 64 : index
          %get3A_1419 = tpu.vector_load %arg18[%get3A_1417, %get3A_1418] {strides = array<i32>} : memref<80x128xf32, #tpu.memory_space<vmem>>, vector<1x16xf32>,
          %get3A_1420 = vector.shape_cast %get3A_1419 : vector<1x16xf32> to vector<16xf32>
          %add3A_1421 = arith.addf %add3A_1416, %get3A_1420 : vector<16xf32>
          %mul3A_1422 = arith.constant 2.000000e-01 : f32
          %mul3A_1423 = vector.broadcast %mul3A_1422 : f32 to vector<16xf32>
          %mul3A_1424 = arith.mulf %mul3A_1423, %add3A_1421 : vector<16xf32>
          %max3A_1425 = arith.maximumf %add3A_1421, %mul3A_1424 : vector<16xf32>
          %mul3A_1426 = arith.mulf %max3A_1425, %get3A_53 : vector<16xf32>
          %get3A_1427 = arith.index_cast %add3A_1317 : i32 to index
          %get3A_1428 = arith.constant 80 : index
          %get3A_1429 = tpu.vector_load %arg17[%get3A_1427, %get3A_1428] {strides = array<i32>} : memref<80x128xf32, #tpu.memory_space<vmem>>, vector<1x16xf32>,
          %get3A_1430 = vector.shape_cast %get3A_1429 : vector<1x16xf32> to vector<16xf32>
          %add3A_1431 = arith.addf %get3A_1341, %get3A_1430 : vector<16xf32>
          %get3A_1432 = arith.index_cast %add3A_1317 : i32 to index
          %get3A_1433 = arith.constant 80 : index
          %get3A_1434 = tpu.vector_load %arg18[%get3A_1432, %get3A_1433] {strides = array<i32>} : memref<80x128xf32, #tpu.memory_space<vmem>>, vector<1x16xf32>,
          %get3A_1435 = vector.shape_cast %get3A_1434 : vector<1x16xf32> to vector<16xf32>
          %add3A_1436 = arith.addf %add3A_1431, %get3A_1435 : vector<16xf32>
          %mul3A_1437 = arith.constant 2.000000e-01 : f32
          %mul3A_1438 = vector.broadcast %mul3A_1437 : f32 to vector<16xf32>
          %mul3A_1439 = arith.mulf %mul3A_1438, %add3A_1436 : vector<16xf32>
          %max3A_1440 = arith.maximumf %add3A_1436, %mul3A_1439 : vector<16xf32>
          %mul3A_1441 = arith.mulf %max3A_1440, %get3A_56 : vector<16xf32>
          %add3A_1442 = arith.addf %mul3A_1426, %mul3A_1441 : vector<16xf32>
          %get3A_1443 = arith.index_cast %add3A_1317 : i32 to index
          %get3A_1444 = arith.constant 96 : index
          %get3A_1445 = tpu.vector_load %arg17[%get3A_1443, %get3A_1444] {strides = array<i32>} : memref<80x128xf32, #tpu.memory_space<vmem>>, vector<1x16xf32>,
          %get3A_1446 = vector.shape_cast %get3A_1445 : vector<1x16xf32> to vector<16xf32>
          %add3A_1447 = arith.addf %get3A_1345, %get3A_1446 : vector<16xf32>
          %get3A_1448 = arith.index_cast %add3A_1317 : i32 to index
          %get3A_1449 = arith.constant 96 : index
          %get3A_1450 = tpu.vector_load %arg18[%get3A_1448, %get3A_1449] {strides = array<i32>} : memref<80x128xf32, #tpu.memory_space<vmem>>, vector<1x16xf32>,
          %get3A_1451 = vector.shape_cast %get3A_1450 : vector<1x16xf32> to vector<16xf32>
          %add3A_1452 = arith.addf %add3A_1447, %get3A_1451 : vector<16xf32>
          %mul3A_1453 = arith.constant 2.000000e-01 : f32
          %mul3A_1454 = vector.broadcast %mul3A_1453 : f32 to vector<16xf32>
          %mul3A_1455 = arith.mulf %mul3A_1454, %add3A_1452 : vector<16xf32>
          %max3A_1456 = arith.maximumf %add3A_1452, %mul3A_1455 : vector<16xf32>
          %mul3A_1457 = arith.mulf %max3A_1456, %get3A_59 : vector<16xf32>
          %add3A_1458 = arith.addf %add3A_1442, %mul3A_1457 : vector<16xf32>
          %get3A_1459 = arith.index_cast %add3A_1317 : i32 to index
          %get3A_1460 = arith.constant 112 : index
          %get3A_1461 = tpu.vector_load %arg17[%get3A_1459, %get3A_1460] {strides = array<i32>} : memref<80x128xf32, #tpu.memory_space<vmem>>, vector<1x16xf32>,
          %get3A_1462 = vector.shape_cast %get3A_1461 : vector<1x16xf32> to vector<16xf32>
          %add3A_1463 = arith.addf %get3A_1349, %get3A_1462 : vector<16xf32>
          %get3A_1464 = arith.index_cast %add3A_1317 : i32 to index
          %get3A_1465 = arith.constant 112 : index
          %get3A_1466 = tpu.vector_load %arg18[%get3A_1464, %get3A_1465] {strides = array<i32>} : memref<80x128xf32, #tpu.memory_space<vmem>>, vector<1x16xf32>,
          %get3A_1467 = vector.shape_cast %get3A_1466 : vector<1x16xf32> to vector<16xf32>
          %add3A_1468 = arith.addf %add3A_1463, %get3A_1467 : vector<16xf32>
          %mul3A_1469 = arith.constant 2.000000e-01 : f32
          %mul3A_1470 = vector.broadcast %mul3A_1469 : f32 to vector<16xf32>
          %mul3A_1471 = arith.mulf %mul3A_1470, %add3A_1468 : vector<16xf32>
          %max3A_1472 = arith.maximumf %add3A_1468, %mul3A_1471 : vector<16xf32>
          %mul3A_1473 = arith.mulf %max3A_1472, %get3A_62 : vector<16xf32>
          %add3A_1474 = arith.addf %add3A_1458, %mul3A_1473 : vector<16xf32>
          %lt3A = arith.constant 0 : i32
          %lt3A_1475 = vector.broadcast %lt3A : i32 to vector<16xi32>
          %lt3A_1476 = arith.cmpi slt, %xor3A_64, %lt3A_1475 : vector<16xi32>
          %add3A_1477 = arith.constant 16 : i32
          %add3A_1478 = vector.broadcast %add3A_1477 : i32 to vector<16xi32>
          %add3A_1479 = arith.addi %xor3A_64, %add3A_1478 : vector<16xi32>
          %select_n3A = arith.select %lt3A_1476, %add3A_1479, %xor3A_64 : vector<16xi1>, vector<16xi32>
          %broadcast_in_dim3A_1480 = vector.shape_cast %select_n3A : vector<16xi32> to vector<16x1xi32>
          %gather3A = vector.shape_cast %broadcast_in_dim3A_1480 : vector<16x1xi32> to vector<16xi32>
          %gather3A_1481 = tpu.dynamic_gather %add3A_1411[%gather3A] in [0] : vector<16xf32>, vector<16xi32> -> vector<16xf32>
          %add3A_1482 = arith.addf %add3A_1411, %gather3A_1481 : vector<16xf32>
          %lt3A_1483 = arith.constant 0 : i32
          %lt3A_1484 = vector.broadcast %lt3A_1483 : i32 to vector<16xi32>
          %lt3A_1485 = arith.cmpi slt, %xor3A_67, %lt3A_1484 : vector<16xi32>
          %add3A_1486 = arith.constant 16 : i32
          %add3A_1487 = vector.broadcast %add3A_1486 : i32 to vector<16xi32>
          %add3A_1488 = arith.addi %xor3A_67, %add3A_1487 : vector<16xi32>
          %select_n3A_1489 = arith.select %lt3A_1485, %add3A_1488, %xor3A_67 : vector<16xi1>, vector<16xi32>
          %broadcast_in_dim3A_1490 = vector.shape_cast %select_n3A_1489 : vector<16xi32> to vector<16x1xi32>
          %gather3A_1491 = vector.shape_cast %broadcast_in_dim3A_1490 : vector<16x1xi32> to vector<16xi32>
          %gather3A_1492 = tpu.dynamic_gather %add3A_1482[%gather3A_1491] in [0] : vector<16xf32>, vector<16xi32> -> vector<16xf32>
          %add3A_1493 = arith.addf %add3A_1482, %gather3A_1492 : vector<16xf32>
          %lt3A_1494 = arith.constant 0 : i32
          %lt3A_1495 = vector.broadcast %lt3A_1494 : i32 to vector<16xi32>
          %lt3A_1496 = arith.cmpi slt, %xor3A_70, %lt3A_1495 : vector<16xi32>
          %add3A_1497 = arith.constant 16 : i32
          %add3A_1498 = vector.broadcast %add3A_1497 : i32 to vector<16xi32>
          %add3A_1499 = arith.addi %xor3A_70, %add3A_1498 : vector<16xi32>
          %select_n3A_1500 = arith.select %lt3A_1496, %add3A_1499, %xor3A_70 : vector<16xi1>, vector<16xi32>
          %broadcast_in_dim3A_1501 = vector.shape_cast %select_n3A_1500 : vector<16xi32> to vector<16x1xi32>
          %gather3A_1502 = vector.shape_cast %broadcast_in_dim3A_1501 : vector<16x1xi32> to vector<16xi32>
          %gather3A_1503 = tpu.dynamic_gather %add3A_1493[%gather3A_1502] in [0] : vector<16xf32>, vector<16xi32> -> vector<16xf32>
          %add3A_1504 = arith.addf %add3A_1493, %gather3A_1503 : vector<16xf32>
          %lt3A_1505 = arith.constant 0 : i32
          %lt3A_1506 = vector.broadcast %lt3A_1505 : i32 to vector<16xi32>
          %lt3A_1507 = arith.cmpi slt, %xor3A_73, %lt3A_1506 : vector<16xi32>
          %add3A_1508 = arith.constant 16 : i32
          %add3A_1509 = vector.broadcast %add3A_1508 : i32 to vector<16xi32>
          %add3A_1510 = arith.addi %xor3A_73, %add3A_1509 : vector<16xi32>
          %select_n3A_1511 = arith.select %lt3A_1507, %add3A_1510, %xor3A_73 : vector<16xi1>, vector<16xi32>
          %broadcast_in_dim3A_1512 = vector.shape_cast %select_n3A_1511 : vector<16xi32> to vector<16x1xi32>
          %gather3A_1513 = vector.shape_cast %broadcast_in_dim3A_1512 : vector<16x1xi32> to vector<16xi32>
          %gather3A_1514 = tpu.dynamic_gather %add3A_1504[%gather3A_1513] in [0] : vector<16xf32>, vector<16xi32> -> vector<16xf32>
          %add3A_1515 = arith.addf %add3A_1504, %gather3A_1514 : vector<16xf32>
          %exp3A = math.exp %add3A_1515 : vector<16xf32>
          %lt3A_1516 = arith.constant 0 : i32
          %lt3A_1517 = vector.broadcast %lt3A_1516 : i32 to vector<16xi32>
          %lt3A_1518 = arith.cmpi slt, %xor3A_64, %lt3A_1517 : vector<16xi32>
          %add3A_1519 = arith.constant 16 : i32
          %add3A_1520 = vector.broadcast %add3A_1519 : i32 to vector<16xi32>
          %add3A_1521 = arith.addi %xor3A_64, %add3A_1520 : vector<16xi32>
          %select_n3A_1522 = arith.select %lt3A_1518, %add3A_1521, %xor3A_64 : vector<16xi1>, vector<16xi32>
          %broadcast_in_dim3A_1523 = vector.shape_cast %select_n3A_1522 : vector<16xi32> to vector<16x1xi32>
          %gather3A_1524 = vector.shape_cast %broadcast_in_dim3A_1523 : vector<16x1xi32> to vector<16xi32>
          %gather3A_1525 = tpu.dynamic_gather %add3A_1474[%gather3A_1524] in [0] : vector<16xf32>, vector<16xi32> -> vector<16xf32>
          %add3A_1526 = arith.addf %add3A_1474, %gather3A_1525 : vector<16xf32>
          %lt3A_1527 = arith.constant 0 : i32
          %lt3A_1528 = vector.broadcast %lt3A_1527 : i32 to vector<16xi32>
          %lt3A_1529 = arith.cmpi slt, %xor3A_67, %lt3A_1528 : vector<16xi32>
          %add3A_1530 = arith.constant 16 : i32
          %add3A_1531 = vector.broadcast %add3A_1530 : i32 to vector<16xi32>
          %add3A_1532 = arith.addi %xor3A_67, %add3A_1531 : vector<16xi32>
          %select_n3A_1533 = arith.select %lt3A_1529, %add3A_1532, %xor3A_67 : vector<16xi1>, vector<16xi32>
          %broadcast_in_dim3A_1534 = vector.shape_cast %select_n3A_1533 : vector<16xi32> to vector<16x1xi32>
          %gather3A_1535 = vector.shape_cast %broadcast_in_dim3A_1534 : vector<16x1xi32> to vector<16xi32>
          %gather3A_1536 = tpu.dynamic_gather %add3A_1526[%gather3A_1535] in [0] : vector<16xf32>, vector<16xi32> -> vector<16xf32>
          %add3A_1537 = arith.addf %add3A_1526, %gather3A_1536 : vector<16xf32>
          %lt3A_1538 = arith.constant 0 : i32
          %lt3A_1539 = vector.broadcast %lt3A_1538 : i32 to vector<16xi32>
          %lt3A_1540 = arith.cmpi slt, %xor3A_70, %lt3A_1539 : vector<16xi32>
          %add3A_1541 = arith.constant 16 : i32
          %add3A_1542 = vector.broadcast %add3A_1541 : i32 to vector<16xi32>
          %add3A_1543 = arith.addi %xor3A_70, %add3A_1542 : vector<16xi32>
          %select_n3A_1544 = arith.select %lt3A_1540, %add3A_1543, %xor3A_70 : vector<16xi1>, vector<16xi32>
          %broadcast_in_dim3A_1545 = vector.shape_cast %select_n3A_1544 : vector<16xi32> to vector<16x1xi32>
          %gather3A_1546 = vector.shape_cast %broadcast_in_dim3A_1545 : vector<16x1xi32> to vector<16xi32>
          %gather3A_1547 = tpu.dynamic_gather %add3A_1537[%gather3A_1546] in [0] : vector<16xf32>, vector<16xi32> -> vector<16xf32>
          %add3A_1548 = arith.addf %add3A_1537, %gather3A_1547 : vector<16xf32>
          %lt3A_1549 = arith.constant 0 : i32
          %lt3A_1550 = vector.broadcast %lt3A_1549 : i32 to vector<16xi32>
          %lt3A_1551 = arith.cmpi slt, %xor3A_73, %lt3A_1550 : vector<16xi32>
          %add3A_1552 = arith.constant 16 : i32
          %add3A_1553 = vector.broadcast %add3A_1552 : i32 to vector<16xi32>
          %add3A_1554 = arith.addi %xor3A_73, %add3A_1553 : vector<16xi32>
          %select_n3A_1555 = arith.select %lt3A_1551, %add3A_1554, %xor3A_73 : vector<16xi1>, vector<16xi32>
          %broadcast_in_dim3A_1556 = vector.shape_cast %select_n3A_1555 : vector<16xi32> to vector<16x1xi32>
          %gather3A_1557 = vector.shape_cast %broadcast_in_dim3A_1556 : vector<16x1xi32> to vector<16xi32>
          %gather3A_1558 = tpu.dynamic_gather %add3A_1548[%gather3A_1557] in [0] : vector<16xf32>, vector<16xi32> -> vector<16xf32>
          %add3A_1559 = arith.addf %add3A_1548, %gather3A_1558 : vector<16xf32>
          %exp3A_1560 = math.exp %add3A_1559 : vector<16xf32>
          %mul3A_1561 = arith.mulf %exp3A, %get3A_1321 : vector<16xf32>
          %swap3A_1562 = arith.index_cast %add3A_1317 : i32 to index
          %swap3A_1563 = arith.constant 0 : index
          %swap3A_1564 = tpu.vector_load %arg16[%swap3A_1562, %swap3A_1563] {strides = array<i32>} : memref<80x128xf32, #tpu.memory_space<vmem>>, vector<1x16xf32>,
          %swap3A_1565 = vector.shape_cast %swap3A_1564 : vector<1x16xf32> to vector<16xf32>
          %swap3A_1566 = vector.shape_cast %mul3A_1561 : vector<16xf32> to vector<1x16xf32>
          tpu.vector_store %arg16[%swap3A_1562, %swap3A_1563], %swap3A_1566 {strides = array<i32>} : memref<80x128xf32, #tpu.memory_space<vmem>>, vector<1x16xf32>,
          %mul3A_1567 = arith.mulf %exp3A, %get3A_1325 : vector<16xf32>
          %swap3A_1568 = arith.index_cast %add3A_1317 : i32 to index
          %swap3A_1569 = arith.constant 16 : index
          %swap3A_1570 = tpu.vector_load %arg16[%swap3A_1568, %swap3A_1569] {strides = array<i32>} : memref<80x128xf32, #tpu.memory_space<vmem>>, vector<1x16xf32>,
          %swap3A_1571 = vector.shape_cast %swap3A_1570 : vector<1x16xf32> to vector<16xf32>
          %swap3A_1572 = vector.shape_cast %mul3A_1567 : vector<16xf32> to vector<1x16xf32>
          tpu.vector_store %arg16[%swap3A_1568, %swap3A_1569], %swap3A_1572 {strides = array<i32>} : memref<80x128xf32, #tpu.memory_space<vmem>>, vector<1x16xf32>,
          %mul3A_1573 = arith.mulf %exp3A, %get3A_1329 : vector<16xf32>
          %swap3A_1574 = arith.index_cast %add3A_1317 : i32 to index
          %swap3A_1575 = arith.constant 32 : index
          %swap3A_1576 = tpu.vector_load %arg16[%swap3A_1574, %swap3A_1575] {strides = array<i32>} : memref<80x128xf32, #tpu.memory_space<vmem>>, vector<1x16xf32>,
          %swap3A_1577 = vector.shape_cast %swap3A_1576 : vector<1x16xf32> to vector<16xf32>
          %swap3A_1578 = vector.shape_cast %mul3A_1573 : vector<16xf32> to vector<1x16xf32>
          tpu.vector_store %arg16[%swap3A_1574, %swap3A_1575], %swap3A_1578 {strides = array<i32>} : memref<80x128xf32, #tpu.memory_space<vmem>>, vector<1x16xf32>,
          %mul3A_1579 = arith.mulf %exp3A, %get3A_1333 : vector<16xf32>
          %swap3A_1580 = arith.index_cast %add3A_1317 : i32 to index
          %swap3A_1581 = arith.constant 48 : index
          %swap3A_1582 = tpu.vector_load %arg16[%swap3A_1580, %swap3A_1581] {strides = array<i32>} : memref<80x128xf32, #tpu.memory_space<vmem>>, vector<1x16xf32>,
          %swap3A_1583 = vector.shape_cast %swap3A_1582 : vector<1x16xf32> to vector<16xf32>
          %swap3A_1584 = vector.shape_cast %mul3A_1579 : vector<16xf32> to vector<1x16xf32>
          tpu.vector_store %arg16[%swap3A_1580, %swap3A_1581], %swap3A_1584 {strides = array<i32>} : memref<80x128xf32, #tpu.memory_space<vmem>>, vector<1x16xf32>,
          %mul3A_1585 = arith.mulf %exp3A_1560, %get3A_1337 : vector<16xf32>
          %swap3A_1586 = arith.index_cast %add3A_1317 : i32 to index
          %swap3A_1587 = arith.constant 64 : index
          %swap3A_1588 = tpu.vector_load %arg16[%swap3A_1586, %swap3A_1587] {strides = array<i32>} : memref<80x128xf32, #tpu.memory_space<vmem>>, vector<1x16xf32>,
          %swap3A_1589 = vector.shape_cast %swap3A_1588 : vector<1x16xf32> to vector<16xf32>
          %swap3A_1590 = vector.shape_cast %mul3A_1585 : vector<16xf32> to vector<1x16xf32>
          tpu.vector_store %arg16[%swap3A_1586, %swap3A_1587], %swap3A_1590 {strides = array<i32>} : memref<80x128xf32, #tpu.memory_space<vmem>>, vector<1x16xf32>,
          %mul3A_1591 = arith.mulf %exp3A_1560, %get3A_1341 : vector<16xf32>
          %swap3A_1592 = arith.index_cast %add3A_1317 : i32 to index
          %swap3A_1593 = arith.constant 80 : index
          %swap3A_1594 = tpu.vector_load %arg16[%swap3A_1592, %swap3A_1593] {strides = array<i32>} : memref<80x128xf32, #tpu.memory_space<vmem>>, vector<1x16xf32>,
          %swap3A_1595 = vector.shape_cast %swap3A_1594 : vector<1x16xf32> to vector<16xf32>
          %swap3A_1596 = vector.shape_cast %mul3A_1591 : vector<16xf32> to vector<1x16xf32>
          tpu.vector_store %arg16[%swap3A_1592, %swap3A_1593], %swap3A_1596 {strides = array<i32>} : memref<80x128xf32, #tpu.memory_space<vmem>>, vector<1x16xf32>,
          %mul3A_1597 = arith.mulf %exp3A_1560, %get3A_1345 : vector<16xf32>
          %swap3A_1598 = arith.index_cast %add3A_1317 : i32 to index
          %swap3A_1599 = arith.constant 96 : index
          %swap3A_1600 = tpu.vector_load %arg16[%swap3A_1598, %swap3A_1599] {strides = array<i32>} : memref<80x128xf32, #tpu.memory_space<vmem>>, vector<1x16xf32>,
          %swap3A_1601 = vector.shape_cast %swap3A_1600 : vector<1x16xf32> to vector<16xf32>
          %swap3A_1602 = vector.shape_cast %mul3A_1597 : vector<16xf32> to vector<1x16xf32>
          tpu.vector_store %arg16[%swap3A_1598, %swap3A_1599], %swap3A_1602 {strides = array<i32>} : memref<80x128xf32, #tpu.memory_space<vmem>>, vector<1x16xf32>,
          %mul3A_1603 = arith.mulf %exp3A_1560, %get3A_1349 : vector<16xf32>
          %swap3A_1604 = arith.index_cast %add3A_1317 : i32 to index
          %swap3A_1605 = arith.constant 112 : index
          %swap3A_1606 = tpu.vector_load %arg16[%swap3A_1604, %swap3A_1605] {strides = array<i32>} : memref<80x128xf32, #tpu.memory_space<vmem>>, vector<1x16xf32>,
          %swap3A_1607 = vector.shape_cast %swap3A_1606 : vector<1x16xf32> to vector<16xf32>
          %swap3A_1608 = vector.shape_cast %mul3A_1603 : vector<16xf32> to vector<1x16xf32>
          tpu.vector_store %arg16[%swap3A_1604, %swap3A_1605], %swap3A_1608 {strides = array<i32>} : memref<80x128xf32, #tpu.memory_space<vmem>>, vector<1x16xf32>,
          %add3A_1609 = vector.broadcast %scan3A_1314 : i32 to vector<16xi32>
          %add3A_1610 = arith.addi %mul3A_76, %add3A_1609 : vector<16xi32>
          %lt3A_1611 = arith.constant 0 : i32
          %lt3A_1612 = vector.broadcast %lt3A_1611 : i32 to vector<16xi32>
          %lt3A_1613 = arith.cmpi slt, %add3A_1610, %lt3A_1612 : vector<16xi32>
          %add3A_1614 = arith.constant 16 : i32
          %add3A_1615 = vector.broadcast %add3A_1614 : i32 to vector<16xi32>
          %add3A_1616 = arith.addi %add3A_1610, %add3A_1615 : vector<16xi32>
          %select_n3A_1617 = arith.select %lt3A_1613, %add3A_1616, %add3A_1610 : vector<16xi1>, vector<16xi32>
          %broadcast_in_dim3A_1618 = vector.shape_cast %select_n3A_1617 : vector<16xi32> to vector<16x1xi32>
          %gather3A_1619 = vector.shape_cast %broadcast_in_dim3A_1618 : vector<16x1xi32> to vector<16xi32>
          %gather3A_1620 = tpu.dynamic_gather %get3A_1308[%gather3A_1619] in [0] : vector<16xi32>, vector<16xi32> -> vector<16xi32>
          %and3A = arith.constant 15 : i32
          %and3A_1621 = vector.broadcast %and3A : i32 to vector<16xi32>
          %and3A_1622 = arith.andi %gather3A_1620, %and3A_1621 : vector<16xi32>
          %eq3A = arith.cmpi eq, %iota3A, %and3A_1622 : vector<16xi32>
          %jit3A = arith.constant 0.000000e+00 : f32
          %broadcast_in_dim3A_1623 = vector.broadcast %jit3A : f32 to vector<16xf32>
          %select_n3A_1624 = arith.select %eq3A, %exp3A, %broadcast_in_dim3A_1623 : vector<16xi1>, vector<16xf32>
          %swap3A_1625 = arith.index_cast %add3A_1317 : i32 to index
          %swap3A_1626 = arith.constant 0 : index
          %swap3A_1627 = tpu.vector_load %arg19[%swap3A_1625, %swap3A_1626] {strides = array<i32>} : memref<80x128xf32, #tpu.memory_space<vmem>>, vector<1x16xf32>,
          %swap3A_1628 = vector.shape_cast %swap3A_1627 : vector<1x16xf32> to vector<16xf32>
          %swap3A_1629 = vector.shape_cast %select_n3A_1624 : vector<16xf32> to vector<1x16xf32>
          tpu.vector_store %arg19[%swap3A_1625, %swap3A_1626], %swap3A_1629 {strides = array<i32>} : memref<80x128xf32, #tpu.memory_space<vmem>>, vector<1x16xf32>,
          %jit3A_1630 = arith.constant 0.000000e+00 : f32
          %broadcast_in_dim3A_1631 = vector.broadcast %jit3A_1630 : f32 to vector<16xf32>
          %select_n3A_1632 = arith.select %eq3A, %exp3A_1560, %broadcast_in_dim3A_1631 : vector<16xi1>, vector<16xf32>
          %swap3A_1633 = arith.index_cast %add3A_1317 : i32 to index
          %swap3A_1634 = arith.constant 16 : index
          %swap3A_1635 = tpu.vector_load %arg19[%swap3A_1633, %swap3A_1634] {strides = array<i32>} : memref<80x128xf32, #tpu.memory_space<vmem>>, vector<1x16xf32>,
          %swap3A_1636 = vector.shape_cast %swap3A_1635 : vector<1x16xf32> to vector<16xf32>
          %swap3A_1637 = vector.shape_cast %select_n3A_1632 : vector<16xf32> to vector<1x16xf32>
          tpu.vector_store %arg19[%swap3A_1633, %swap3A_1634], %swap3A_1637 {strides = array<i32>} : memref<80x128xf32, #tpu.memory_space<vmem>>, vector<1x16xf32>,
        }
        %scan3A_1313 = arith.constant 16 : i32
      }
      %scan3A_1298 = arith.constant 5 : i32
      %run_scoped3A = arith.constant 0 : i32
      "tpu.region"() ({
        %run_scoped3A_1300 = tpu.sem_alloc : memref<!tpu.dma_semaphore, #tpu.memory_space<semaphore_mem>>
        %dma_start3A_1301 = arith.constant 0 : i32
        %dma_start3A_1302 = tpu.memref_slice %arg15[%run_scoped3A, %dma_start3A_1301] : memref<2x80xi32, #tpu.memory_space<vmem>> -> memref<1x80xi32, #tpu.memory_space<vmem>>
        %dma_start3A_1303 = tpu.memref_squeeze %dma_start3A_1302 : memref<1x80xi32, #tpu.memory_space<vmem>> -> memref<80xi32, #tpu.memory_space<vmem>>
        %dma_start3A_1304 = arith.constant 0 : i32
        %dma_start3A_1305 = arith.constant 0 : i32
        %dma_start3A_1306 = tpu.memref_slice %arg21[%dma_start3A_1304, %dma_start3A_1305] : memref<10240x128xf32, #tpu.memory_space<vmem_shared>> -> memref<10240x128xf32, #tpu.memory_space<vmem_shared>>
        tpu.enqueue_indirect_dma source(%arg16 : memref<80x128xf32, #tpu.memory_space<vmem>>) target(%dma_start3A_1306 : memref<10240x128xf32, #tpu.memory_space<vmem_shared>>) offsets(%dma_start3A_1303 : memref<80xi32, #tpu.memory_space<vmem>>) semaphore(%run_scoped3A_1300 : memref<!tpu.dma_semaphore, #tpu.memory_space<semaphore_mem>>) {add = true}
        %dma_wait3A_1307 = arith.constant 0 : i32
        %dma_wait3A_1308 = tpu.memref_slice %arg15[%run_scoped3A, %dma_wait3A_1307] : memref<2x80xi32, #tpu.memory_space<vmem>> -> memref<1x80xi32, #tpu.memory_space<vmem>>
        %dma_wait3A_1309 = tpu.memref_squeeze %dma_wait3A_1308 : memref<1x80xi32, #tpu.memory_space<vmem>> -> memref<80xi32, #tpu.memory_space<vmem>>
        %dma_wait3A_1310 = arith.constant 0 : i32
        %dma_wait3A_1311 = arith.constant 0 : i32
        %dma_wait3A_1312 = tpu.memref_slice %arg21[%dma_wait3A_1310, %dma_wait3A_1311] : memref<10240x128xf32, #tpu.memory_space<vmem_shared>> -> memref<10240x128xf32, #tpu.memory_space<vmem_shared>>
        tpu.wait_indirect_dma semaphore(%run_scoped3A_1300 : memref<!tpu.dma_semaphore, #tpu.memory_space<semaphore_mem>>) src(%arg16 : memref<80x128xf32, #tpu.memory_space<vmem>>) dst(%dma_wait3A_1312 : memref<10240x128xf32, #tpu.memory_space<vmem_shared>>)
        tpu.yield
      }) : () -> ()
      %run_scoped3A_1299 = arith.constant 0 : i32
      "tpu.region"() ({
        %run_scoped3A_1300 = tpu.sem_alloc : memref<!tpu.dma_semaphore, #tpu.memory_space<semaphore_mem>>
        %dma_start3A_1301 = arith.constant 0 : i32
        %dma_start3A_1302 = tpu.memref_slice %arg14[%run_scoped3A_1299, %dma_start3A_1301] : memref<2x80xi32, #tpu.memory_space<vmem>> -> memref<1x80xi32, #tpu.memory_space<vmem>>
        %dma_start3A_1303 = tpu.memref_squeeze %dma_start3A_1302 : memref<1x80xi32, #tpu.memory_space<vmem>> -> memref<80xi32, #tpu.memory_space<vmem>>
        %dma_start3A_1304 = arith.constant 0 : i32
        %dma_start3A_1305 = arith.constant 0 : i32
        %dma_start3A_1306 = tpu.memref_slice %arg22[%dma_start3A_1304, %dma_start3A_1305] : memref<640x128xf32, #tpu.memory_space<vmem_shared>> -> memref<640x128xf32, #tpu.memory_space<vmem_shared>>
        tpu.enqueue_indirect_dma source(%arg19 : memref<80x128xf32, #tpu.memory_space<vmem>>) target(%dma_start3A_1306 : memref<640x128xf32, #tpu.memory_space<vmem_shared>>) offsets(%dma_start3A_1303 : memref<80xi32, #tpu.memory_space<vmem>>) semaphore(%run_scoped3A_1300 : memref<!tpu.dma_semaphore, #tpu.memory_space<semaphore_mem>>) {add = true}
        %dma_wait3A_1307 = arith.constant 0 : i32
        %dma_wait3A_1308 = tpu.memref_slice %arg14[%run_scoped3A_1299, %dma_wait3A_1307] : memref<2x80xi32, #tpu.memory_space<vmem>> -> memref<1x80xi32, #tpu.memory_space<vmem>>
        %dma_wait3A_1309 = tpu.memref_squeeze %dma_wait3A_1308 : memref<1x80xi32, #tpu.memory_space<vmem>> -> memref<80xi32, #tpu.memory_space<vmem>>
        %dma_wait3A_1310 = arith.constant 0 : i32
        %dma_wait3A_1311 = arith.constant 0 : i32
        %dma_wait3A_1312 = tpu.memref_slice %arg22[%dma_wait3A_1310, %dma_wait3A_1311] : memref<640x128xf32, #tpu.memory_space<vmem_shared>> -> memref<640x128xf32, #tpu.memory_space<vmem_shared>>
        tpu.wait_indirect_dma semaphore(%run_scoped3A_1300 : memref<!tpu.dma_semaphore, #tpu.memory_space<semaphore_mem>>) src(%arg19 : memref<80x128xf32, #tpu.memory_space<vmem>>) dst(%dma_wait3A_1312 : memref<640x128xf32, #tpu.memory_space<vmem_shared>>)
        tpu.yield
      }) : () -> ()
    }
    %scan3A_84 = arith.constant 25 : i32
    %barrier3A_85 = arith.constant 0 : index
    tpu.barrier barrier_id(%barrier3A_85)
    %mul3A_86 = arith.constant 10240 : i32
    %mul3A_87 = arith.muli %arg0, %mul3A_86 : i32
    %mul3A_88 = arith.constant 640 : i32
    %mul3A_89 = arith.muli %arg1, %mul3A_88 : i32
    %add3A_90 = arith.addi %mul3A_87, %mul3A_89 : i32
    %mul3A_91 = arith.constant 640 : i32
    %mul3A_92 = arith.muli %arg1, %mul3A_91 : i32
    "tpu.region"() ({
      %run_scoped3A = tpu.sem_alloc : memref<!tpu.dma_semaphore, #tpu.memory_space<semaphore_mem>>
      %dma_start3A = arith.constant 0 : i32
      %dma_start3A_100 = tpu.memref_slice %arg8[%add3A_90, %dma_start3A] : memref<20480x128xf32, #tpu.memory_space<hbm>> -> memref<640x128xf32, #tpu.memory_space<hbm>>
      %dma_start3A_101 = arith.constant 0 : i32
      %dma_start3A_102 = tpu.memref_slice %arg21[%mul3A_92, %dma_start3A_101] : memref<10240x128xf32, #tpu.memory_space<vmem_shared>> -> memref<640x128xf32, #tpu.memory_space<vmem_shared>>
      tpu.enqueue_dma source(%dma_start3A_102 : memref<640x128xf32, #tpu.memory_space<vmem_shared>>) target(%dma_start3A_100 : memref<640x128xf32, #tpu.memory_space<hbm>>) target_semaphore(%run_scoped3A : memref<!tpu.dma_semaphore, #tpu.memory_space<semaphore_mem>>)
      %dma_wait3A = arith.constant 0 : i32
      %dma_wait3A_103 = tpu.memref_slice %arg8[%add3A_90, %dma_wait3A] : memref<20480x128xf32, #tpu.memory_space<hbm>> -> memref<640x128xf32, #tpu.memory_space<hbm>>
      %dma_wait3A_104 = arith.constant 0 : i32
      %dma_wait3A_105 = tpu.memref_slice %arg21[%mul3A_92, %dma_wait3A_104] : memref<10240x128xf32, #tpu.memory_space<vmem_shared>> -> memref<640x128xf32, #tpu.memory_space<vmem_shared>>
      tpu.wait_dma2 semaphore(%run_scoped3A : memref<!tpu.dma_semaphore, #tpu.memory_space<semaphore_mem>>) src(%dma_wait3A_105 : memref<640x128xf32, #tpu.memory_space<vmem_shared>>) dst(%dma_wait3A_103 : memref<640x128xf32, #tpu.memory_space<hbm>>)
      tpu.yield
    }) : () -> ()
    %mul3A_93 = arith.constant 40 : i32
    %mul3A_94 = arith.muli %arg1, %mul3A_93 : i32
    %mul3A_95 = arith.constant 640 : i32
    %mul3A_96 = arith.muli %arg0, %mul3A_95 : i32
    %mul3A_97 = arith.constant 40 : i32
    %mul3A_98 = arith.muli %arg1, %mul3A_97 : i32
    %add3A_99 = arith.addi %mul3A_96, %mul3A_98 : i32
    "tpu.region"() ({
      %run_scoped3A = tpu.sem_alloc : memref<!tpu.dma_semaphore, #tpu.memory_space<semaphore_mem>>
      %dma_start3A = arith.constant 0 : i32
      %dma_start3A_100 = tpu.memref_slice %arg9[%add3A_99, %dma_start3A] : memref<1280x128xf32, #tpu.memory_space<hbm>> -> memref<40x128xf32, #tpu.memory_space<hbm>>
      %dma_start3A_101 = arith.constant 0 : i32
      %dma_start3A_102 = tpu.memref_slice %arg22[%mul3A_94, %dma_start3A_101] : memref<640x128xf32, #tpu.memory_space<vmem_shared>> -> memref<40x128xf32, #tpu.memory_space<vmem_shared>>
      tpu.enqueue_dma source(%dma_start3A_102 : memref<40x128xf32, #tpu.memory_space<vmem_shared>>) target(%dma_start3A_100 : memref<40x128xf32, #tpu.memory_space<hbm>>) target_semaphore(%run_scoped3A : memref<!tpu.dma_semaphore, #tpu.memory_space<semaphore_mem>>)
      %dma_wait3A = arith.constant 0 : i32
      %dma_wait3A_103 = tpu.memref_slice %arg9[%add3A_99, %dma_wait3A] : memref<1280x128xf32, #tpu.memory_space<hbm>> -> memref<40x128xf32, #tpu.memory_space<hbm>>
      %dma_wait3A_104 = arith.constant 0 : i32
      %dma_wait3A_105 = tpu.memref_slice %arg22[%mul3A_94, %dma_wait3A_104] : memref<640x128xf32, #tpu.memory_space<vmem_shared>> -> memref<40x128xf32, #tpu.memory_space<vmem_shared>>
      tpu.wait_dma2 semaphore(%run_scoped3A : memref<!tpu.dma_semaphore, #tpu.memory_space<semaphore_mem>>) src(%dma_wait3A_105 : memref<40x128xf32, #tpu.memory_space<vmem_shared>>) dst(%dma_wait3A_103 : memref<40x128xf32, #tpu.memory_space<hbm>>)
      tpu.yield
    }) : () -> ()
    return
  }
}

module attributes {stable_mosaic.version = 14 : i64} {
  func.func @_tc_proj_kernel(%arg0: memref<10000x128xf32, #tpu.memory_space<vmem>>, %arg1: memref<1x128xf32, #tpu.memory_space<vmem>>, %arg2: memref<1x128xf32, #tpu.memory_space<vmem>>, %arg3: memref<128x256xf32, #tpu.memory_space<vmem>>, %arg4: memref<1x256xf32, #tpu.memory_space<vmem>>, %arg5: memref<128x256xf32, #tpu.memory_space<vmem>>, %arg6: memref<1x256xf32, #tpu.memory_space<vmem>>, %arg7: memref<2x10000x128xf32, #tpu.memory_space<vmem>>, %arg8: memref<2x10000x128xf32, #tpu.memory_space<vmem>>) attributes {dimension_semantics = [], scalar_prefetch = 0 : i64, scratch_operands = 0 : i64, tpu.core_type = #tpu.core_type<tc>} {
    %get3A = arith.constant 0 : index
    %get3A_0 = arith.constant 0 : index
    %get3A_1 = vector.load %arg0[%get3A, %get3A_0] : memref<10000x128xf32, #tpu.memory_space<vmem>>, vector<10000x128xf32>
    %reduce_sum3A = arith.constant dense<0.000000e+00> : vector<128xf32>
    %reduce_sum3A_2 = vector.multi_reduction <add>, %get3A_1, %reduce_sum3A [0] : vector<10000x128xf32> to vector<128xf32>
    %broadcast_in_dim3A = vector.shape_cast %reduce_sum3A_2 : vector<128xf32> to vector<1x128xf32>
    %div3A = arith.constant 1.000000e+04 : f32
    %div3A_3 = vector.broadcast %div3A : f32 to vector<1x128xf32>
    %div3A_4 = arith.divf %broadcast_in_dim3A, %div3A_3 : vector<1x128xf32>
    %sub3A = vector.broadcast %div3A_4 : vector<1x128xf32> to vector<10000x128xf32>
    %sub3A_5 = arith.subf %get3A_1, %sub3A : vector<10000x128xf32>
    %integer_pow3A = arith.mulf %sub3A_5, %sub3A_5 : vector<10000x128xf32>
    %reduce_sum3A_6 = arith.constant dense<0.000000e+00> : vector<128xf32>
    %reduce_sum3A_7 = vector.multi_reduction <add>, %integer_pow3A, %reduce_sum3A_6 [0] : vector<10000x128xf32> to vector<128xf32>
    %broadcast_in_dim3A_8 = vector.shape_cast %reduce_sum3A_7 : vector<128xf32> to vector<1x128xf32>
    %div3A_9 = arith.constant 1.000000e+04 : f32
    %div3A_10 = vector.broadcast %div3A_9 : f32 to vector<1x128xf32>
    %div3A_11 = arith.divf %broadcast_in_dim3A_8, %div3A_10 : vector<1x128xf32>
    %sub3A_12 = vector.broadcast %div3A_4 : vector<1x128xf32> to vector<10000x128xf32>
    %sub3A_13 = arith.subf %get3A_1, %sub3A_12 : vector<10000x128xf32>
    %add3A = arith.constant 9.99999974E-6 : f32
    %add3A_14 = vector.broadcast %add3A : f32 to vector<1x128xf32>
    %add3A_15 = arith.addf %div3A_11, %add3A_14 : vector<1x128xf32>
    %rsqrt3A = math.rsqrt %add3A_15 : vector<1x128xf32>
    %mul3A = vector.broadcast %rsqrt3A : vector<1x128xf32> to vector<10000x128xf32>
    %mul3A_16 = arith.mulf %sub3A_13, %mul3A : vector<10000x128xf32>
    %get3A_17 = arith.constant 0 : index
    %get3A_18 = arith.constant 0 : index
    %get3A_19 = vector.load %arg1[%get3A_17, %get3A_18] : memref<1x128xf32, #tpu.memory_space<vmem>>, vector<1x128xf32>
    %mul3A_20 = vector.broadcast %get3A_19 : vector<1x128xf32> to vector<10000x128xf32>
    %mul3A_21 = arith.mulf %mul3A_16, %mul3A_20 : vector<10000x128xf32>
    %get3A_22 = arith.constant 0 : index
    %get3A_23 = arith.constant 0 : index
    %get3A_24 = vector.load %arg2[%get3A_22, %get3A_23] : memref<1x128xf32, #tpu.memory_space<vmem>>, vector<1x128xf32>
    %add3A_25 = vector.broadcast %get3A_24 : vector<1x128xf32> to vector<10000x128xf32>
    %add3A_26 = arith.addf %mul3A_21, %add3A_25 : vector<10000x128xf32>
    %get3A_27 = arith.constant 0 : index
    %get3A_28 = arith.constant 0 : index
    %get3A_29 = vector.load %arg3[%get3A_27, %get3A_28] : memref<128x256xf32, #tpu.memory_space<vmem>>, vector<128x256xf32>
    %dot_general3A = arith.constant dense<0.000000e+00> : vector<10000x256xf32>
    %dot_general3A_30 = tpu.matmul %add3A_26, %get3A_29, %dot_general3A {dimension_numbers = #tpu.dot_dimension_numbers<[1], [0], [0], [1], [0, 0, 1, 1], [], []>, transpose_lhs_hint = false} : vector<10000x128xf32>, vector<128x256xf32>, vector<10000x256xf32> -> vector<10000x256xf32>
    %get3A_31 = arith.constant 0 : index
    %get3A_32 = arith.constant 0 : index
    %get3A_33 = vector.load %arg4[%get3A_31, %get3A_32] : memref<1x256xf32, #tpu.memory_space<vmem>>, vector<1x256xf32>
    %add3A_34 = vector.broadcast %get3A_33 : vector<1x256xf32> to vector<10000x256xf32>
    %add3A_35 = arith.addf %dot_general3A_30, %add3A_34 : vector<10000x256xf32>
    %get3A_36 = arith.constant 0 : index
    %get3A_37 = arith.constant 0 : index
    %get3A_38 = vector.load %arg5[%get3A_36, %get3A_37] : memref<128x256xf32, #tpu.memory_space<vmem>>, vector<128x256xf32>
    %dot_general3A_39 = arith.constant dense<0.000000e+00> : vector<10000x256xf32>
    %dot_general3A_40 = tpu.matmul %add3A_26, %get3A_38, %dot_general3A_39 {dimension_numbers = #tpu.dot_dimension_numbers<[1], [0], [0], [1], [0, 0, 1, 1], [], []>, transpose_lhs_hint = false} : vector<10000x128xf32>, vector<128x256xf32>, vector<10000x256xf32> -> vector<10000x256xf32>
    %get3A_41 = arith.constant 0 : index
    %get3A_42 = arith.constant 0 : index
    %get3A_43 = vector.load %arg6[%get3A_41, %get3A_42] : memref<1x256xf32, #tpu.memory_space<vmem>>, vector<1x256xf32>
    %add3A_44 = vector.broadcast %get3A_43 : vector<1x256xf32> to vector<10000x256xf32>
    %add3A_45 = arith.addf %dot_general3A_40, %add3A_44 : vector<10000x256xf32>
    %slice3A = vector.extract_strided_slice %add3A_35 {offsets = [0, 0], sizes = [10000, 128], strides = [1, 1]} : vector<10000x256xf32> to vector<10000x128xf32>
    %swap3A = arith.constant 0 : index
    %swap3A_46 = arith.constant 0 : index
    %swap3A_47 = arith.constant 0 : index
    %swap3A_48 = vector.load %arg7[%swap3A, %swap3A_46, %swap3A_47] : memref<2x10000x128xf32, #tpu.memory_space<vmem>>, vector<1x10000x128xf32>
    %swap3A_49 = vector.shape_cast %swap3A_48 : vector<1x10000x128xf32> to vector<10000x128xf32>
    %swap3A_50 = vector.shape_cast %slice3A : vector<10000x128xf32> to vector<1x10000x128xf32>
    tpu.vector_store %arg7[%swap3A, %swap3A_46, %swap3A_47], %swap3A_50 {strides = array<i32>} : memref<2x10000x128xf32, #tpu.memory_space<vmem>>, vector<1x10000x128xf32>,
    %slice3A_51 = vector.extract_strided_slice %add3A_35 {offsets = [0, 128], sizes = [10000, 128], strides = [1, 1]} : vector<10000x256xf32> to vector<10000x128xf32>
    %swap3A_52 = arith.constant 1 : index
    %swap3A_53 = arith.constant 0 : index
    %swap3A_54 = arith.constant 0 : index
    %swap3A_55 = vector.load %arg7[%swap3A_52, %swap3A_53, %swap3A_54] : memref<2x10000x128xf32, #tpu.memory_space<vmem>>, vector<1x10000x128xf32>
    %swap3A_56 = vector.shape_cast %swap3A_55 : vector<1x10000x128xf32> to vector<10000x128xf32>
    %swap3A_57 = vector.shape_cast %slice3A_51 : vector<10000x128xf32> to vector<1x10000x128xf32>
    tpu.vector_store %arg7[%swap3A_52, %swap3A_53, %swap3A_54], %swap3A_57 {strides = array<i32>} : memref<2x10000x128xf32, #tpu.memory_space<vmem>>, vector<1x10000x128xf32>,
    %slice3A_58 = vector.extract_strided_slice %add3A_45 {offsets = [0, 0], sizes = [10000, 128], strides = [1, 1]} : vector<10000x256xf32> to vector<10000x128xf32>
    %swap3A_59 = arith.constant 0 : index
    %swap3A_60 = arith.constant 0 : index
    %swap3A_61 = arith.constant 0 : index
    %swap3A_62 = vector.load %arg8[%swap3A_59, %swap3A_60, %swap3A_61] : memref<2x10000x128xf32, #tpu.memory_space<vmem>>, vector<1x10000x128xf32>
    %swap3A_63 = vector.shape_cast %swap3A_62 : vector<1x10000x128xf32> to vector<10000x128xf32>
    %swap3A_64 = vector.shape_cast %slice3A_58 : vector<10000x128xf32> to vector<1x10000x128xf32>
    tpu.vector_store %arg8[%swap3A_59, %swap3A_60, %swap3A_61], %swap3A_64 {strides = array<i32>} : memref<2x10000x128xf32, #tpu.memory_space<vmem>>, vector<1x10000x128xf32>,
    %slice3A_65 = vector.extract_strided_slice %add3A_45 {offsets = [0, 128], sizes = [10000, 128], strides = [1, 1]} : vector<10000x256xf32> to vector<10000x128xf32>
    %swap3A_66 = arith.constant 1 : index
    %swap3A_67 = arith.constant 0 : index
    %swap3A_68 = arith.constant 0 : index
    %swap3A_69 = vector.load %arg8[%swap3A_66, %swap3A_67, %swap3A_68] : memref<2x10000x128xf32, #tpu.memory_space<vmem>>, vector<1x10000x128xf32>
    %swap3A_70 = vector.shape_cast %swap3A_69 : vector<1x10000x128xf32> to vector<10000x128xf32>
    %swap3A_71 = vector.shape_cast %slice3A_65 : vector<10000x128xf32> to vector<1x10000x128xf32>
    tpu.vector_store %arg8[%swap3A_66, %swap3A_67, %swap3A_68], %swap3A_71 {strides = array<i32>} : memref<2x10000x128xf32, #tpu.memory_space<vmem>>, vector<1x10000x128xf32>,
    return
  }
}

module attributes {stable_mosaic.version = 14 : i64} {
  func.func @_tc_ee_kernel(%arg0: i32, %arg1: memref<2000x128xf32, #tpu.memory_space<vmem>>, %arg2: memref<128x256xf32, #tpu.memory_space<vmem>>, %arg3: memref<2x2000x128xf32, #tpu.memory_space<vmem>>) attributes {dimension_semantics = [#tpu.dimension_semantics<arbitrary>], iteration_bounds = array<i64: 80>, scalar_prefetch = 0 : i64, scratch_operands = 0 : i64, tpu.core_type = #tpu.core_type<tc>, window_params = [{transform_indices = @transform_0, window_bounds = array<i64: 2000, 128>}, {pipeline_mode = #tpu.pipeline_mode<synchronous>, transform_indices = @transform_1, window_bounds = array<i64: 128, 256>}, {transform_indices = @transform_2, window_bounds = array<i64: 2, 2000, 128>}]} {
    %get3A = arith.constant 0 : index
    %get3A_0 = arith.constant 0 : index
    %get3A_1 = vector.load %arg1[%get3A, %get3A_0] : memref<2000x128xf32, #tpu.memory_space<vmem>>, vector<2000x128xf32>
    %get3A_2 = arith.constant 0 : index
    %get3A_3 = arith.constant 0 : index
    %get3A_4 = vector.load %arg2[%get3A_2, %get3A_3] : memref<128x256xf32, #tpu.memory_space<vmem>>, vector<128x256xf32>
    %dot_general3A = arith.constant dense<0.000000e+00> : vector<2000x256xf32>
    %dot_general3A_5 = tpu.matmul %get3A_1, %get3A_4, %dot_general3A {dimension_numbers = #tpu.dot_dimension_numbers<[1], [0], [0], [1], [0, 0, 1, 1], [], []>, transpose_lhs_hint = false} : vector<2000x128xf32>, vector<128x256xf32>, vector<2000x256xf32> -> vector<2000x256xf32>
    %slice3A = vector.extract_strided_slice %dot_general3A_5 {offsets = [0, 0], sizes = [2000, 128], strides = [1, 1]} : vector<2000x256xf32> to vector<2000x128xf32>
    %swap3A = arith.constant 0 : index
    %swap3A_6 = arith.constant 0 : index
    %swap3A_7 = arith.constant 0 : index
    %swap3A_8 = vector.load %arg3[%swap3A, %swap3A_6, %swap3A_7] : memref<2x2000x128xf32, #tpu.memory_space<vmem>>, vector<1x2000x128xf32>
    %swap3A_9 = vector.shape_cast %swap3A_8 : vector<1x2000x128xf32> to vector<2000x128xf32>
    %swap3A_10 = vector.shape_cast %slice3A : vector<2000x128xf32> to vector<1x2000x128xf32>
    tpu.vector_store %arg3[%swap3A, %swap3A_6, %swap3A_7], %swap3A_10 {strides = array<i32>} : memref<2x2000x128xf32, #tpu.memory_space<vmem>>, vector<1x2000x128xf32>,
    %slice3A_11 = vector.extract_strided_slice %dot_general3A_5 {offsets = [0, 128], sizes = [2000, 128], strides = [1, 1]} : vector<2000x256xf32> to vector<2000x128xf32>
    %swap3A_12 = arith.constant 1 : index
    %swap3A_13 = arith.constant 0 : index
    %swap3A_14 = arith.constant 0 : index
    %swap3A_15 = vector.load %arg3[%swap3A_12, %swap3A_13, %swap3A_14] : memref<2x2000x128xf32, #tpu.memory_space<vmem>>, vector<1x2000x128xf32>
    %swap3A_16 = vector.shape_cast %swap3A_15 : vector<1x2000x128xf32> to vector<2000x128xf32>
    %swap3A_17 = vector.shape_cast %slice3A_11 : vector<2000x128xf32> to vector<1x2000x128xf32>
    tpu.vector_store %arg3[%swap3A_12, %swap3A_13, %swap3A_14], %swap3A_17 {strides = array<i32>} : memref<2x2000x128xf32, #tpu.memory_space<vmem>>, vector<1x2000x128xf32>,
    return
  }
  func.func @transform_0(%arg0: i32) -> (i32, i32) {
    %c0_i32 = arith.constant 0 : i32
    %c0_i32_0 = arith.constant 0 : i32
    return %arg0, %c0_i32 : i32, i32
  }
  func.func @transform_1(%arg0: i32) -> (i32, i32) {
    %c0_i32 = arith.constant 0 : i32
    %c0_i32_0 = arith.constant 0 : i32
    %c0_i32_1 = arith.constant 0 : i32
    return %c0_i32, %c0_i32_0 : i32, i32
  }
  func.func @transform_2(%arg0: i32) -> (i32, i32, i32) {
    %c0_i32 = arith.constant 0 : i32
    %c0_i32_0 = arith.constant 0 : i32
    %c0_i32_1 = arith.constant 0 : i32
    return %c0_i32, %arg0, %c0_i32_0 : i32, i32, i32
  }
}

module attributes {stable_mosaic.version = 14 : i64} {
  func.func @_tc_final_kernel(%arg0: memref<20480x128xf32, #tpu.memory_space<vmem>>, %arg1: memref<10000x4xf32, #tpu.memory_space<vmem>>, %arg2: memref<10000x1xi32, #tpu.memory_space<vmem>>, %arg3: memref<1x64xf32, #tpu.memory_space<vmem>>, %arg4: memref<64x128xf32, #tpu.memory_space<vmem>>, %arg5: memref<1x128xf32, #tpu.memory_space<vmem>>, %arg6: memref<64x128xf32, #tpu.memory_space<vmem>>) attributes {dimension_semantics = [], scalar_prefetch = 0 : i64, scratch_operands = 0 : i64, tpu.core_type = #tpu.core_type<tc>} {
    %get3A = arith.constant 0 : index
    %get3A_0 = arith.constant 0 : index
    %get3A_1 = vector.load %arg0[%get3A, %get3A_0] : memref<20480x128xf32, #tpu.memory_space<vmem>>, vector<20480x128xf32>
    %get3A_2 = arith.constant 0 : index
    %get3A_3 = arith.constant 0 : index
    %get3A_4 = vector.load %arg1[%get3A_2, %get3A_3] : memref<10000x4xf32, #tpu.memory_space<vmem>>, vector<10000x4xf32>
    %slice3A = vector.extract_strided_slice %get3A_1 {offsets = [0, 0], sizes = [10000, 64], strides = [1, 1]} : vector<20480x128xf32> to vector<10000x64xf32>
    %slice3A_5 = vector.extract_strided_slice %get3A_4 {offsets = [0, 0], sizes = [10000, 1], strides = [1, 1]} : vector<10000x4xf32> to vector<10000x1xf32>
    %add3A = arith.constant 1.000000e-16 : f32
    %add3A_6 = vector.broadcast %add3A : f32 to vector<10000x1xf32>
    %add3A_7 = arith.addf %slice3A_5, %add3A_6 : vector<10000x1xf32>
    %div3A = vector.broadcast %add3A_7 : vector<10000x1xf32> to vector<10000x64xf32>
    %div3A_8 = arith.divf %slice3A, %div3A : vector<10000x64xf32>
    %slice3A_9 = vector.extract_strided_slice %get3A_1 {offsets = [0, 64], sizes = [10000, 64], strides = [1, 1]} : vector<20480x128xf32> to vector<10000x64xf32>
    %slice3A_10 = vector.extract_strided_slice %get3A_4 {offsets = [0, 1], sizes = [10000, 1], strides = [1, 1]} : vector<10000x4xf32> to vector<10000x1xf32>
    %add3A_11 = arith.constant 1.000000e-16 : f32
    %add3A_12 = vector.broadcast %add3A_11 : f32 to vector<10000x1xf32>
    %add3A_13 = arith.addf %slice3A_10, %add3A_12 : vector<10000x1xf32>
    %div3A_14 = vector.broadcast %add3A_13 : vector<10000x1xf32> to vector<10000x64xf32>
    %div3A_15 = arith.divf %slice3A_9, %div3A_14 : vector<10000x64xf32>
    %add3A_16 = arith.addf %div3A_8, %div3A_15 : vector<10000x64xf32>
    %slice3A_17 = vector.extract_strided_slice %get3A_1 {offsets = [10240, 0], sizes = [10000, 64], strides = [1, 1]} : vector<20480x128xf32> to vector<10000x64xf32>
    %slice3A_18 = vector.extract_strided_slice %get3A_4 {offsets = [0, 2], sizes = [10000, 1], strides = [1, 1]} : vector<10000x4xf32> to vector<10000x1xf32>
    %add3A_19 = arith.constant 1.000000e-16 : f32
    %add3A_20 = vector.broadcast %add3A_19 : f32 to vector<10000x1xf32>
    %add3A_21 = arith.addf %slice3A_18, %add3A_20 : vector<10000x1xf32>
    %div3A_22 = vector.broadcast %add3A_21 : vector<10000x1xf32> to vector<10000x64xf32>
    %div3A_23 = arith.divf %slice3A_17, %div3A_22 : vector<10000x64xf32>
    %add3A_24 = arith.addf %add3A_16, %div3A_23 : vector<10000x64xf32>
    %slice3A_25 = vector.extract_strided_slice %get3A_1 {offsets = [10240, 64], sizes = [10000, 64], strides = [1, 1]} : vector<20480x128xf32> to vector<10000x64xf32>
    %slice3A_26 = vector.extract_strided_slice %get3A_4 {offsets = [0, 3], sizes = [10000, 1], strides = [1, 1]} : vector<10000x4xf32> to vector<10000x1xf32>
    %add3A_27 = arith.constant 1.000000e-16 : f32
    %add3A_28 = vector.broadcast %add3A_27 : f32 to vector<10000x1xf32>
    %add3A_29 = arith.addf %slice3A_26, %add3A_28 : vector<10000x1xf32>
    %div3A_30 = vector.broadcast %add3A_29 : vector<10000x1xf32> to vector<10000x64xf32>
    %div3A_31 = arith.divf %slice3A_25, %div3A_30 : vector<10000x64xf32>
    %add3A_32 = arith.addf %add3A_24, %div3A_31 : vector<10000x64xf32>
    %mul3A = arith.constant 2.500000e-01 : f32
    %mul3A_33 = vector.broadcast %mul3A : f32 to vector<10000x64xf32>
    %mul3A_34 = arith.mulf %mul3A_33, %add3A_32 : vector<10000x64xf32>
    %get3A_35 = arith.constant 0 : index
    %get3A_36 = arith.constant 0 : index
    %get3A_37 = vector.load %arg3[%get3A_35, %get3A_36] : memref<1x64xf32, #tpu.memory_space<vmem>>, vector<1x64xf32>
    %add3A_38 = vector.broadcast %get3A_37 : vector<1x64xf32> to vector<10000x64xf32>
    %add3A_39 = arith.addf %mul3A_34, %add3A_38 : vector<10000x64xf32>
    %max3A = arith.constant 0.000000e+00 : f32
    %max3A_40 = vector.broadcast %max3A : f32 to vector<10000x64xf32>
    %max3A_41 = arith.maximumf %add3A_39, %max3A_40 : vector<10000x64xf32>
    %iota3A = tpu.iota {dimensions = array<i32: 1>} : vector<10000x64xi32>
    %get3A_42 = arith.constant 0 : index
    %get3A_43 = arith.constant 0 : index
    %get3A_44 = vector.load %arg2[%get3A_42, %get3A_43] : memref<10000x1xi32, #tpu.memory_space<vmem>>, vector<10000x1xi32>
    %eq3A = vector.broadcast %get3A_44 : vector<10000x1xi32> to vector<10000x64xi32>
    %eq3A_45 = arith.cmpi eq, %eq3A, %iota3A : vector<10000x64xi32>
    %convert_element_type3A = arith.extui %eq3A_45 : vector<10000x64xi1> to vector<10000x64xi32>
    %convert_element_type3A_46 = arith.sitofp %convert_element_type3A : vector<10000x64xi32> to vector<10000x64xf32>
    %dot_general3A = arith.constant dense<0.000000e+00> : vector<64x64xf32>
    %dot_general3A_47 = tpu.matmul %convert_element_type3A_46, %max3A_41, %dot_general3A {dimension_numbers = #tpu.dot_dimension_numbers<[0], [0], [1], [1], [0, 1, 1, 1], [], []>, transpose_lhs_hint = false} : vector<10000x64xf32>, vector<10000x64xf32>, vector<64x64xf32> -> vector<64x64xf32>
    %reduce_sum3A = arith.constant dense<0.000000e+00> : vector<64xf32>
    %reduce_sum3A_48 = vector.multi_reduction <add>, %convert_element_type3A_46, %reduce_sum3A [0] : vector<10000x64xf32> to vector<64xf32>
    %broadcast_in_dim3A = vector.shape_cast %reduce_sum3A_48 : vector<64xf32> to vector<64x1xf32>
    %max3A_49 = arith.constant 1.000000e+00 : f32
    %max3A_50 = vector.broadcast %max3A_49 : f32 to vector<64x1xf32>
    %max3A_51 = arith.maximumf %broadcast_in_dim3A, %max3A_50 : vector<64x1xf32>
    %div3A_52 = vector.broadcast %max3A_51 : vector<64x1xf32> to vector<64x64xf32>
    %div3A_53 = arith.divf %dot_general3A_47, %div3A_52 : vector<64x64xf32>
    %get3A_54 = arith.constant 0 : index
    %get3A_55 = arith.constant 0 : index
    %get3A_56 = vector.load %arg4[%get3A_54, %get3A_55] : memref<64x128xf32, #tpu.memory_space<vmem>>, vector<64x128xf32>
    %dot_general3A_57 = arith.constant dense<0.000000e+00> : vector<64x128xf32>
    %dot_general3A_58 = tpu.matmul %div3A_53, %get3A_56, %dot_general3A_57 {dimension_numbers = #tpu.dot_dimension_numbers<[1], [0], [0], [1], [0, 0, 1, 1], [], []>, transpose_lhs_hint = false} : vector<64x64xf32>, vector<64x128xf32>, vector<64x128xf32> -> vector<64x128xf32>
    %get3A_59 = arith.constant 0 : index
    %get3A_60 = arith.constant 0 : index
    %get3A_61 = vector.load %arg5[%get3A_59, %get3A_60] : memref<1x128xf32, #tpu.memory_space<vmem>>, vector<1x128xf32>
    %add3A_62 = vector.broadcast %get3A_61 : vector<1x128xf32> to vector<64x128xf32>
    %add3A_63 = arith.addf %dot_general3A_58, %add3A_62 : vector<64x128xf32>
    %swap3A = arith.constant 0 : index
    %swap3A_64 = arith.constant 0 : index
    %swap3A_65 = vector.load %arg6[%swap3A, %swap3A_64] : memref<64x128xf32, #tpu.memory_space<vmem>>, vector<64x128xf32>
    tpu.vector_store %arg6[%swap3A, %swap3A_64], %add3A_63 {strides = array<i32>} : memref<64x128xf32, #tpu.memory_space<vmem>>, vector<64x128xf32>,
    return
  }
}

</mosaic_0001>

<sc_bundles>
// kernel: kernel.6.cloned.1.call-start
scs
__scs_entry_jumppad:
0x0: {  	(pc) =	sbr.rel $0x88, $3  }
0x1: {  	(tag) =	ssettag $0x0;
	lr =	simm.s32 $0x1  }
0x2: {  	[smem:$0x3F92] =	sst lr;
	_ =	strace $0xD0000000  }
0x3: {  	_ = 	snop  }
0x4: {  	_ = 	snop  }
0x5: {  	_ = 	snop  }
0x6: {  	_ = 	snop  }
0x7: {  	_ = 	snop  }
__scs_overlays_trampoline_lowered:
0x8: {  	[smem:$0x3FA1] =	sst s0  }
0x9: {  	[smem:$0x3FA2] =	sst s1  }
0xa: {  	[smem:$0x3FA3] =	sst s2  }
0xb: {  	[smem:$0x3FA4] =	sst s3  }
0xc: {  	[smem:$0x3FA5] =	sst s4  }
0xd: {  	[smem:$0x3FA6] =	sst s5  }
0xe: {  	[smem:$0x3FA7] =	sst s6  }
0xf: {  	[smem:$0x3FA8] =	sst s7  }
0x10: {  	[smem:$0x3FA9] =	sst s8  }
0x11: {  	[smem:$0x3FAA] =	sst s9;
	s0 =	simm.s32 @!p0 $0x0  }
0x12: {  	s1 =	sld [smem:$0x3F90];
	s0 =	simm.s32 @p0 $0x1  }
0x13: {  	[smem:$0x3FAB] =	sst s0;
	s0 =	simm.s32 @!p1 $0x0  }
0x14: {  	s2 =	sld [smem:$0x3F8F];
	s0 =	simm.s32 @p1 $0x1  }
0x15: {  	[smem:$0x3FAC] =	sst s0;
	s0 =	simm.s32 @!p2 $0x0  }
0x16: {  	s3 =	sld [smem:$0x3FDB];
	s0 =	simm.s32 @p2 $0x1  }
0x17: {  	s4 =	simm.s32 $0x1BF5;
	[smem:$0x3FAE] =	sst s0  }
0x18: {  	s0 =	sld [smem:$0x3F91];
	_ =	swait.ge [sflag:s4], $0x0  }
0x19: {  	s7 =	sld [smem:$0x3F92]  }
0x1a: {  	s8 =	sadd.s32 $0xFFFFE003, lr  }
0x1b: {  	s9 =	sadd.s32 $0xFFFFFEF7, lr;
	s5 =	simm.s32 $0xFFFFFFFF;
	p2 =	slt.u32 s8, $0xFFFFF086  }
0x1c: {  	p1 =	slt.u32 s9, $0xF7A;
	s5 =	simm.s32 @!p2 $0x0  }
0x1d: {  	s5 =	simm.s32 @p1 $0x1;
	p0 =	seq.s32 s7, s2  }
0x1e: {  	s7 =	smul.u32 @!p0 $0xF7A, s2;
	p2 =	seq.s32 @!p0 s5, $0x0  }
0x1f: {  	s9 =	smul.u32 $0xF7A, s1;
	s8 =	simm.s32 @!p0 $0x1BF5;
	p2 =	por !p2, p0  }
0x20: {  	[sflag:s8] =	ssyncset.s32 @!p0 $0xFFFFF086;
	s6 =	sadd.s32 @!p0 s3, s7;
	s7 =	simm.s32 @!p0 $0x108  }
0x21: {  	s3 =	sadd.s32 s3, s9;
	s6 =	sadd.s32 @!p0 $0x88, s6;
	s7 =	simm.s32 @p2 $0x1082  }
0x22: {  	[simem:s7], [sflag:s8] =	dma.local @!p0 [hbm:s6], $0xF7A  }
0x23: {  	s9 =	sor.u32 $0xD0000000, s2;
	s6 =	simm.s32 $0x108;
	_ =	swait.ge @!p0 [sflag:s8], $0x0  }
0x24: {  	s3 =	sadd.s32 $0x88, s3;
	s6 =	simm.s32 @!p1 $0x1082;
	[sflag:s4] =	ssyncset.s32 $0xFFFFF086  }
0x25: {  	[simem:s6], [sflag:s4] =	dma.local [hbm:s3], $0xF7A  }
0x26: {  	[smem:$0x3F92] =	sst s1;
	(tag) =	ssettag s2;
	_ =	strace s9  }
0x27: {  	s1 =	sld [smem:$0x3FA2]  }
0x28: {  	s2 =	sld [smem:$0x3FA3]  }
0x29: {  	s4 =	sld [smem:$0x3FA5]  }
0x2a: {  	p0 =	seq.s32 s5, $0x0;
	s5 =	sld [smem:$0x3FA6]  }
0x2b: {  	s6 =	sld [smem:$0x3FA7]  }
0x2c: {  	s7 =	sld [smem:$0x3FA8]  }
0x2d: {  	s3 =	simm.s32 $0x108;
	s8 =	sld [smem:$0x3FA9]  }
0x2e: {  	s3 =	simm.s32 @!p0 $0x1082;
	s9 =	sld [smem:$0x3FAA]  }
0x2f: {  	lr =	sadd.s32 s0, s3;
	s0 =	sld [smem:$0x3FA1]  }
0x30: {  	s3 =	sld [smem:$0x3FA4]  }
0x31: {  	[smem:$0x3FAD] =	sst s10  }
0x32: {  	s10 =	sld [smem:$0x3FAB];
	_ =	sdelay $0x3  }
0x33: {  	p0 =	seq.s32 s10, $0x1;
	s10 =	sld [smem:$0x3FAD];
	_ =	sdelay $0x3  }
0x34: {  	[smem:$0x3FAD] =	sst s10  }
0x35: {  	s10 =	sld [smem:$0x3FAC];
	_ =	sdelay $0x3  }
0x36: {  	p1 =	seq.s32 s10, $0x1;
	s10 =	sld [smem:$0x3FAD];
	_ =	sdelay $0x3  }
0x37: {  	[smem:$0x3FAD] =	sst s10  }
0x38: {  	s10 =	sld [smem:$0x3FAE]  }
0x39: {  	_ = 	snop;
	(pc) =	sbr.ind lr, $3  }
0x3a: {  	_ = 	snop  }
0x3b: {  	_ = 	snop  }
0x3c: {  	p2 =	seq.s32 s10, $0x1;
	s10 =	sld [smem:$0x3FAD]  }
0x3d: {  	_ =	shalt  }
0x3e: {  	_ =	shalt  }
0x3f: {  	_ =	shalt  }
0x40: {  	_ =	shalt  }
0x41: {  	_ =	shalt  }
0x42: {  	_ =	shalt  }
0x43: {  	_ =	shalt  }
0x44: {  	_ =	shalt  }
0x45: {  	_ =	shalt  }
0x46: {  	_ =	shalt  }
0x47: {  	_ =	shalt  }
0x48: {  	_ =	shalt  }
0x49: {  	_ =	shalt  }
0x4a: {  	_ =	shalt  }
0x4b: {  	_ =	shalt  }
0x4c: {  	_ =	shalt  }
0x4d: {  	_ =	shalt  }
0x4e: {  	_ =	shalt  }
0x4f: {  	_ =	shalt  }
0x50: {  	_ =	shalt  }
0x51: {  	_ =	shalt  }
0x52: {  	_ =	shalt  }
0x53: {  	_ =	shalt  }
0x54: {  	_ =	shalt  }
0x55: {  	_ =	shalt  }
0x56: {  	_ =	shalt  }
0x57: {  	_ =	shalt  }
0x58: {  	_ =	shalt  }
0x59: {  	_ =	shalt  }
0x5a: {  	_ =	shalt  }
0x5b: {  	_ =	shalt  }
0x5c: {  	_ =	shalt  }
0x5d: {  	_ =	shalt  }
0x5e: {  	_ =	shalt  }
0x5f: {  	_ =	shalt  }
0x60: {  	_ =	shalt  }
0x61: {  	_ =	shalt  }
0x62: {  	_ =	shalt  }
0x63: {  	_ =	shalt  }
0x64: {  	_ =	shalt  }
0x65: {  	_ =	shalt  }
0x66: {  	_ =	shalt  }
0x67: {  	_ =	shalt  }
0x68: {  	_ =	shalt  }
0x69: {  	_ =	shalt  }
0x6a: {  	_ =	shalt  }
0x6b: {  	_ =	shalt  }
0x6c: {  	_ =	shalt  }
0x6d: {  	_ =	shalt  }
0x6e: {  	_ =	shalt  }
0x6f: {  	_ =	shalt  }
0x70: {  	_ =	shalt  }
0x71: {  	_ =	shalt  }
0x72: {  	_ =	shalt  }
0x73: {  	_ =	shalt  }
0x74: {  	_ =	shalt  }
0x75: {  	_ =	shalt  }
0x76: {  	_ =	shalt  }
0x77: {  	_ =	shalt  }
0x78: {  	_ =	shalt  }
0x79: {  	_ =	shalt  }
0x7a: {  	_ =	shalt  }
0x7b: {  	_ =	shalt  }
0x7c: {  	_ =	shalt  }
0x7d: {  	_ =	shalt  }
0x7e: {  	_ =	shalt  }
0x7f: {  	_ =	shalt  }
0x80: {  	_ =	shalt  }
0x81: {  	_ =	shalt  }
0x82: {  	_ =	shalt  }
0x83: {  	_ =	shalt  }
0x84: {  	_ =	shalt  }
0x85: {  	_ =	shalt  }
0x86: {  	_ =	shalt  }
0x87: {  	_ =	shalt  }
.Lfunc_end0:
.L_simem_size_0:
called_computation_lowered:
.L_overlay_start_0:
0x88: {  	s2 =	sld [smem:$0x3FD9]  }
0x89: {  	s3 =	sld [smem:$0x3FFE];
	_ =	sdelay $0x1  }
0x8a: {  	s1 =	srdreg.scid  }
0x8b: {  	s0 =	sand.u32 $0x1, s1  }
0x8c: {  	s17 =	sshll.u32 s0, $0xA;
	s2 =	sadd.s32 s3, s2  }
0x8d: {  	s2 =	sadd.s32 s2, s17  }
0x8e: {  	[smem:$0x3FB9] =	sst s2  }
0x8f: {  	_ = 	snop  }
0x90: {  	s2 =	sld [smem:$0x3FD0];
	(tm) =	ssettm $0x1  }
0x91: {  	s18 =	sld [smem:$0x3FFB];
	_ =	sdelay $0x3  }
0x92: {  	_ =	strace s18  }
0x93: {  	s3 =	sld [smem:$0x3FFC];
	_ =	sdelay $0x3  }
0x94: {  	_ =	strace s3  }
0x95: {  	s3 =	sld [smem:$0x3FFD];
	_ =	sdelay $0x3  }
0x96: {  	_ =	strace s3  }
0x97: {  	_ =	strace $0x8FFFFFFF  }
0x98: {  	s19 =	sld [smem:$0x3FDB];
	_ =	sdelay $0x1  }
0x99: {  	s4 =	simm.s32 $_scs_section_size  }
0x9a: {  	s5 =	simm.s32 $_size__tile_overlayer_lowered;
	s6 =	simm.s32 $_tile_overlayer_lowered  }
0x9b: {  	s22 =	simm.s32 $0x1BFF;
	s21 =	sshll.u32 s6, $0x1;
	s3 =	sadd.s32 s4, s19  }
0x9c: {  	s7 =	simm.s32 $0x0;
	s20 =	sshll.u32 s5, $0x1;
	s5 =	sadd.s32 s21, s3  }
0x9d: {  	[timem:s7], [sflag:s22] =	dma.local [hbm:s5], s20  }
0x9e: {  	_ =	swait.ge [sflag:s22], s20  }
0x9f: {  	s4 =	ssub.s32 $0x0, s20;
	[sflag:s22] =	ssyncset.done $0x0  }
0xa0: {  	[sflag:s22] =	ssyncadd.s32 s4;
	_ =	sdelay $0x1  }
0xa1: {  	s23 =	simm.s32 $0x1B8B  }
0xa2: {  	_ =	swait.ge [sflag:s23], $0x1  }
0xa3: {  	[sflag:s23] =	ssyncset.done $0x0  }
0xa4: {  	s25 =	simm.s32 $0x1B8E;
	s24 =	sld [smem:$0x3FFE];
	[sflag:s23] =	ssyncadd.s32 $0xFFFFFFFF  }
0xa5: {  	s26 =	simm.s32 $execute0_lowered;
	[smem:$0x3FD2] =	sst s25  }
0xa6: {  	s5 =	sshll.u32 s26, $0x1;
	_ =	strace $0x80000046;
	[dreg:$0x1] =	wrdreg $0xFFFFFFFF  }
0xa7: {  	s28 =	simm.s32 $_size_execute0_lowered;
	s3 =	sadd.s32 s3, s5;
	[dreg:$0x0] =	wrdreg $0x0  }
0xa8: {  	s5 =	sshll.u32 s28, $0x1;
	[dreg:$0x2] =	wrdreg s3  }
0xa9: {  	[dreg:$0x3] =	wrdreg s5  }
0xaa: {  	[dreg:$0x4] =	wrdreg $0xC0  }
0xab: {  	_ =	task [dreg:s7], $0x5FFFF  }
0xac: {  	[dreg:$0x1] =	wrdreg $0xFFFFFFFF  }
0xad: {  	[dreg:$0x0] =	wrdreg $0x60  }
0xae: {  	[dreg:$0x2] =	wrdreg s24  }
0xaf: {  	[dreg:$0x3] =	wrdreg s2  }
0xb0: {  	[dreg:$0x4] =	wrdreg $0xA7800  }
0xb1: {  	[dreg:$0x5] =	wrdreg $0x1E7800  }
0xb2: {  	[dreg:$0x6] =	wrdreg $0x9  }
0xb3: {  	_ =	task.clear_ibuf [dreg:s7], $0x7FFFF;
	_ =	strace $0x90000046  }
0xb4: {  	s29 =	simm.s32 $0x9;
	_ =	strace $0x80000048  }
0xb5: {  	_ =	swait.ge [sflag:s29], $0x1  }
0xb6: {  	[sflag:s29] =	ssyncadd.s32 $0xFFFFFFFF  }
0xb7: {  	_ =	strace $0x90000048  }
0xb8: {  	_ =	sfence  }
0xb9: {  	s30 =	sld [smem:$0x0];
	_ =	sdelay $0x2  }
0xba: {  	s31 =	sshll.u32 s1, $0xD;
	s1 =	sshrl.u32 s1, $0x2  }
0xbb: {  	s3 =	sand.u32 $0x4000, s31;
	s1 =	sadd.s32 s1, s30  }
0xbc: {  	s0 =	sor.u32 s3, s0;
	s1 =	sshll.u32 s1, $0x11  }
0xbd: {  	s0 =	sor.u32 s1, s0  }
0xbe: {  	s0 =	sadd.s32 $0x8F2B, s0  }
0xbf: {  	[sflag:s0] =	ssyncadd.remote.s32 $0x1  }
0xc0: {  	_ =	sfence.sel $0xFFFF  }
0xc1: {  	[dreg:$0x0] =	wrdreg $0xFFFFFFFF;
	(pc) =	sbr.abs _section_cstart, $3  }
0xc2: {  	[dreg:$0x1] =	wrdreg $0xFFFFFFFF  }
0xc3: {  	_ =	task.clear_ibuf [dreg:s7], $0x2FFFF;
	_ =	strace $0x9FFFFFFF  }
0xc4: {  	(tm) =	ssettm $0x7FFFFFFF  }
0xc5: {  	_ =	shalt  }
tec
execute0_lowered:
.L_overlay_start_1:
0x0: {  	(tag) =	ssettag $0x1  }
0x1: {  	s0 =	rddreg [dreg:$0x0]  }
0x2: {  	s1 =	rddreg [dreg:$0x1]  }
0x3: {  	s11 =	rddreg [dreg:$0x2]  }
0x4: {  	s12 =	rddreg [dreg:$0x3];
	s10 =	stileid.u32  }
0x5: {  	s2 =	srdreg.scid;
	s3 =	smul.u32 $0x2800, s10  }
0x6: {  	s18 =	simm.s32 $0x0;
	s2 =	sand.u32 $0x1, s2;
	s5 =	smul.u32 $0x280, s10  }
0x7: {  	[smem:$0x7FF] =	sst s18;
	s4 =	smul.u32 $0x28000, s2  }
0x8: {  	s6 =	sadd.s32 $0x7800, s0;
	s23 =	sadd.s32 $0x2800, s0;
	s24 =	smul.u32 $0x2800, s2  }
0x9: {  	_ =	strace $0x80000047;
	[dreg:$0x6] =	wrdreg s6;
	s21 =	smul.u32 $0x2710, s2  }
0xa: {  	s30 =	simm.s32 $0x700;
	[dreg:$0x7] =	wrdreg s23;
	s23 =	smul.u32 $0x2710, s10  }
0xb: {  	s26 =	ssub.s32 $0x2, s2;
	s22 =	smul.u32 $0x27100, s2;
	s2 =	sshll.u32 s2, $0x4  }
0xc: {  	s25 =	smul.u32 $0x50000, s10;
	s1 =	sadd.s32 s1, s2;
	[dreg:$0x12] =	wrdreg s23  }
0xd: {  	s28 =	sshrl.u32 s26, $0x1;
	s3 =	sadd.s32 s3, s4;
	[dreg:$0x13] =	wrdreg s1  }
0xe: {  	s4 =	sshrl.u32 s25, $0x2;
	s25 =	sor.u32 $0x50, s22;
	[dreg:$0x10] =	wrdreg s22  }
0xf: {  	s29 =	ssub.s32 s26, s28;
	s26 =	sor.u32 $0xA0, s22;
	[dreg:$0x17] =	wrdreg s25  }
0x10: {  	s31 =	simm.s32 $0x6;
	s28 =	sor.u32 $0xF0, s22;
	[dreg:$0x18] =	wrdreg s26  }
0x11: {  	s5 =	sadd.s32 s5, s24;
	s24 =	smax.u32 s29, $0x1;
	[dreg:$0x19] =	wrdreg s28  }
0x12: {  	s7 =	sadd.s32 $0xC800, s0;
	s29 =	sadd.s32 $0x140, s22;
	[dreg:$0x16] =	wrdreg s24  }
0x13: {  	v0 =	vimm.s32 $0xFEDCBA98;
	v2 =	vimm.s32 $0xBA98FEDC;
	s8 =	sadd.s32 $0x53CA00, s0;
	s20 =	sadd.s32 s4, s11;
	[dreg:$0x1a] =	wrdreg s29  }
0x14: {  	v4 =	vimm.s32 $0xDCFE98BA;
	s9 =	sadd.s32 $0x4EE800, s0;
	s11 =	sadd.s32 $0x2800, s20;
	[dreg:$0x8] =	wrdreg s20  }
0x15: {  	v5 =	vimm.s32 $0x54761032;
	v6 =	vimm.s32 $0xEFCDAB89;
	s16 =	smul.u32 $0x5000, s10;
	s13 =	sadd.s32 $0x5000, s20;
	[dreg:$0x9] =	wrdreg s11  }
0x16: {  	v7 =	vimm.s32 $0x67452301;
	v0 =	vunpack.c.l.s4.s8 v0;
	v4 =	vunpack.c.l.s4.s8 v4;
	s3 =	sadd.s32 s3, s0;
	s14 =	sadd.s32 $0x7800, s20;
	[dreg:$0xa] =	wrdreg s13  }
0x17: {  	v5 =	vunpack.c.l.s4.s8 v5;
	v6 =	vunpack.c.l.s4.s8 v6;
	v7 =	vunpack.c.l.s4.s8 v7;
	s0 =	sadd.s32 s5, s0;
	s15 =	sadd.s32 $0xA000, s20;
	[dreg:$0xb] =	wrdreg s14  }
0x18: {  	v3 =	vunpack.c.0.s8.s32 v0;
	v0 =	vunpack.c.l.s4.s8 v2;
	v2 =	vimm.s32 $0x32107654;
	s5 =	sshrl.u32 s16, $0x2;
	s17 =	sadd.s32 $0xC800, s20;
	[dreg:$0xc] =	wrdreg s15  }
0x19: {  	v1 =	vimm.s32 $0x76543210;
	v4 =	vunpack.c.0.s8.s32 v4;
	v2 =	vunpack.c.l.s4.s8 v2;
	s16 =	simm.s32 $0x3;
	s19 =	sadd.s32 $0xF000, s20;
	[dreg:$0xd] =	wrdreg s17  }
0x1a: {  	v5 =	vunpack.c.0.s8.s32 v5;
	v6 =	vunpack.c.0.s8.s32 v6;
	v7 =	vunpack.c.0.s8.s32 v7;
	s22 =	simm.s32 $0x5;
	s3 =	sadd.s32 $0x58FC00, s3;
	[dreg:$0xe] =	wrdreg s19  }
0x1b: {  	v1 =	vunpack.c.l.s4.s8 v1;
	v8 =	vunpack.c.0.s8.s32 v0;
	s0 =	sadd.s32 $0x58AC00, s0;
	v2 =	vunpack.c.0.s8.s32 v2;
	s24 =	simm.s32 $0x4;
	[dreg:$0x11] =	wrdreg s3  }
0x1c: {  	v0 =	vmov s21;
	v4 =	vcombine.low v5, v4;
	v5 =	vcombine.low v7, v6;
	s11 =	sadd.s32 $0x11800, s20;
	s3 =	sadd.s32 s5, s12;
	[dreg:$0x15] =	wrdreg s0  }
0x1d: {  	v3 =	vand.u32 $0xF, v3;
	s0 =	simm.s32 $0x7F00;
	s13 =	simm.s32 $0x2F00;
	s14 =	simm.s32 $0x5700;
	v8 =	vcombine.low v2, v8;
	v2 =	vunpack.c.0.s8.s32 v1  }
0x1e: {  	v6 =	vlaneseq.u32;
	s15 =	simm.s32 $0x400;
	s17 =	simm.s32 $0x1;
	v4 =	vand.u32 $0xF, v4;
	v5 =	vand.u32 $0xF, v5;
	[dreg:$0xf] =	wrdreg s11  }
0x1f: {  	s19 =	simm.s32 $0x2;
	s11 =	simm.s32 $0x50;
	v1 =	vimm.f32 $0.0e+00;
	[dreg:$0x14] =	wrdreg s3;
	v2 =	vcombine.low v3, v2;
	v3 =	vand.u32 $0xF, v8  }
.LBB2_1:
0x20: {  	[dreg:$0x5] =	wrdreg s18;
	s1 =	simm.s32 $0x0;
	s2 =	simm.s32 $0x200  }
.LBB2_2:
0x21: {  	p0 =	sne.s32 s2, $0x9E00;
	[tilespmem:s1+$0x7F70] =	vst v1  }
0x22: {  	[tilespmem:s1+$0x700] =	vst v1  }
0x23: {  	[tilespmem:s1+$0x7F00] =	vst v1  }
0x24: {  	[tilespmem:s1+$0x710] =	vst v1  }
0x25: {  	[tilespmem:s1+$0x7F10] =	vst v1  }
0x26: {  	[tilespmem:s1+$0x720] =	vst v1  }
0x27: {  	[tilespmem:s1+$0x7F20] =	vst v1  }
0x28: {  	[tilespmem:s1+$0x730] =	vst v1  }
0x29: {  	[tilespmem:s1+$0x7F30] =	vst v1  }
0x2a: {  	[tilespmem:s1+$0x740] =	vst v1  }
0x2b: {  	[tilespmem:s1+$0x7F40] =	vst v1  }
.Ltmp0:
0x2c: {  	[tilespmem:s1+$0x750] =	vst v1;
	(pc) =	sbr.rel @p0 .LBB2_2-.Ltmp0, $4  }
0x2d: {  	[tilespmem:s1+$0x7F50] =	vst v1  }
0x2e: {  	[tilespmem:s1+$0x760] =	vst v1  }
0x2f: {  	[tilespmem:s1+$0x7F60] =	vst v1  }
0x30: {  	[tilespmem:s1+$0x770] =	vst v1;
	s1 =	sshra.s32 s2, $0x2;
	s2 =	sadd.s32 $0x200, s2  }
0x31: {  	[tilespmem:s1+$0x7F70] =	vst v1  }
0x32: {  	[tilespmem:s1+$0x700] =	vst v1  }
0x33: {  	[tilespmem:s1+$0x7F00] =	vst v1  }
0x34: {  	[tilespmem:s1+$0x710] =	vst v1  }
0x35: {  	[tilespmem:s1+$0x7F10] =	vst v1  }
0x36: {  	[tilespmem:s1+$0x720] =	vst v1  }
0x37: {  	[tilespmem:s1+$0x7F20] =	vst v1  }
0x38: {  	[tilespmem:s1+$0x730] =	vst v1  }
0x39: {  	[tilespmem:s1+$0x7F30] =	vst v1  }
0x3a: {  	[tilespmem:s1+$0x740] =	vst v1  }
0x3b: {  	[tilespmem:s1+$0x7F40] =	vst v1  }
0x3c: {  	[tilespmem:s1+$0x750] =	vst v1  }
0x3d: {  	[tilespmem:s1+$0x7F50] =	vst v1  }
0x3e: {  	[tilespmem:s1+$0x760] =	vst v1  }
0x3f: {  	[tilespmem:s1+$0x7F60] =	vst v1  }
0x40: {  	[tilespmem:s1+$0x770] =	vst v1  }
0x41: {  	[spmem:s20] =	stream.linear.scatter [tilespmem:s30], [sflag:$0x6], $0x2800, $0x38;
	[tilespmem:$0x1FB80] =	vst v63  }
0x42: {  	_ =	swait.ge [sflag:s31], $0x2800  }
0x43: {  	[sflag:s31] =	ssyncset.done $0x0  }
0x44: {  	s12 =	rddreg [dreg:$0x9];
	[sflag:s31] =	ssyncadd.s32 $0xFFFFD800  }
0x45: {  	[spmem:s12] =	stream.linear.scatter [tilespmem:s30], [sflag:$0x6], $0x2800, $0x38;
	[tilespmem:$0x1FB80] =	vst v63  }
0x46: {  	_ =	swait.ge [sflag:s31], $0x2800  }
0x47: {  	[sflag:s31] =	ssyncset.done $0x0  }
0x48: {  	s18 =	rddreg [dreg:$0xa];
	[sflag:s31] =	ssyncadd.s32 $0xFFFFD800  }
0x49: {  	[spmem:s18] =	stream.linear.scatter [tilespmem:s30], [sflag:$0x6], $0x2800, $0x38;
	[tilespmem:$0x1FB80] =	vst v63  }
0x4a: {  	_ =	swait.ge [sflag:s31], $0x2800  }
0x4b: {  	[sflag:s31] =	ssyncset.done $0x0  }
0x4c: {  	s20 =	rddreg [dreg:$0xb];
	[sflag:s31] =	ssyncadd.s32 $0xFFFFD800  }
0x4d: {  	[spmem:s20] =	stream.linear.scatter [tilespmem:s30], [sflag:$0x6], $0x2800, $0x38;
	[tilespmem:$0x1FB80] =	vst v63  }
0x4e: {  	_ =	swait.ge [sflag:s31], $0x2800  }
0x4f: {  	[sflag:s31] =	ssyncset.done $0x0  }
0x50: {  	s21 =	rddreg [dreg:$0xc];
	[sflag:s31] =	ssyncadd.s32 $0xFFFFD800  }
0x51: {  	[spmem:s21] =	stream.linear.scatter [tilespmem:s30], [sflag:$0x6], $0x2800, $0x38;
	[tilespmem:$0x1FB80] =	vst v63  }
0x52: {  	_ =	swait.ge [sflag:s31], $0x2800  }
0x53: {  	[sflag:s31] =	ssyncset.done $0x0  }
0x54: {  	s23 =	rddreg [dreg:$0xd];
	[sflag:s31] =	ssyncadd.s32 $0xFFFFD800  }
0x55: {  	[spmem:s23] =	stream.linear.scatter [tilespmem:s30], [sflag:$0x6], $0x2800, $0x38;
	[tilespmem:$0x1FB80] =	vst v63  }
0x56: {  	_ =	swait.ge [sflag:s31], $0x2800  }
0x57: {  	[sflag:s31] =	ssyncset.done $0x0  }
0x58: {  	s25 =	rddreg [dreg:$0xe];
	[sflag:s31] =	ssyncadd.s32 $0xFFFFD800  }
0x59: {  	[spmem:s25] =	stream.linear.scatter [tilespmem:s30], [sflag:$0x6], $0x2800, $0x38;
	[tilespmem:$0x1FB80] =	vst v63  }
0x5a: {  	_ =	swait.ge [sflag:s31], $0x2800  }
0x5b: {  	[sflag:s31] =	ssyncset.done $0x0  }
0x5c: {  	s26 =	rddreg [dreg:$0xf];
	[sflag:s31] =	ssyncadd.s32 $0xFFFFD800  }
0x5d: {  	[spmem:s26] =	stream.linear.scatter [tilespmem:s30], [sflag:$0x6], $0x2800, $0x38;
	[tilespmem:$0x1FB80] =	vst v63  }
0x5e: {  	_ =	swait.ge [sflag:s31], $0x2800  }
0x5f: {  	[sflag:s31] =	ssyncset.done $0x0  }
0x60: {  	[sflag:s31] =	ssyncadd.s32 $0xFFFFD800  }
0x61: {  	[spmem:s3] =	stream.linear.scatter [tilespmem:s0], [sflag:$0x6], $0x1400, $0x38;
	[tilespmem:$0x1FB80] =	vst v63  }
0x62: {  	_ =	swait.ge [sflag:s31], $0x1400  }
0x63: {  	[sflag:s31] =	ssyncset.done $0x0  }
0x64: {  	[sflag:s31] =	ssyncadd.s32 $0xFFFFEC00  }
0x65: {  	[bflag:$0x0] =	sbarrier.arrive $0xFFFF  }
0x66: {  	s28 =	simm.s32 $0x0;
	s2 =	simm.s32 $0xA700;
	s29 =	rddreg [dreg:$0x13]  }
0x67: {  	[tilespmem:s2], [sflag:$0x6] =	stream.linear.gather [hbm4b:s29+s28], $0x80, $0x38;
	[tilespmem:$0x1FB80] =	vst v63  }
0x68: {  	_ =	swait.ge [sflag:s31], $0x80  }
0x69: {  	[sflag:s31] =	ssyncset.done $0x0  }
0x6a: {  	[sflag:s31] =	ssyncadd.s32 $0xFFFFFF80  }
0x6b: {  	v7 =	vld [tilespmem:$0xA700]  }
0x6c: {  	v8 =	vld [tilespmem:$0xA710]  }
0x6d: {  	v9 =	vld [tilespmem:$0xA720]  }
0x6e: {  	v10 =	vld [tilespmem:$0xA730]  }
0x6f: {  	v11 =	vld [tilespmem:$0xA740]  }
0x70: {  	v12 =	vld [tilespmem:$0xA750]  }
0x71: {  	v13 =	vld [tilespmem:$0xA760]  }
0x72: {  	s5 =	simm.s32 $0x0;
	v14 =	vld [tilespmem:$0xA770]  }
.LBB2_4:
0x73: {  	s1 =	smul.u32 $0x190, s5  }
0x74: {  	s2 =	rddreg [dreg:$0x12]  }
0x75: {  	s6 =	sadd.s32 s2, s1  }
0x76: {  	s20 =	rddreg [dreg:$0x6];
	s1 =	sshrl.u32 s6, $0x3  }
0x77: {  	s3 =	simm.s32 $0x0;
	s2 =	sadd.s32 s20, s1  }
0x78: {  	[tilespmem:s3], [sflag:$0x6] =	stream.linear.gather [hbm4b:s2+s3], $0x190, $0x38;
	[tilespmem:$0x1FB80] =	vst v63  }
0x79: {  	_ =	swait.ge [sflag:s31], $0x190  }
0x7a: {  	[sflag:s31] =	ssyncset.done $0x0;
	s21 =	rddreg [dreg:$0x7]  }
0x7b: {  	s23 =	simm.s32 $0x200;
	[sflag:s31] =	ssyncadd.s32 $0xFFFFFE70;
	s1 =	sadd.s32 s21, s1  }
0x7c: {  	[tilespmem:s23], [sflag:$0x6] =	stream.linear.gather [hbm4b:s1+s3], $0x190, $0x38;
	[tilespmem:$0x1FB80] =	vst v63  }
0x7d: {  	_ =	swait.ge [sflag:s31], $0x190  }
0x7e: {  	[sflag:s31] =	ssyncset.done $0x0  }
0x7f: {  	[sflag:s31] =	ssyncadd.s32 $0xFFFFFE70  }
0x80: {  	v15 =	vld [tilespmem:$0x0]  }
0x81: {  	v16 =	vld [tilespmem:$0x200]  }
0x82: {  	v58 =	vld [tilespmem:$0x220]  }
0x83: {  	v61 =	vld [tilespmem:$0x230];
	_ =	sdelay $0x1  }
0x84: {  	v63 =	vld [tilespmem:$0x240]  }
0x85: {  	[tilespmem:$0x600] =	vst v16  }
0x86: {  	v17 =	vld [tilespmem:$0x10];
	[tilespmem:$0x620] =	vst v58  }
0x87: {  	v15 =	vadd.s32 v0, v15;
	[tilespmem:$0x630] =	vst v61  }
0x88: {  	[tilespmem:$0x400] =	vst v15;
	v15 =	vld [tilespmem:$0x210]  }
0x89: {  	v18 =	vadd.s32 v0, v16;
	[tilespmem:$0x640] =	vst v63  }
0x8a: {  	v56 =	vld [tilespmem:$0x20];
	v16 =	vshrl.u32 v16, $0x4;
	[tilespmem:$0x480] =	vst v18  }
0x8b: {  	v57 =	vadd.s32 v0, v17;
	[tilespmem:$0x500] =	vst v16  }
0x8c: {  	[tilespmem:$0x410] =	vst v57  }
0x8d: {  	v60 =	vld [tilespmem:$0x30];
	[tilespmem:$0x610] =	vst v15;
	v59 =	vadd.s32 v0, v15  }
0x8e: {  	v15 =	vshrl.u32 v15, $0x4;
	[tilespmem:$0x490] =	vst v59  }
0x8f: {  	[tilespmem:$0x510] =	vst v15;
	v15 =	vadd.s32 v0, v56  }
0x90: {  	v62 =	vld [tilespmem:$0x40];
	[tilespmem:$0x420] =	vst v15;
	v15 =	vadd.s32 v0, v58  }
0x91: {  	[tilespmem:$0x4A0] =	vst v15;
	v15 =	vshrl.u32 v58, $0x4  }
0x92: {  	[tilespmem:$0x520] =	vst v15;
	v15 =	vadd.s32 v0, v60  }
0x93: {  	[tilespmem:$0x430] =	vst v15;
	v15 =	vadd.s32 v0, v61  }
0x94: {  	[tilespmem:$0x4B0] =	vst v15;
	v15 =	vshrl.u32 v61, $0x4  }
0x95: {  	[tilespmem:$0x530] =	vst v15;
	v15 =	vadd.s32 v0, v62  }
0x96: {  	s26 =	rddreg [dreg:$0x10];
	[tilespmem:$0x440] =	vst v15;
	v15 =	vadd.s32 v0, v63  }
0x97: {  	s1 =	sadd.s32 s26, s6;
	[tilespmem:$0x4C0] =	vst v15;
	v15 =	vshrl.u32 v63, $0x4  }
0x98: {  	s25 =	simm.s32 $0x480;
	s1 =	sshll.u32 s1, $0x4;
	[tilespmem:$0x540] =	vst v15  }
0x99: {  	[tilespmem:s13], [sflag:$0x2] =	stream.indirect.gather [hbm4b:s9+s11], $0x80, s25, s11, $0xb8;
	[tilespmem:$0x1FB80] =	vst v63  }
0x9a: {  	s1 =	sadd.s32 s7, s1  }
0x9b: {  	[tilespmem:s14], [sflag:$0x3] =	stream.linear.gather [hbm4b:s1+s3], $0x2800, $0x38;
	[tilespmem:$0x1FB80] =	vst v63  }
0x9c: {  	_ = 	snop  }
0x9d: {  	[tilespmem:s30], [sflag:$0x1] =	stream.indirect.gather [hbm4b:s8+s11], $0x80, s15, s11, $0xb8;
	[tilespmem:$0x1FB80] =	vst v63  }
0x9e: {  	_ =	swait.ge [sflag:s16], $0x2800  }
0x9f: {  	[sflag:s16] =	ssyncset.done $0x0  }
0xa0: {  	[sflag:s16] =	ssyncadd.s32 $0xFFFFD800  }
0xa1: {  	_ =	swait.ge [sflag:s17], $0x2800  }
0xa2: {  	[sflag:s17] =	ssyncset.done $0x0  }
0xa3: {  	[sflag:s17] =	ssyncadd.s32 $0xFFFFD800  }
0xa4: {  	s29 =	simm.s32 $0x7F10;
	_ =	swait.ge [sflag:s19], $0x2800  }
0xa5: {  	s18 =	simm.s32 $0x2F40;
	s28 =	simm.s32 $0x0;
	[sflag:s19] =	ssyncset.done $0x0  }
0xa6: {  	s26 =	simm.s32 $0x740;
	s25 =	simm.s32 $0x5740;
	[sflag:s19] =	ssyncadd.s32 $0xFFFFD800  }
.LBB2_5:
0xa7: {  	v15 =	vld [tilespmem:s26+$0x30]  }
0xa8: {  	v16 =	vld [tilespmem:s26+$0x20]  }
0xa9: {  	v19 =	vld [tilespmem:s18+$0x10]  }
0xaa: {  	v20 =	vld [tilespmem:s18+$0x0]  }
0xab: {  	v17 =	vld [tilespmem:s26+$0x0]  }
0xac: {  	v22 =	vld [tilespmem:s18+$0x30]  }
0xad: {  	v21 =	vld [tilespmem:s25+$0x10]  }
0xae: {  	v18 =	vld [tilespmem:s26+$0x10]  }
0xaf: {  	v25 =	vld [tilespmem:s18+$0x20]  }
0xb0: {  	v23 =	vld [tilespmem:s25+$0x0]  }
0xb1: {  	v26 =	vld [tilespmem:s25+$0x20]  }
0xb2: {  	v24 =	vld [tilespmem:s25+$0x30]  }
0xb3: {  	v27 =	vld [tilespmem:s18+$0xFFFFFFF0];
	v19 =	vadd.f32 v19, v18;
	v20 =	vadd.f32 v20, v17  }
0xb4: {  	v32 =	vld [tilespmem:s18+$0xFFFFFFC0];
	v25 =	vadd.f32 v25, v16  }
0xb5: {  	v19 =	vadd.f32 v21, v19;
	v23 =	vadd.f32 v23, v20;
	v20 =	vld [tilespmem:s26+$0xFFFFFFD0]  }
0xb6: {  	v22 =	vadd.f32 v22, v15;
	v25 =	vadd.f32 v26, v25;
	v26 =	vld [tilespmem:s18+$0xFFFFFFD0]  }
0xb7: {  	v57 =	vld [tilespmem:s25+$0xFFFFFFD0];
	v30 =	vmul.f32 $2.000000030e-01, v19;
	v31 =	vmul.f32 $2.000000030e-01, v23  }
0xb8: {  	v21 =	vld [tilespmem:s26+$0xFFFFFFC0];
	v24 =	vadd.f32 v24, v22  }
0xb9: {  	v28 =	vld [tilespmem:s18+$0xFFFFFFE0];
	v19 =	vmax.f32 v19, v30;
	v22 =	vmax.f32 v23, v31;
	v23 =	vmul.f32 $2.000000030e-01, v25  }
0xba: {  	v29 =	vld [tilespmem:s25+$0xFFFFFFC0];
	v31 =	vmul.f32 v22, v11;
	v19 =	vmul.f32 v19, v12  }
0xbb: {  	v33 =	vmul.f32 $2.000000030e-01, v24;
	v22 =	vld [tilespmem:s26+$0xFFFFFFE0];
	v26 =	vadd.f32 v26, v20;
	v23 =	vmax.f32 v25, v23  }
0xbc: {  	v19 =	vadd.f32 v19, v31;
	v58 =	vmul.f32 v23, v13;
	v23 =	vld [tilespmem:s26+$0xFFFFFFF0]  }
0xbd: {  	v24 =	vmax.f32 v24, v33;
	v32 =	vadd.f32 v32, v21;
	v25 =	vld [tilespmem:s25+$0xFFFFFFE0];
	v26 =	vadd.f32 v57, v26  }
0xbe: {  	v59 =	vld [tilespmem:s25+$0xFFFFFFF0];
	v24 =	vmul.f32 v24, v14;
	v19 =	vadd.f32 v58, v19  }
0xbf: {  	v29 =	vadd.f32 v29, v32;
	v60 =	vmul.f32 $2.000000030e-01, v26  }
0xc0: {  	v28 =	vadd.f32 v28, v22;
	v19 =	vadd.f32 v24, v19  }
0xc1: {  	v24 =	vmul.f32 $2.000000030e-01, v29;
	v26 =	vmax.f32 v26, v60;
	v27 =	vadd.f32 v27, v23  }
0xc2: {  	v25 =	vadd.f32 v25, v28;
	v26 =	vmul.f32 v26, v8  }
0xc3: {  	v61 =	vperm.xlane v19, v2;
	v24 =	vmax.f32 v29, v24;
	v27 =	vadd.f32 v59, v27  }
0xc4: {  	v62 =	vmul.f32 $2.000000030e-01, v25;
	v24 =	vmul.f32 v24, v7  }
0xc5: {  	v19 =	vadd.f32 v61, v19;
	v63 =	vmul.f32 $2.000000030e-01, v27  }
0xc6: {  	v25 =	vmax.f32 v25, v62;
	v24 =	vadd.f32 v26, v24  }
0xc7: {  	v25 =	vmul.f32 v25, v9;
	v26 =	vmax.f32 v27, v63;
	v27 =	vperm.xlane v19, v3;
	_ =	sdelay $0x1  }
0xc8: {  	v24 =	vadd.f32 v25, v24;
	v25 =	vmul.f32 v26, v10;
	v19 =	vadd.f32 v27, v19;
	_ =	sdelay $0x1  }
0xc9: {  	v24 =	vadd.f32 v25, v24;
	v25 =	vperm.xlane v19, v4;
	_ =	sdelay $0x1  }
0xca: {  	v26 =	vperm.xlane v24, v2;
	v19 =	vadd.f32 v25, v19;
	_ =	sdelay $0x1  }
0xcb: {  	v24 =	vadd.f32 v26, v24;
	v25 =	vperm.xlane v19, v5;
	_ =	sdelay $0x1  }
0xcc: {  	v26 =	vperm.xlane v24, v3;
	v19 =	vadd.f32 v25, v19;
	_ =	sdelay $0x1  }
0xcd: {  	v24 =	vadd.f32 v26, v24;
	v25 =	vmul.f32 $1.442695020e+00, v19;
	_ =	sdelay $0x1  }
0xce: {  	s1 =	sshll.u32 s28, $0x4;
	s4 =	simm.s32 $0x0;
	s21 =	simm.s32 $0x1;
	v26 =	vperm.xlane v24, v4;
	(erf) = vpow2.f32 v25  }
0xcf: {  	s23 =	sadd.s32 $0x80, s26;
	s2 =	smov.u32 s18;
	s3 =	smov.u32 s25  }
0xd0: {  	s10 =	smov.u32 s26;
	s20 =	smov.u32 s29;
	v19 =	vld [tilespmem:s1+$0x600];
	s1 =	smov.u32 s29;
	v24 =	vadd.f32 v26, v24  }
.LBB2_6:
0xd1: {  	s1 =	sadd.s32 $0x80, s1;
	s2 =	sadd.s32 $0x80, s2;
	s3 =	sadd.s32 $0x80, s3  }
0xd2: {  	p0 =	sne.s32 s21, $0xF;
	s12 =	smov.u32 s21;
	s21 =	sadd.s32 $0x1, s21;
	v25 =	vperm.xlane v24, v5  }
0xd3: {  	_ = 	snop  }
0xd4: {  	v24 =	vadd.f32 v25, v24;
	_ =	sdelay $0x1  }
0xd5: {  	v24 =	vmul.f32 $1.442695020e+00, v24  }
0xd6: {  	v25 =	vpop (erf)  }
0xd7: {  	v17 =	vmul.f32 v25, v17;
	(erf) = vpow2.f32 v24  }
0xd8: {  	v18 =	vmul.f32 v25, v18;
	v16 =	vmul.f32 v25, v16  }
0xd9: {  	v15 =	vmul.f32 v25, v15;
	[tilespmem:s10+$0x0] =	vst v17  }
0xda: {  	[tilespmem:s10+$0x10] =	vst v18  }
0xdb: {  	[tilespmem:s10+$0x20] =	vst v16  }
0xdc: {  	[tilespmem:s10+$0x30] =	vst v15;
	_ =	sdelay $0x3  }
0xdd: {  	v15 =	vpop (erf)  }
0xde: {  	v18 =	vmov s4;
	s4 =	smov.u32 s12;
	v16 =	vmul.f32 v15, v21;
	v17 =	vmul.f32 v15, v20  }
0xdf: {  	v18 =	vperm.xlane v19, v18;
	v20 =	vmul.f32 v15, v22  }
0xe0: {  	[tilespmem:s10+$0xFFFFFFC0] =	vst v16;
	v16 =	vmul.f32 v15, v23  }
0xe1: {  	v18 =	vand.u32 $0xF, v18;
	[tilespmem:s10+$0xFFFFFFE0] =	vst v20  }
0xe2: {  	vm0 =	veq.s32 v18, v6;
	[tilespmem:s10+$0xFFFFFFF0] =	vst v16  }
0xe3: {  	v15 =	vnsel vm0, $0x0, v15;
	[tilespmem:s10+$0xFFFFFFD0] =	vst v17;
	s10 =	smov.u32 s23  }
0xe4: {  	[tilespmem:s20+$0xFFFFFFF0] =	vst v15;
	v15 =	vnsel vm0, $0x0, v25  }
0xe5: {  	[tilespmem:s20+$0x0] =	vst v15;
	s20 =	smov.u32 s1  }
0xe6: {  	v15 =	vld [tilespmem:s23+$0x30]  }
0xe7: {  	v16 =	vld [tilespmem:s23+$0x20]  }
0xe8: {  	v20 =	vld [tilespmem:s2+$0x10]  }
0xe9: {  	v21 =	vld [tilespmem:s2+$0x0]  }
0xea: {  	v17 =	vld [tilespmem:s23+$0x0]  }
0xeb: {  	v22 =	vld [tilespmem:s2+$0x30]  }
0xec: {  	v23 =	vld [tilespmem:s3+$0x10]  }
0xed: {  	v18 =	vld [tilespmem:s23+$0x10]  }
0xee: {  	v24 =	vld [tilespmem:s3+$0x0]  }
0xef: {  	v25 =	vld [tilespmem:s3+$0x30]  }
0xf0: {  	v26 =	vld [tilespmem:s2+$0x20];
	v22 =	vadd.f32 v22, v15;
	_ =	sdelay $0x1  }
0xf1: {  	v21 =	vadd.f32 v21, v17;
	v20 =	vadd.f32 v20, v18;
	v27 =	vld [tilespmem:s3+$0x20]  }
0xf2: {  	v28 =	vld [tilespmem:s2+$0xFFFFFFF0]  }
0xf3: {  	v29 =	vld [tilespmem:s2+$0xFFFFFFE0];
	v23 =	vadd.f32 v23, v20;
	v22 =	vadd.f32 v25, v22  }
0xf4: {  	v24 =	vadd.f32 v24, v21;
	v25 =	vld [tilespmem:s3+$0xFFFFFFC0];
	v26 =	vadd.f32 v26, v16  }
0xf5: {  	v21 =	vld [tilespmem:s23+$0xFFFFFFC0];
	v30 =	vmul.f32 $2.000000030e-01, v23;
	v31 =	vmul.f32 $2.000000030e-01, v22  }
0xf6: {  	v32 =	vmul.f32 $2.000000030e-01, v24;
	v20 =	vld [tilespmem:s23+$0xFFFFFFD0];
	v26 =	vadd.f32 v27, v26  }
0xf7: {  	v27 =	vld [tilespmem:s2+$0xFFFFFFD0];
	v23 =	vmax.f32 v23, v30;
	v30 =	vmax.f32 v22, v31  }
0xf8: {  	v22 =	vmax.f32 v24, v32;
	v31 =	vld [tilespmem:s2+$0xFFFFFFC0];
	v24 =	vmul.f32 $2.000000030e-01, v26  }
0xf9: {  	v33 =	vmul.f32 v22, v11;
	v23 =	vmul.f32 v23, v12;
	v32 =	vld [tilespmem:s3+$0xFFFFFFD0]  }
0xfa: {  	v22 =	vld [tilespmem:s23+$0xFFFFFFE0];
	v24 =	vmax.f32 v26, v24  }
0xfb: {  	v33 =	vadd.f32 v23, v33;
	v26 =	vld [tilespmem:s3+$0xFFFFFFE0];
	v24 =	vmul.f32 v24, v13  }
0xfc: {  	v23 =	vld [tilespmem:s23+$0xFFFFFFF0];
	v27 =	vadd.f32 v27, v20  }
0xfd: {  	v31 =	vadd.f32 v31, v21;
	v24 =	vadd.f32 v24, v33  }
0xfe: {  	v30 =	vmul.f32 v30, v14;
	v27 =	vadd.f32 v32, v27;
	v32 =	vld [tilespmem:s3+$0xFFFFFFF0]  }
0xff: {  	v25 =	vadd.f32 v25, v31;
	v29 =	vadd.f32 v29, v22  }
0x100: {  	v24 =	vadd.f32 v30, v24;
	v31 =	vmul.f32 $2.000000030e-01, v27  }
0x101: {  	v30 =	vmul.f32 $2.000000030e-01, v25;
	v26 =	vadd.f32 v26, v29;
	v28 =	vadd.f32 v28, v23  }
0x102: {  	v29 =	vperm.xlane v24, v2;
	v27 =	vmax.f32 v27, v31  }
0x103: {  	v25 =	vmax.f32 v25, v30;
	v30 =	vmul.f32 $2.000000030e-01, v26;
	v28 =	vadd.f32 v32, v28  }
0x104: {  	v27 =	vmul.f32 v27, v8;
	v24 =	vadd.f32 v29, v24;
	v25 =	vmul.f32 v25, v7  }
0x105: {  	v26 =	vmax.f32 v26, v30;
	v29 =	vmul.f32 $2.000000030e-01, v28  }
0x106: {  	v25 =	vadd.f32 v27, v25;
	v26 =	vmul.f32 v26, v9;
	v27 =	vperm.xlane v24, v3  }
0x107: {  	v28 =	vmax.f32 v28, v29  }
0x108: {  	v25 =	vadd.f32 v26, v25;
	v26 =	vmul.f32 v28, v10;
	v24 =	vadd.f32 v27, v24;
	_ =	sdelay $0x1  }
0x109: {  	v25 =	vadd.f32 v26, v25;
	v26 =	vperm.xlane v24, v4;
	_ =	sdelay $0x1  }
0x10a: {  	v27 =	vperm.xlane v25, v2;
	v24 =	vadd.f32 v26, v24;
	_ =	sdelay $0x1  }
0x10b: {  	v25 =	vadd.f32 v27, v25;
	v26 =	vperm.xlane v24, v5;
	_ =	sdelay $0x1  }
0x10c: {  	v27 =	vperm.xlane v25, v3;
	v24 =	vadd.f32 v26, v24;
	_ =	sdelay $0x1  }
.Ltmp1:
0x10d: {  	v25 =	vadd.f32 v27, v25;
	v24 =	vmul.f32 $1.442695020e+00, v24;
	(pc) =	sbr.rel @p0 .LBB2_6-.Ltmp1, $3  }
0x10e: {  	_ = 	snop  }
0x10f: {  	v26 =	vperm.xlane v25, v4;
	(erf) = vpow2.f32 v24;
	_ =	sdelay $0x1  }
0x110: {  	s23 =	sadd.s32 $0x80, s23;
	v24 =	vadd.f32 v26, v25  }
0x111: {  	_ = 	snop  }
0x112: {  	v25 =	vperm.xlane v24, v5;
	_ =	sdelay $0x1  }
0x113: {  	v24 =	vadd.f32 v25, v24;
	_ =	sdelay $0x1  }
0x114: {  	v24 =	vmul.f32 $1.442695020e+00, v24;
	_ =	sdelay $0x1  }
0x115: {  	(erf) = vpow2.f32 v24;
	_ =	sdelay $0x4  }
0x116: {  	v58 =	vpop (erf)  }
0x117: {  	v17 =	vmul.f32 v58, v17  }
0x118: {  	v18 =	vmul.f32 v58, v18  }
0x119: {  	v16 =	vmul.f32 v58, v16;
	[tilespmem:s10+$0x0] =	vst v17  }
0x11a: {  	v15 =	vmul.f32 v58, v15;
	[tilespmem:s10+$0x10] =	vst v18;
	v59 =	vpop (erf)  }
0x11b: {  	v61 =	vmov s4;
	[tilespmem:s10+$0x20] =	vst v16;
	v60 =	vmul.f32 v59, v21  }
0x11c: {  	s28 =	sadd.s32 $0x1, s28;
	[tilespmem:s10+$0x30] =	vst v15;
	v18 =	vperm.xlane v19, v61;
	v15 =	vmul.f32 v59, v22  }
0x11d: {  	p0 =	sne.s32 s28, $0x5;
	v62 =	vmul.f32 v59, v23;
	[tilespmem:s10+$0xFFFFFFC0] =	vst v60  }
.Ltmp2:
0x11e: {  	v63 =	vmul.f32 v59, v20;
	[tilespmem:s10+$0xFFFFFFE0] =	vst v15;
	v15 =	vand.u32 $0xF, v18;
	(pc) =	sbr.rel @p0 .LBB2_5-.Ltmp2, $4  }
0x11f: {  	[tilespmem:s10+$0xFFFFFFF0] =	vst v62;
	vm0 =	veq.s32 v15, v6  }
0x120: {  	[tilespmem:s10+$0xFFFFFFD0] =	vst v63;
	v15 =	vnsel vm0, $0x0, v59  }
0x121: {  	s29 =	sadd.s32 $0x800, s29;
	[tilespmem:s20+$0xFFFFFFF0] =	vst v15;
	v15 =	vnsel vm0, $0x0, v58  }
0x122: {  	s18 =	sadd.s32 $0x800, s18;
	s25 =	sadd.s32 $0x800, s25;
	s26 =	sadd.s32 $0x800, s26;
	[tilespmem:s20+$0x0] =	vst v15  }
0x123: {  	s1 =	rddreg [dreg:$0x2];
	s2 =	simm.s32 $0x600  }
0x124: {  	[spmem:s1] =	stream.indirect.scatter.add.f32 [tilespmem:s30], [sflag:$0x4], $0x80, s2, s11, $0xb8;
	[tilespmem:$0x1FB80] =	vst v63  }
0x125: {  	s25 =	rddreg [dreg:$0x3];
	s26 =	simm.s32 $0x500  }
0x126: {  	[spmem:s25] =	stream.indirect.scatter.add.f32 [tilespmem:s0], [sflag:$0x5], $0x80, s26, s11, $0xb8;
	[tilespmem:$0x1FB80] =	vst v63  }
0x127: {  	v15 =	vld [tilespmem:$0x50]  }
0x128: {  	v16 =	vld [tilespmem:$0x250]  }
0x129: {  	v58 =	vld [tilespmem:$0x270]  }
0x12a: {  	v61 =	vld [tilespmem:$0x280];
	_ =	sdelay $0x1  }
0x12b: {  	v63 =	vld [tilespmem:$0x290]  }
0x12c: {  	[tilespmem:$0x680] =	vst v16  }
0x12d: {  	v17 =	vld [tilespmem:$0x60];
	[tilespmem:$0x6A0] =	vst v58  }
0x12e: {  	v15 =	vadd.s32 v0, v15;
	[tilespmem:$0x6B0] =	vst v61  }
0x12f: {  	[tilespmem:$0x400] =	vst v15;
	v15 =	vld [tilespmem:$0x260]  }
0x130: {  	v18 =	vadd.s32 v0, v16;
	[tilespmem:$0x6C0] =	vst v63  }
0x131: {  	v56 =	vld [tilespmem:$0x70];
	v16 =	vshrl.u32 v16, $0x4;
	[tilespmem:$0x480] =	vst v18  }
0x132: {  	v57 =	vadd.s32 v0, v17;
	[tilespmem:$0x580] =	vst v16  }
0x133: {  	[tilespmem:$0x410] =	vst v57  }
0x134: {  	v60 =	vld [tilespmem:$0x80];
	[tilespmem:$0x690] =	vst v15;
	v59 =	vadd.s32 v0, v15  }
0x135: {  	v15 =	vshrl.u32 v15, $0x4;
	[tilespmem:$0x490] =	vst v59  }
0x136: {  	[tilespmem:$0x590] =	vst v15;
	v15 =	vadd.s32 v0, v56  }
0x137: {  	v62 =	vld [tilespmem:$0x90];
	[tilespmem:$0x420] =	vst v15;
	v15 =	vadd.s32 v0, v58  }
0x138: {  	[tilespmem:$0x4A0] =	vst v15;
	v15 =	vshrl.u32 v58, $0x4  }
0x139: {  	[tilespmem:$0x5A0] =	vst v15;
	v15 =	vadd.s32 v0, v60  }
0x13a: {  	[tilespmem:$0x430] =	vst v15;
	v15 =	vadd.s32 v0, v61  }
0x13b: {  	[tilespmem:$0x4B0] =	vst v15;
	v15 =	vshrl.u32 v61, $0x4  }
0x13c: {  	[tilespmem:$0x5B0] =	vst v15;
	v15 =	vadd.s32 v0, v62  }
0x13d: {  	s29 =	rddreg [dreg:$0x17];
	[tilespmem:$0x440] =	vst v15;
	v15 =	vadd.s32 v0, v63  }
0x13e: {  	s1 =	sadd.s32 s29, s6;
	[tilespmem:$0x4C0] =	vst v15;
	v15 =	vshrl.u32 v63, $0x4  }
0x13f: {  	s28 =	simm.s32 $0x480;
	s1 =	sshll.u32 s1, $0x4;
	[tilespmem:$0x5C0] =	vst v15  }
0x140: {  	[tilespmem:s13], [sflag:$0x2] =	stream.indirect.gather [hbm4b:s9+s11], $0x80, s28, s11, $0xb8;
	[tilespmem:$0x1FB80] =	vst v63  }
0x141: {  	s20 =	simm.s32 $0x0;
	s1 =	sadd.s32 s7, s1  }
0x142: {  	[tilespmem:s14], [sflag:$0x3] =	stream.linear.gather [hbm4b:s1+s20], $0x2800, $0x38;
	[tilespmem:$0x1FB80] =	vst v63  }
0x143: {  	_ =	swait.ge [sflag:s24], $0x2800  }
0x144: {  	[sflag:s24] =	ssyncset.done $0x0  }
0x145: {  	[sflag:s24] =	ssyncadd.s32 $0xFFFFD800  }
0x146: {  	_ =	swait.ge [sflag:s22], $0x2800  }
0x147: {  	[sflag:s22] =	ssyncset.done $0x0  }
0x148: {  	[sflag:s22] =	ssyncadd.s32 $0xFFFFD800  }
0x149: {  	[tilespmem:s30], [sflag:$0x1] =	stream.indirect.gather [hbm4b:s8+s11], $0x80, s15, s11, $0xb8;
	[tilespmem:$0x1FB80] =	vst v63  }
0x14a: {  	_ =	swait.ge [sflag:s16], $0x2800  }
0x14b: {  	[sflag:s16] =	ssyncset.done $0x0  }
0x14c: {  	[sflag:s16] =	ssyncadd.s32 $0xFFFFD800  }
0x14d: {  	_ =	swait.ge [sflag:s17], $0x2800  }
0x14e: {  	[sflag:s17] =	ssyncset.done $0x0  }
0x14f: {  	[sflag:s17] =	ssyncadd.s32 $0xFFFFD800  }
0x150: {  	_ =	swait.ge [sflag:s19], $0x2800  }
0x151: {  	s3 =	simm.s32 $0x5740;
	s10 =	simm.s32 $0x740;
	[sflag:s19] =	ssyncset.done $0x0  }
0x152: {  	s2 =	simm.s32 $0x2F40;
	s1 =	simm.s32 $0x7F10;
	[sflag:s19] =	ssyncadd.s32 $0xFFFFD800  }
.LBB2_9:
0x153: {  	v15 =	vld [tilespmem:s10+$0x30]  }
0x154: {  	v16 =	vld [tilespmem:s10+$0x20]  }
0x155: {  	v19 =	vld [tilespmem:s2+$0x10]  }
0x156: {  	v20 =	vld [tilespmem:s2+$0x0]  }
0x157: {  	v17 =	vld [tilespmem:s10+$0x0]  }
0x158: {  	v22 =	vld [tilespmem:s2+$0x30]  }
0x159: {  	v21 =	vld [tilespmem:s3+$0x10]  }
0x15a: {  	v18 =	vld [tilespmem:s10+$0x10]  }
0x15b: {  	v25 =	vld [tilespmem:s2+$0x20]  }
0x15c: {  	v23 =	vld [tilespmem:s3+$0x0]  }
0x15d: {  	v26 =	vld [tilespmem:s3+$0x20]  }
0x15e: {  	v24 =	vld [tilespmem:s3+$0x30]  }
0x15f: {  	v27 =	vld [tilespmem:s2+$0xFFFFFFF0];
	v19 =	vadd.f32 v19, v18;
	v20 =	vadd.f32 v20, v17  }
0x160: {  	v32 =	vld [tilespmem:s2+$0xFFFFFFC0];
	v25 =	vadd.f32 v25, v16  }
0x161: {  	v19 =	vadd.f32 v21, v19;
	v23 =	vadd.f32 v23, v20;
	v20 =	vld [tilespmem:s10+$0xFFFFFFD0]  }
0x162: {  	v22 =	vadd.f32 v22, v15;
	v25 =	vadd.f32 v26, v25;
	v26 =	vld [tilespmem:s2+$0xFFFFFFD0]  }
0x163: {  	v57 =	vld [tilespmem:s3+$0xFFFFFFD0];
	v30 =	vmul.f32 $2.000000030e-01, v19;
	v31 =	vmul.f32 $2.000000030e-01, v23  }
0x164: {  	v21 =	vld [tilespmem:s10+$0xFFFFFFC0];
	v24 =	vadd.f32 v24, v22  }
0x165: {  	v28 =	vld [tilespmem:s2+$0xFFFFFFE0];
	v19 =	vmax.f32 v19, v30;
	v22 =	vmax.f32 v23, v31;
	v23 =	vmul.f32 $2.000000030e-01, v25  }
0x166: {  	v29 =	vld [tilespmem:s3+$0xFFFFFFC0];
	v31 =	vmul.f32 v22, v11;
	v19 =	vmul.f32 v19, v12  }
0x167: {  	v33 =	vmul.f32 $2.000000030e-01, v24;
	v22 =	vld [tilespmem:s10+$0xFFFFFFE0];
	v26 =	vadd.f32 v26, v20;
	v23 =	vmax.f32 v25, v23  }
0x168: {  	v19 =	vadd.f32 v19, v31;
	v58 =	vmul.f32 v23, v13;
	v23 =	vld [tilespmem:s10+$0xFFFFFFF0]  }
0x169: {  	v24 =	vmax.f32 v24, v33;
	v32 =	vadd.f32 v32, v21;
	v25 =	vld [tilespmem:s3+$0xFFFFFFE0];
	v26 =	vadd.f32 v57, v26  }
0x16a: {  	v59 =	vld [tilespmem:s3+$0xFFFFFFF0];
	v24 =	vmul.f32 v24, v14;
	v19 =	vadd.f32 v58, v19  }
0x16b: {  	v29 =	vadd.f32 v29, v32;
	v60 =	vmul.f32 $2.000000030e-01, v26  }
0x16c: {  	v28 =	vadd.f32 v28, v22;
	v19 =	vadd.f32 v24, v19  }
0x16d: {  	v24 =	vmul.f32 $2.000000030e-01, v29;
	v26 =	vmax.f32 v26, v60;
	v27 =	vadd.f32 v27, v23  }
0x16e: {  	v25 =	vadd.f32 v25, v28;
	v26 =	vmul.f32 v26, v8  }
0x16f: {  	v61 =	vperm.xlane v19, v2;
	v24 =	vmax.f32 v29, v24;
	v27 =	vadd.f32 v59, v27  }
0x170: {  	v62 =	vmul.f32 $2.000000030e-01, v25;
	v24 =	vmul.f32 v24, v7  }
0x171: {  	v19 =	vadd.f32 v61, v19;
	v63 =	vmul.f32 $2.000000030e-01, v27  }
0x172: {  	v25 =	vmax.f32 v25, v62;
	v24 =	vadd.f32 v26, v24  }
0x173: {  	v25 =	vmul.f32 v25, v9;
	v26 =	vmax.f32 v27, v63;
	v27 =	vperm.xlane v19, v3;
	_ =	sdelay $0x1  }
0x174: {  	v24 =	vadd.f32 v25, v24;
	v25 =	vmul.f32 v26, v10;
	v19 =	vadd.f32 v27, v19;
	_ =	sdelay $0x1  }
0x175: {  	v24 =	vadd.f32 v25, v24;
	v25 =	vperm.xlane v19, v4;
	_ =	sdelay $0x1  }
0x176: {  	v26 =	vperm.xlane v24, v2;
	v19 =	vadd.f32 v25, v19;
	_ =	sdelay $0x1  }
0x177: {  	v24 =	vadd.f32 v26, v24;
	v25 =	vperm.xlane v19, v5;
	_ =	sdelay $0x1  }
0x178: {  	v26 =	vperm.xlane v24, v3;
	v19 =	vadd.f32 v25, v19;
	_ =	sdelay $0x1  }
0x179: {  	v24 =	vadd.f32 v26, v24;
	v25 =	vmul.f32 $1.442695020e+00, v19;
	_ =	sdelay $0x1  }
0x17a: {  	s4 =	sshll.u32 s20, $0x4;
	s21 =	simm.s32 $0x1;
	s23 =	sadd.s32 $0x80, s10;
	v26 =	vperm.xlane v24, v4;
	(erf) = vpow2.f32 v25  }
0x17b: {  	s18 =	smov.u32 s1;
	s25 =	smov.u32 s2;
	s26 =	smov.u32 s3  }
0x17c: {  	s28 =	smov.u32 s10;
	s29 =	smov.u32 s1;
	v19 =	vld [tilespmem:s4+$0x680];
	s4 =	simm.s32 $0x0;
	v24 =	vadd.f32 v26, v24  }
.LBB2_10:
0x17d: {  	s18 =	sadd.s32 $0x80, s18;
	s25 =	sadd.s32 $0x80, s25;
	s26 =	sadd.s32 $0x80, s26  }
0x17e: {  	p0 =	sne.s32 s21, $0xF;
	s12 =	smov.u32 s21;
	s21 =	sadd.s32 $0x1, s21;
	v25 =	vperm.xlane v24, v5  }
0x17f: {  	_ = 	snop  }
0x180: {  	v24 =	vadd.f32 v25, v24;
	_ =	sdelay $0x1  }
0x181: {  	v24 =	vmul.f32 $1.442695020e+00, v24  }
0x182: {  	v25 =	vpop (erf)  }
0x183: {  	v17 =	vmul.f32 v25, v17;
	(erf) = vpow2.f32 v24  }
0x184: {  	v18 =	vmul.f32 v25, v18;
	v16 =	vmul.f32 v25, v16  }
0x185: {  	v15 =	vmul.f32 v25, v15;
	[tilespmem:s28+$0x0] =	vst v17  }
0x186: {  	[tilespmem:s28+$0x10] =	vst v18  }
0x187: {  	[tilespmem:s28+$0x20] =	vst v16  }
0x188: {  	[tilespmem:s28+$0x30] =	vst v15;
	_ =	sdelay $0x3  }
0x189: {  	v15 =	vpop (erf)  }
0x18a: {  	v18 =	vmov s4;
	s4 =	smov.u32 s12;
	v16 =	vmul.f32 v15, v21;
	v17 =	vmul.f32 v15, v20  }
0x18b: {  	v18 =	vperm.xlane v19, v18;
	v20 =	vmul.f32 v15, v22  }
0x18c: {  	[tilespmem:s28+$0xFFFFFFC0] =	vst v16;
	v16 =	vmul.f32 v15, v23  }
0x18d: {  	v18 =	vand.u32 $0xF, v18;
	[tilespmem:s28+$0xFFFFFFE0] =	vst v20  }
0x18e: {  	vm0 =	veq.s32 v18, v6;
	[tilespmem:s28+$0xFFFFFFF0] =	vst v16  }
0x18f: {  	v15 =	vnsel vm0, $0x0, v15;
	[tilespmem:s28+$0xFFFFFFD0] =	vst v17;
	s28 =	smov.u32 s23  }
0x190: {  	[tilespmem:s29+$0xFFFFFFF0] =	vst v15;
	v15 =	vnsel vm0, $0x0, v25  }
0x191: {  	[tilespmem:s29+$0x0] =	vst v15;
	s29 =	smov.u32 s18  }
0x192: {  	v15 =	vld [tilespmem:s23+$0x30]  }
0x193: {  	v16 =	vld [tilespmem:s23+$0x20]  }
0x194: {  	v20 =	vld [tilespmem:s25+$0x10]  }
0x195: {  	v21 =	vld [tilespmem:s25+$0x0]  }
0x196: {  	v17 =	vld [tilespmem:s23+$0x0]  }
0x197: {  	v22 =	vld [tilespmem:s25+$0x30]  }
0x198: {  	v23 =	vld [tilespmem:s26+$0x10]  }
0x199: {  	v18 =	vld [tilespmem:s23+$0x10]  }
0x19a: {  	v24 =	vld [tilespmem:s26+$0x0]  }
0x19b: {  	v25 =	vld [tilespmem:s26+$0x30]  }
0x19c: {  	v26 =	vld [tilespmem:s25+$0x20];
	v22 =	vadd.f32 v22, v15;
	_ =	sdelay $0x1  }
0x19d: {  	v21 =	vadd.f32 v21, v17;
	v20 =	vadd.f32 v20, v18;
	v27 =	vld [tilespmem:s26+$0x20]  }
0x19e: {  	v28 =	vld [tilespmem:s25+$0xFFFFFFF0]  }
0x19f: {  	v29 =	vld [tilespmem:s25+$0xFFFFFFE0];
	v23 =	vadd.f32 v23, v20;
	v22 =	vadd.f32 v25, v22  }
0x1a0: {  	v24 =	vadd.f32 v24, v21;
	v25 =	vld [tilespmem:s26+$0xFFFFFFC0];
	v26 =	vadd.f32 v26, v16  }
0x1a1: {  	v21 =	vld [tilespmem:s23+$0xFFFFFFC0];
	v30 =	vmul.f32 $2.000000030e-01, v23;
	v31 =	vmul.f32 $2.000000030e-01, v22  }
0x1a2: {  	v32 =	vmul.f32 $2.000000030e-01, v24;
	v20 =	vld [tilespmem:s23+$0xFFFFFFD0];
	v26 =	vadd.f32 v27, v26  }
0x1a3: {  	v27 =	vld [tilespmem:s25+$0xFFFFFFD0];
	v23 =	vmax.f32 v23, v30;
	v30 =	vmax.f32 v22, v31  }
0x1a4: {  	v22 =	vmax.f32 v24, v32;
	v31 =	vld [tilespmem:s25+$0xFFFFFFC0];
	v24 =	vmul.f32 $2.000000030e-01, v26  }
0x1a5: {  	v33 =	vmul.f32 v22, v11;
	v23 =	vmul.f32 v23, v12;
	v32 =	vld [tilespmem:s26+$0xFFFFFFD0]  }
0x1a6: {  	v22 =	vld [tilespmem:s23+$0xFFFFFFE0];
	v24 =	vmax.f32 v26, v24  }
0x1a7: {  	v33 =	vadd.f32 v23, v33;
	v26 =	vld [tilespmem:s26+$0xFFFFFFE0];
	v24 =	vmul.f32 v24, v13  }
0x1a8: {  	v23 =	vld [tilespmem:s23+$0xFFFFFFF0];
	v27 =	vadd.f32 v27, v20  }
0x1a9: {  	v31 =	vadd.f32 v31, v21;
	v24 =	vadd.f32 v24, v33  }
0x1aa: {  	v30 =	vmul.f32 v30, v14;
	v27 =	vadd.f32 v32, v27;
	v32 =	vld [tilespmem:s26+$0xFFFFFFF0]  }
0x1ab: {  	v25 =	vadd.f32 v25, v31;
	v29 =	vadd.f32 v29, v22  }
0x1ac: {  	v24 =	vadd.f32 v30, v24;
	v31 =	vmul.f32 $2.000000030e-01, v27  }
0x1ad: {  	v30 =	vmul.f32 $2.000000030e-01, v25;
	v26 =	vadd.f32 v26, v29;
	v28 =	vadd.f32 v28, v23  }
0x1ae: {  	v29 =	vperm.xlane v24, v2;
	v27 =	vmax.f32 v27, v31  }
0x1af: {  	v25 =	vmax.f32 v25, v30;
	v30 =	vmul.f32 $2.000000030e-01, v26;
	v28 =	vadd.f32 v32, v28  }
0x1b0: {  	v27 =	vmul.f32 v27, v8;
	v24 =	vadd.f32 v29, v24;
	v25 =	vmul.f32 v25, v7  }
0x1b1: {  	v26 =	vmax.f32 v26, v30;
	v29 =	vmul.f32 $2.000000030e-01, v28  }
0x1b2: {  	v25 =	vadd.f32 v27, v25;
	v26 =	vmul.f32 v26, v9;
	v27 =	vperm.xlane v24, v3  }
0x1b3: {  	v28 =	vmax.f32 v28, v29  }
0x1b4: {  	v25 =	vadd.f32 v26, v25;
	v26 =	vmul.f32 v28, v10;
	v24 =	vadd.f32 v27, v24;
	_ =	sdelay $0x1  }
0x1b5: {  	v25 =	vadd.f32 v26, v25;
	v26 =	vperm.xlane v24, v4;
	_ =	sdelay $0x1  }
0x1b6: {  	v27 =	vperm.xlane v25, v2;
	v24 =	vadd.f32 v26, v24;
	_ =	sdelay $0x1  }
0x1b7: {  	v25 =	vadd.f32 v27, v25;
	v26 =	vperm.xlane v24, v5;
	_ =	sdelay $0x1  }
0x1b8: {  	v27 =	vperm.xlane v25, v3;
	v24 =	vadd.f32 v26, v24;
	_ =	sdelay $0x1  }
.Ltmp3:
0x1b9: {  	v25 =	vadd.f32 v27, v25;
	v24 =	vmul.f32 $1.442695020e+00, v24;
	(pc) =	sbr.rel @p0 .LBB2_10-.Ltmp3, $3  }
0x1ba: {  	_ = 	snop  }
0x1bb: {  	v26 =	vperm.xlane v25, v4;
	(erf) = vpow2.f32 v24;
	_ =	sdelay $0x1  }
0x1bc: {  	s23 =	sadd.s32 $0x80, s23;
	v24 =	vadd.f32 v26, v25  }
0x1bd: {  	_ = 	snop  }
0x1be: {  	v25 =	vperm.xlane v24, v5;
	_ =	sdelay $0x1  }
0x1bf: {  	v24 =	vadd.f32 v25, v24;
	_ =	sdelay $0x1  }
0x1c0: {  	v24 =	vmul.f32 $1.442695020e+00, v24;
	_ =	sdelay $0x1  }
0x1c1: {  	(erf) = vpow2.f32 v24;
	_ =	sdelay $0x4  }
0x1c2: {  	v58 =	vpop (erf)  }
0x1c3: {  	v17 =	vmul.f32 v58, v17  }
0x1c4: {  	v18 =	vmul.f32 v58, v18  }
0x1c5: {  	v16 =	vmul.f32 v58, v16;
	[tilespmem:s28+$0x0] =	vst v17  }
0x1c6: {  	v15 =	vmul.f32 v58, v15;
	[tilespmem:s28+$0x10] =	vst v18;
	v59 =	vpop (erf)  }
0x1c7: {  	v61 =	vmov s4;
	[tilespmem:s28+$0x20] =	vst v16;
	v60 =	vmul.f32 v59, v21  }
0x1c8: {  	s20 =	sadd.s32 $0x1, s20;
	[tilespmem:s28+$0x30] =	vst v15;
	v18 =	vperm.xlane v19, v61;
	v15 =	vmul.f32 v59, v22  }
0x1c9: {  	p0 =	sne.s32 s20, $0x5;
	v62 =	vmul.f32 v59, v23;
	[tilespmem:s28+$0xFFFFFFC0] =	vst v60  }
.Ltmp4:
0x1ca: {  	v63 =	vmul.f32 v59, v20;
	[tilespmem:s28+$0xFFFFFFE0] =	vst v15;
	v15 =	vand.u32 $0xF, v18;
	(pc) =	sbr.rel @p0 .LBB2_9-.Ltmp4, $4  }
0x1cb: {  	[tilespmem:s28+$0xFFFFFFF0] =	vst v62;
	vm0 =	veq.s32 v15, v6  }
0x1cc: {  	[tilespmem:s28+$0xFFFFFFD0] =	vst v63;
	v15 =	vnsel vm0, $0x0, v59  }
0x1cd: {  	s1 =	sadd.s32 $0x800, s1;
	[tilespmem:s29+$0xFFFFFFF0] =	vst v15;
	v15 =	vnsel vm0, $0x0, v58  }
0x1ce: {  	s2 =	sadd.s32 $0x800, s2;
	s3 =	sadd.s32 $0x800, s3;
	s10 =	sadd.s32 $0x800, s10;
	[tilespmem:s29+$0x0] =	vst v15  }
0x1cf: {  	s1 =	rddreg [dreg:$0x2];
	s2 =	simm.s32 $0x680  }
0x1d0: {  	[spmem:s1] =	stream.indirect.scatter.add.f32 [tilespmem:s30], [sflag:$0x4], $0x80, s2, s11, $0xb8;
	[tilespmem:$0x1FB80] =	vst v63  }
0x1d1: {  	s23 =	rddreg [dreg:$0x3];
	s25 =	simm.s32 $0x580  }
0x1d2: {  	[spmem:s23] =	stream.indirect.scatter.add.f32 [tilespmem:s0], [sflag:$0x5], $0x80, s25, s11, $0xb8;
	[tilespmem:$0x1FB80] =	vst v63  }
0x1d3: {  	v15 =	vld [tilespmem:$0xA0]  }
0x1d4: {  	v16 =	vld [tilespmem:$0x2A0]  }
0x1d5: {  	v58 =	vld [tilespmem:$0x2C0]  }
0x1d6: {  	v61 =	vld [tilespmem:$0x2D0];
	_ =	sdelay $0x1  }
0x1d7: {  	v63 =	vld [tilespmem:$0x2E0]  }
0x1d8: {  	[tilespmem:$0x600] =	vst v16  }
0x1d9: {  	v17 =	vld [tilespmem:$0xB0];
	[tilespmem:$0x620] =	vst v58  }
0x1da: {  	v15 =	vadd.s32 v0, v15;
	[tilespmem:$0x630] =	vst v61  }
0x1db: {  	[tilespmem:$0x400] =	vst v15;
	v15 =	vld [tilespmem:$0x2B0]  }
0x1dc: {  	v18 =	vadd.s32 v0, v16;
	[tilespmem:$0x640] =	vst v63  }
0x1dd: {  	v56 =	vld [tilespmem:$0xC0];
	v16 =	vshrl.u32 v16, $0x4;
	[tilespmem:$0x480] =	vst v18  }
0x1de: {  	v57 =	vadd.s32 v0, v17;
	[tilespmem:$0x500] =	vst v16  }
0x1df: {  	[tilespmem:$0x410] =	vst v57  }
0x1e0: {  	v60 =	vld [tilespmem:$0xD0];
	[tilespmem:$0x610] =	vst v15;
	v59 =	vadd.s32 v0, v15  }
0x1e1: {  	v15 =	vshrl.u32 v15, $0x4;
	[tilespmem:$0x490] =	vst v59  }
0x1e2: {  	[tilespmem:$0x510] =	vst v15;
	v15 =	vadd.s32 v0, v56  }
0x1e3: {  	v62 =	vld [tilespmem:$0xE0];
	[tilespmem:$0x420] =	vst v15;
	v15 =	vadd.s32 v0, v58  }
0x1e4: {  	[tilespmem:$0x4A0] =	vst v15;
	v15 =	vshrl.u32 v58, $0x4  }
0x1e5: {  	[tilespmem:$0x520] =	vst v15;
	v15 =	vadd.s32 v0, v60  }
0x1e6: {  	[tilespmem:$0x430] =	vst v15;
	v15 =	vadd.s32 v0, v61  }
0x1e7: {  	[tilespmem:$0x4B0] =	vst v15;
	v15 =	vshrl.u32 v61, $0x4  }
0x1e8: {  	[tilespmem:$0x530] =	vst v15;
	v15 =	vadd.s32 v0, v62  }
0x1e9: {  	s29 =	rddreg [dreg:$0x18];
	[tilespmem:$0x440] =	vst v15;
	v15 =	vadd.s32 v0, v63  }
0x1ea: {  	s1 =	sadd.s32 s29, s6;
	[tilespmem:$0x4C0] =	vst v15;
	v15 =	vshrl.u32 v63, $0x4  }
0x1eb: {  	s26 =	simm.s32 $0x480;
	s1 =	sshll.u32 s1, $0x4;
	[tilespmem:$0x540] =	vst v15  }
0x1ec: {  	[tilespmem:s13], [sflag:$0x2] =	stream.indirect.gather [hbm4b:s9+s11], $0x80, s26, s11, $0xb8;
	[tilespmem:$0x1FB80] =	vst v63  }
0x1ed: {  	s20 =	simm.s32 $0x0;
	s1 =	sadd.s32 s7, s1  }
0x1ee: {  	[tilespmem:s14], [sflag:$0x3] =	stream.linear.gather [hbm4b:s1+s20], $0x2800, $0x38;
	[tilespmem:$0x1FB80] =	vst v63  }
0x1ef: {  	_ =	swait.ge [sflag:s24], $0x2800  }
0x1f0: {  	[sflag:s24] =	ssyncset.done $0x0  }
0x1f1: {  	[sflag:s24] =	ssyncadd.s32 $0xFFFFD800  }
0x1f2: {  	_ =	swait.ge [sflag:s22], $0x2800  }
0x1f3: {  	[sflag:s22] =	ssyncset.done $0x0  }
0x1f4: {  	[sflag:s22] =	ssyncadd.s32 $0xFFFFD800  }
0x1f5: {  	[tilespmem:s30], [sflag:$0x1] =	stream.indirect.gather [hbm4b:s8+s11], $0x80, s15, s11, $0xb8;
	[tilespmem:$0x1FB80] =	vst v63  }
0x1f6: {  	_ =	swait.ge [sflag:s16], $0x2800  }
0x1f7: {  	[sflag:s16] =	ssyncset.done $0x0  }
0x1f8: {  	[sflag:s16] =	ssyncadd.s32 $0xFFFFD800  }
0x1f9: {  	_ =	swait.ge [sflag:s17], $0x2800  }
0x1fa: {  	[sflag:s17] =	ssyncset.done $0x0  }
0x1fb: {  	[sflag:s17] =	ssyncadd.s32 $0xFFFFD800  }
0x1fc: {  	_ =	swait.ge [sflag:s19], $0x2800  }
0x1fd: {  	s18 =	simm.s32 $0x7F10;
	s28 =	simm.s32 $0x740;
	[sflag:s19] =	ssyncset.done $0x0  }
0x1fe: {  	s25 =	simm.s32 $0x2F40;
	s26 =	simm.s32 $0x5740;
	[sflag:s19] =	ssyncadd.s32 $0xFFFFD800  }
.LBB2_13:
0x1ff: {  	v15 =	vld [tilespmem:s28+$0x30]  }
0x200: {  	v16 =	vld [tilespmem:s28+$0x20]  }
0x201: {  	v19 =	vld [tilespmem:s25+$0x10]  }
0x202: {  	v20 =	vld [tilespmem:s25+$0x0]  }
0x203: {  	v17 =	vld [tilespmem:s28+$0x0]  }
0x204: {  	v22 =	vld [tilespmem:s25+$0x30]  }
0x205: {  	v21 =	vld [tilespmem:s26+$0x10]  }
0x206: {  	v18 =	vld [tilespmem:s28+$0x10]  }
0x207: {  	v25 =	vld [tilespmem:s25+$0x20]  }
0x208: {  	v23 =	vld [tilespmem:s26+$0x0]  }
0x209: {  	v26 =	vld [tilespmem:s26+$0x20]  }
0x20a: {  	v24 =	vld [tilespmem:s26+$0x30]  }
0x20b: {  	v27 =	vld [tilespmem:s25+$0xFFFFFFF0];
	v19 =	vadd.f32 v19, v18;
	v20 =	vadd.f32 v20, v17  }
0x20c: {  	v32 =	vld [tilespmem:s25+$0xFFFFFFC0];
	v25 =	vadd.f32 v25, v16  }
0x20d: {  	v19 =	vadd.f32 v21, v19;
	v23 =	vadd.f32 v23, v20;
	v20 =	vld [tilespmem:s28+$0xFFFFFFD0]  }
0x20e: {  	v22 =	vadd.f32 v22, v15;
	v25 =	vadd.f32 v26, v25;
	v26 =	vld [tilespmem:s25+$0xFFFFFFD0]  }
0x20f: {  	v57 =	vld [tilespmem:s26+$0xFFFFFFD0];
	v30 =	vmul.f32 $2.000000030e-01, v19;
	v31 =	vmul.f32 $2.000000030e-01, v23  }
0x210: {  	v21 =	vld [tilespmem:s28+$0xFFFFFFC0];
	v24 =	vadd.f32 v24, v22  }
0x211: {  	v28 =	vld [tilespmem:s25+$0xFFFFFFE0];
	v19 =	vmax.f32 v19, v30;
	v22 =	vmax.f32 v23, v31;
	v23 =	vmul.f32 $2.000000030e-01, v25  }
0x212: {  	v29 =	vld [tilespmem:s26+$0xFFFFFFC0];
	v31 =	vmul.f32 v22, v11;
	v19 =	vmul.f32 v19, v12  }
0x213: {  	v33 =	vmul.f32 $2.000000030e-01, v24;
	v22 =	vld [tilespmem:s28+$0xFFFFFFE0];
	v26 =	vadd.f32 v26, v20;
	v23 =	vmax.f32 v25, v23  }
0x214: {  	v19 =	vadd.f32 v19, v31;
	v58 =	vmul.f32 v23, v13;
	v23 =	vld [tilespmem:s28+$0xFFFFFFF0]  }
0x215: {  	v24 =	vmax.f32 v24, v33;
	v32 =	vadd.f32 v32, v21;
	v25 =	vld [tilespmem:s26+$0xFFFFFFE0];
	v26 =	vadd.f32 v57, v26  }
0x216: {  	v59 =	vld [tilespmem:s26+$0xFFFFFFF0];
	v24 =	vmul.f32 v24, v14;
	v19 =	vadd.f32 v58, v19  }
0x217: {  	v29 =	vadd.f32 v29, v32;
	v60 =	vmul.f32 $2.000000030e-01, v26  }
0x218: {  	v28 =	vadd.f32 v28, v22;
	v19 =	vadd.f32 v24, v19  }
0x219: {  	v24 =	vmul.f32 $2.000000030e-01, v29;
	v26 =	vmax.f32 v26, v60;
	v27 =	vadd.f32 v27, v23  }
0x21a: {  	v25 =	vadd.f32 v25, v28;
	v26 =	vmul.f32 v26, v8  }
0x21b: {  	v61 =	vperm.xlane v19, v2;
	v24 =	vmax.f32 v29, v24;
	v27 =	vadd.f32 v59, v27  }
0x21c: {  	v62 =	vmul.f32 $2.000000030e-01, v25;
	v24 =	vmul.f32 v24, v7  }
0x21d: {  	v19 =	vadd.f32 v61, v19;
	v63 =	vmul.f32 $2.000000030e-01, v27  }
0x21e: {  	v25 =	vmax.f32 v25, v62;
	v24 =	vadd.f32 v26, v24  }
0x21f: {  	v25 =	vmul.f32 v25, v9;
	v26 =	vmax.f32 v27, v63;
	v27 =	vperm.xlane v19, v3;
	_ =	sdelay $0x1  }
0x220: {  	v24 =	vadd.f32 v25, v24;
	v25 =	vmul.f32 v26, v10;
	v19 =	vadd.f32 v27, v19;
	_ =	sdelay $0x1  }
0x221: {  	v24 =	vadd.f32 v25, v24;
	v25 =	vperm.xlane v19, v4;
	_ =	sdelay $0x1  }
0x222: {  	v26 =	vperm.xlane v24, v2;
	v19 =	vadd.f32 v25, v19;
	_ =	sdelay $0x1  }
0x223: {  	v24 =	vadd.f32 v26, v24;
	v25 =	vperm.xlane v19, v5;
	_ =	sdelay $0x1  }
0x224: {  	v26 =	vperm.xlane v24, v3;
	v19 =	vadd.f32 v25, v19;
	_ =	sdelay $0x1  }
0x225: {  	v24 =	vadd.f32 v26, v24;
	v25 =	vmul.f32 $1.442695020e+00, v19;
	_ =	sdelay $0x1  }
0x226: {  	s1 =	sshll.u32 s20, $0x4;
	s21 =	simm.s32 $0x1;
	s23 =	sadd.s32 $0x80, s28;
	v26 =	vperm.xlane v24, v4;
	(erf) = vpow2.f32 v25  }
0x227: {  	s2 =	smov.u32 s25;
	s3 =	smov.u32 s26;
	s10 =	smov.u32 s28  }
0x228: {  	s4 =	simm.s32 $0x0;
	s29 =	smov.u32 s18;
	v19 =	vld [tilespmem:s1+$0x600];
	s1 =	smov.u32 s18;
	v24 =	vadd.f32 v26, v24  }
.LBB2_14:
0x229: {  	s1 =	sadd.s32 $0x80, s1;
	s2 =	sadd.s32 $0x80, s2;
	s3 =	sadd.s32 $0x80, s3  }
0x22a: {  	p0 =	sne.s32 s21, $0xF;
	s12 =	smov.u32 s21;
	s21 =	sadd.s32 $0x1, s21;
	v25 =	vperm.xlane v24, v5  }
0x22b: {  	_ = 	snop  }
0x22c: {  	v24 =	vadd.f32 v25, v24;
	_ =	sdelay $0x1  }
0x22d: {  	v24 =	vmul.f32 $1.442695020e+00, v24  }
0x22e: {  	v25 =	vpop (erf)  }
0x22f: {  	v17 =	vmul.f32 v25, v17;
	(erf) = vpow2.f32 v24  }
0x230: {  	v18 =	vmul.f32 v25, v18;
	v16 =	vmul.f32 v25, v16  }
0x231: {  	v15 =	vmul.f32 v25, v15;
	[tilespmem:s10+$0x0] =	vst v17  }
0x232: {  	[tilespmem:s10+$0x10] =	vst v18  }
0x233: {  	[tilespmem:s10+$0x20] =	vst v16  }
0x234: {  	[tilespmem:s10+$0x30] =	vst v15;
	_ =	sdelay $0x3  }
0x235: {  	v15 =	vpop (erf)  }
0x236: {  	v18 =	vmov s4;
	s4 =	smov.u32 s12;
	v16 =	vmul.f32 v15, v21;
	v17 =	vmul.f32 v15, v20  }
0x237: {  	v18 =	vperm.xlane v19, v18;
	v20 =	vmul.f32 v15, v22  }
0x238: {  	[tilespmem:s10+$0xFFFFFFC0] =	vst v16;
	v16 =	vmul.f32 v15, v23  }
0x239: {  	v18 =	vand.u32 $0xF, v18;
	[tilespmem:s10+$0xFFFFFFE0] =	vst v20  }
0x23a: {  	vm0 =	veq.s32 v18, v6;
	[tilespmem:s10+$0xFFFFFFF0] =	vst v16  }
0x23b: {  	v15 =	vnsel vm0, $0x0, v15;
	[tilespmem:s10+$0xFFFFFFD0] =	vst v17;
	s10 =	smov.u32 s23  }
0x23c: {  	[tilespmem:s29+$0xFFFFFFF0] =	vst v15;
	v15 =	vnsel vm0, $0x0, v25  }
0x23d: {  	[tilespmem:s29+$0x0] =	vst v15;
	s29 =	smov.u32 s1  }
0x23e: {  	v15 =	vld [tilespmem:s23+$0x30]  }
0x23f: {  	v16 =	vld [tilespmem:s23+$0x20]  }
0x240: {  	v20 =	vld [tilespmem:s2+$0x10]  }
0x241: {  	v21 =	vld [tilespmem:s2+$0x0]  }
0x242: {  	v17 =	vld [tilespmem:s23+$0x0]  }
0x243: {  	v22 =	vld [tilespmem:s2+$0x30]  }
0x244: {  	v23 =	vld [tilespmem:s3+$0x10]  }
0x245: {  	v18 =	vld [tilespmem:s23+$0x10]  }
0x246: {  	v24 =	vld [tilespmem:s3+$0x0]  }
0x247: {  	v25 =	vld [tilespmem:s3+$0x30]  }
0x248: {  	v26 =	vld [tilespmem:s2+$0x20];
	v22 =	vadd.f32 v22, v15;
	_ =	sdelay $0x1  }
0x249: {  	v21 =	vadd.f32 v21, v17;
	v20 =	vadd.f32 v20, v18;
	v27 =	vld [tilespmem:s3+$0x20]  }
0x24a: {  	v28 =	vld [tilespmem:s2+$0xFFFFFFF0]  }
0x24b: {  	v29 =	vld [tilespmem:s2+$0xFFFFFFE0];
	v23 =	vadd.f32 v23, v20;
	v22 =	vadd.f32 v25, v22  }
0x24c: {  	v24 =	vadd.f32 v24, v21;
	v25 =	vld [tilespmem:s3+$0xFFFFFFC0];
	v26 =	vadd.f32 v26, v16  }
0x24d: {  	v21 =	vld [tilespmem:s23+$0xFFFFFFC0];
	v30 =	vmul.f32 $2.000000030e-01, v23;
	v31 =	vmul.f32 $2.000000030e-01, v22  }
0x24e: {  	v32 =	vmul.f32 $2.000000030e-01, v24;
	v20 =	vld [tilespmem:s23+$0xFFFFFFD0];
	v26 =	vadd.f32 v27, v26  }
0x24f: {  	v27 =	vld [tilespmem:s2+$0xFFFFFFD0];
	v23 =	vmax.f32 v23, v30;
	v30 =	vmax.f32 v22, v31  }
0x250: {  	v22 =	vmax.f32 v24, v32;
	v31 =	vld [tilespmem:s2+$0xFFFFFFC0];
	v24 =	vmul.f32 $2.000000030e-01, v26  }
0x251: {  	v33 =	vmul.f32 v22, v11;
	v23 =	vmul.f32 v23, v12;
	v32 =	vld [tilespmem:s3+$0xFFFFFFD0]  }
0x252: {  	v22 =	vld [tilespmem:s23+$0xFFFFFFE0];
	v24 =	vmax.f32 v26, v24  }
0x253: {  	v33 =	vadd.f32 v23, v33;
	v26 =	vld [tilespmem:s3+$0xFFFFFFE0];
	v24 =	vmul.f32 v24, v13  }
0x254: {  	v23 =	vld [tilespmem:s23+$0xFFFFFFF0];
	v27 =	vadd.f32 v27, v20  }
0x255: {  	v31 =	vadd.f32 v31, v21;
	v24 =	vadd.f32 v24, v33  }
0x256: {  	v30 =	vmul.f32 v30, v14;
	v27 =	vadd.f32 v32, v27;
	v32 =	vld [tilespmem:s3+$0xFFFFFFF0]  }
0x257: {  	v25 =	vadd.f32 v25, v31;
	v29 =	vadd.f32 v29, v22  }
0x258: {  	v24 =	vadd.f32 v30, v24;
	v31 =	vmul.f32 $2.000000030e-01, v27  }
0x259: {  	v30 =	vmul.f32 $2.000000030e-01, v25;
	v26 =	vadd.f32 v26, v29;
	v28 =	vadd.f32 v28, v23  }
0x25a: {  	v29 =	vperm.xlane v24, v2;
	v27 =	vmax.f32 v27, v31  }
0x25b: {  	v25 =	vmax.f32 v25, v30;
	v30 =	vmul.f32 $2.000000030e-01, v26;
	v28 =	vadd.f32 v32, v28  }
0x25c: {  	v27 =	vmul.f32 v27, v8;
	v24 =	vadd.f32 v29, v24;
	v25 =	vmul.f32 v25, v7  }
0x25d: {  	v26 =	vmax.f32 v26, v30;
	v29 =	vmul.f32 $2.000000030e-01, v28  }
0x25e: {  	v25 =	vadd.f32 v27, v25;
	v26 =	vmul.f32 v26, v9;
	v27 =	vperm.xlane v24, v3  }
0x25f: {  	v28 =	vmax.f32 v28, v29  }
0x260: {  	v25 =	vadd.f32 v26, v25;
	v26 =	vmul.f32 v28, v10;
	v24 =	vadd.f32 v27, v24;
	_ =	sdelay $0x1  }
0x261: {  	v25 =	vadd.f32 v26, v25;
	v26 =	vperm.xlane v24, v4;
	_ =	sdelay $0x1  }
0x262: {  	v27 =	vperm.xlane v25, v2;
	v24 =	vadd.f32 v26, v24;
	_ =	sdelay $0x1  }
0x263: {  	v25 =	vadd.f32 v27, v25;
	v26 =	vperm.xlane v24, v5;
	_ =	sdelay $0x1  }
0x264: {  	v27 =	vperm.xlane v25, v3;
	v24 =	vadd.f32 v26, v24;
	_ =	sdelay $0x1  }
.Ltmp5:
0x265: {  	v25 =	vadd.f32 v27, v25;
	v24 =	vmul.f32 $1.442695020e+00, v24;
	(pc) =	sbr.rel @p0 .LBB2_14-.Ltmp5, $3  }
0x266: {  	_ = 	snop  }
0x267: {  	v26 =	vperm.xlane v25, v4;
	(erf) = vpow2.f32 v24;
	_ =	sdelay $0x1  }
0x268: {  	s23 =	sadd.s32 $0x80, s23;
	v24 =	vadd.f32 v26, v25  }
0x269: {  	_ = 	snop  }
0x26a: {  	v25 =	vperm.xlane v24, v5;
	_ =	sdelay $0x1  }
0x26b: {  	v24 =	vadd.f32 v25, v24;
	_ =	sdelay $0x1  }
0x26c: {  	v24 =	vmul.f32 $1.442695020e+00, v24;
	_ =	sdelay $0x1  }
0x26d: {  	(erf) = vpow2.f32 v24;
	_ =	sdelay $0x4  }
0x26e: {  	v58 =	vpop (erf)  }
0x26f: {  	v17 =	vmul.f32 v58, v17  }
0x270: {  	v18 =	vmul.f32 v58, v18  }
0x271: {  	v16 =	vmul.f32 v58, v16;
	[tilespmem:s10+$0x0] =	vst v17  }
0x272: {  	v15 =	vmul.f32 v58, v15;
	[tilespmem:s10+$0x10] =	vst v18;
	v59 =	vpop (erf)  }
0x273: {  	v61 =	vmov s4;
	[tilespmem:s10+$0x20] =	vst v16;
	v60 =	vmul.f32 v59, v21  }
0x274: {  	s20 =	sadd.s32 $0x1, s20;
	[tilespmem:s10+$0x30] =	vst v15;
	v18 =	vperm.xlane v19, v61;
	v15 =	vmul.f32 v59, v22  }
0x275: {  	p0 =	sne.s32 s20, $0x5;
	v62 =	vmul.f32 v59, v23;
	[tilespmem:s10+$0xFFFFFFC0] =	vst v60  }
.Ltmp6:
0x276: {  	v63 =	vmul.f32 v59, v20;
	[tilespmem:s10+$0xFFFFFFE0] =	vst v15;
	v15 =	vand.u32 $0xF, v18;
	(pc) =	sbr.rel @p0 .LBB2_13-.Ltmp6, $4  }
0x277: {  	[tilespmem:s10+$0xFFFFFFF0] =	vst v62;
	vm0 =	veq.s32 v15, v6  }
0x278: {  	[tilespmem:s10+$0xFFFFFFD0] =	vst v63;
	v15 =	vnsel vm0, $0x0, v59  }
0x279: {  	s18 =	sadd.s32 $0x800, s18;
	[tilespmem:s29+$0xFFFFFFF0] =	vst v15;
	v15 =	vnsel vm0, $0x0, v58  }
0x27a: {  	s25 =	sadd.s32 $0x800, s25;
	s26 =	sadd.s32 $0x800, s26;
	s28 =	sadd.s32 $0x800, s28;
	[tilespmem:s29+$0x0] =	vst v15  }
0x27b: {  	s1 =	rddreg [dreg:$0x2];
	s2 =	simm.s32 $0x600  }
0x27c: {  	[spmem:s1] =	stream.indirect.scatter.add.f32 [tilespmem:s30], [sflag:$0x4], $0x80, s2, s11, $0xb8;
	[tilespmem:$0x1FB80] =	vst v63  }
0x27d: {  	s23 =	rddreg [dreg:$0x3];
	s25 =	simm.s32 $0x500  }
0x27e: {  	[spmem:s23] =	stream.indirect.scatter.add.f32 [tilespmem:s0], [sflag:$0x5], $0x80, s25, s11, $0xb8;
	[tilespmem:$0x1FB80] =	vst v63  }
0x27f: {  	v15 =	vld [tilespmem:$0xF0]  }
0x280: {  	v16 =	vld [tilespmem:$0x2F0]  }
0x281: {  	v58 =	vld [tilespmem:$0x310]  }
0x282: {  	v61 =	vld [tilespmem:$0x320];
	_ =	sdelay $0x1  }
0x283: {  	v63 =	vld [tilespmem:$0x330]  }
0x284: {  	[tilespmem:$0x680] =	vst v16  }
0x285: {  	v17 =	vld [tilespmem:$0x100];
	[tilespmem:$0x6A0] =	vst v58  }
0x286: {  	v15 =	vadd.s32 v0, v15;
	[tilespmem:$0x6B0] =	vst v61  }
0x287: {  	[tilespmem:$0x400] =	vst v15;
	v15 =	vld [tilespmem:$0x300]  }
0x288: {  	v18 =	vadd.s32 v0, v16;
	[tilespmem:$0x6C0] =	vst v63  }
0x289: {  	v56 =	vld [tilespmem:$0x110];
	v16 =	vshrl.u32 v16, $0x4;
	[tilespmem:$0x480] =	vst v18  }
0x28a: {  	v57 =	vadd.s32 v0, v17;
	[tilespmem:$0x580] =	vst v16  }
0x28b: {  	[tilespmem:$0x410] =	vst v57  }
0x28c: {  	v60 =	vld [tilespmem:$0x120];
	[tilespmem:$0x690] =	vst v15;
	v59 =	vadd.s32 v0, v15  }
0x28d: {  	v15 =	vshrl.u32 v15, $0x4;
	[tilespmem:$0x490] =	vst v59  }
0x28e: {  	[tilespmem:$0x590] =	vst v15;
	v15 =	vadd.s32 v0, v56  }
0x28f: {  	v62 =	vld [tilespmem:$0x130];
	[tilespmem:$0x420] =	vst v15;
	v15 =	vadd.s32 v0, v58  }
0x290: {  	[tilespmem:$0x4A0] =	vst v15;
	v15 =	vshrl.u32 v58, $0x4  }
0x291: {  	[tilespmem:$0x5A0] =	vst v15;
	v15 =	vadd.s32 v0, v60  }
0x292: {  	[tilespmem:$0x430] =	vst v15;
	v15 =	vadd.s32 v0, v61  }
0x293: {  	[tilespmem:$0x4B0] =	vst v15;
	v15 =	vshrl.u32 v61, $0x4  }
0x294: {  	[tilespmem:$0x5B0] =	vst v15;
	v15 =	vadd.s32 v0, v62  }
0x295: {  	s29 =	rddreg [dreg:$0x19];
	[tilespmem:$0x440] =	vst v15;
	v15 =	vadd.s32 v0, v63  }
0x296: {  	s1 =	sadd.s32 s29, s6;
	[tilespmem:$0x4C0] =	vst v15;
	v15 =	vshrl.u32 v63, $0x4  }
0x297: {  	s26 =	simm.s32 $0x480;
	s1 =	sshll.u32 s1, $0x4;
	[tilespmem:$0x5C0] =	vst v15  }
0x298: {  	[tilespmem:s13], [sflag:$0x2] =	stream.indirect.gather [hbm4b:s9+s11], $0x80, s26, s11, $0xb8;
	[tilespmem:$0x1FB80] =	vst v63  }
0x299: {  	s20 =	simm.s32 $0x0;
	s1 =	sadd.s32 s7, s1  }
0x29a: {  	[tilespmem:s14], [sflag:$0x3] =	stream.linear.gather [hbm4b:s1+s20], $0x2800, $0x38;
	[tilespmem:$0x1FB80] =	vst v63  }
0x29b: {  	_ =	swait.ge [sflag:s24], $0x2800  }
0x29c: {  	[sflag:s24] =	ssyncset.done $0x0  }
0x29d: {  	[sflag:s24] =	ssyncadd.s32 $0xFFFFD800  }
0x29e: {  	_ =	swait.ge [sflag:s22], $0x2800  }
0x29f: {  	[sflag:s22] =	ssyncset.done $0x0  }
0x2a0: {  	[sflag:s22] =	ssyncadd.s32 $0xFFFFD800  }
0x2a1: {  	[tilespmem:s30], [sflag:$0x1] =	stream.indirect.gather [hbm4b:s8+s11], $0x80, s15, s11, $0xb8;
	[tilespmem:$0x1FB80] =	vst v63  }
0x2a2: {  	_ =	swait.ge [sflag:s16], $0x2800  }
0x2a3: {  	[sflag:s16] =	ssyncset.done $0x0  }
0x2a4: {  	[sflag:s16] =	ssyncadd.s32 $0xFFFFD800  }
0x2a5: {  	_ =	swait.ge [sflag:s17], $0x2800  }
0x2a6: {  	[sflag:s17] =	ssyncset.done $0x0  }
0x2a7: {  	[sflag:s17] =	ssyncadd.s32 $0xFFFFD800  }
0x2a8: {  	_ =	swait.ge [sflag:s19], $0x2800  }
0x2a9: {  	s18 =	simm.s32 $0x7F10;
	s28 =	simm.s32 $0x740;
	[sflag:s19] =	ssyncset.done $0x0  }
0x2aa: {  	s25 =	simm.s32 $0x2F40;
	s26 =	simm.s32 $0x5740;
	[sflag:s19] =	ssyncadd.s32 $0xFFFFD800  }
.LBB2_17:
0x2ab: {  	v15 =	vld [tilespmem:s28+$0x30]  }
0x2ac: {  	v16 =	vld [tilespmem:s28+$0x20]  }
0x2ad: {  	v19 =	vld [tilespmem:s25+$0x10]  }
0x2ae: {  	v20 =	vld [tilespmem:s25+$0x0]  }
0x2af: {  	v17 =	vld [tilespmem:s28+$0x0]  }
0x2b0: {  	v22 =	vld [tilespmem:s25+$0x30]  }
0x2b1: {  	v21 =	vld [tilespmem:s26+$0x10]  }
0x2b2: {  	v18 =	vld [tilespmem:s28+$0x10]  }
0x2b3: {  	v25 =	vld [tilespmem:s25+$0x20]  }
0x2b4: {  	v23 =	vld [tilespmem:s26+$0x0]  }
0x2b5: {  	v26 =	vld [tilespmem:s26+$0x20]  }
0x2b6: {  	v24 =	vld [tilespmem:s26+$0x30]  }
0x2b7: {  	v27 =	vld [tilespmem:s25+$0xFFFFFFF0];
	v19 =	vadd.f32 v19, v18;
	v20 =	vadd.f32 v20, v17  }
0x2b8: {  	v32 =	vld [tilespmem:s25+$0xFFFFFFC0];
	v25 =	vadd.f32 v25, v16  }
0x2b9: {  	v19 =	vadd.f32 v21, v19;
	v23 =	vadd.f32 v23, v20;
	v20 =	vld [tilespmem:s28+$0xFFFFFFD0]  }
0x2ba: {  	v22 =	vadd.f32 v22, v15;
	v25 =	vadd.f32 v26, v25;
	v26 =	vld [tilespmem:s25+$0xFFFFFFD0]  }
0x2bb: {  	v57 =	vld [tilespmem:s26+$0xFFFFFFD0];
	v30 =	vmul.f32 $2.000000030e-01, v19;
	v31 =	vmul.f32 $2.000000030e-01, v23  }
0x2bc: {  	v21 =	vld [tilespmem:s28+$0xFFFFFFC0];
	v24 =	vadd.f32 v24, v22  }
0x2bd: {  	v28 =	vld [tilespmem:s25+$0xFFFFFFE0];
	v19 =	vmax.f32 v19, v30;
	v22 =	vmax.f32 v23, v31;
	v23 =	vmul.f32 $2.000000030e-01, v25  }
0x2be: {  	v29 =	vld [tilespmem:s26+$0xFFFFFFC0];
	v31 =	vmul.f32 v22, v11;
	v19 =	vmul.f32 v19, v12  }
0x2bf: {  	v33 =	vmul.f32 $2.000000030e-01, v24;
	v22 =	vld [tilespmem:s28+$0xFFFFFFE0];
	v26 =	vadd.f32 v26, v20;
	v23 =	vmax.f32 v25, v23  }
0x2c0: {  	v19 =	vadd.f32 v19, v31;
	v58 =	vmul.f32 v23, v13;
	v23 =	vld [tilespmem:s28+$0xFFFFFFF0]  }
0x2c1: {  	v24 =	vmax.f32 v24, v33;
	v32 =	vadd.f32 v32, v21;
	v25 =	vld [tilespmem:s26+$0xFFFFFFE0];
	v26 =	vadd.f32 v57, v26  }
0x2c2: {  	v59 =	vld [tilespmem:s26+$0xFFFFFFF0];
	v24 =	vmul.f32 v24, v14;
	v19 =	vadd.f32 v58, v19  }
0x2c3: {  	v29 =	vadd.f32 v29, v32;
	v60 =	vmul.f32 $2.000000030e-01, v26  }
0x2c4: {  	v28 =	vadd.f32 v28, v22;
	v19 =	vadd.f32 v24, v19  }
0x2c5: {  	v24 =	vmul.f32 $2.000000030e-01, v29;
	v26 =	vmax.f32 v26, v60;
	v27 =	vadd.f32 v27, v23  }
0x2c6: {  	v25 =	vadd.f32 v25, v28;
	v26 =	vmul.f32 v26, v8  }
0x2c7: {  	v61 =	vperm.xlane v19, v2;
	v24 =	vmax.f32 v29, v24;
	v27 =	vadd.f32 v59, v27  }
0x2c8: {  	v62 =	vmul.f32 $2.000000030e-01, v25;
	v24 =	vmul.f32 v24, v7  }
0x2c9: {  	v19 =	vadd.f32 v61, v19;
	v63 =	vmul.f32 $2.000000030e-01, v27  }
0x2ca: {  	v25 =	vmax.f32 v25, v62;
	v24 =	vadd.f32 v26, v24  }
0x2cb: {  	v25 =	vmul.f32 v25, v9;
	v26 =	vmax.f32 v27, v63;
	v27 =	vperm.xlane v19, v3;
	_ =	sdelay $0x1  }
0x2cc: {  	v24 =	vadd.f32 v25, v24;
	v25 =	vmul.f32 v26, v10;
	v19 =	vadd.f32 v27, v19;
	_ =	sdelay $0x1  }
0x2cd: {  	v24 =	vadd.f32 v25, v24;
	v25 =	vperm.xlane v19, v4;
	_ =	sdelay $0x1  }
0x2ce: {  	v26 =	vperm.xlane v24, v2;
	v19 =	vadd.f32 v25, v19;
	_ =	sdelay $0x1  }
0x2cf: {  	v24 =	vadd.f32 v26, v24;
	v25 =	vperm.xlane v19, v5;
	_ =	sdelay $0x1  }
0x2d0: {  	v26 =	vperm.xlane v24, v3;
	v19 =	vadd.f32 v25, v19;
	_ =	sdelay $0x1  }
0x2d1: {  	v24 =	vadd.f32 v26, v24;
	v25 =	vmul.f32 $1.442695020e+00, v19;
	_ =	sdelay $0x1  }
0x2d2: {  	s1 =	sshll.u32 s20, $0x4;
	s21 =	simm.s32 $0x1;
	s23 =	sadd.s32 $0x80, s28;
	v26 =	vperm.xlane v24, v4;
	(erf) = vpow2.f32 v25  }
0x2d3: {  	s2 =	smov.u32 s25;
	s3 =	smov.u32 s26;
	s10 =	smov.u32 s28  }
0x2d4: {  	s4 =	simm.s32 $0x0;
	s29 =	smov.u32 s18;
	v19 =	vld [tilespmem:s1+$0x680];
	s1 =	smov.u32 s18;
	v24 =	vadd.f32 v26, v24  }
.LBB2_18:
0x2d5: {  	s1 =	sadd.s32 $0x80, s1;
	s2 =	sadd.s32 $0x80, s2;
	s3 =	sadd.s32 $0x80, s3  }
0x2d6: {  	p0 =	sne.s32 s21, $0xF;
	s12 =	smov.u32 s21;
	s21 =	sadd.s32 $0x1, s21;
	v25 =	vperm.xlane v24, v5  }
0x2d7: {  	_ = 	snop  }
0x2d8: {  	v24 =	vadd.f32 v25, v24;
	_ =	sdelay $0x1  }
0x2d9: {  	v24 =	vmul.f32 $1.442695020e+00, v24  }
0x2da: {  	v25 =	vpop (erf)  }
0x2db: {  	v17 =	vmul.f32 v25, v17;
	(erf) = vpow2.f32 v24  }
0x2dc: {  	v18 =	vmul.f32 v25, v18;
	v16 =	vmul.f32 v25, v16  }
0x2dd: {  	v15 =	vmul.f32 v25, v15;
	[tilespmem:s10+$0x0] =	vst v17  }
0x2de: {  	[tilespmem:s10+$0x10] =	vst v18  }
0x2df: {  	[tilespmem:s10+$0x20] =	vst v16  }
0x2e0: {  	[tilespmem:s10+$0x30] =	vst v15;
	_ =	sdelay $0x3  }
0x2e1: {  	v15 =	vpop (erf)  }
0x2e2: {  	v18 =	vmov s4;
	s4 =	smov.u32 s12;
	v16 =	vmul.f32 v15, v21;
	v17 =	vmul.f32 v15, v20  }
0x2e3: {  	v18 =	vperm.xlane v19, v18;
	v20 =	vmul.f32 v15, v22  }
0x2e4: {  	[tilespmem:s10+$0xFFFFFFC0] =	vst v16;
	v16 =	vmul.f32 v15, v23  }
0x2e5: {  	v18 =	vand.u32 $0xF, v18;
	[tilespmem:s10+$0xFFFFFFE0] =	vst v20  }
0x2e6: {  	vm0 =	veq.s32 v18, v6;
	[tilespmem:s10+$0xFFFFFFF0] =	vst v16  }
0x2e7: {  	v15 =	vnsel vm0, $0x0, v15;
	[tilespmem:s10+$0xFFFFFFD0] =	vst v17;
	s10 =	smov.u32 s23  }
0x2e8: {  	[tilespmem:s29+$0xFFFFFFF0] =	vst v15;
	v15 =	vnsel vm0, $0x0, v25  }
0x2e9: {  	[tilespmem:s29+$0x0] =	vst v15;
	s29 =	smov.u32 s1  }
0x2ea: {  	v15 =	vld [tilespmem:s23+$0x30]  }
0x2eb: {  	v16 =	vld [tilespmem:s23+$0x20]  }
0x2ec: {  	v20 =	vld [tilespmem:s2+$0x10]  }
0x2ed: {  	v21 =	vld [tilespmem:s2+$0x0]  }
0x2ee: {  	v17 =	vld [tilespmem:s23+$0x0]  }
0x2ef: {  	v22 =	vld [tilespmem:s2+$0x30]  }
0x2f0: {  	v23 =	vld [tilespmem:s3+$0x10]  }
0x2f1: {  	v18 =	vld [tilespmem:s23+$0x10]  }
0x2f2: {  	v24 =	vld [tilespmem:s3+$0x0]  }
0x2f3: {  	v25 =	vld [tilespmem:s3+$0x30]  }
0x2f4: {  	v26 =	vld [tilespmem:s2+$0x20];
	v22 =	vadd.f32 v22, v15;
	_ =	sdelay $0x1  }
0x2f5: {  	v21 =	vadd.f32 v21, v17;
	v20 =	vadd.f32 v20, v18;
	v27 =	vld [tilespmem:s3+$0x20]  }
0x2f6: {  	v28 =	vld [tilespmem:s2+$0xFFFFFFF0]  }
0x2f7: {  	v29 =	vld [tilespmem:s2+$0xFFFFFFE0];
	v23 =	vadd.f32 v23, v20;
	v22 =	vadd.f32 v25, v22  }
0x2f8: {  	v24 =	vadd.f32 v24, v21;
	v25 =	vld [tilespmem:s3+$0xFFFFFFC0];
	v26 =	vadd.f32 v26, v16  }
0x2f9: {  	v21 =	vld [tilespmem:s23+$0xFFFFFFC0];
	v30 =	vmul.f32 $2.000000030e-01, v23;
	v31 =	vmul.f32 $2.000000030e-01, v22  }
0x2fa: {  	v32 =	vmul.f32 $2.000000030e-01, v24;
	v20 =	vld [tilespmem:s23+$0xFFFFFFD0];
	v26 =	vadd.f32 v27, v26  }
0x2fb: {  	v27 =	vld [tilespmem:s2+$0xFFFFFFD0];
	v23 =	vmax.f32 v23, v30;
	v30 =	vmax.f32 v22, v31  }
0x2fc: {  	v22 =	vmax.f32 v24, v32;
	v31 =	vld [tilespmem:s2+$0xFFFFFFC0];
	v24 =	vmul.f32 $2.000000030e-01, v26  }
0x2fd: {  	v33 =	vmul.f32 v22, v11;
	v23 =	vmul.f32 v23, v12;
	v32 =	vld [tilespmem:s3+$0xFFFFFFD0]  }
0x2fe: {  	v22 =	vld [tilespmem:s23+$0xFFFFFFE0];
	v24 =	vmax.f32 v26, v24  }
0x2ff: {  	v33 =	vadd.f32 v23, v33;
	v26 =	vld [tilespmem:s3+$0xFFFFFFE0];
	v24 =	vmul.f32 v24, v13  }
0x300: {  	v23 =	vld [tilespmem:s23+$0xFFFFFFF0];
	v27 =	vadd.f32 v27, v20  }
0x301: {  	v31 =	vadd.f32 v31, v21;
	v24 =	vadd.f32 v24, v33  }
0x302: {  	v30 =	vmul.f32 v30, v14;
	v27 =	vadd.f32 v32, v27;
	v32 =	vld [tilespmem:s3+$0xFFFFFFF0]  }
0x303: {  	v25 =	vadd.f32 v25, v31;
	v29 =	vadd.f32 v29, v22  }
0x304: {  	v24 =	vadd.f32 v30, v24;
	v31 =	vmul.f32 $2.000000030e-01, v27  }
0x305: {  	v30 =	vmul.f32 $2.000000030e-01, v25;
	v26 =	vadd.f32 v26, v29;
	v28 =	vadd.f32 v28, v23  }
0x306: {  	v29 =	vperm.xlane v24, v2;
	v27 =	vmax.f32 v27, v31  }
0x307: {  	v25 =	vmax.f32 v25, v30;
	v30 =	vmul.f32 $2.000000030e-01, v26;
	v28 =	vadd.f32 v32, v28  }
0x308: {  	v27 =	vmul.f32 v27, v8;
	v24 =	vadd.f32 v29, v24;
	v25 =	vmul.f32 v25, v7  }
0x309: {  	v26 =	vmax.f32 v26, v30;
	v29 =	vmul.f32 $2.000000030e-01, v28  }
0x30a: {  	v25 =	vadd.f32 v27, v25;
	v26 =	vmul.f32 v26, v9;
	v27 =	vperm.xlane v24, v3  }
0x30b: {  	v28 =	vmax.f32 v28, v29  }
0x30c: {  	v25 =	vadd.f32 v26, v25;
	v26 =	vmul.f32 v28, v10;
	v24 =	vadd.f32 v27, v24;
	_ =	sdelay $0x1  }
0x30d: {  	v25 =	vadd.f32 v26, v25;
	v26 =	vperm.xlane v24, v4;
	_ =	sdelay $0x1  }
0x30e: {  	v27 =	vperm.xlane v25, v2;
	v24 =	vadd.f32 v26, v24;
	_ =	sdelay $0x1  }
0x30f: {  	v25 =	vadd.f32 v27, v25;
	v26 =	vperm.xlane v24, v5;
	_ =	sdelay $0x1  }
0x310: {  	v27 =	vperm.xlane v25, v3;
	v24 =	vadd.f32 v26, v24;
	_ =	sdelay $0x1  }
.Ltmp7:
0x311: {  	v25 =	vadd.f32 v27, v25;
	v24 =	vmul.f32 $1.442695020e+00, v24;
	(pc) =	sbr.rel @p0 .LBB2_18-.Ltmp7, $3  }
0x312: {  	_ = 	snop  }
0x313: {  	v26 =	vperm.xlane v25, v4;
	(erf) = vpow2.f32 v24;
	_ =	sdelay $0x1  }
0x314: {  	s23 =	sadd.s32 $0x80, s23;
	v24 =	vadd.f32 v26, v25  }
0x315: {  	_ = 	snop  }
0x316: {  	v25 =	vperm.xlane v24, v5;
	_ =	sdelay $0x1  }
0x317: {  	v24 =	vadd.f32 v25, v24;
	_ =	sdelay $0x1  }
0x318: {  	v24 =	vmul.f32 $1.442695020e+00, v24;
	_ =	sdelay $0x1  }
0x319: {  	(erf) = vpow2.f32 v24;
	_ =	sdelay $0x4  }
0x31a: {  	v58 =	vpop (erf)  }
0x31b: {  	v17 =	vmul.f32 v58, v17  }
0x31c: {  	v18 =	vmul.f32 v58, v18  }
0x31d: {  	v16 =	vmul.f32 v58, v16;
	[tilespmem:s10+$0x0] =	vst v17  }
0x31e: {  	v15 =	vmul.f32 v58, v15;
	[tilespmem:s10+$0x10] =	vst v18;
	v59 =	vpop (erf)  }
0x31f: {  	v61 =	vmov s4;
	[tilespmem:s10+$0x20] =	vst v16;
	v60 =	vmul.f32 v59, v21  }
0x320: {  	s20 =	sadd.s32 $0x1, s20;
	[tilespmem:s10+$0x30] =	vst v15;
	v18 =	vperm.xlane v19, v61;
	v15 =	vmul.f32 v59, v22  }
0x321: {  	p0 =	sne.s32 s20, $0x5;
	v62 =	vmul.f32 v59, v23;
	[tilespmem:s10+$0xFFFFFFC0] =	vst v60  }
.Ltmp8:
0x322: {  	v63 =	vmul.f32 v59, v20;
	[tilespmem:s10+$0xFFFFFFE0] =	vst v15;
	v15 =	vand.u32 $0xF, v18;
	(pc) =	sbr.rel @p0 .LBB2_17-.Ltmp8, $4  }
0x323: {  	[tilespmem:s10+$0xFFFFFFF0] =	vst v62;
	vm0 =	veq.s32 v15, v6  }
0x324: {  	[tilespmem:s10+$0xFFFFFFD0] =	vst v63;
	v15 =	vnsel vm0, $0x0, v59  }
0x325: {  	s18 =	sadd.s32 $0x800, s18;
	[tilespmem:s29+$0xFFFFFFF0] =	vst v15;
	v15 =	vnsel vm0, $0x0, v58  }
0x326: {  	s25 =	sadd.s32 $0x800, s25;
	s26 =	sadd.s32 $0x800, s26;
	s28 =	sadd.s32 $0x800, s28;
	[tilespmem:s29+$0x0] =	vst v15  }
0x327: {  	s1 =	rddreg [dreg:$0x2];
	s2 =	simm.s32 $0x680  }
0x328: {  	[spmem:s1] =	stream.indirect.scatter.add.f32 [tilespmem:s30], [sflag:$0x4], $0x80, s2, s11, $0xb8;
	[tilespmem:$0x1FB80] =	vst v63  }
0x329: {  	s25 =	rddreg [dreg:$0x3];
	s26 =	simm.s32 $0x580  }
0x32a: {  	[spmem:s25] =	stream.indirect.scatter.add.f32 [tilespmem:s0], [sflag:$0x5], $0x80, s26, s11, $0xb8;
	[tilespmem:$0x1FB80] =	vst v63  }
0x32b: {  	v15 =	vld [tilespmem:$0x140]  }
0x32c: {  	v16 =	vld [tilespmem:$0x340]  }
0x32d: {  	v58 =	vld [tilespmem:$0x360]  }
0x32e: {  	v61 =	vld [tilespmem:$0x370];
	_ =	sdelay $0x1  }
0x32f: {  	v63 =	vld [tilespmem:$0x380]  }
0x330: {  	[tilespmem:$0x600] =	vst v16  }
0x331: {  	v17 =	vld [tilespmem:$0x150];
	[tilespmem:$0x620] =	vst v58  }
0x332: {  	v15 =	vadd.s32 v0, v15;
	[tilespmem:$0x630] =	vst v61  }
0x333: {  	[tilespmem:$0x400] =	vst v15;
	v15 =	vld [tilespmem:$0x350]  }
0x334: {  	v18 =	vadd.s32 v0, v16;
	[tilespmem:$0x640] =	vst v63  }
0x335: {  	v56 =	vld [tilespmem:$0x160];
	v16 =	vshrl.u32 v16, $0x4;
	[tilespmem:$0x480] =	vst v18  }
0x336: {  	v57 =	vadd.s32 v0, v17;
	[tilespmem:$0x500] =	vst v16  }
0x337: {  	[tilespmem:$0x410] =	vst v57  }
0x338: {  	v60 =	vld [tilespmem:$0x170];
	[tilespmem:$0x610] =	vst v15;
	v59 =	vadd.s32 v0, v15  }
0x339: {  	v15 =	vshrl.u32 v15, $0x4;
	[tilespmem:$0x490] =	vst v59  }
0x33a: {  	[tilespmem:$0x510] =	vst v15;
	v15 =	vadd.s32 v0, v56  }
0x33b: {  	v62 =	vld [tilespmem:$0x180];
	[tilespmem:$0x420] =	vst v15;
	v15 =	vadd.s32 v0, v58  }
0x33c: {  	[tilespmem:$0x4A0] =	vst v15;
	v15 =	vshrl.u32 v58, $0x4  }
0x33d: {  	[tilespmem:$0x520] =	vst v15;
	v15 =	vadd.s32 v0, v60  }
0x33e: {  	[tilespmem:$0x430] =	vst v15;
	v15 =	vadd.s32 v0, v61  }
0x33f: {  	[tilespmem:$0x4B0] =	vst v15;
	v15 =	vshrl.u32 v61, $0x4  }
0x340: {  	[tilespmem:$0x530] =	vst v15;
	v15 =	vadd.s32 v0, v62  }
0x341: {  	s29 =	rddreg [dreg:$0x1a];
	[tilespmem:$0x440] =	vst v15;
	v15 =	vadd.s32 v0, v63  }
0x342: {  	s1 =	sadd.s32 s29, s6;
	[tilespmem:$0x4C0] =	vst v15;
	v15 =	vshrl.u32 v63, $0x4  }
0x343: {  	s28 =	simm.s32 $0x480;
	s1 =	sshll.u32 s1, $0x4;
	[tilespmem:$0x540] =	vst v15  }
0x344: {  	[tilespmem:s13], [sflag:$0x2] =	stream.indirect.gather [hbm4b:s9+s11], $0x80, s28, s11, $0xb8;
	[tilespmem:$0x1FB80] =	vst v63  }
0x345: {  	s6 =	simm.s32 $0x0;
	s1 =	sadd.s32 s7, s1  }
0x346: {  	[tilespmem:s14], [sflag:$0x3] =	stream.linear.gather [hbm4b:s1+s6], $0x2800, $0x38;
	[tilespmem:$0x1FB80] =	vst v63  }
0x347: {  	_ =	swait.ge [sflag:s24], $0x2800  }
0x348: {  	[sflag:s24] =	ssyncset.done $0x0  }
0x349: {  	[sflag:s24] =	ssyncadd.s32 $0xFFFFD800  }
0x34a: {  	_ =	swait.ge [sflag:s22], $0x2800  }
0x34b: {  	[sflag:s22] =	ssyncset.done $0x0  }
0x34c: {  	[sflag:s22] =	ssyncadd.s32 $0xFFFFD800  }
0x34d: {  	[tilespmem:s30], [sflag:$0x1] =	stream.indirect.gather [hbm4b:s8+s11], $0x80, s15, s11, $0xb8;
	[tilespmem:$0x1FB80] =	vst v63  }
0x34e: {  	_ =	swait.ge [sflag:s16], $0x2800  }
0x34f: {  	[sflag:s16] =	ssyncset.done $0x0  }
0x350: {  	[sflag:s16] =	ssyncadd.s32 $0xFFFFD800  }
0x351: {  	_ =	swait.ge [sflag:s17], $0x2800  }
0x352: {  	[sflag:s17] =	ssyncset.done $0x0  }
0x353: {  	[sflag:s17] =	ssyncadd.s32 $0xFFFFD800  }
0x354: {  	_ =	swait.ge [sflag:s19], $0x2800  }
0x355: {  	s18 =	simm.s32 $0x7F10;
	s20 =	simm.s32 $0x2F40;
	[sflag:s19] =	ssyncset.done $0x0  }
0x356: {  	s25 =	simm.s32 $0x5740;
	s26 =	simm.s32 $0x740;
	[sflag:s19] =	ssyncadd.s32 $0xFFFFD800  }
.LBB2_21:
0x357: {  	v15 =	vld [tilespmem:s26+$0x30]  }
0x358: {  	v16 =	vld [tilespmem:s26+$0x20]  }
0x359: {  	v19 =	vld [tilespmem:s20+$0x10]  }
0x35a: {  	v20 =	vld [tilespmem:s20+$0x0]  }
0x35b: {  	v17 =	vld [tilespmem:s26+$0x0]  }
0x35c: {  	v22 =	vld [tilespmem:s20+$0x30]  }
0x35d: {  	v21 =	vld [tilespmem:s25+$0x10]  }
0x35e: {  	v18 =	vld [tilespmem:s26+$0x10]  }
0x35f: {  	v25 =	vld [tilespmem:s20+$0x20]  }
0x360: {  	v23 =	vld [tilespmem:s25+$0x0]  }
0x361: {  	v26 =	vld [tilespmem:s25+$0x20]  }
0x362: {  	v24 =	vld [tilespmem:s25+$0x30]  }
0x363: {  	v27 =	vld [tilespmem:s20+$0xFFFFFFF0];
	v19 =	vadd.f32 v19, v18;
	v20 =	vadd.f32 v20, v17  }
0x364: {  	v32 =	vld [tilespmem:s20+$0xFFFFFFC0];
	v25 =	vadd.f32 v25, v16  }
0x365: {  	v19 =	vadd.f32 v21, v19;
	v23 =	vadd.f32 v23, v20;
	v20 =	vld [tilespmem:s26+$0xFFFFFFD0]  }
0x366: {  	v22 =	vadd.f32 v22, v15;
	v25 =	vadd.f32 v26, v25;
	v26 =	vld [tilespmem:s20+$0xFFFFFFD0]  }
0x367: {  	v57 =	vld [tilespmem:s25+$0xFFFFFFD0];
	v30 =	vmul.f32 $2.000000030e-01, v19;
	v31 =	vmul.f32 $2.000000030e-01, v23  }
0x368: {  	v21 =	vld [tilespmem:s26+$0xFFFFFFC0];
	v24 =	vadd.f32 v24, v22  }
0x369: {  	v28 =	vld [tilespmem:s20+$0xFFFFFFE0];
	v19 =	vmax.f32 v19, v30;
	v22 =	vmax.f32 v23, v31;
	v23 =	vmul.f32 $2.000000030e-01, v25  }
0x36a: {  	v29 =	vld [tilespmem:s25+$0xFFFFFFC0];
	v31 =	vmul.f32 v22, v11;
	v19 =	vmul.f32 v19, v12  }
0x36b: {  	v33 =	vmul.f32 $2.000000030e-01, v24;
	v22 =	vld [tilespmem:s26+$0xFFFFFFE0];
	v26 =	vadd.f32 v26, v20;
	v23 =	vmax.f32 v25, v23  }
0x36c: {  	v19 =	vadd.f32 v19, v31;
	v58 =	vmul.f32 v23, v13;
	v23 =	vld [tilespmem:s26+$0xFFFFFFF0]  }
0x36d: {  	v24 =	vmax.f32 v24, v33;
	v32 =	vadd.f32 v32, v21;
	v25 =	vld [tilespmem:s25+$0xFFFFFFE0];
	v26 =	vadd.f32 v57, v26  }
0x36e: {  	v59 =	vld [tilespmem:s25+$0xFFFFFFF0];
	v24 =	vmul.f32 v24, v14;
	v19 =	vadd.f32 v58, v19  }
0x36f: {  	v29 =	vadd.f32 v29, v32;
	v60 =	vmul.f32 $2.000000030e-01, v26  }
0x370: {  	v28 =	vadd.f32 v28, v22;
	v19 =	vadd.f32 v24, v19  }
0x371: {  	v24 =	vmul.f32 $2.000000030e-01, v29;
	v26 =	vmax.f32 v26, v60;
	v27 =	vadd.f32 v27, v23  }
0x372: {  	v25 =	vadd.f32 v25, v28;
	v26 =	vmul.f32 v26, v8  }
0x373: {  	v61 =	vperm.xlane v19, v2;
	v24 =	vmax.f32 v29, v24;
	v27 =	vadd.f32 v59, v27  }
0x374: {  	v62 =	vmul.f32 $2.000000030e-01, v25;
	v24 =	vmul.f32 v24, v7  }
0x375: {  	v19 =	vadd.f32 v61, v19;
	v63 =	vmul.f32 $2.000000030e-01, v27  }
0x376: {  	v25 =	vmax.f32 v25, v62;
	v24 =	vadd.f32 v26, v24  }
0x377: {  	v25 =	vmul.f32 v25, v9;
	v26 =	vmax.f32 v27, v63;
	v27 =	vperm.xlane v19, v3;
	_ =	sdelay $0x1  }
0x378: {  	v24 =	vadd.f32 v25, v24;
	v25 =	vmul.f32 v26, v10;
	v19 =	vadd.f32 v27, v19;
	_ =	sdelay $0x1  }
0x379: {  	v24 =	vadd.f32 v25, v24;
	v25 =	vperm.xlane v19, v4;
	_ =	sdelay $0x1  }
0x37a: {  	v26 =	vperm.xlane v24, v2;
	v19 =	vadd.f32 v25, v19;
	_ =	sdelay $0x1  }
0x37b: {  	v24 =	vadd.f32 v26, v24;
	v25 =	vperm.xlane v19, v5;
	_ =	sdelay $0x1  }
0x37c: {  	v26 =	vperm.xlane v24, v3;
	v19 =	vadd.f32 v25, v19;
	_ =	sdelay $0x1  }
0x37d: {  	v24 =	vadd.f32 v26, v24;
	v25 =	vmul.f32 $1.442695020e+00, v19;
	_ =	sdelay $0x1  }
0x37e: {  	s1 =	sshll.u32 s6, $0x4;
	s21 =	simm.s32 $0x1;
	s23 =	sadd.s32 $0x80, s26;
	v26 =	vperm.xlane v24, v4;
	(erf) = vpow2.f32 v25  }
0x37f: {  	s2 =	smov.u32 s20;
	s3 =	smov.u32 s25;
	s10 =	smov.u32 s26  }
0x380: {  	s4 =	simm.s32 $0x0;
	s28 =	smov.u32 s18;
	v19 =	vld [tilespmem:s1+$0x600];
	s1 =	smov.u32 s18;
	v24 =	vadd.f32 v26, v24  }
.LBB2_22:
0x381: {  	s1 =	sadd.s32 $0x80, s1;
	s2 =	sadd.s32 $0x80, s2;
	s3 =	sadd.s32 $0x80, s3  }
0x382: {  	p0 =	sne.s32 s21, $0xF;
	s12 =	smov.u32 s21;
	s21 =	sadd.s32 $0x1, s21;
	v25 =	vperm.xlane v24, v5  }
0x383: {  	_ = 	snop  }
0x384: {  	v24 =	vadd.f32 v25, v24;
	_ =	sdelay $0x1  }
0x385: {  	v24 =	vmul.f32 $1.442695020e+00, v24  }
0x386: {  	v25 =	vpop (erf)  }
0x387: {  	v17 =	vmul.f32 v25, v17;
	(erf) = vpow2.f32 v24  }
0x388: {  	v18 =	vmul.f32 v25, v18;
	v16 =	vmul.f32 v25, v16  }
0x389: {  	v15 =	vmul.f32 v25, v15;
	[tilespmem:s10+$0x0] =	vst v17  }
0x38a: {  	[tilespmem:s10+$0x10] =	vst v18  }
0x38b: {  	[tilespmem:s10+$0x20] =	vst v16  }
0x38c: {  	[tilespmem:s10+$0x30] =	vst v15;
	_ =	sdelay $0x3  }
0x38d: {  	v15 =	vpop (erf)  }
0x38e: {  	v18 =	vmov s4;
	s4 =	smov.u32 s12;
	v16 =	vmul.f32 v15, v21;
	v17 =	vmul.f32 v15, v20  }
0x38f: {  	v18 =	vperm.xlane v19, v18;
	v20 =	vmul.f32 v15, v22  }
0x390: {  	[tilespmem:s10+$0xFFFFFFC0] =	vst v16;
	v16 =	vmul.f32 v15, v23  }
0x391: {  	v18 =	vand.u32 $0xF, v18;
	[tilespmem:s10+$0xFFFFFFE0] =	vst v20  }
0x392: {  	vm0 =	veq.s32 v18, v6;
	[tilespmem:s10+$0xFFFFFFF0] =	vst v16  }
0x393: {  	v15 =	vnsel vm0, $0x0, v15;
	[tilespmem:s10+$0xFFFFFFD0] =	vst v17;
	s10 =	smov.u32 s23  }
0x394: {  	[tilespmem:s28+$0xFFFFFFF0] =	vst v15;
	v15 =	vnsel vm0, $0x0, v25  }
0x395: {  	[tilespmem:s28+$0x0] =	vst v15;
	s28 =	smov.u32 s1  }
0x396: {  	v15 =	vld [tilespmem:s23+$0x30]  }
0x397: {  	v16 =	vld [tilespmem:s23+$0x20]  }
0x398: {  	v20 =	vld [tilespmem:s2+$0x10]  }
0x399: {  	v21 =	vld [tilespmem:s2+$0x0]  }
0x39a: {  	v17 =	vld [tilespmem:s23+$0x0]  }
0x39b: {  	v22 =	vld [tilespmem:s2+$0x30]  }
0x39c: {  	v23 =	vld [tilespmem:s3+$0x10]  }
0x39d: {  	v18 =	vld [tilespmem:s23+$0x10]  }
0x39e: {  	v24 =	vld [tilespmem:s3+$0x0]  }
0x39f: {  	v25 =	vld [tilespmem:s3+$0x30]  }
0x3a0: {  	v26 =	vld [tilespmem:s2+$0x20];
	v22 =	vadd.f32 v22, v15;
	_ =	sdelay $0x1  }
0x3a1: {  	v21 =	vadd.f32 v21, v17;
	v20 =	vadd.f32 v20, v18;
	v27 =	vld [tilespmem:s3+$0x20]  }
0x3a2: {  	v28 =	vld [tilespmem:s2+$0xFFFFFFF0]  }
0x3a3: {  	v29 =	vld [tilespmem:s2+$0xFFFFFFE0];
	v23 =	vadd.f32 v23, v20;
	v22 =	vadd.f32 v25, v22  }
0x3a4: {  	v24 =	vadd.f32 v24, v21;
	v25 =	vld [tilespmem:s3+$0xFFFFFFC0];
	v26 =	vadd.f32 v26, v16  }
0x3a5: {  	v21 =	vld [tilespmem:s23+$0xFFFFFFC0];
	v30 =	vmul.f32 $2.000000030e-01, v23;
	v31 =	vmul.f32 $2.000000030e-01, v22  }
0x3a6: {  	v32 =	vmul.f32 $2.000000030e-01, v24;
	v20 =	vld [tilespmem:s23+$0xFFFFFFD0];
	v26 =	vadd.f32 v27, v26  }
0x3a7: {  	v27 =	vld [tilespmem:s2+$0xFFFFFFD0];
	v23 =	vmax.f32 v23, v30;
	v30 =	vmax.f32 v22, v31  }
0x3a8: {  	v22 =	vmax.f32 v24, v32;
	v31 =	vld [tilespmem:s2+$0xFFFFFFC0];
	v24 =	vmul.f32 $2.000000030e-01, v26  }
0x3a9: {  	v33 =	vmul.f32 v22, v11;
	v23 =	vmul.f32 v23, v12;
	v32 =	vld [tilespmem:s3+$0xFFFFFFD0]  }
0x3aa: {  	v22 =	vld [tilespmem:s23+$0xFFFFFFE0];
	v24 =	vmax.f32 v26, v24  }
0x3ab: {  	v33 =	vadd.f32 v23, v33;
	v26 =	vld [tilespmem:s3+$0xFFFFFFE0];
	v24 =	vmul.f32 v24, v13  }
0x3ac: {  	v23 =	vld [tilespmem:s23+$0xFFFFFFF0];
	v27 =	vadd.f32 v27, v20  }
0x3ad: {  	v31 =	vadd.f32 v31, v21;
	v24 =	vadd.f32 v24, v33  }
0x3ae: {  	v30 =	vmul.f32 v30, v14;
	v27 =	vadd.f32 v32, v27;
	v32 =	vld [tilespmem:s3+$0xFFFFFFF0]  }
0x3af: {  	v25 =	vadd.f32 v25, v31;
	v29 =	vadd.f32 v29, v22  }
0x3b0: {  	v24 =	vadd.f32 v30, v24;
	v31 =	vmul.f32 $2.000000030e-01, v27  }
0x3b1: {  	v30 =	vmul.f32 $2.000000030e-01, v25;
	v26 =	vadd.f32 v26, v29;
	v28 =	vadd.f32 v28, v23  }
0x3b2: {  	v29 =	vperm.xlane v24, v2;
	v27 =	vmax.f32 v27, v31  }
0x3b3: {  	v25 =	vmax.f32 v25, v30;
	v30 =	vmul.f32 $2.000000030e-01, v26;
	v28 =	vadd.f32 v32, v28  }
0x3b4: {  	v27 =	vmul.f32 v27, v8;
	v24 =	vadd.f32 v29, v24;
	v25 =	vmul.f32 v25, v7  }
0x3b5: {  	v26 =	vmax.f32 v26, v30;
	v29 =	vmul.f32 $2.000000030e-01, v28  }
0x3b6: {  	v25 =	vadd.f32 v27, v25;
	v26 =	vmul.f32 v26, v9;
	v27 =	vperm.xlane v24, v3  }
0x3b7: {  	v28 =	vmax.f32 v28, v29  }
0x3b8: {  	v25 =	vadd.f32 v26, v25;
	v26 =	vmul.f32 v28, v10;
	v24 =	vadd.f32 v27, v24;
	_ =	sdelay $0x1  }
0x3b9: {  	v25 =	vadd.f32 v26, v25;
	v26 =	vperm.xlane v24, v4;
	_ =	sdelay $0x1  }
0x3ba: {  	v27 =	vperm.xlane v25, v2;
	v24 =	vadd.f32 v26, v24;
	_ =	sdelay $0x1  }
0x3bb: {  	v25 =	vadd.f32 v27, v25;
	v26 =	vperm.xlane v24, v5;
	_ =	sdelay $0x1  }
0x3bc: {  	v27 =	vperm.xlane v25, v3;
	v24 =	vadd.f32 v26, v24;
	_ =	sdelay $0x1  }
.Ltmp9:
0x3bd: {  	v25 =	vadd.f32 v27, v25;
	v24 =	vmul.f32 $1.442695020e+00, v24;
	(pc) =	sbr.rel @p0 .LBB2_22-.Ltmp9, $3  }
0x3be: {  	_ = 	snop  }
0x3bf: {  	v26 =	vperm.xlane v25, v4;
	(erf) = vpow2.f32 v24;
	_ =	sdelay $0x1  }
0x3c0: {  	s23 =	sadd.s32 $0x80, s23;
	v24 =	vadd.f32 v26, v25  }
0x3c1: {  	_ = 	snop  }
0x3c2: {  	v25 =	vperm.xlane v24, v5;
	_ =	sdelay $0x1  }
0x3c3: {  	v24 =	vadd.f32 v25, v24;
	_ =	sdelay $0x1  }
0x3c4: {  	v24 =	vmul.f32 $1.442695020e+00, v24;
	_ =	sdelay $0x1  }
0x3c5: {  	(erf) = vpow2.f32 v24;
	_ =	sdelay $0x4  }
0x3c6: {  	v58 =	vpop (erf)  }
0x3c7: {  	v17 =	vmul.f32 v58, v17  }
0x3c8: {  	v18 =	vmul.f32 v58, v18  }
0x3c9: {  	v16 =	vmul.f32 v58, v16;
	[tilespmem:s10+$0x0] =	vst v17  }
0x3ca: {  	v15 =	vmul.f32 v58, v15;
	[tilespmem:s10+$0x10] =	vst v18;
	v59 =	vpop (erf)  }
0x3cb: {  	v61 =	vmov s4;
	[tilespmem:s10+$0x20] =	vst v16;
	v60 =	vmul.f32 v59, v21  }
0x3cc: {  	s6 =	sadd.s32 $0x1, s6;
	[tilespmem:s10+$0x30] =	vst v15;
	v18 =	vperm.xlane v19, v61;
	v15 =	vmul.f32 v59, v22  }
0x3cd: {  	p0 =	sne.s32 s6, $0x5;
	v62 =	vmul.f32 v59, v23;
	[tilespmem:s10+$0xFFFFFFC0] =	vst v60  }
.Ltmp10:
0x3ce: {  	v63 =	vmul.f32 v59, v20;
	[tilespmem:s10+$0xFFFFFFE0] =	vst v15;
	v15 =	vand.u32 $0xF, v18;
	(pc) =	sbr.rel @p0 .LBB2_21-.Ltmp10, $4  }
0x3cf: {  	[tilespmem:s10+$0xFFFFFFF0] =	vst v62;
	vm0 =	veq.s32 v15, v6  }
0x3d0: {  	[tilespmem:s10+$0xFFFFFFD0] =	vst v63;
	v15 =	vnsel vm0, $0x0, v59  }
0x3d1: {  	s18 =	sadd.s32 $0x800, s18;
	[tilespmem:s28+$0xFFFFFFF0] =	vst v15;
	v15 =	vnsel vm0, $0x0, v58  }
0x3d2: {  	s20 =	sadd.s32 $0x800, s20;
	s25 =	sadd.s32 $0x800, s25;
	s26 =	sadd.s32 $0x800, s26;
	[tilespmem:s28+$0x0] =	vst v15  }
0x3d3: {  	s1 =	rddreg [dreg:$0x2];
	s2 =	simm.s32 $0x600  }
0x3d4: {  	[spmem:s1] =	stream.indirect.scatter.add.f32 [tilespmem:s30], [sflag:$0x6], $0x80, s2, s11, $0xb8;
	[tilespmem:$0x1FB80] =	vst v63  }
0x3d5: {  	_ =	swait.ge [sflag:s31], $0x2800  }
0x3d6: {  	s5 =	sadd.s32 $0x1, s5;
	[sflag:s31] =	ssyncset.done $0x0  }
0x3d7: {  	p0 =	sne.s32 s5, $0x19;
	[sflag:s31] =	ssyncadd.s32 $0xFFFFD800  }
.Ltmp11:
0x3d8: {  	s29 =	simm.s32 $0x500;
	s28 =	rddreg [dreg:$0x3];
	(pc) =	sbr.rel @p0 .LBB2_4-.Ltmp11, $4  }
0x3d9: {  	[spmem:s28] =	stream.indirect.scatter.add.f32 [tilespmem:s0], [sflag:$0x6], $0x80, s29, s11, $0xb8;
	[tilespmem:$0x1FB80] =	vst v63  }
0x3da: {  	_ =	swait.ge [sflag:s31], $0x2800  }
0x3db: {  	[sflag:s31] =	ssyncset.done $0x0  }
0x3dc: {  	[sflag:s31] =	ssyncadd.s32 $0xFFFFD800  }
0x3dd: {  	s1 =	stileid.u32;
	[bflag:$0x0] =	sbarrier.arrive $0xFFFF  }
0x3de: {  	s1 =	sshll.u32 s1, $0x6;
	s20 =	rddreg [dreg:$0x8]  }
0x3df: {  	s3 =	rddreg [dreg:$0x11];
	s1 =	sor.u32 $0x1C06, s1;
	s2 =	sshrl.u32 s20, $0x3  }
0x3e0: {  	[hbm:s3], [sflag:s1] =	dma.local [spmem:s2], $0x2800  }
0x3e1: {  	_ =	swait.ge [sflag:s31], $0x2800  }
0x3e2: {  	[sflag:s31] =	ssyncset.done $0x0;
	s3 =	rddreg [dreg:$0x14]  }
0x3e3: {  	s4 =	rddreg [dreg:$0x15];
	[sflag:s31] =	ssyncadd.s32 $0xFFFFD800;
	s28 =	sshrl.u32 s3, $0x3  }
0x3e4: {  	[hbm:s4], [sflag:s1] =	dma.local [spmem:s28], $0x280  }
0x3e5: {  	_ =	swait.ge [sflag:s31], $0x280  }
0x3e6: {  	s18 =	rddreg [dreg:$0x5]  }
0x3e7: {  	s29 =	rddreg [dreg:$0x16];
	s18 =	sadd.s32 $0x1, s18  }
0x3e8: {  	p0 =	sne.s32 s18, s29  }
.Ltmp12:
0x3e9: {  	_ = 	snop;
	(pc) =	sbr.rel @p0 .LBB2_1-.Ltmp12, $3  }
0x3ea: {  	_ =	sdelay $0x1  }
0x3eb: {  	[sflag:s31] =	ssyncset.done $0x0  }
0x3ec: {  	[sflag:s31] =	ssyncadd.s32 $0xFFFFFD80  }
0x3ed: {  	_ =	sfence.sel $0x180000  }
0x3ee: {  	[bflag:$0x0] =	sbarrier.arrive $0xFFFF  }
0x3ef: {  	_ =	strace $0x90000047  }
0x3f0: {  	s0 =	stileid.u32;
	[bflag:$0x2] =	sbarrier.arrive $0xFFFF  }
0x3f1: {  	p0 =	sne.s32 s0, $0x0;
	s0 =	rddreg [dreg:$0x4]  }
0x3f2: {  	s0 =	sadd.s32 @!p0 $0x100000, s0  }
0x3f3: {  	[sflag:s0] =	ssyncadd.tile.s32 @!p0 $0x1;
	_ =	shalt  }
.Lfunc_end2:
_tile_overlayer_lowered:
.L_overlay_start_2:
0x3f4: {  	(tag) =	ssettag $0x2  }
0x3f5: {  	s0 =	rddreg [dreg:$0x0];
	s2 =	stileid.u32  }
0x3f6: {  	s1 =	rddreg [dreg:$0x1];
	p0 =	sne.s32 s2, $0x0  }
0x3f7: {  	s3 =	rddreg [dreg:$0x2];
	[bflag:$0x3] =	sbarrier.arrive $0xFFFF;
	s2 =	simm.s32 @!p0 $0x1C06  }
0x3f8: {  	[timem:s3], [sflag:s2] =	dma.local @!p0 [hbm:s0], s1  }
0x3f9: {  	s0 =	simm.s32 @!p0 $0x6  }
0x3fa: {  	_ =	swait.ge @!p0 [sflag:s0], s1  }
0x3fb: {  	s1 =	ssub.s32 @!p0 $0x0, s1;
	[sflag:s0] =	ssyncset.done @!p0 $0x0  }
0x3fc: {  	[sflag:s0] =	ssyncadd.s32 @!p0 s1  }
0x3fd: {  	[bflag:$0x3] =	sbarrier.arrive $0xFFFF  }
0x3fe: {  	_ =	shalt  }

</sc_bundles>
